<compile_context>
chip_gen: v7x
topology: tpu7x:2x2x1
jax: 0.10.2.dev20260603
libtpu: 0.0.44.dev20260713+nightly
codegen_flags: <defaults>
</compile_context>

<pallas_src>
import functools

import jax
import jax.numpy as jnp
from jax import lax
from jax.experimental import pallas as pl
from jax.experimental.pallas import tpu as pltpu
from jax.experimental.pallas import tpu_sc as plsc

N, E, D, G = 10000, 320000, 128, 64
NC, NS = 2, 16
NW = NC * NS
EPW = E // NW
KC = 80
NCHUNK = EPW // KC
NPAD = 10240
RPT = NPAD // NS
RB = 1000
NRB = N // RB

_f32 = jnp.float32
_mesh = plsc.VectorSubcoreMesh(core_axis_name="c", subcore_axis_name="s")
_sc_params = pltpu.CompilerParams(needs_layout_passes=False)


NBUF = 4
NIDX = 8


def _seg_body(with_deg, x_hbm, src_hbm, dst_hbm, z2d_hbm, zn_hbm, ones_hbm,
              *refs):
    if with_deg:
        (agg_out, deg_out, ones_v) = refs[:3]
        rest = refs[3:]
    else:
        agg_out = refs[0]
        rest = refs[1:]
        ones_v = None
    srcbs = rest[:NIDX]
    dstbs = rest[NIDX:2 * NIDX]
    rowss = rest[2 * NIDX:2 * NIDX + NBUF]
    k = 2 * NIDX + NBUF
    accum = rest[k]
    k += 1
    if with_deg:
        degsh = rest[k]
        k += 1
    else:
        degsh = None
    sgs = rest[k:k + NBUF]
    sds = rest[k + NBUF:k + NBUF + NIDX]
    sss = rest[k + NBUF + NIDX:k + NBUF + 2 * NIDX]
    sas = rest[k + NBUF + 2 * NIDX:k + NBUF + 2 * NIDX + 2]
    sbs = rest[k + NBUF + 2 * NIDX + 2:k + NBUF + 2 * NIDX + 4] \
        if with_deg else None
    c = lax.axis_index("c")
    s = lax.axis_index("s")
    wid = s * NC + c
    base_e = wid * EPW

    pltpu.sync_copy(z2d_hbm, accum.at[pl.ds(s * RPT, RPT)])
    if with_deg:
        pltpu.sync_copy(zn_hbm.at[pl.ds(0, RPT)],
                        degsh.at[pl.ds(s * RPT, RPT)])
        pltpu.sync_copy(ones_hbm, ones_v)
    plsc.subcore_barrier()

    def issue_idx(i, b):
        pltpu.async_copy(src_hbm.at[pl.ds(base_e + i * KC, KC)],
                         srcbs[b], sss[b])
        pltpu.async_copy(dst_hbm.at[pl.ds(base_e + i * KC, KC)],
                         dstbs[b], sds[b])

    def issue_gather(i, b8, b4):
        pltpu.make_async_copy(src_hbm.at[pl.ds(0, KC)], srcbs[b8],
                              sss[b8]).wait()
        pltpu.async_copy(x_hbm.at[srcbs[b8].at[pl.ds(0, KC)]],
                         rowss[b4], sgs[b4])

    def wait_pending(pending):
        if pending is not None:
            for d in pending:
                d.wait()

    def step(i, b8, b4, pending):
        pltpu.make_async_copy(x_hbm.at[pl.ds(0, KC)], rowss[b4],
                              sgs[b4]).wait()
        pltpu.make_async_copy(dst_hbm.at[pl.ds(0, KC)], dstbs[b8],
                              sds[b8]).wait()
        wait_pending(pending)
        nxt = [pltpu.async_copy(rowss[b4], accum.at[dstbs[b8]],
                                sas[b8 % 2], add=True)]
        if with_deg:
            nxt.append(pltpu.async_copy(ones_v, degsh.at[dstbs[b8]],
                                        sbs[b8 % 2], add=True))
        ib = (b8 + NIDX - 1) % NIDX
        gb8 = (b8 + NBUF - 1) % NIDX
        gb4 = (b4 + NBUF - 1) % NBUF
        if isinstance(i, int):
            if i + NIDX - 1 < NCHUNK:
                issue_idx(i + NIDX - 1, ib)
            if i + NBUF - 1 < NCHUNK:
                issue_gather(i + NBUF - 1, gb8, gb4)
        else:
            @pl.when(i + NIDX - 1 < NCHUNK)
            def _():
                issue_idx(i + NIDX - 1, ib)

            @pl.when(i + NBUF - 1 < NCHUNK)
            def _():
                issue_gather(i + NBUF - 1, gb8, gb4)
        return nxt

    for i in range(NIDX - 1):
        issue_idx(i, i)
    for i in range(NBUF - 1):
        issue_gather(i, i, i)

    def body(j, carry):
        pending = None
        for b in range(NIDX):
            i = NIDX * j + b
            pending = step(i, b, b % NBUF, pending)
        wait_pending(pending)
        return carry

    nloop = NCHUNK // NIDX
    lax.fori_loop(0, nloop, body, 0)
    pending = None
    for i in range(nloop * NIDX, NCHUNK):
        pending = step(i, i % NIDX, i % NBUF, pending)
    wait_pending(pending)
    plsc.subcore_barrier()

    pltpu.sync_copy(accum.at[pl.ds(s * RPT, RPT)],
                    agg_out.at[c, pl.ds(s * RPT, RPT)])
    if with_deg:
        pltpu.sync_copy(degsh.at[pl.ds(s * RPT, RPT)],
                        deg_out.at[c, pl.ds(s * RPT, RPT)])


_SEG_SEMS = [pltpu.SemaphoreType.DMA] * (NBUF + 2 * NIDX + 2)


def _sc_seg_with_deg(x, src, dst, z2d, zn, ones):
    out_type = (jax.ShapeDtypeStruct((NC, NPAD, D), _f32),
                jax.ShapeDtypeStruct((NC, NPAD), _f32))
    scratch = ([pltpu.VMEM((KC,), _f32)]
               + [pltpu.VMEM((KC,), jnp.int32)] * (2 * NIDX)
               + [pltpu.VMEM((KC, D), _f32)] * NBUF
               + [pltpu.VMEM_SHARED((NPAD, D), _f32),
                  pltpu.VMEM_SHARED((NPAD,), _f32)]
               + _SEG_SEMS + [pltpu.SemaphoreType.DMA] * 2)
    f = pl.kernel(functools.partial(_seg_body, True), out_type=out_type,
                  mesh=_mesh, scratch_types=scratch, compiler_params=_sc_params)
    return f(x, src, dst, z2d, zn, ones)


def _seg_body_nodeg(x_hbm, src_hbm, dst_hbm, z2d_hbm, *refs):
    _seg_body(False, x_hbm, src_hbm, dst_hbm, z2d_hbm, None, None, *refs)


def _sc_seg(x, src, dst, z2d):
    out_type = jax.ShapeDtypeStruct((NC, NPAD, D), _f32)
    scratch = ([pltpu.VMEM((KC,), jnp.int32)] * (2 * NIDX)
               + [pltpu.VMEM((KC, D), _f32)] * NBUF
               + [pltpu.VMEM_SHARED((NPAD, D), _f32)]
               + _SEG_SEMS)
    f = pl.kernel(_seg_body_nodeg, out_type=out_type,
                  mesh=_mesh, scratch_types=scratch, compiler_params=_sc_params)
    return f(x, src, dst, z2d)


_NG = EPW // 16
_ADV_UNROLL = 5


def _adv_body(a_hbm, src_hbm, dst_hbm, zn_hbm, out_hbm,
              a_v, accum_v, src1_v, dst1_v):
    c = lax.axis_index("c")
    s = lax.axis_index("s")
    wid = s * NC + c
    pltpu.sync_copy(a_hbm, a_v)
    pltpu.sync_copy(zn_hbm, accum_v)
    pltpu.sync_copy(src_hbm.at[pl.ds(wid * EPW, EPW)], src1_v)
    pltpu.sync_copy(dst_hbm.at[pl.ds(wid * EPW, EPW)], dst1_v)

    def group(j, carry):
        for v in range(_ADV_UNROLL):
            off = (j * _ADV_UNROLL + v) * 16
            vals = plsc.load_gather(a_v, [src1_v[pl.ds(off, 16)]])
            plsc.addupdate_scatter(accum_v, [dst1_v[pl.ds(off, 16)]], vals)
        return carry

    lax.fori_loop(0, _NG // _ADV_UNROLL, group, 0)
    pltpu.sync_copy(accum_v, out_hbm.at[wid])


def _sc_adv(a, src, dst, zn):
    out_type = jax.ShapeDtypeStruct((NW, N), _f32)
    scratch = [
        pltpu.VMEM((N,), _f32),
        pltpu.VMEM((N,), _f32),
        pltpu.VMEM((EPW,), jnp.int32),
        pltpu.VMEM((EPW,), jnp.int32),
    ]
    f = pl.kernel(_adv_body, out_type=out_type, mesh=_mesh,
                  scratch_types=scratch, compiler_params=_sc_params)
    return f(a, src, dst, zn)


def _dot(a, b):
    return lax.dot_general(a, b, (((1,), (0,)), ((), ())),
                           precision=lax.Precision.HIGHEST,
                           preferred_element_type=_f32)


def _inv_deg(degp):
    deg = jnp.sum(degp.reshape(NC, RB), axis=0)
    return jnp.where(deg > 0, 1.0 / jnp.maximum(deg, 1.0), 0.0)


def _tc1_body(aggp_ref, x_ref, degp_ref, wl_ref, wr_ref, b_ref, h_ref):
    inv = _inv_deg(degp_ref[...])
    mean = (aggp_ref[0] + aggp_ref[1]) * inv[:, None]
    h = _dot(mean, wl_ref[...]) + _dot(x_ref[...], wr_ref[...]) + b_ref[...]
    h_ref[...] = jnp.maximum(h, 0.0)


def _tc1(aggp, x, degp4, wlT, wrT, b):
    return pl.pallas_call(
        _tc1_body,
        grid=(NRB,),
        in_specs=[
            pl.BlockSpec((NC, RB, D), lambda i: (0, i, 0)),
            pl.BlockSpec((RB, D), lambda i: (i, 0)),
            pl.BlockSpec((NC, 1, 1, RB), lambda i: (0, i, 0, 0)),
            pl.BlockSpec((D, D), lambda i: (0, 0)),
            pl.BlockSpec((D, D), lambda i: (0, 0)),
            pl.BlockSpec((1, D), lambda i: (0, 0)),
        ],
        out_specs=pl.BlockSpec((RB, D), lambda i: (i, 0)),
        out_shape=jax.ShapeDtypeStruct((N, D), _f32),
    )(aggp, x, degp4, wlT, wrT, b)


def _one_hot(gi_ref):
    gi = gi_ref[...].reshape(RB)
    return (gi[:, None] == lax.broadcasted_iota(jnp.int32, (RB, G), 1)
            ).astype(_f32)


def _tc2_body(aggp_ref, h_ref, degp_ref, wl_ref, wr_ref, b_ref,
              wa_ref, wr2_ref, gi_ref, a_ref, r_ref, gp_ref):
    i = pl.program_id(0)
    inv = _inv_deg(degp_ref[...])
    mean = (aggp_ref[0] + aggp_ref[1]) * inv[:, None]
    emb = _dot(mean, wl_ref[...]) + _dot(h_ref[...], wr_ref[...]) + b_ref[...]
    a_ref[...] = jnp.sum(emb * wa_ref[...], axis=1).reshape(1, 1, RB)
    r_ref[...] = jnp.sum(emb * wr2_ref[...], axis=1).reshape(1, 1, RB)
    oh = _one_hot(gi_ref)

    @pl.when(i == 0)
    def _():
        gp_ref[...] = jnp.zeros_like(gp_ref)

    gp_ref[...] += lax.dot_general(oh, emb, (((0,), (0,)), ((), ())),
                                   precision=lax.Precision.HIGHEST,
                                   preferred_element_type=_f32)


def _tc2(aggp, h, degp4, wlT, wrT, b, wal, war, gi3):
    return pl.pallas_call(
        _tc2_body,
        grid=(NRB,),
        in_specs=[
            pl.BlockSpec((NC, RB, D), lambda i: (0, i, 0)),
            pl.BlockSpec((RB, D), lambda i: (i, 0)),
            pl.BlockSpec((NC, 1, 1, RB), lambda i: (0, i, 0, 0)),
            pl.BlockSpec((D, D), lambda i: (0, 0)),
            pl.BlockSpec((D, D), lambda i: (0, 0)),
            pl.BlockSpec((1, D), lambda i: (0, 0)),
            pl.BlockSpec((1, D), lambda i: (0, 0)),
            pl.BlockSpec((1, D), lambda i: (0, 0)),
            pl.BlockSpec((1, 1, RB), lambda i: (i, 0, 0)),
        ],
        out_specs=[
            pl.BlockSpec((1, 1, RB), lambda i: (i, 0, 0)),
            pl.BlockSpec((1, 1, RB), lambda i: (i, 0, 0)),
            pl.BlockSpec((G, D), lambda i: (0, 0)),
        ],
        out_shape=[
            jax.ShapeDtypeStruct((NRB, 1, RB), _f32),
            jax.ShapeDtypeStruct((NRB, 1, RB), _f32),
            jax.ShapeDtypeStruct((G, D), _f32),
        ],
    )(aggp, h, degp4, wlT, wrT, b, wal, war, gi3)


def _tc3_body(advp_ref, degp_ref, r_ref, gp_ref, wv_ref, ba_ref, bv_ref,
              gi_ref, out_ref, adv_s, asum_s, cnt_s, val_s):
    p = pl.program_id(0)
    i = pl.program_id(1)
    oh = _one_hot(gi_ref)

    @pl.when(p == 0)
    def _():
        inv = _inv_deg(degp_ref[...])
        agg_a = jnp.sum(advp_ref[...].reshape(NW, RB), axis=0)
        r = r_ref[...].reshape(RB)
        adv = 2.0 * jnp.tanh(agg_a * inv + r + ba_ref[0, 0])
        adv_s[pl.ds(i, 1)] = adv.reshape(1, 1, RB)

        @pl.when(i == 0)
        def _():
            asum_s[...] = jnp.zeros_like(asum_s)
            cnt_s[...] = jnp.zeros_like(cnt_s)
            gp = gp_ref[...]
            val_s[...] = jnp.tanh(
                jnp.sum(gp * wv_ref[...], axis=1) + bv_ref[0, 0]
            ).reshape(1, G)

        asum_s[...] += jnp.sum(oh * adv[:, None], axis=0).reshape(1, G)
        cnt_s[...] += jnp.sum(oh, axis=0).reshape(1, G)

    @pl.when(p == 1)
    def _():
        cnt = cnt_s[...].reshape(G)
        asum = asum_s[...].reshape(G)
        amean = jnp.where(cnt > 0, asum / jnp.maximum(cnt, 1.0), 0.0)
        corr = val_s[...].reshape(G) - amean
        per_row = jnp.sum(oh * corr[None, :], axis=1)
        adv = adv_s[pl.ds(i, 1)].reshape(RB)
        out_ref[...] = jnp.tanh(per_row + adv).reshape(1, 1, RB)


def _tc3(advp4, degp4, r3, gp, wv, ba, bv, gi3):
    return pl.pallas_call(
        _tc3_body,
        grid=(2, NRB),
        in_specs=[
            pl.BlockSpec((NW, 1, 1, RB), lambda p, i: (0, i, 0, 0)),
            pl.BlockSpec((NC, 1, 1, RB), lambda p, i: (0, i, 0, 0)),
            pl.BlockSpec((1, 1, RB), lambda p, i: (i, 0, 0)),
            pl.BlockSpec((G, D), lambda p, i: (0, 0)),
            pl.BlockSpec((1, D), lambda p, i: (0, 0)),
            pl.BlockSpec((1, 1), lambda p, i: (0, 0)),
            pl.BlockSpec((1, 1), lambda p, i: (0, 0)),
            pl.BlockSpec((1, 1, RB), lambda p, i: (i, 0, 0)),
        ],
        out_specs=pl.BlockSpec((1, 1, RB), lambda p, i: (i, 0, 0)),
        out_shape=jax.ShapeDtypeStruct((NRB, 1, RB), _f32),
        scratch_shapes=[
            pltpu.VMEM((NRB, 1, RB), _f32),
            pltpu.VMEM((1, G), _f32),
            pltpu.VMEM((1, G), _f32),
            pltpu.VMEM((1, G), _f32),
        ],
    )(advp4, degp4, r3, gp, wv, ba, bv, gi3)


def kernel(x, edge_index, graph_indices, W1l, W1r, b1, W2l, W2r, b2,
           Wal, War, ba, Wv, bv):
    src = edge_index[0]
    dst = edge_index[1]
    z2d = jnp.zeros((RPT, D), _f32)
    zn = jnp.zeros((N,), _f32)
    ones = jnp.ones((KC,), _f32)
    gi3 = graph_indices.reshape(NRB, 1, RB)

    agg1p, degp = _sc_seg_with_deg(x, src, dst, z2d, zn, ones)
    degp4 = degp[:, :N].reshape(NC, NRB, 1, RB)
    h = _tc1(agg1p, x, degp4, W1l.T, W1r.T, b1.reshape(1, D))
    agg2p = _sc_seg(h, src, dst, z2d)
    a3, r3, gp = _tc2(agg2p, h, degp4, W2l.T, W2r.T, b2.reshape(1, D),
                      Wal, War, gi3)
    advp = _sc_adv(a3.reshape(N), src, dst, zn)
    out3 = _tc3(advp.reshape(NW, NRB, 1, RB), degp4, r3, gp,
                Wv, ba.reshape(1, 1), bv.reshape(1, 1), gi3)
    return out3.reshape(N)

# --- scband reference (transcript-rebuilt; emitter-appended) ---
"""Pipeline reference for scband-duelling-16673063043609 (READ-ONLY COPY).

The authoritative reference and input builder live on the scoring server;
editing this copy changes nothing except your own understanding.
"""

import jax, jax.numpy as jnp
import numpy as np

N, E, D, G = 10000, 320000, 128, 64


def _sage(x, src, dst, Wl, Wr, b, n):
    # PyG SAGEConv (aggr='mean'): lin_l(mean_aggr(x[src] -> dst)) + lin_r(x) + bias
    agg = jax.ops.segment_sum(x[src], dst, num_segments=n)
    deg = jax.ops.segment_sum(jnp.ones((src.shape[0],), x.dtype), dst, num_segments=n)
    mean = jnp.where(deg[:, None] > 0, agg / jnp.maximum(deg[:, None], 1.0), 0.0)
    return mean @ Wl.T + x @ Wr.T + b


def setup_inputs(seed: int = 0) -> dict:
    key = jax.random.key(seed)
    ks = jax.random.split(key, 16)
    s = 1.0 / np.sqrt(D)
    return {
        "x": jax.random.normal(ks[0], (N, D), jnp.float32),
        "edge_index": jax.random.randint(ks[1], (2, E), 0, N, dtype=jnp.int32),
        "graph_indices": jnp.sort(jax.random.randint(ks[2], (N,), 0, G, dtype=jnp.int32)),
        "W1l": jax.random.normal(ks[3], (D, D), jnp.float32) * s,
        "W1r": jax.random.normal(ks[4], (D, D), jnp.float32) * s,
        "b1": jnp.zeros((D,), jnp.float32),
        "W2l": jax.random.normal(ks[5], (D, D), jnp.float32) * s,
        "W2r": jax.random.normal(ks[6], (D, D), jnp.float32) * s,
        "b2": jnp.zeros((D,), jnp.float32),
        "Wal": jax.random.normal(ks[7], (1, D), jnp.float32) * s,
        "War": jax.random.normal(ks[8], (1, D), jnp.float32) * s,
        "ba": jnp.zeros((1,), jnp.float32),
        "Wv": jax.random.normal(ks[9], (1, D), jnp.float32) * s,
        "bv": jnp.zeros((1,), jnp.float32),
    }


def reference(x, edge_index, graph_indices, W1l, W1r, b1, W2l, W2r, b2, Wal, War, ba, Wv, bv):
    src, dst = edge_index[0], edge_index[1]
    # GraphSAGE backbone (2 layers, relu between)
    h = jax.nn.relu(_sage(x, src, dst, W1l, W1r, b1, N))
    embeds = _sage(h, src, dst, W2l, W2r, b2, N)
    # advantage head: SAGEConv(hidden, 1)
    adv = _sage(embeds, src, dst, Wal, War, ba, N)
    adv = 2.0 * jnp.tanh(adv)
    # value head on graph-level sum pooling
    graph_parts = jax.ops.segment_sum(embeds, graph_indices, num_segments=G)
    value = jnp.tanh(graph_parts @ Wv.T + bv)
    # per-graph mean of advantages
    adv_sum = jax.ops.segment_sum(adv, graph_indices, num_segments=G)
    cnt = jax.ops.segment_sum(jnp.ones((N,), x.dtype), graph_indices, num_segments=G)
    adv_mean = jnp.where(cnt[:, None] > 0, adv_sum / jnp.maximum(cnt[:, None], 1.0), 0.0)
    out = jnp.tanh(value[graph_indices] + (adv - adv_mean[graph_indices]))
    return jnp.squeeze(out, -1)

if __name__ == "__main__":
    import jax
    _d = setup_inputs()
    print(jax.jit(kernel)(*tuple(_d.values())))

</pallas_src>

<mosaic_0001>
#map = affine_map<(d0, d1) -> (0, 0)>
#map1 = affine_map<(d0, d1) -> (0)>
#map2 = affine_map<(d0, d1) -> (0, 0, 0)>
module attributes {stable_mosaic.version = 14 : i64} {
  func.func @_seg_body(%arg0: i32, %arg1: i32, %arg2: memref<10000x128xf32, #tpu.memory_space<hbm>>, %arg3: memref<320000xi32, #tpu.memory_space<hbm>>, %arg4: memref<320000xi32, #tpu.memory_space<hbm>>, %arg5: memref<640x128xf32, #tpu.memory_space<hbm>>, %arg6: memref<10000xf32, #tpu.memory_space<hbm>>, %arg7: memref<80xf32, #tpu.memory_space<hbm>>, %arg8: memref<2x10240x128xf32, #tpu.memory_space<hbm>>, %arg9: memref<2x10240xf32, #tpu.memory_space<hbm>>, %arg10: memref<80xf32, #tpu.memory_space<vmem>>, %arg11: memref<80xi32, #tpu.memory_space<vmem>>, %arg12: memref<80xi32, #tpu.memory_space<vmem>>, %arg13: memref<80xi32, #tpu.memory_space<vmem>>, %arg14: memref<80xi32, #tpu.memory_space<vmem>>, %arg15: memref<80xi32, #tpu.memory_space<vmem>>, %arg16: memref<80xi32, #tpu.memory_space<vmem>>, %arg17: memref<80xi32, #tpu.memory_space<vmem>>, %arg18: memref<80xi32, #tpu.memory_space<vmem>>, %arg19: memref<80xi32, #tpu.memory_space<vmem>>, %arg20: memref<80xi32, #tpu.memory_space<vmem>>, %arg21: memref<80xi32, #tpu.memory_space<vmem>>, %arg22: memref<80xi32, #tpu.memory_space<vmem>>, %arg23: memref<80xi32, #tpu.memory_space<vmem>>, %arg24: memref<80xi32, #tpu.memory_space<vmem>>, %arg25: memref<80xi32, #tpu.memory_space<vmem>>, %arg26: memref<80xi32, #tpu.memory_space<vmem>>, %arg27: memref<80x128xf32, #tpu.memory_space<vmem>>, %arg28: memref<80x128xf32, #tpu.memory_space<vmem>>, %arg29: memref<80x128xf32, #tpu.memory_space<vmem>>, %arg30: memref<80x128xf32, #tpu.memory_space<vmem>>, %arg31: memref<10240x128xf32, #tpu.memory_space<vmem_shared>>, %arg32: memref<10240xf32, #tpu.memory_space<vmem_shared>>, %arg33: memref<!tpu.dma_semaphore, #tpu.memory_space<semaphore_mem>>, %arg34: memref<!tpu.dma_semaphore, #tpu.memory_space<semaphore_mem>>, %arg35: memref<!tpu.dma_semaphore, #tpu.memory_space<semaphore_mem>>, %arg36: memref<!tpu.dma_semaphore, #tpu.memory_space<semaphore_mem>>, %arg37: memref<!tpu.dma_semaphore, #tpu.memory_space<semaphore_mem>>, %arg38: memref<!tpu.dma_semaphore, #tpu.memory_space<semaphore_mem>>, %arg39: memref<!tpu.dma_semaphore, #tpu.memory_space<semaphore_mem>>, %arg40: memref<!tpu.dma_semaphore, #tpu.memory_space<semaphore_mem>>, %arg41: memref<!tpu.dma_semaphore, #tpu.memory_space<semaphore_mem>>, %arg42: memref<!tpu.dma_semaphore, #tpu.memory_space<semaphore_mem>>, %arg43: memref<!tpu.dma_semaphore, #tpu.memory_space<semaphore_mem>>, %arg44: memref<!tpu.dma_semaphore, #tpu.memory_space<semaphore_mem>>, %arg45: memref<!tpu.dma_semaphore, #tpu.memory_space<semaphore_mem>>, %arg46: memref<!tpu.dma_semaphore, #tpu.memory_space<semaphore_mem>>, %arg47: memref<!tpu.dma_semaphore, #tpu.memory_space<semaphore_mem>>, %arg48: memref<!tpu.dma_semaphore, #tpu.memory_space<semaphore_mem>>, %arg49: memref<!tpu.dma_semaphore, #tpu.memory_space<semaphore_mem>>, %arg50: memref<!tpu.dma_semaphore, #tpu.memory_space<semaphore_mem>>, %arg51: memref<!tpu.dma_semaphore, #tpu.memory_space<semaphore_mem>>, %arg52: memref<!tpu.dma_semaphore, #tpu.memory_space<semaphore_mem>>, %arg53: memref<!tpu.dma_semaphore, #tpu.memory_space<semaphore_mem>>, %arg54: memref<!tpu.dma_semaphore, #tpu.memory_space<semaphore_mem>>, %arg55: memref<!tpu.dma_semaphore, #tpu.memory_space<semaphore_mem>>, %arg56: memref<!tpu.dma_semaphore, #tpu.memory_space<semaphore_mem>>) attributes {dimension_semantics = [#tpu.dimension_semantics<core_parallel>, #tpu.dimension_semantics<subcore_parallel>], iteration_bounds = array<i64: 2, 16>, scalar_prefetch = 0 : i64, scratch_operands = 47 : i64, tpu.core_type = #tpu.core_type<sc_vector_subcore>, window_params = [{transform_indices = #map}, {transform_indices = #map1}, {transform_indices = #map1}, {transform_indices = #map}, {transform_indices = #map1}, {transform_indices = #map1}, {transform_indices = #map2}, {transform_indices = #map}]} {
    %mul3A = arith.constant 2 : i32
    %mul3A_0 = arith.muli %arg1, %mul3A : i32
    %add3A = arith.addi %mul3A_0, %arg0 : i32
    %mul3A_1 = arith.constant 10000 : i32
    %mul3A_2 = arith.muli %add3A, %mul3A_1 : i32
    %mul3A_3 = arith.constant 640 : i32
    %mul3A_4 = arith.muli %arg1, %mul3A_3 : i32
    "tpu.region"() ({
      %run_scoped3A = tpu.sem_alloc : memref<!tpu.dma_semaphore, #tpu.memory_space<semaphore_mem>>
      %dma_start3A_220 = arith.constant 0 : i32
      %dma_start3A_221 = tpu.memref_slice %arg31[%mul3A_4, %dma_start3A_220] : memref<10240x128xf32, #tpu.memory_space<vmem_shared>> -> memref<640x128xf32, #tpu.memory_space<vmem_shared>>
      tpu.enqueue_dma source(%arg5 : memref<640x128xf32, #tpu.memory_space<hbm>>) target(%dma_start3A_221 : memref<640x128xf32, #tpu.memory_space<vmem_shared>>) target_semaphore(%run_scoped3A : memref<!tpu.dma_semaphore, #tpu.memory_space<semaphore_mem>>)
      %dma_wait3A_222 = arith.constant 0 : i32
      %dma_wait3A_223 = tpu.memref_slice %arg31[%mul3A_4, %dma_wait3A_222] : memref<10240x128xf32, #tpu.memory_space<vmem_shared>> -> memref<640x128xf32, #tpu.memory_space<vmem_shared>>
      tpu.wait_dma2 semaphore(%run_scoped3A : memref<!tpu.dma_semaphore, #tpu.memory_space<semaphore_mem>>) src(%arg5 : memref<640x128xf32, #tpu.memory_space<hbm>>) dst(%dma_wait3A_223 : memref<640x128xf32, #tpu.memory_space<vmem_shared>>)
      tpu.yield
    }) : () -> ()
    %mul3A_5 = arith.constant 640 : i32
    %mul3A_6 = arith.muli %arg1, %mul3A_5 : i32
    "tpu.region"() ({
      %run_scoped3A = tpu.sem_alloc : memref<!tpu.dma_semaphore, #tpu.memory_space<semaphore_mem>>
      %dma_start3A_220 = tpu.memref_slice %arg32[%mul3A_6] : memref<10240xf32, #tpu.memory_space<vmem_shared>> -> memref<640xf32, #tpu.memory_space<vmem_shared>>
      %dma_start3A_221 = arith.constant 0 : i32
      %dma_start3A_222 = tpu.memref_slice %arg6[%dma_start3A_221] : memref<10000xf32, #tpu.memory_space<hbm>> -> memref<640xf32, #tpu.memory_space<hbm>>
      tpu.enqueue_dma source(%dma_start3A_222 : memref<640xf32, #tpu.memory_space<hbm>>) target(%dma_start3A_220 : memref<640xf32, #tpu.memory_space<vmem_shared>>) target_semaphore(%run_scoped3A : memref<!tpu.dma_semaphore, #tpu.memory_space<semaphore_mem>>)
      %dma_wait3A_223 = tpu.memref_slice %arg32[%mul3A_6] : memref<10240xf32, #tpu.memory_space<vmem_shared>> -> memref<640xf32, #tpu.memory_space<vmem_shared>>
      %dma_wait3A_224 = arith.constant 0 : i32
      %dma_wait3A_225 = tpu.memref_slice %arg6[%dma_wait3A_224] : memref<10000xf32, #tpu.memory_space<hbm>> -> memref<640xf32, #tpu.memory_space<hbm>>
      tpu.wait_dma2 semaphore(%run_scoped3A : memref<!tpu.dma_semaphore, #tpu.memory_space<semaphore_mem>>) src(%dma_wait3A_225 : memref<640xf32, #tpu.memory_space<hbm>>) dst(%dma_wait3A_223 : memref<640xf32, #tpu.memory_space<vmem_shared>>)
      tpu.yield
    }) : () -> ()
    "tpu.region"() ({
      %run_scoped3A = tpu.sem_alloc : memref<!tpu.dma_semaphore, #tpu.memory_space<semaphore_mem>>
      tpu.enqueue_dma source(%arg7 : memref<80xf32, #tpu.memory_space<hbm>>) target(%arg10 : memref<80xf32, #tpu.memory_space<vmem>>) target_semaphore(%run_scoped3A : memref<!tpu.dma_semaphore, #tpu.memory_space<semaphore_mem>>)
      tpu.wait_dma2 semaphore(%run_scoped3A : memref<!tpu.dma_semaphore, #tpu.memory_space<semaphore_mem>>) src(%arg7 : memref<80xf32, #tpu.memory_space<hbm>>) dst(%arg10 : memref<80xf32, #tpu.memory_space<vmem>>)
      tpu.yield
    }) : () -> ()
    %barrier3A = arith.constant 0 : index
    tpu.barrier barrier_id(%barrier3A)
    %add3A_7 = arith.constant 0 : i32
    %add3A_8 = arith.addi %mul3A_2, %add3A_7 : i32
    %dma_start3A = tpu.memref_slice %arg3[%add3A_8] : memref<320000xi32, #tpu.memory_space<hbm>> -> memref<80xi32, #tpu.memory_space<hbm>>
    %dma_start3A_9 = tpu.memref_slice %arg3[%add3A_8] : memref<320000xi32, #tpu.memory_space<hbm>> -> memref<80xi32, #tpu.memory_space<hbm>>
    tpu.enqueue_dma source(%dma_start3A_9 : memref<80xi32, #tpu.memory_space<hbm>>) target(%arg11 : memref<80xi32, #tpu.memory_space<vmem>>) target_semaphore(%arg45 : memref<!tpu.dma_semaphore, #tpu.memory_space<semaphore_mem>>)
    %add3A_10 = arith.constant 0 : i32
    %add3A_11 = arith.addi %mul3A_2, %add3A_10 : i32
    %dma_start3A_12 = tpu.memref_slice %arg4[%add3A_11] : memref<320000xi32, #tpu.memory_space<hbm>> -> memref<80xi32, #tpu.memory_space<hbm>>
    %dma_start3A_13 = tpu.memref_slice %arg4[%add3A_11] : memref<320000xi32, #tpu.memory_space<hbm>> -> memref<80xi32, #tpu.memory_space<hbm>>
    tpu.enqueue_dma source(%dma_start3A_13 : memref<80xi32, #tpu.memory_space<hbm>>) target(%arg19 : memref<80xi32, #tpu.memory_space<vmem>>) target_semaphore(%arg37 : memref<!tpu.dma_semaphore, #tpu.memory_space<semaphore_mem>>)
    %add3A_14 = arith.constant 80 : i32
    %add3A_15 = arith.addi %mul3A_2, %add3A_14 : i32
    %dma_start3A_16 = tpu.memref_slice %arg3[%add3A_15] : memref<320000xi32, #tpu.memory_space<hbm>> -> memref<80xi32, #tpu.memory_space<hbm>>
    %dma_start3A_17 = tpu.memref_slice %arg3[%add3A_15] : memref<320000xi32, #tpu.memory_space<hbm>> -> memref<80xi32, #tpu.memory_space<hbm>>
    tpu.enqueue_dma source(%dma_start3A_17 : memref<80xi32, #tpu.memory_space<hbm>>) target(%arg12 : memref<80xi32, #tpu.memory_space<vmem>>) target_semaphore(%arg46 : memref<!tpu.dma_semaphore, #tpu.memory_space<semaphore_mem>>)
    %add3A_18 = arith.constant 80 : i32
    %add3A_19 = arith.addi %mul3A_2, %add3A_18 : i32
    %dma_start3A_20 = tpu.memref_slice %arg4[%add3A_19] : memref<320000xi32, #tpu.memory_space<hbm>> -> memref<80xi32, #tpu.memory_space<hbm>>
    %dma_start3A_21 = tpu.memref_slice %arg4[%add3A_19] : memref<320000xi32, #tpu.memory_space<hbm>> -> memref<80xi32, #tpu.memory_space<hbm>>
    tpu.enqueue_dma source(%dma_start3A_21 : memref<80xi32, #tpu.memory_space<hbm>>) target(%arg20 : memref<80xi32, #tpu.memory_space<vmem>>) target_semaphore(%arg38 : memref<!tpu.dma_semaphore, #tpu.memory_space<semaphore_mem>>)
    %add3A_22 = arith.constant 160 : i32
    %add3A_23 = arith.addi %mul3A_2, %add3A_22 : i32
    %dma_start3A_24 = tpu.memref_slice %arg3[%add3A_23] : memref<320000xi32, #tpu.memory_space<hbm>> -> memref<80xi32, #tpu.memory_space<hbm>>
    %dma_start3A_25 = tpu.memref_slice %arg3[%add3A_23] : memref<320000xi32, #tpu.memory_space<hbm>> -> memref<80xi32, #tpu.memory_space<hbm>>
    tpu.enqueue_dma source(%dma_start3A_25 : memref<80xi32, #tpu.memory_space<hbm>>) target(%arg13 : memref<80xi32, #tpu.memory_space<vmem>>) target_semaphore(%arg47 : memref<!tpu.dma_semaphore, #tpu.memory_space<semaphore_mem>>)
    %add3A_26 = arith.constant 160 : i32
    %add3A_27 = arith.addi %mul3A_2, %add3A_26 : i32
    %dma_start3A_28 = tpu.memref_slice %arg4[%add3A_27] : memref<320000xi32, #tpu.memory_space<hbm>> -> memref<80xi32, #tpu.memory_space<hbm>>
    %dma_start3A_29 = tpu.memref_slice %arg4[%add3A_27] : memref<320000xi32, #tpu.memory_space<hbm>> -> memref<80xi32, #tpu.memory_space<hbm>>
    tpu.enqueue_dma source(%dma_start3A_29 : memref<80xi32, #tpu.memory_space<hbm>>) target(%arg21 : memref<80xi32, #tpu.memory_space<vmem>>) target_semaphore(%arg39 : memref<!tpu.dma_semaphore, #tpu.memory_space<semaphore_mem>>)
    %add3A_30 = arith.constant 240 : i32
    %add3A_31 = arith.addi %mul3A_2, %add3A_30 : i32
    %dma_start3A_32 = tpu.memref_slice %arg3[%add3A_31] : memref<320000xi32, #tpu.memory_space<hbm>> -> memref<80xi32, #tpu.memory_space<hbm>>
    %dma_start3A_33 = tpu.memref_slice %arg3[%add3A_31] : memref<320000xi32, #tpu.memory_space<hbm>> -> memref<80xi32, #tpu.memory_space<hbm>>
    tpu.enqueue_dma source(%dma_start3A_33 : memref<80xi32, #tpu.memory_space<hbm>>) target(%arg14 : memref<80xi32, #tpu.memory_space<vmem>>) target_semaphore(%arg48 : memref<!tpu.dma_semaphore, #tpu.memory_space<semaphore_mem>>)
    %add3A_34 = arith.constant 240 : i32
    %add3A_35 = arith.addi %mul3A_2, %add3A_34 : i32
    %dma_start3A_36 = tpu.memref_slice %arg4[%add3A_35] : memref<320000xi32, #tpu.memory_space<hbm>> -> memref<80xi32, #tpu.memory_space<hbm>>
    %dma_start3A_37 = tpu.memref_slice %arg4[%add3A_35] : memref<320000xi32, #tpu.memory_space<hbm>> -> memref<80xi32, #tpu.memory_space<hbm>>
    tpu.enqueue_dma source(%dma_start3A_37 : memref<80xi32, #tpu.memory_space<hbm>>) target(%arg22 : memref<80xi32, #tpu.memory_space<vmem>>) target_semaphore(%arg40 : memref<!tpu.dma_semaphore, #tpu.memory_space<semaphore_mem>>)
    %add3A_38 = arith.constant 320 : i32
    %add3A_39 = arith.addi %mul3A_2, %add3A_38 : i32
    %dma_start3A_40 = tpu.memref_slice %arg3[%add3A_39] : memref<320000xi32, #tpu.memory_space<hbm>> -> memref<80xi32, #tpu.memory_space<hbm>>
    %dma_start3A_41 = tpu.memref_slice %arg3[%add3A_39] : memref<320000xi32, #tpu.memory_space<hbm>> -> memref<80xi32, #tpu.memory_space<hbm>>
    tpu.enqueue_dma source(%dma_start3A_41 : memref<80xi32, #tpu.memory_space<hbm>>) target(%arg15 : memref<80xi32, #tpu.memory_space<vmem>>) target_semaphore(%arg49 : memref<!tpu.dma_semaphore, #tpu.memory_space<semaphore_mem>>)
    %add3A_42 = arith.constant 320 : i32
    %add3A_43 = arith.addi %mul3A_2, %add3A_42 : i32
    %dma_start3A_44 = tpu.memref_slice %arg4[%add3A_43] : memref<320000xi32, #tpu.memory_space<hbm>> -> memref<80xi32, #tpu.memory_space<hbm>>
    %dma_start3A_45 = tpu.memref_slice %arg4[%add3A_43] : memref<320000xi32, #tpu.memory_space<hbm>> -> memref<80xi32, #tpu.memory_space<hbm>>
    tpu.enqueue_dma source(%dma_start3A_45 : memref<80xi32, #tpu.memory_space<hbm>>) target(%arg23 : memref<80xi32, #tpu.memory_space<vmem>>) target_semaphore(%arg41 : memref<!tpu.dma_semaphore, #tpu.memory_space<semaphore_mem>>)
    %add3A_46 = arith.constant 400 : i32
    %add3A_47 = arith.addi %mul3A_2, %add3A_46 : i32
    %dma_start3A_48 = tpu.memref_slice %arg3[%add3A_47] : memref<320000xi32, #tpu.memory_space<hbm>> -> memref<80xi32, #tpu.memory_space<hbm>>
    %dma_start3A_49 = tpu.memref_slice %arg3[%add3A_47] : memref<320000xi32, #tpu.memory_space<hbm>> -> memref<80xi32, #tpu.memory_space<hbm>>
    tpu.enqueue_dma source(%dma_start3A_49 : memref<80xi32, #tpu.memory_space<hbm>>) target(%arg16 : memref<80xi32, #tpu.memory_space<vmem>>) target_semaphore(%arg50 : memref<!tpu.dma_semaphore, #tpu.memory_space<semaphore_mem>>)
    %add3A_50 = arith.constant 400 : i32
    %add3A_51 = arith.addi %mul3A_2, %add3A_50 : i32
    %dma_start3A_52 = tpu.memref_slice %arg4[%add3A_51] : memref<320000xi32, #tpu.memory_space<hbm>> -> memref<80xi32, #tpu.memory_space<hbm>>
    %dma_start3A_53 = tpu.memref_slice %arg4[%add3A_51] : memref<320000xi32, #tpu.memory_space<hbm>> -> memref<80xi32, #tpu.memory_space<hbm>>
    tpu.enqueue_dma source(%dma_start3A_53 : memref<80xi32, #tpu.memory_space<hbm>>) target(%arg24 : memref<80xi32, #tpu.memory_space<vmem>>) target_semaphore(%arg42 : memref<!tpu.dma_semaphore, #tpu.memory_space<semaphore_mem>>)
    %add3A_54 = arith.constant 480 : i32
    %add3A_55 = arith.addi %mul3A_2, %add3A_54 : i32
    %dma_start3A_56 = tpu.memref_slice %arg3[%add3A_55] : memref<320000xi32, #tpu.memory_space<hbm>> -> memref<80xi32, #tpu.memory_space<hbm>>
    %dma_start3A_57 = tpu.memref_slice %arg3[%add3A_55] : memref<320000xi32, #tpu.memory_space<hbm>> -> memref<80xi32, #tpu.memory_space<hbm>>
    tpu.enqueue_dma source(%dma_start3A_57 : memref<80xi32, #tpu.memory_space<hbm>>) target(%arg17 : memref<80xi32, #tpu.memory_space<vmem>>) target_semaphore(%arg51 : memref<!tpu.dma_semaphore, #tpu.memory_space<semaphore_mem>>)
    %add3A_58 = arith.constant 480 : i32
    %add3A_59 = arith.addi %mul3A_2, %add3A_58 : i32
    %dma_start3A_60 = tpu.memref_slice %arg4[%add3A_59] : memref<320000xi32, #tpu.memory_space<hbm>> -> memref<80xi32, #tpu.memory_space<hbm>>
    %dma_start3A_61 = tpu.memref_slice %arg4[%add3A_59] : memref<320000xi32, #tpu.memory_space<hbm>> -> memref<80xi32, #tpu.memory_space<hbm>>
    tpu.enqueue_dma source(%dma_start3A_61 : memref<80xi32, #tpu.memory_space<hbm>>) target(%arg25 : memref<80xi32, #tpu.memory_space<vmem>>) target_semaphore(%arg43 : memref<!tpu.dma_semaphore, #tpu.memory_space<semaphore_mem>>)
    %dma_wait3A = arith.constant 0 : i32
    %dma_wait3A_62 = tpu.memref_slice %arg3[%dma_wait3A] : memref<320000xi32, #tpu.memory_space<hbm>> -> memref<80xi32, #tpu.memory_space<hbm>>
    %dma_wait3A_63 = arith.constant 0 : i32
    %dma_wait3A_64 = tpu.memref_slice %arg3[%dma_wait3A_63] : memref<320000xi32, #tpu.memory_space<hbm>> -> memref<80xi32, #tpu.memory_space<hbm>>
    tpu.wait_dma2 semaphore(%arg45 : memref<!tpu.dma_semaphore, #tpu.memory_space<semaphore_mem>>) src(%dma_wait3A_64 : memref<80xi32, #tpu.memory_space<hbm>>) dst(%arg11 : memref<80xi32, #tpu.memory_space<vmem>>)
    %dma_start3A_65 = arith.constant 0 : i32
    %dma_start3A_66 = tpu.memref_slice %arg11[%dma_start3A_65] : memref<80xi32, #tpu.memory_space<vmem>> -> memref<80xi32, #tpu.memory_space<vmem>>
    %dma_start3A_67 = arith.constant 0 : i32
    %dma_start3A_68 = arith.constant 0 : i32
    %dma_start3A_69 = tpu.memref_slice %arg2[%dma_start3A_67, %dma_start3A_68] : memref<10000x128xf32, #tpu.memory_space<hbm>> -> memref<10000x128xf32, #tpu.memory_space<hbm>>
    tpu.enqueue_indirect_dma source(%dma_start3A_69 : memref<10000x128xf32, #tpu.memory_space<hbm>>) target(%arg27 : memref<80x128xf32, #tpu.memory_space<vmem>>) offsets(%dma_start3A_66 : memref<80xi32, #tpu.memory_space<vmem>>) semaphore(%arg33 : memref<!tpu.dma_semaphore, #tpu.memory_space<semaphore_mem>>)
    %dma_wait3A_70 = arith.constant 0 : i32
    %dma_wait3A_71 = tpu.memref_slice %arg3[%dma_wait3A_70] : memref<320000xi32, #tpu.memory_space<hbm>> -> memref<80xi32, #tpu.memory_space<hbm>>
    %dma_wait3A_72 = arith.constant 0 : i32
    %dma_wait3A_73 = tpu.memref_slice %arg3[%dma_wait3A_72] : memref<320000xi32, #tpu.memory_space<hbm>> -> memref<80xi32, #tpu.memory_space<hbm>>
    tpu.wait_dma2 semaphore(%arg46 : memref<!tpu.dma_semaphore, #tpu.memory_space<semaphore_mem>>) src(%dma_wait3A_73 : memref<80xi32, #tpu.memory_space<hbm>>) dst(%arg12 : memref<80xi32, #tpu.memory_space<vmem>>)
    %dma_start3A_74 = arith.constant 0 : i32
    %dma_start3A_75 = tpu.memref_slice %arg12[%dma_start3A_74] : memref<80xi32, #tpu.memory_space<vmem>> -> memref<80xi32, #tpu.memory_space<vmem>>
    %dma_start3A_76 = arith.constant 0 : i32
    %dma_start3A_77 = arith.constant 0 : i32
    %dma_start3A_78 = tpu.memref_slice %arg2[%dma_start3A_76, %dma_start3A_77] : memref<10000x128xf32, #tpu.memory_space<hbm>> -> memref<10000x128xf32, #tpu.memory_space<hbm>>
    tpu.enqueue_indirect_dma source(%dma_start3A_78 : memref<10000x128xf32, #tpu.memory_space<hbm>>) target(%arg28 : memref<80x128xf32, #tpu.memory_space<vmem>>) offsets(%dma_start3A_75 : memref<80xi32, #tpu.memory_space<vmem>>) semaphore(%arg34 : memref<!tpu.dma_semaphore, #tpu.memory_space<semaphore_mem>>)
    %dma_wait3A_79 = arith.constant 0 : i32
    %dma_wait3A_80 = tpu.memref_slice %arg3[%dma_wait3A_79] : memref<320000xi32, #tpu.memory_space<hbm>> -> memref<80xi32, #tpu.memory_space<hbm>>
    %dma_wait3A_81 = arith.constant 0 : i32
    %dma_wait3A_82 = tpu.memref_slice %arg3[%dma_wait3A_81] : memref<320000xi32, #tpu.memory_space<hbm>> -> memref<80xi32, #tpu.memory_space<hbm>>
    tpu.wait_dma2 semaphore(%arg47 : memref<!tpu.dma_semaphore, #tpu.memory_space<semaphore_mem>>) src(%dma_wait3A_82 : memref<80xi32, #tpu.memory_space<hbm>>) dst(%arg13 : memref<80xi32, #tpu.memory_space<vmem>>)
    %dma_start3A_83 = arith.constant 0 : i32
    %dma_start3A_84 = tpu.memref_slice %arg13[%dma_start3A_83] : memref<80xi32, #tpu.memory_space<vmem>> -> memref<80xi32, #tpu.memory_space<vmem>>
    %dma_start3A_85 = arith.constant 0 : i32
    %dma_start3A_86 = arith.constant 0 : i32
    %dma_start3A_87 = tpu.memref_slice %arg2[%dma_start3A_85, %dma_start3A_86] : memref<10000x128xf32, #tpu.memory_space<hbm>> -> memref<10000x128xf32, #tpu.memory_space<hbm>>
    tpu.enqueue_indirect_dma source(%dma_start3A_87 : memref<10000x128xf32, #tpu.memory_space<hbm>>) target(%arg29 : memref<80x128xf32, #tpu.memory_space<vmem>>) offsets(%dma_start3A_84 : memref<80xi32, #tpu.memory_space<vmem>>) semaphore(%arg35 : memref<!tpu.dma_semaphore, #tpu.memory_space<semaphore_mem>>)
    %scan3A = arith.constant 0 : i32
    %scan3A_88 = arith.constant 0 : i32
    %scan3A_89 = arith.constant 15 : i32
    %scan3A_90 = arith.addi %scan3A_88, %scan3A_89 : i32
    %scan3A_91 = arith.constant 1 : i32
    scf.for %scan3A_220 = %scan3A_88 to %scan3A_90 step %scan3A_91  : i32 {
      %mul3A_221 = arith.constant 8 : i32
      %mul3A_222 = arith.muli %mul3A_221, %scan3A_220 : i32
      %add3A_223 = arith.constant 0 : i32
      %add3A_224 = arith.addi %mul3A_222, %add3A_223 : i32
      %dma_wait3A_225 = arith.constant 0 : i32
      %dma_wait3A_226 = arith.constant 0 : i32
      %dma_wait3A_227 = tpu.memref_slice %arg2[%dma_wait3A_225, %dma_wait3A_226] : memref<10000x128xf32, #tpu.memory_space<hbm>> -> memref<80x128xf32, #tpu.memory_space<hbm>>
      %dma_wait3A_228 = arith.constant 0 : i32
      %dma_wait3A_229 = arith.constant 0 : i32
      %dma_wait3A_230 = tpu.memref_slice %arg2[%dma_wait3A_228, %dma_wait3A_229] : memref<10000x128xf32, #tpu.memory_space<hbm>> -> memref<80x128xf32, #tpu.memory_space<hbm>>
      tpu.wait_dma2 semaphore(%arg33 : memref<!tpu.dma_semaphore, #tpu.memory_space<semaphore_mem>>) src(%dma_wait3A_230 : memref<80x128xf32, #tpu.memory_space<hbm>>) dst(%arg27 : memref<80x128xf32, #tpu.memory_space<vmem>>)
      %dma_wait3A_231 = arith.constant 0 : i32
      %dma_wait3A_232 = tpu.memref_slice %arg4[%dma_wait3A_231] : memref<320000xi32, #tpu.memory_space<hbm>> -> memref<80xi32, #tpu.memory_space<hbm>>
      %dma_wait3A_233 = arith.constant 0 : i32
      %dma_wait3A_234 = tpu.memref_slice %arg4[%dma_wait3A_233] : memref<320000xi32, #tpu.memory_space<hbm>> -> memref<80xi32, #tpu.memory_space<hbm>>
      tpu.wait_dma2 semaphore(%arg37 : memref<!tpu.dma_semaphore, #tpu.memory_space<semaphore_mem>>) src(%dma_wait3A_234 : memref<80xi32, #tpu.memory_space<hbm>>) dst(%arg19 : memref<80xi32, #tpu.memory_space<vmem>>)
      %dma_start3A_235 = arith.constant 0 : i32
      %dma_start3A_236 = arith.constant 0 : i32
      %dma_start3A_237 = tpu.memref_slice %arg31[%dma_start3A_235, %dma_start3A_236] : memref<10240x128xf32, #tpu.memory_space<vmem_shared>> -> memref<10240x128xf32, #tpu.memory_space<vmem_shared>>
      tpu.enqueue_indirect_dma source(%arg27 : memref<80x128xf32, #tpu.memory_space<vmem>>) target(%dma_start3A_237 : memref<10240x128xf32, #tpu.memory_space<vmem_shared>>) offsets(%arg19 : memref<80xi32, #tpu.memory_space<vmem>>) semaphore(%arg53 : memref<!tpu.dma_semaphore, #tpu.memory_space<semaphore_mem>>) {add = true}
      %dma_start3A_238 = arith.constant 0 : i32
      %dma_start3A_239 = tpu.memref_slice %arg32[%dma_start3A_238] : memref<10240xf32, #tpu.memory_space<vmem_shared>> -> memref<10240xf32, #tpu.memory_space<vmem_shared>>
      tpu.enqueue_indirect_dma source(%arg10 : memref<80xf32, #tpu.memory_space<vmem>>) target(%dma_start3A_239 : memref<10240xf32, #tpu.memory_space<vmem_shared>>) offsets(%arg19 : memref<80xi32, #tpu.memory_space<vmem>>) semaphore(%arg55 : memref<!tpu.dma_semaphore, #tpu.memory_space<semaphore_mem>>) {add = true}
      %add3A_240 = arith.constant 8 : i32
      %add3A_241 = arith.addi %add3A_224, %add3A_240 : i32
      %sub3A = arith.constant 1 : i32
      %sub3A_242 = arith.subi %add3A_241, %sub3A : i32
      %lt3A = arith.constant 125 : i32
      %lt3A_243 = arith.cmpi slt, %sub3A_242, %lt3A : i32
      %convert_element_type3A = arith.extui %lt3A_243 : i1 to i32
      %cond3A = arith.constant 0 : i32
      %cond3A_244 = arith.cmpi ne, %convert_element_type3A, %cond3A : i32
      scf.if %cond3A_244 {
        %add3A_553 = arith.constant 8 : i32
        %add3A_554 = arith.addi %add3A_224, %add3A_553 : i32
        %sub3A_555 = arith.constant 1 : i32
        %sub3A_556 = arith.subi %add3A_554, %sub3A_555 : i32
        %mul3A_557 = arith.constant 80 : i32
        %mul3A_558 = arith.muli %sub3A_556, %mul3A_557 : i32
        %add3A_559 = arith.addi %mul3A_2, %mul3A_558 : i32
        %dma_start3A_560 = tpu.memref_slice %arg3[%add3A_559] : memref<320000xi32, #tpu.memory_space<hbm>> -> memref<80xi32, #tpu.memory_space<hbm>>
        %dma_start3A_561 = tpu.memref_slice %arg3[%add3A_559] : memref<320000xi32, #tpu.memory_space<hbm>> -> memref<80xi32, #tpu.memory_space<hbm>>
        tpu.enqueue_dma source(%dma_start3A_561 : memref<80xi32, #tpu.memory_space<hbm>>) target(%arg18 : memref<80xi32, #tpu.memory_space<vmem>>) target_semaphore(%arg52 : memref<!tpu.dma_semaphore, #tpu.memory_space<semaphore_mem>>)
        %mul3A_562 = arith.constant 80 : i32
        %mul3A_563 = arith.muli %sub3A_556, %mul3A_562 : i32
        %add3A_564 = arith.addi %mul3A_2, %mul3A_563 : i32
        %dma_start3A_565 = tpu.memref_slice %arg4[%add3A_564] : memref<320000xi32, #tpu.memory_space<hbm>> -> memref<80xi32, #tpu.memory_space<hbm>>
        %dma_start3A_566 = tpu.memref_slice %arg4[%add3A_564] : memref<320000xi32, #tpu.memory_space<hbm>> -> memref<80xi32, #tpu.memory_space<hbm>>
        tpu.enqueue_dma source(%dma_start3A_566 : memref<80xi32, #tpu.memory_space<hbm>>) target(%arg26 : memref<80xi32, #tpu.memory_space<vmem>>) target_semaphore(%arg44 : memref<!tpu.dma_semaphore, #tpu.memory_space<semaphore_mem>>)
      } else {
      }
      %add3A_245 = arith.constant 4 : i32
      %add3A_246 = arith.addi %add3A_224, %add3A_245 : i32
      %sub3A_247 = arith.constant 1 : i32
      %sub3A_248 = arith.subi %add3A_246, %sub3A_247 : i32
      %lt3A_249 = arith.constant 125 : i32
      %lt3A_250 = arith.cmpi slt, %sub3A_248, %lt3A_249 : i32
      %convert_element_type3A_251 = arith.extui %lt3A_250 : i1 to i32
      %cond3A_252 = arith.constant 0 : i32
      %cond3A_253 = arith.cmpi ne, %convert_element_type3A_251, %cond3A_252 : i32
      scf.if %cond3A_253 {
        %add3A_553 = arith.constant 4 : i32
        %add3A_554 = arith.addi %add3A_224, %add3A_553 : i32
        %sub3A_555 = arith.constant 1 : i32
        %sub3A_556 = arith.subi %add3A_554, %sub3A_555 : i32
        %dma_wait3A_557 = arith.constant 0 : i32
        %dma_wait3A_558 = tpu.memref_slice %arg3[%dma_wait3A_557] : memref<320000xi32, #tpu.memory_space<hbm>> -> memref<80xi32, #tpu.memory_space<hbm>>
        %dma_wait3A_559 = arith.constant 0 : i32
        %dma_wait3A_560 = tpu.memref_slice %arg3[%dma_wait3A_559] : memref<320000xi32, #tpu.memory_space<hbm>> -> memref<80xi32, #tpu.memory_space<hbm>>
        tpu.wait_dma2 semaphore(%arg48 : memref<!tpu.dma_semaphore, #tpu.memory_space<semaphore_mem>>) src(%dma_wait3A_560 : memref<80xi32, #tpu.memory_space<hbm>>) dst(%arg14 : memref<80xi32, #tpu.memory_space<vmem>>)
        %dma_start3A_561 = arith.constant 0 : i32
        %dma_start3A_562 = tpu.memref_slice %arg14[%dma_start3A_561] : memref<80xi32, #tpu.memory_space<vmem>> -> memref<80xi32, #tpu.memory_space<vmem>>
        %dma_start3A_563 = arith.constant 0 : i32
        %dma_start3A_564 = arith.constant 0 : i32
        %dma_start3A_565 = tpu.memref_slice %arg2[%dma_start3A_563, %dma_start3A_564] : memref<10000x128xf32, #tpu.memory_space<hbm>> -> memref<10000x128xf32, #tpu.memory_space<hbm>>
        tpu.enqueue_indirect_dma source(%dma_start3A_565 : memref<10000x128xf32, #tpu.memory_space<hbm>>) target(%arg30 : memref<80x128xf32, #tpu.memory_space<vmem>>) offsets(%dma_start3A_562 : memref<80xi32, #tpu.memory_space<vmem>>) semaphore(%arg36 : memref<!tpu.dma_semaphore, #tpu.memory_space<semaphore_mem>>)
      } else {
      }
      %mul3A_254 = arith.constant 8 : i32
      %mul3A_255 = arith.muli %mul3A_254, %scan3A_220 : i32
      %add3A_256 = arith.constant 1 : i32
      %add3A_257 = arith.addi %mul3A_255, %add3A_256 : i32
      %dma_wait3A_258 = arith.constant 0 : i32
      %dma_wait3A_259 = arith.constant 0 : i32
      %dma_wait3A_260 = tpu.memref_slice %arg2[%dma_wait3A_258, %dma_wait3A_259] : memref<10000x128xf32, #tpu.memory_space<hbm>> -> memref<80x128xf32, #tpu.memory_space<hbm>>
      %dma_wait3A_261 = arith.constant 0 : i32
      %dma_wait3A_262 = arith.constant 0 : i32
      %dma_wait3A_263 = tpu.memref_slice %arg2[%dma_wait3A_261, %dma_wait3A_262] : memref<10000x128xf32, #tpu.memory_space<hbm>> -> memref<80x128xf32, #tpu.memory_space<hbm>>
      tpu.wait_dma2 semaphore(%arg34 : memref<!tpu.dma_semaphore, #tpu.memory_space<semaphore_mem>>) src(%dma_wait3A_263 : memref<80x128xf32, #tpu.memory_space<hbm>>) dst(%arg28 : memref<80x128xf32, #tpu.memory_space<vmem>>)
      %dma_wait3A_264 = arith.constant 0 : i32
      %dma_wait3A_265 = tpu.memref_slice %arg4[%dma_wait3A_264] : memref<320000xi32, #tpu.memory_space<hbm>> -> memref<80xi32, #tpu.memory_space<hbm>>
      %dma_wait3A_266 = arith.constant 0 : i32
      %dma_wait3A_267 = tpu.memref_slice %arg4[%dma_wait3A_266] : memref<320000xi32, #tpu.memory_space<hbm>> -> memref<80xi32, #tpu.memory_space<hbm>>
      tpu.wait_dma2 semaphore(%arg38 : memref<!tpu.dma_semaphore, #tpu.memory_space<semaphore_mem>>) src(%dma_wait3A_267 : memref<80xi32, #tpu.memory_space<hbm>>) dst(%arg20 : memref<80xi32, #tpu.memory_space<vmem>>)
      %dma_wait3A_268 = arith.constant 0 : i32
      %dma_wait3A_269 = arith.constant 0 : i32
      %dma_wait3A_270 = tpu.memref_slice %arg31[%dma_wait3A_268, %dma_wait3A_269] : memref<10240x128xf32, #tpu.memory_space<vmem_shared>> -> memref<10240x128xf32, #tpu.memory_space<vmem_shared>>
      tpu.wait_indirect_dma semaphore(%arg53 : memref<!tpu.dma_semaphore, #tpu.memory_space<semaphore_mem>>) src(%arg27 : memref<80x128xf32, #tpu.memory_space<vmem>>) dst(%dma_wait3A_270 : memref<10240x128xf32, #tpu.memory_space<vmem_shared>>)
      %dma_wait3A_271 = arith.constant 0 : i32
      %dma_wait3A_272 = tpu.memref_slice %arg32[%dma_wait3A_271] : memref<10240xf32, #tpu.memory_space<vmem_shared>> -> memref<10240xf32, #tpu.memory_space<vmem_shared>>
      tpu.wait_indirect_dma semaphore(%arg55 : memref<!tpu.dma_semaphore, #tpu.memory_space<semaphore_mem>>) src(%arg10 : memref<80xf32, #tpu.memory_space<vmem>>) dst(%dma_wait3A_272 : memref<10240xf32, #tpu.memory_space<vmem_shared>>)
      %dma_start3A_273 = arith.constant 0 : i32
      %dma_start3A_274 = arith.constant 0 : i32
      %dma_start3A_275 = tpu.memref_slice %arg31[%dma_start3A_273, %dma_start3A_274] : memref<10240x128xf32, #tpu.memory_space<vmem_shared>> -> memref<10240x128xf32, #tpu.memory_space<vmem_shared>>
      tpu.enqueue_indirect_dma source(%arg28 : memref<80x128xf32, #tpu.memory_space<vmem>>) target(%dma_start3A_275 : memref<10240x128xf32, #tpu.memory_space<vmem_shared>>) offsets(%arg20 : memref<80xi32, #tpu.memory_space<vmem>>) semaphore(%arg54 : memref<!tpu.dma_semaphore, #tpu.memory_space<semaphore_mem>>) {add = true}
      %dma_start3A_276 = arith.constant 0 : i32
      %dma_start3A_277 = tpu.memref_slice %arg32[%dma_start3A_276] : memref<10240xf32, #tpu.memory_space<vmem_shared>> -> memref<10240xf32, #tpu.memory_space<vmem_shared>>
      tpu.enqueue_indirect_dma source(%arg10 : memref<80xf32, #tpu.memory_space<vmem>>) target(%dma_start3A_277 : memref<10240xf32, #tpu.memory_space<vmem_shared>>) offsets(%arg20 : memref<80xi32, #tpu.memory_space<vmem>>) semaphore(%arg56 : memref<!tpu.dma_semaphore, #tpu.memory_space<semaphore_mem>>) {add = true}
      %add3A_278 = arith.constant 8 : i32
      %add3A_279 = arith.addi %add3A_257, %add3A_278 : i32
      %sub3A_280 = arith.constant 1 : i32
      %sub3A_281 = arith.subi %add3A_279, %sub3A_280 : i32
      %lt3A_282 = arith.constant 125 : i32
      %lt3A_283 = arith.cmpi slt, %sub3A_281, %lt3A_282 : i32
      %convert_element_type3A_284 = arith.extui %lt3A_283 : i1 to i32
      %cond3A_285 = arith.constant 0 : i32
      %cond3A_286 = arith.cmpi ne, %convert_element_type3A_284, %cond3A_285 : i32
      scf.if %cond3A_286 {
        %add3A_553 = arith.constant 8 : i32
        %add3A_554 = arith.addi %add3A_257, %add3A_553 : i32
        %sub3A_555 = arith.constant 1 : i32
        %sub3A_556 = arith.subi %add3A_554, %sub3A_555 : i32
        %mul3A_557 = arith.constant 80 : i32
        %mul3A_558 = arith.muli %sub3A_556, %mul3A_557 : i32
        %add3A_559 = arith.addi %mul3A_2, %mul3A_558 : i32
        %dma_start3A_560 = tpu.memref_slice %arg3[%add3A_559] : memref<320000xi32, #tpu.memory_space<hbm>> -> memref<80xi32, #tpu.memory_space<hbm>>
        %dma_start3A_561 = tpu.memref_slice %arg3[%add3A_559] : memref<320000xi32, #tpu.memory_space<hbm>> -> memref<80xi32, #tpu.memory_space<hbm>>
        tpu.enqueue_dma source(%dma_start3A_561 : memref<80xi32, #tpu.memory_space<hbm>>) target(%arg11 : memref<80xi32, #tpu.memory_space<vmem>>) target_semaphore(%arg45 : memref<!tpu.dma_semaphore, #tpu.memory_space<semaphore_mem>>)
        %mul3A_562 = arith.constant 80 : i32
        %mul3A_563 = arith.muli %sub3A_556, %mul3A_562 : i32
        %add3A_564 = arith.addi %mul3A_2, %mul3A_563 : i32
        %dma_start3A_565 = tpu.memref_slice %arg4[%add3A_564] : memref<320000xi32, #tpu.memory_space<hbm>> -> memref<80xi32, #tpu.memory_space<hbm>>
        %dma_start3A_566 = tpu.memref_slice %arg4[%add3A_564] : memref<320000xi32, #tpu.memory_space<hbm>> -> memref<80xi32, #tpu.memory_space<hbm>>
        tpu.enqueue_dma source(%dma_start3A_566 : memref<80xi32, #tpu.memory_space<hbm>>) target(%arg19 : memref<80xi32, #tpu.memory_space<vmem>>) target_semaphore(%arg37 : memref<!tpu.dma_semaphore, #tpu.memory_space<semaphore_mem>>)
      } else {
      }
      %add3A_287 = arith.constant 4 : i32
      %add3A_288 = arith.addi %add3A_257, %add3A_287 : i32
      %sub3A_289 = arith.constant 1 : i32
      %sub3A_290 = arith.subi %add3A_288, %sub3A_289 : i32
      %lt3A_291 = arith.constant 125 : i32
      %lt3A_292 = arith.cmpi slt, %sub3A_290, %lt3A_291 : i32
      %convert_element_type3A_293 = arith.extui %lt3A_292 : i1 to i32
      %cond3A_294 = arith.constant 0 : i32
      %cond3A_295 = arith.cmpi ne, %convert_element_type3A_293, %cond3A_294 : i32
      scf.if %cond3A_295 {
        %add3A_553 = arith.constant 4 : i32
        %add3A_554 = arith.addi %add3A_257, %add3A_553 : i32
        %sub3A_555 = arith.constant 1 : i32
        %sub3A_556 = arith.subi %add3A_554, %sub3A_555 : i32
        %dma_wait3A_557 = arith.constant 0 : i32
        %dma_wait3A_558 = tpu.memref_slice %arg3[%dma_wait3A_557] : memref<320000xi32, #tpu.memory_space<hbm>> -> memref<80xi32, #tpu.memory_space<hbm>>
        %dma_wait3A_559 = arith.constant 0 : i32
        %dma_wait3A_560 = tpu.memref_slice %arg3[%dma_wait3A_559] : memref<320000xi32, #tpu.memory_space<hbm>> -> memref<80xi32, #tpu.memory_space<hbm>>
        tpu.wait_dma2 semaphore(%arg49 : memref<!tpu.dma_semaphore, #tpu.memory_space<semaphore_mem>>) src(%dma_wait3A_560 : memref<80xi32, #tpu.memory_space<hbm>>) dst(%arg15 : memref<80xi32, #tpu.memory_space<vmem>>)
        %dma_start3A_561 = arith.constant 0 : i32
        %dma_start3A_562 = tpu.memref_slice %arg15[%dma_start3A_561] : memref<80xi32, #tpu.memory_space<vmem>> -> memref<80xi32, #tpu.memory_space<vmem>>
        %dma_start3A_563 = arith.constant 0 : i32
        %dma_start3A_564 = arith.constant 0 : i32
        %dma_start3A_565 = tpu.memref_slice %arg2[%dma_start3A_563, %dma_start3A_564] : memref<10000x128xf32, #tpu.memory_space<hbm>> -> memref<10000x128xf32, #tpu.memory_space<hbm>>
        tpu.enqueue_indirect_dma source(%dma_start3A_565 : memref<10000x128xf32, #tpu.memory_space<hbm>>) target(%arg27 : memref<80x128xf32, #tpu.memory_space<vmem>>) offsets(%dma_start3A_562 : memref<80xi32, #tpu.memory_space<vmem>>) semaphore(%arg33 : memref<!tpu.dma_semaphore, #tpu.memory_space<semaphore_mem>>)
      } else {
      }
      %mul3A_296 = arith.constant 8 : i32
      %mul3A_297 = arith.muli %mul3A_296, %scan3A_220 : i32
      %add3A_298 = arith.constant 2 : i32
      %add3A_299 = arith.addi %mul3A_297, %add3A_298 : i32
      %dma_wait3A_300 = arith.constant 0 : i32
      %dma_wait3A_301 = arith.constant 0 : i32
      %dma_wait3A_302 = tpu.memref_slice %arg2[%dma_wait3A_300, %dma_wait3A_301] : memref<10000x128xf32, #tpu.memory_space<hbm>> -> memref<80x128xf32, #tpu.memory_space<hbm>>
      %dma_wait3A_303 = arith.constant 0 : i32
      %dma_wait3A_304 = arith.constant 0 : i32
      %dma_wait3A_305 = tpu.memref_slice %arg2[%dma_wait3A_303, %dma_wait3A_304] : memref<10000x128xf32, #tpu.memory_space<hbm>> -> memref<80x128xf32, #tpu.memory_space<hbm>>
      tpu.wait_dma2 semaphore(%arg35 : memref<!tpu.dma_semaphore, #tpu.memory_space<semaphore_mem>>) src(%dma_wait3A_305 : memref<80x128xf32, #tpu.memory_space<hbm>>) dst(%arg29 : memref<80x128xf32, #tpu.memory_space<vmem>>)
      %dma_wait3A_306 = arith.constant 0 : i32
      %dma_wait3A_307 = tpu.memref_slice %arg4[%dma_wait3A_306] : memref<320000xi32, #tpu.memory_space<hbm>> -> memref<80xi32, #tpu.memory_space<hbm>>
      %dma_wait3A_308 = arith.constant 0 : i32
      %dma_wait3A_309 = tpu.memref_slice %arg4[%dma_wait3A_308] : memref<320000xi32, #tpu.memory_space<hbm>> -> memref<80xi32, #tpu.memory_space<hbm>>
      tpu.wait_dma2 semaphore(%arg39 : memref<!tpu.dma_semaphore, #tpu.memory_space<semaphore_mem>>) src(%dma_wait3A_309 : memref<80xi32, #tpu.memory_space<hbm>>) dst(%arg21 : memref<80xi32, #tpu.memory_space<vmem>>)
      %dma_wait3A_310 = arith.constant 0 : i32
      %dma_wait3A_311 = arith.constant 0 : i32
      %dma_wait3A_312 = tpu.memref_slice %arg31[%dma_wait3A_310, %dma_wait3A_311] : memref<10240x128xf32, #tpu.memory_space<vmem_shared>> -> memref<10240x128xf32, #tpu.memory_space<vmem_shared>>
      tpu.wait_indirect_dma semaphore(%arg54 : memref<!tpu.dma_semaphore, #tpu.memory_space<semaphore_mem>>) src(%arg28 : memref<80x128xf32, #tpu.memory_space<vmem>>) dst(%dma_wait3A_312 : memref<10240x128xf32, #tpu.memory_space<vmem_shared>>)
      %dma_wait3A_313 = arith.constant 0 : i32
      %dma_wait3A_314 = tpu.memref_slice %arg32[%dma_wait3A_313] : memref<10240xf32, #tpu.memory_space<vmem_shared>> -> memref<10240xf32, #tpu.memory_space<vmem_shared>>
      tpu.wait_indirect_dma semaphore(%arg56 : memref<!tpu.dma_semaphore, #tpu.memory_space<semaphore_mem>>) src(%arg10 : memref<80xf32, #tpu.memory_space<vmem>>) dst(%dma_wait3A_314 : memref<10240xf32, #tpu.memory_space<vmem_shared>>)
      %dma_start3A_315 = arith.constant 0 : i32
      %dma_start3A_316 = arith.constant 0 : i32
      %dma_start3A_317 = tpu.memref_slice %arg31[%dma_start3A_315, %dma_start3A_316] : memref<10240x128xf32, #tpu.memory_space<vmem_shared>> -> memref<10240x128xf32, #tpu.memory_space<vmem_shared>>
      tpu.enqueue_indirect_dma source(%arg29 : memref<80x128xf32, #tpu.memory_space<vmem>>) target(%dma_start3A_317 : memref<10240x128xf32, #tpu.memory_space<vmem_shared>>) offsets(%arg21 : memref<80xi32, #tpu.memory_space<vmem>>) semaphore(%arg53 : memref<!tpu.dma_semaphore, #tpu.memory_space<semaphore_mem>>) {add = true}
      %dma_start3A_318 = arith.constant 0 : i32
      %dma_start3A_319 = tpu.memref_slice %arg32[%dma_start3A_318] : memref<10240xf32, #tpu.memory_space<vmem_shared>> -> memref<10240xf32, #tpu.memory_space<vmem_shared>>
      tpu.enqueue_indirect_dma source(%arg10 : memref<80xf32, #tpu.memory_space<vmem>>) target(%dma_start3A_319 : memref<10240xf32, #tpu.memory_space<vmem_shared>>) offsets(%arg21 : memref<80xi32, #tpu.memory_space<vmem>>) semaphore(%arg55 : memref<!tpu.dma_semaphore, #tpu.memory_space<semaphore_mem>>) {add = true}
      %add3A_320 = arith.constant 8 : i32
      %add3A_321 = arith.addi %add3A_299, %add3A_320 : i32
      %sub3A_322 = arith.constant 1 : i32
      %sub3A_323 = arith.subi %add3A_321, %sub3A_322 : i32
      %lt3A_324 = arith.constant 125 : i32
      %lt3A_325 = arith.cmpi slt, %sub3A_323, %lt3A_324 : i32
      %convert_element_type3A_326 = arith.extui %lt3A_325 : i1 to i32
      %cond3A_327 = arith.constant 0 : i32
      %cond3A_328 = arith.cmpi ne, %convert_element_type3A_326, %cond3A_327 : i32
      scf.if %cond3A_328 {
        %add3A_553 = arith.constant 8 : i32
        %add3A_554 = arith.addi %add3A_299, %add3A_553 : i32
        %sub3A_555 = arith.constant 1 : i32
        %sub3A_556 = arith.subi %add3A_554, %sub3A_555 : i32
        %mul3A_557 = arith.constant 80 : i32
        %mul3A_558 = arith.muli %sub3A_556, %mul3A_557 : i32
        %add3A_559 = arith.addi %mul3A_2, %mul3A_558 : i32
        %dma_start3A_560 = tpu.memref_slice %arg3[%add3A_559] : memref<320000xi32, #tpu.memory_space<hbm>> -> memref<80xi32, #tpu.memory_space<hbm>>
        %dma_start3A_561 = tpu.memref_slice %arg3[%add3A_559] : memref<320000xi32, #tpu.memory_space<hbm>> -> memref<80xi32, #tpu.memory_space<hbm>>
        tpu.enqueue_dma source(%dma_start3A_561 : memref<80xi32, #tpu.memory_space<hbm>>) target(%arg12 : memref<80xi32, #tpu.memory_space<vmem>>) target_semaphore(%arg46 : memref<!tpu.dma_semaphore, #tpu.memory_space<semaphore_mem>>)
        %mul3A_562 = arith.constant 80 : i32
        %mul3A_563 = arith.muli %sub3A_556, %mul3A_562 : i32
        %add3A_564 = arith.addi %mul3A_2, %mul3A_563 : i32
        %dma_start3A_565 = tpu.memref_slice %arg4[%add3A_564] : memref<320000xi32, #tpu.memory_space<hbm>> -> memref<80xi32, #tpu.memory_space<hbm>>
        %dma_start3A_566 = tpu.memref_slice %arg4[%add3A_564] : memref<320000xi32, #tpu.memory_space<hbm>> -> memref<80xi32, #tpu.memory_space<hbm>>
        tpu.enqueue_dma source(%dma_start3A_566 : memref<80xi32, #tpu.memory_space<hbm>>) target(%arg20 : memref<80xi32, #tpu.memory_space<vmem>>) target_semaphore(%arg38 : memref<!tpu.dma_semaphore, #tpu.memory_space<semaphore_mem>>)
      } else {
      }
      %add3A_329 = arith.constant 4 : i32
      %add3A_330 = arith.addi %add3A_299, %add3A_329 : i32
      %sub3A_331 = arith.constant 1 : i32
      %sub3A_332 = arith.subi %add3A_330, %sub3A_331 : i32
      %lt3A_333 = arith.constant 125 : i32
      %lt3A_334 = arith.cmpi slt, %sub3A_332, %lt3A_333 : i32
      %convert_element_type3A_335 = arith.extui %lt3A_334 : i1 to i32
      %cond3A_336 = arith.constant 0 : i32
      %cond3A_337 = arith.cmpi ne, %convert_element_type3A_335, %cond3A_336 : i32
      scf.if %cond3A_337 {
        %add3A_553 = arith.constant 4 : i32
        %add3A_554 = arith.addi %add3A_299, %add3A_553 : i32
        %sub3A_555 = arith.constant 1 : i32
        %sub3A_556 = arith.subi %add3A_554, %sub3A_555 : i32
        %dma_wait3A_557 = arith.constant 0 : i32
        %dma_wait3A_558 = tpu.memref_slice %arg3[%dma_wait3A_557] : memref<320000xi32, #tpu.memory_space<hbm>> -> memref<80xi32, #tpu.memory_space<hbm>>
        %dma_wait3A_559 = arith.constant 0 : i32
        %dma_wait3A_560 = tpu.memref_slice %arg3[%dma_wait3A_559] : memref<320000xi32, #tpu.memory_space<hbm>> -> memref<80xi32, #tpu.memory_space<hbm>>
        tpu.wait_dma2 semaphore(%arg50 : memref<!tpu.dma_semaphore, #tpu.memory_space<semaphore_mem>>) src(%dma_wait3A_560 : memref<80xi32, #tpu.memory_space<hbm>>) dst(%arg16 : memref<80xi32, #tpu.memory_space<vmem>>)
        %dma_start3A_561 = arith.constant 0 : i32
        %dma_start3A_562 = tpu.memref_slice %arg16[%dma_start3A_561] : memref<80xi32, #tpu.memory_space<vmem>> -> memref<80xi32, #tpu.memory_space<vmem>>
        %dma_start3A_563 = arith.constant 0 : i32
        %dma_start3A_564 = arith.constant 0 : i32
        %dma_start3A_565 = tpu.memref_slice %arg2[%dma_start3A_563, %dma_start3A_564] : memref<10000x128xf32, #tpu.memory_space<hbm>> -> memref<10000x128xf32, #tpu.memory_space<hbm>>
        tpu.enqueue_indirect_dma source(%dma_start3A_565 : memref<10000x128xf32, #tpu.memory_space<hbm>>) target(%arg28 : memref<80x128xf32, #tpu.memory_space<vmem>>) offsets(%dma_start3A_562 : memref<80xi32, #tpu.memory_space<vmem>>) semaphore(%arg34 : memref<!tpu.dma_semaphore, #tpu.memory_space<semaphore_mem>>)
      } else {
      }
      %mul3A_338 = arith.constant 8 : i32
      %mul3A_339 = arith.muli %mul3A_338, %scan3A_220 : i32
      %add3A_340 = arith.constant 3 : i32
      %add3A_341 = arith.addi %mul3A_339, %add3A_340 : i32
      %dma_wait3A_342 = arith.constant 0 : i32
      %dma_wait3A_343 = arith.constant 0 : i32
      %dma_wait3A_344 = tpu.memref_slice %arg2[%dma_wait3A_342, %dma_wait3A_343] : memref<10000x128xf32, #tpu.memory_space<hbm>> -> memref<80x128xf32, #tpu.memory_space<hbm>>
      %dma_wait3A_345 = arith.constant 0 : i32
      %dma_wait3A_346 = arith.constant 0 : i32
      %dma_wait3A_347 = tpu.memref_slice %arg2[%dma_wait3A_345, %dma_wait3A_346] : memref<10000x128xf32, #tpu.memory_space<hbm>> -> memref<80x128xf32, #tpu.memory_space<hbm>>
      tpu.wait_dma2 semaphore(%arg36 : memref<!tpu.dma_semaphore, #tpu.memory_space<semaphore_mem>>) src(%dma_wait3A_347 : memref<80x128xf32, #tpu.memory_space<hbm>>) dst(%arg30 : memref<80x128xf32, #tpu.memory_space<vmem>>)
      %dma_wait3A_348 = arith.constant 0 : i32
      %dma_wait3A_349 = tpu.memref_slice %arg4[%dma_wait3A_348] : memref<320000xi32, #tpu.memory_space<hbm>> -> memref<80xi32, #tpu.memory_space<hbm>>
      %dma_wait3A_350 = arith.constant 0 : i32
      %dma_wait3A_351 = tpu.memref_slice %arg4[%dma_wait3A_350] : memref<320000xi32, #tpu.memory_space<hbm>> -> memref<80xi32, #tpu.memory_space<hbm>>
      tpu.wait_dma2 semaphore(%arg40 : memref<!tpu.dma_semaphore, #tpu.memory_space<semaphore_mem>>) src(%dma_wait3A_351 : memref<80xi32, #tpu.memory_space<hbm>>) dst(%arg22 : memref<80xi32, #tpu.memory_space<vmem>>)
      %dma_wait3A_352 = arith.constant 0 : i32
      %dma_wait3A_353 = arith.constant 0 : i32
      %dma_wait3A_354 = tpu.memref_slice %arg31[%dma_wait3A_352, %dma_wait3A_353] : memref<10240x128xf32, #tpu.memory_space<vmem_shared>> -> memref<10240x128xf32, #tpu.memory_space<vmem_shared>>
      tpu.wait_indirect_dma semaphore(%arg53 : memref<!tpu.dma_semaphore, #tpu.memory_space<semaphore_mem>>) src(%arg29 : memref<80x128xf32, #tpu.memory_space<vmem>>) dst(%dma_wait3A_354 : memref<10240x128xf32, #tpu.memory_space<vmem_shared>>)
      %dma_wait3A_355 = arith.constant 0 : i32
      %dma_wait3A_356 = tpu.memref_slice %arg32[%dma_wait3A_355] : memref<10240xf32, #tpu.memory_space<vmem_shared>> -> memref<10240xf32, #tpu.memory_space<vmem_shared>>
      tpu.wait_indirect_dma semaphore(%arg55 : memref<!tpu.dma_semaphore, #tpu.memory_space<semaphore_mem>>) src(%arg10 : memref<80xf32, #tpu.memory_space<vmem>>) dst(%dma_wait3A_356 : memref<10240xf32, #tpu.memory_space<vmem_shared>>)
      %dma_start3A_357 = arith.constant 0 : i32
      %dma_start3A_358 = arith.constant 0 : i32
      %dma_start3A_359 = tpu.memref_slice %arg31[%dma_start3A_357, %dma_start3A_358] : memref<10240x128xf32, #tpu.memory_space<vmem_shared>> -> memref<10240x128xf32, #tpu.memory_space<vmem_shared>>
      tpu.enqueue_indirect_dma source(%arg30 : memref<80x128xf32, #tpu.memory_space<vmem>>) target(%dma_start3A_359 : memref<10240x128xf32, #tpu.memory_space<vmem_shared>>) offsets(%arg22 : memref<80xi32, #tpu.memory_space<vmem>>) semaphore(%arg54 : memref<!tpu.dma_semaphore, #tpu.memory_space<semaphore_mem>>) {add = true}
      %dma_start3A_360 = arith.constant 0 : i32
      %dma_start3A_361 = tpu.memref_slice %arg32[%dma_start3A_360] : memref<10240xf32, #tpu.memory_space<vmem_shared>> -> memref<10240xf32, #tpu.memory_space<vmem_shared>>
      tpu.enqueue_indirect_dma source(%arg10 : memref<80xf32, #tpu.memory_space<vmem>>) target(%dma_start3A_361 : memref<10240xf32, #tpu.memory_space<vmem_shared>>) offsets(%arg22 : memref<80xi32, #tpu.memory_space<vmem>>) semaphore(%arg56 : memref<!tpu.dma_semaphore, #tpu.memory_space<semaphore_mem>>) {add = true}
      %add3A_362 = arith.constant 8 : i32
      %add3A_363 = arith.addi %add3A_341, %add3A_362 : i32
      %sub3A_364 = arith.constant 1 : i32
      %sub3A_365 = arith.subi %add3A_363, %sub3A_364 : i32
      %lt3A_366 = arith.constant 125 : i32
      %lt3A_367 = arith.cmpi slt, %sub3A_365, %lt3A_366 : i32
      %convert_element_type3A_368 = arith.extui %lt3A_367 : i1 to i32
      %cond3A_369 = arith.constant 0 : i32
      %cond3A_370 = arith.cmpi ne, %convert_element_type3A_368, %cond3A_369 : i32
      scf.if %cond3A_370 {
        %add3A_553 = arith.constant 8 : i32
        %add3A_554 = arith.addi %add3A_341, %add3A_553 : i32
        %sub3A_555 = arith.constant 1 : i32
        %sub3A_556 = arith.subi %add3A_554, %sub3A_555 : i32
        %mul3A_557 = arith.constant 80 : i32
        %mul3A_558 = arith.muli %sub3A_556, %mul3A_557 : i32
        %add3A_559 = arith.addi %mul3A_2, %mul3A_558 : i32
        %dma_start3A_560 = tpu.memref_slice %arg3[%add3A_559] : memref<320000xi32, #tpu.memory_space<hbm>> -> memref<80xi32, #tpu.memory_space<hbm>>
        %dma_start3A_561 = tpu.memref_slice %arg3[%add3A_559] : memref<320000xi32, #tpu.memory_space<hbm>> -> memref<80xi32, #tpu.memory_space<hbm>>
        tpu.enqueue_dma source(%dma_start3A_561 : memref<80xi32, #tpu.memory_space<hbm>>) target(%arg13 : memref<80xi32, #tpu.memory_space<vmem>>) target_semaphore(%arg47 : memref<!tpu.dma_semaphore, #tpu.memory_space<semaphore_mem>>)
        %mul3A_562 = arith.constant 80 : i32
        %mul3A_563 = arith.muli %sub3A_556, %mul3A_562 : i32
        %add3A_564 = arith.addi %mul3A_2, %mul3A_563 : i32
        %dma_start3A_565 = tpu.memref_slice %arg4[%add3A_564] : memref<320000xi32, #tpu.memory_space<hbm>> -> memref<80xi32, #tpu.memory_space<hbm>>
        %dma_start3A_566 = tpu.memref_slice %arg4[%add3A_564] : memref<320000xi32, #tpu.memory_space<hbm>> -> memref<80xi32, #tpu.memory_space<hbm>>
        tpu.enqueue_dma source(%dma_start3A_566 : memref<80xi32, #tpu.memory_space<hbm>>) target(%arg21 : memref<80xi32, #tpu.memory_space<vmem>>) target_semaphore(%arg39 : memref<!tpu.dma_semaphore, #tpu.memory_space<semaphore_mem>>)
      } else {
      }
      %add3A_371 = arith.constant 4 : i32
      %add3A_372 = arith.addi %add3A_341, %add3A_371 : i32
      %sub3A_373 = arith.constant 1 : i32
      %sub3A_374 = arith.subi %add3A_372, %sub3A_373 : i32
      %lt3A_375 = arith.constant 125 : i32
      %lt3A_376 = arith.cmpi slt, %sub3A_374, %lt3A_375 : i32
      %convert_element_type3A_377 = arith.extui %lt3A_376 : i1 to i32
      %cond3A_378 = arith.constant 0 : i32
      %cond3A_379 = arith.cmpi ne, %convert_element_type3A_377, %cond3A_378 : i32
      scf.if %cond3A_379 {
        %add3A_553 = arith.constant 4 : i32
        %add3A_554 = arith.addi %add3A_341, %add3A_553 : i32
        %sub3A_555 = arith.constant 1 : i32
        %sub3A_556 = arith.subi %add3A_554, %sub3A_555 : i32
        %dma_wait3A_557 = arith.constant 0 : i32
        %dma_wait3A_558 = tpu.memref_slice %arg3[%dma_wait3A_557] : memref<320000xi32, #tpu.memory_space<hbm>> -> memref<80xi32, #tpu.memory_space<hbm>>
        %dma_wait3A_559 = arith.constant 0 : i32
        %dma_wait3A_560 = tpu.memref_slice %arg3[%dma_wait3A_559] : memref<320000xi32, #tpu.memory_space<hbm>> -> memref<80xi32, #tpu.memory_space<hbm>>
        tpu.wait_dma2 semaphore(%arg51 : memref<!tpu.dma_semaphore, #tpu.memory_space<semaphore_mem>>) src(%dma_wait3A_560 : memref<80xi32, #tpu.memory_space<hbm>>) dst(%arg17 : memref<80xi32, #tpu.memory_space<vmem>>)
        %dma_start3A_561 = arith.constant 0 : i32
        %dma_start3A_562 = tpu.memref_slice %arg17[%dma_start3A_561] : memref<80xi32, #tpu.memory_space<vmem>> -> memref<80xi32, #tpu.memory_space<vmem>>
        %dma_start3A_563 = arith.constant 0 : i32
        %dma_start3A_564 = arith.constant 0 : i32
        %dma_start3A_565 = tpu.memref_slice %arg2[%dma_start3A_563, %dma_start3A_564] : memref<10000x128xf32, #tpu.memory_space<hbm>> -> memref<10000x128xf32, #tpu.memory_space<hbm>>
        tpu.enqueue_indirect_dma source(%dma_start3A_565 : memref<10000x128xf32, #tpu.memory_space<hbm>>) target(%arg29 : memref<80x128xf32, #tpu.memory_space<vmem>>) offsets(%dma_start3A_562 : memref<80xi32, #tpu.memory_space<vmem>>) semaphore(%arg35 : memref<!tpu.dma_semaphore, #tpu.memory_space<semaphore_mem>>)
      } else {
      }
      %mul3A_380 = arith.constant 8 : i32
      %mul3A_381 = arith.muli %mul3A_380, %scan3A_220 : i32
      %add3A_382 = arith.constant 4 : i32
      %add3A_383 = arith.addi %mul3A_381, %add3A_382 : i32
      %dma_wait3A_384 = arith.constant 0 : i32
      %dma_wait3A_385 = arith.constant 0 : i32
      %dma_wait3A_386 = tpu.memref_slice %arg2[%dma_wait3A_384, %dma_wait3A_385] : memref<10000x128xf32, #tpu.memory_space<hbm>> -> memref<80x128xf32, #tpu.memory_space<hbm>>
      %dma_wait3A_387 = arith.constant 0 : i32
      %dma_wait3A_388 = arith.constant 0 : i32
      %dma_wait3A_389 = tpu.memref_slice %arg2[%dma_wait3A_387, %dma_wait3A_388] : memref<10000x128xf32, #tpu.memory_space<hbm>> -> memref<80x128xf32, #tpu.memory_space<hbm>>
      tpu.wait_dma2 semaphore(%arg33 : memref<!tpu.dma_semaphore, #tpu.memory_space<semaphore_mem>>) src(%dma_wait3A_389 : memref<80x128xf32, #tpu.memory_space<hbm>>) dst(%arg27 : memref<80x128xf32, #tpu.memory_space<vmem>>)
      %dma_wait3A_390 = arith.constant 0 : i32
      %dma_wait3A_391 = tpu.memref_slice %arg4[%dma_wait3A_390] : memref<320000xi32, #tpu.memory_space<hbm>> -> memref<80xi32, #tpu.memory_space<hbm>>
      %dma_wait3A_392 = arith.constant 0 : i32
      %dma_wait3A_393 = tpu.memref_slice %arg4[%dma_wait3A_392] : memref<320000xi32, #tpu.memory_space<hbm>> -> memref<80xi32, #tpu.memory_space<hbm>>
      tpu.wait_dma2 semaphore(%arg41 : memref<!tpu.dma_semaphore, #tpu.memory_space<semaphore_mem>>) src(%dma_wait3A_393 : memref<80xi32, #tpu.memory_space<hbm>>) dst(%arg23 : memref<80xi32, #tpu.memory_space<vmem>>)
      %dma_wait3A_394 = arith.constant 0 : i32
      %dma_wait3A_395 = arith.constant 0 : i32
      %dma_wait3A_396 = tpu.memref_slice %arg31[%dma_wait3A_394, %dma_wait3A_395] : memref<10240x128xf32, #tpu.memory_space<vmem_shared>> -> memref<10240x128xf32, #tpu.memory_space<vmem_shared>>
      tpu.wait_indirect_dma semaphore(%arg54 : memref<!tpu.dma_semaphore, #tpu.memory_space<semaphore_mem>>) src(%arg30 : memref<80x128xf32, #tpu.memory_space<vmem>>) dst(%dma_wait3A_396 : memref<10240x128xf32, #tpu.memory_space<vmem_shared>>)
      %dma_wait3A_397 = arith.constant 0 : i32
      %dma_wait3A_398 = tpu.memref_slice %arg32[%dma_wait3A_397] : memref<10240xf32, #tpu.memory_space<vmem_shared>> -> memref<10240xf32, #tpu.memory_space<vmem_shared>>
      tpu.wait_indirect_dma semaphore(%arg56 : memref<!tpu.dma_semaphore, #tpu.memory_space<semaphore_mem>>) src(%arg10 : memref<80xf32, #tpu.memory_space<vmem>>) dst(%dma_wait3A_398 : memref<10240xf32, #tpu.memory_space<vmem_shared>>)
      %dma_start3A_399 = arith.constant 0 : i32
      %dma_start3A_400 = arith.constant 0 : i32
      %dma_start3A_401 = tpu.memref_slice %arg31[%dma_start3A_399, %dma_start3A_400] : memref<10240x128xf32, #tpu.memory_space<vmem_shared>> -> memref<10240x128xf32, #tpu.memory_space<vmem_shared>>
      tpu.enqueue_indirect_dma source(%arg27 : memref<80x128xf32, #tpu.memory_space<vmem>>) target(%dma_start3A_401 : memref<10240x128xf32, #tpu.memory_space<vmem_shared>>) offsets(%arg23 : memref<80xi32, #tpu.memory_space<vmem>>) semaphore(%arg53 : memref<!tpu.dma_semaphore, #tpu.memory_space<semaphore_mem>>) {add = true}
      %dma_start3A_402 = arith.constant 0 : i32
      %dma_start3A_403 = tpu.memref_slice %arg32[%dma_start3A_402] : memref<10240xf32, #tpu.memory_space<vmem_shared>> -> memref<10240xf32, #tpu.memory_space<vmem_shared>>
      tpu.enqueue_indirect_dma source(%arg10 : memref<80xf32, #tpu.memory_space<vmem>>) target(%dma_start3A_403 : memref<10240xf32, #tpu.memory_space<vmem_shared>>) offsets(%arg23 : memref<80xi32, #tpu.memory_space<vmem>>) semaphore(%arg55 : memref<!tpu.dma_semaphore, #tpu.memory_space<semaphore_mem>>) {add = true}
      %add3A_404 = arith.constant 8 : i32
      %add3A_405 = arith.addi %add3A_383, %add3A_404 : i32
      %sub3A_406 = arith.constant 1 : i32
      %sub3A_407 = arith.subi %add3A_405, %sub3A_406 : i32
      %lt3A_408 = arith.constant 125 : i32
      %lt3A_409 = arith.cmpi slt, %sub3A_407, %lt3A_408 : i32
      %convert_element_type3A_410 = arith.extui %lt3A_409 : i1 to i32
      %cond3A_411 = arith.constant 0 : i32
      %cond3A_412 = arith.cmpi ne, %convert_element_type3A_410, %cond3A_411 : i32
      scf.if %cond3A_412 {
        %add3A_553 = arith.constant 8 : i32
        %add3A_554 = arith.addi %add3A_383, %add3A_553 : i32
        %sub3A_555 = arith.constant 1 : i32
        %sub3A_556 = arith.subi %add3A_554, %sub3A_555 : i32
        %mul3A_557 = arith.constant 80 : i32
        %mul3A_558 = arith.muli %sub3A_556, %mul3A_557 : i32
        %add3A_559 = arith.addi %mul3A_2, %mul3A_558 : i32
        %dma_start3A_560 = tpu.memref_slice %arg3[%add3A_559] : memref<320000xi32, #tpu.memory_space<hbm>> -> memref<80xi32, #tpu.memory_space<hbm>>
        %dma_start3A_561 = tpu.memref_slice %arg3[%add3A_559] : memref<320000xi32, #tpu.memory_space<hbm>> -> memref<80xi32, #tpu.memory_space<hbm>>
        tpu.enqueue_dma source(%dma_start3A_561 : memref<80xi32, #tpu.memory_space<hbm>>) target(%arg14 : memref<80xi32, #tpu.memory_space<vmem>>) target_semaphore(%arg48 : memref<!tpu.dma_semaphore, #tpu.memory_space<semaphore_mem>>)
        %mul3A_562 = arith.constant 80 : i32
        %mul3A_563 = arith.muli %sub3A_556, %mul3A_562 : i32
        %add3A_564 = arith.addi %mul3A_2, %mul3A_563 : i32
        %dma_start3A_565 = tpu.memref_slice %arg4[%add3A_564] : memref<320000xi32, #tpu.memory_space<hbm>> -> memref<80xi32, #tpu.memory_space<hbm>>
        %dma_start3A_566 = tpu.memref_slice %arg4[%add3A_564] : memref<320000xi32, #tpu.memory_space<hbm>> -> memref<80xi32, #tpu.memory_space<hbm>>
        tpu.enqueue_dma source(%dma_start3A_566 : memref<80xi32, #tpu.memory_space<hbm>>) target(%arg22 : memref<80xi32, #tpu.memory_space<vmem>>) target_semaphore(%arg40 : memref<!tpu.dma_semaphore, #tpu.memory_space<semaphore_mem>>)
      } else {
      }
      %add3A_413 = arith.constant 4 : i32
      %add3A_414 = arith.addi %add3A_383, %add3A_413 : i32
      %sub3A_415 = arith.constant 1 : i32
      %sub3A_416 = arith.subi %add3A_414, %sub3A_415 : i32
      %lt3A_417 = arith.constant 125 : i32
      %lt3A_418 = arith.cmpi slt, %sub3A_416, %lt3A_417 : i32
      %convert_element_type3A_419 = arith.extui %lt3A_418 : i1 to i32
      %cond3A_420 = arith.constant 0 : i32
      %cond3A_421 = arith.cmpi ne, %convert_element_type3A_419, %cond3A_420 : i32
      scf.if %cond3A_421 {
        %add3A_553 = arith.constant 4 : i32
        %add3A_554 = arith.addi %add3A_383, %add3A_553 : i32
        %sub3A_555 = arith.constant 1 : i32
        %sub3A_556 = arith.subi %add3A_554, %sub3A_555 : i32
        %dma_wait3A_557 = arith.constant 0 : i32
        %dma_wait3A_558 = tpu.memref_slice %arg3[%dma_wait3A_557] : memref<320000xi32, #tpu.memory_space<hbm>> -> memref<80xi32, #tpu.memory_space<hbm>>
        %dma_wait3A_559 = arith.constant 0 : i32
        %dma_wait3A_560 = tpu.memref_slice %arg3[%dma_wait3A_559] : memref<320000xi32, #tpu.memory_space<hbm>> -> memref<80xi32, #tpu.memory_space<hbm>>
        tpu.wait_dma2 semaphore(%arg52 : memref<!tpu.dma_semaphore, #tpu.memory_space<semaphore_mem>>) src(%dma_wait3A_560 : memref<80xi32, #tpu.memory_space<hbm>>) dst(%arg18 : memref<80xi32, #tpu.memory_space<vmem>>)
        %dma_start3A_561 = arith.constant 0 : i32
        %dma_start3A_562 = tpu.memref_slice %arg18[%dma_start3A_561] : memref<80xi32, #tpu.memory_space<vmem>> -> memref<80xi32, #tpu.memory_space<vmem>>
        %dma_start3A_563 = arith.constant 0 : i32
        %dma_start3A_564 = arith.constant 0 : i32
        %dma_start3A_565 = tpu.memref_slice %arg2[%dma_start3A_563, %dma_start3A_564] : memref<10000x128xf32, #tpu.memory_space<hbm>> -> memref<10000x128xf32, #tpu.memory_space<hbm>>
        tpu.enqueue_indirect_dma source(%dma_start3A_565 : memref<10000x128xf32, #tpu.memory_space<hbm>>) target(%arg30 : memref<80x128xf32, #tpu.memory_space<vmem>>) offsets(%dma_start3A_562 : memref<80xi32, #tpu.memory_space<vmem>>) semaphore(%arg36 : memref<!tpu.dma_semaphore, #tpu.memory_space<semaphore_mem>>)
      } else {
      }
      %mul3A_422 = arith.constant 8 : i32
      %mul3A_423 = arith.muli %mul3A_422, %scan3A_220 : i32
      %add3A_424 = arith.constant 5 : i32
      %add3A_425 = arith.addi %mul3A_423, %add3A_424 : i32
      %dma_wait3A_426 = arith.constant 0 : i32
      %dma_wait3A_427 = arith.constant 0 : i32
      %dma_wait3A_428 = tpu.memref_slice %arg2[%dma_wait3A_426, %dma_wait3A_427] : memref<10000x128xf32, #tpu.memory_space<hbm>> -> memref<80x128xf32, #tpu.memory_space<hbm>>
      %dma_wait3A_429 = arith.constant 0 : i32
      %dma_wait3A_430 = arith.constant 0 : i32
      %dma_wait3A_431 = tpu.memref_slice %arg2[%dma_wait3A_429, %dma_wait3A_430] : memref<10000x128xf32, #tpu.memory_space<hbm>> -> memref<80x128xf32, #tpu.memory_space<hbm>>
      tpu.wait_dma2 semaphore(%arg34 : memref<!tpu.dma_semaphore, #tpu.memory_space<semaphore_mem>>) src(%dma_wait3A_431 : memref<80x128xf32, #tpu.memory_space<hbm>>) dst(%arg28 : memref<80x128xf32, #tpu.memory_space<vmem>>)
      %dma_wait3A_432 = arith.constant 0 : i32
      %dma_wait3A_433 = tpu.memref_slice %arg4[%dma_wait3A_432] : memref<320000xi32, #tpu.memory_space<hbm>> -> memref<80xi32, #tpu.memory_space<hbm>>
      %dma_wait3A_434 = arith.constant 0 : i32
      %dma_wait3A_435 = tpu.memref_slice %arg4[%dma_wait3A_434] : memref<320000xi32, #tpu.memory_space<hbm>> -> memref<80xi32, #tpu.memory_space<hbm>>
      tpu.wait_dma2 semaphore(%arg42 : memref<!tpu.dma_semaphore, #tpu.memory_space<semaphore_mem>>) src(%dma_wait3A_435 : memref<80xi32, #tpu.memory_space<hbm>>) dst(%arg24 : memref<80xi32, #tpu.memory_space<vmem>>)
      %dma_wait3A_436 = arith.constant 0 : i32
      %dma_wait3A_437 = arith.constant 0 : i32
      %dma_wait3A_438 = tpu.memref_slice %arg31[%dma_wait3A_436, %dma_wait3A_437] : memref<10240x128xf32, #tpu.memory_space<vmem_shared>> -> memref<10240x128xf32, #tpu.memory_space<vmem_shared>>
      tpu.wait_indirect_dma semaphore(%arg53 : memref<!tpu.dma_semaphore, #tpu.memory_space<semaphore_mem>>) src(%arg27 : memref<80x128xf32, #tpu.memory_space<vmem>>) dst(%dma_wait3A_438 : memref<10240x128xf32, #tpu.memory_space<vmem_shared>>)
      %dma_wait3A_439 = arith.constant 0 : i32
      %dma_wait3A_440 = tpu.memref_slice %arg32[%dma_wait3A_439] : memref<10240xf32, #tpu.memory_space<vmem_shared>> -> memref<10240xf32, #tpu.memory_space<vmem_shared>>
      tpu.wait_indirect_dma semaphore(%arg55 : memref<!tpu.dma_semaphore, #tpu.memory_space<semaphore_mem>>) src(%arg10 : memref<80xf32, #tpu.memory_space<vmem>>) dst(%dma_wait3A_440 : memref<10240xf32, #tpu.memory_space<vmem_shared>>)
      %dma_start3A_441 = arith.constant 0 : i32
      %dma_start3A_442 = arith.constant 0 : i32
      %dma_start3A_443 = tpu.memref_slice %arg31[%dma_start3A_441, %dma_start3A_442] : memref<10240x128xf32, #tpu.memory_space<vmem_shared>> -> memref<10240x128xf32, #tpu.memory_space<vmem_shared>>
      tpu.enqueue_indirect_dma source(%arg28 : memref<80x128xf32, #tpu.memory_space<vmem>>) target(%dma_start3A_443 : memref<10240x128xf32, #tpu.memory_space<vmem_shared>>) offsets(%arg24 : memref<80xi32, #tpu.memory_space<vmem>>) semaphore(%arg54 : memref<!tpu.dma_semaphore, #tpu.memory_space<semaphore_mem>>) {add = true}
      %dma_start3A_444 = arith.constant 0 : i32
      %dma_start3A_445 = tpu.memref_slice %arg32[%dma_start3A_444] : memref<10240xf32, #tpu.memory_space<vmem_shared>> -> memref<10240xf32, #tpu.memory_space<vmem_shared>>
      tpu.enqueue_indirect_dma source(%arg10 : memref<80xf32, #tpu.memory_space<vmem>>) target(%dma_start3A_445 : memref<10240xf32, #tpu.memory_space<vmem_shared>>) offsets(%arg24 : memref<80xi32, #tpu.memory_space<vmem>>) semaphore(%arg56 : memref<!tpu.dma_semaphore, #tpu.memory_space<semaphore_mem>>) {add = true}
      %add3A_446 = arith.constant 8 : i32
      %add3A_447 = arith.addi %add3A_425, %add3A_446 : i32
      %sub3A_448 = arith.constant 1 : i32
      %sub3A_449 = arith.subi %add3A_447, %sub3A_448 : i32
      %lt3A_450 = arith.constant 125 : i32
      %lt3A_451 = arith.cmpi slt, %sub3A_449, %lt3A_450 : i32
      %convert_element_type3A_452 = arith.extui %lt3A_451 : i1 to i32
      %cond3A_453 = arith.constant 0 : i32
      %cond3A_454 = arith.cmpi ne, %convert_element_type3A_452, %cond3A_453 : i32
      scf.if %cond3A_454 {
        %add3A_553 = arith.constant 8 : i32
        %add3A_554 = arith.addi %add3A_425, %add3A_553 : i32
        %sub3A_555 = arith.constant 1 : i32
        %sub3A_556 = arith.subi %add3A_554, %sub3A_555 : i32
        %mul3A_557 = arith.constant 80 : i32
        %mul3A_558 = arith.muli %sub3A_556, %mul3A_557 : i32
        %add3A_559 = arith.addi %mul3A_2, %mul3A_558 : i32
        %dma_start3A_560 = tpu.memref_slice %arg3[%add3A_559] : memref<320000xi32, #tpu.memory_space<hbm>> -> memref<80xi32, #tpu.memory_space<hbm>>
        %dma_start3A_561 = tpu.memref_slice %arg3[%add3A_559] : memref<320000xi32, #tpu.memory_space<hbm>> -> memref<80xi32, #tpu.memory_space<hbm>>
        tpu.enqueue_dma source(%dma_start3A_561 : memref<80xi32, #tpu.memory_space<hbm>>) target(%arg15 : memref<80xi32, #tpu.memory_space<vmem>>) target_semaphore(%arg49 : memref<!tpu.dma_semaphore, #tpu.memory_space<semaphore_mem>>)
        %mul3A_562 = arith.constant 80 : i32
        %mul3A_563 = arith.muli %sub3A_556, %mul3A_562 : i32
        %add3A_564 = arith.addi %mul3A_2, %mul3A_563 : i32
        %dma_start3A_565 = tpu.memref_slice %arg4[%add3A_564] : memref<320000xi32, #tpu.memory_space<hbm>> -> memref<80xi32, #tpu.memory_space<hbm>>
        %dma_start3A_566 = tpu.memref_slice %arg4[%add3A_564] : memref<320000xi32, #tpu.memory_space<hbm>> -> memref<80xi32, #tpu.memory_space<hbm>>
        tpu.enqueue_dma source(%dma_start3A_566 : memref<80xi32, #tpu.memory_space<hbm>>) target(%arg23 : memref<80xi32, #tpu.memory_space<vmem>>) target_semaphore(%arg41 : memref<!tpu.dma_semaphore, #tpu.memory_space<semaphore_mem>>)
      } else {
      }
      %add3A_455 = arith.constant 4 : i32
      %add3A_456 = arith.addi %add3A_425, %add3A_455 : i32
      %sub3A_457 = arith.constant 1 : i32
      %sub3A_458 = arith.subi %add3A_456, %sub3A_457 : i32
      %lt3A_459 = arith.constant 125 : i32
      %lt3A_460 = arith.cmpi slt, %sub3A_458, %lt3A_459 : i32
      %convert_element_type3A_461 = arith.extui %lt3A_460 : i1 to i32
      %cond3A_462 = arith.constant 0 : i32
      %cond3A_463 = arith.cmpi ne, %convert_element_type3A_461, %cond3A_462 : i32
      scf.if %cond3A_463 {
        %add3A_553 = arith.constant 4 : i32
        %add3A_554 = arith.addi %add3A_425, %add3A_553 : i32
        %sub3A_555 = arith.constant 1 : i32
        %sub3A_556 = arith.subi %add3A_554, %sub3A_555 : i32
        %dma_wait3A_557 = arith.constant 0 : i32
        %dma_wait3A_558 = tpu.memref_slice %arg3[%dma_wait3A_557] : memref<320000xi32, #tpu.memory_space<hbm>> -> memref<80xi32, #tpu.memory_space<hbm>>
        %dma_wait3A_559 = arith.constant 0 : i32
        %dma_wait3A_560 = tpu.memref_slice %arg3[%dma_wait3A_559] : memref<320000xi32, #tpu.memory_space<hbm>> -> memref<80xi32, #tpu.memory_space<hbm>>
        tpu.wait_dma2 semaphore(%arg45 : memref<!tpu.dma_semaphore, #tpu.memory_space<semaphore_mem>>) src(%dma_wait3A_560 : memref<80xi32, #tpu.memory_space<hbm>>) dst(%arg11 : memref<80xi32, #tpu.memory_space<vmem>>)
        %dma_start3A_561 = arith.constant 0 : i32
        %dma_start3A_562 = tpu.memref_slice %arg11[%dma_start3A_561] : memref<80xi32, #tpu.memory_space<vmem>> -> memref<80xi32, #tpu.memory_space<vmem>>
        %dma_start3A_563 = arith.constant 0 : i32
        %dma_start3A_564 = arith.constant 0 : i32
        %dma_start3A_565 = tpu.memref_slice %arg2[%dma_start3A_563, %dma_start3A_564] : memref<10000x128xf32, #tpu.memory_space<hbm>> -> memref<10000x128xf32, #tpu.memory_space<hbm>>
        tpu.enqueue_indirect_dma source(%dma_start3A_565 : memref<10000x128xf32, #tpu.memory_space<hbm>>) target(%arg27 : memref<80x128xf32, #tpu.memory_space<vmem>>) offsets(%dma_start3A_562 : memref<80xi32, #tpu.memory_space<vmem>>) semaphore(%arg33 : memref<!tpu.dma_semaphore, #tpu.memory_space<semaphore_mem>>)
      } else {
      }
      %mul3A_464 = arith.constant 8 : i32
      %mul3A_465 = arith.muli %mul3A_464, %scan3A_220 : i32
      %add3A_466 = arith.constant 6 : i32
      %add3A_467 = arith.addi %mul3A_465, %add3A_466 : i32
      %dma_wait3A_468 = arith.constant 0 : i32
      %dma_wait3A_469 = arith.constant 0 : i32
      %dma_wait3A_470 = tpu.memref_slice %arg2[%dma_wait3A_468, %dma_wait3A_469] : memref<10000x128xf32, #tpu.memory_space<hbm>> -> memref<80x128xf32, #tpu.memory_space<hbm>>
      %dma_wait3A_471 = arith.constant 0 : i32
      %dma_wait3A_472 = arith.constant 0 : i32
      %dma_wait3A_473 = tpu.memref_slice %arg2[%dma_wait3A_471, %dma_wait3A_472] : memref<10000x128xf32, #tpu.memory_space<hbm>> -> memref<80x128xf32, #tpu.memory_space<hbm>>
      tpu.wait_dma2 semaphore(%arg35 : memref<!tpu.dma_semaphore, #tpu.memory_space<semaphore_mem>>) src(%dma_wait3A_473 : memref<80x128xf32, #tpu.memory_space<hbm>>) dst(%arg29 : memref<80x128xf32, #tpu.memory_space<vmem>>)
      %dma_wait3A_474 = arith.constant 0 : i32
      %dma_wait3A_475 = tpu.memref_slice %arg4[%dma_wait3A_474] : memref<320000xi32, #tpu.memory_space<hbm>> -> memref<80xi32, #tpu.memory_space<hbm>>
      %dma_wait3A_476 = arith.constant 0 : i32
      %dma_wait3A_477 = tpu.memref_slice %arg4[%dma_wait3A_476] : memref<320000xi32, #tpu.memory_space<hbm>> -> memref<80xi32, #tpu.memory_space<hbm>>
      tpu.wait_dma2 semaphore(%arg43 : memref<!tpu.dma_semaphore, #tpu.memory_space<semaphore_mem>>) src(%dma_wait3A_477 : memref<80xi32, #tpu.memory_space<hbm>>) dst(%arg25 : memref<80xi32, #tpu.memory_space<vmem>>)
      %dma_wait3A_478 = arith.constant 0 : i32
      %dma_wait3A_479 = arith.constant 0 : i32
      %dma_wait3A_480 = tpu.memref_slice %arg31[%dma_wait3A_478, %dma_wait3A_479] : memref<10240x128xf32, #tpu.memory_space<vmem_shared>> -> memref<10240x128xf32, #tpu.memory_space<vmem_shared>>
      tpu.wait_indirect_dma semaphore(%arg54 : memref<!tpu.dma_semaphore, #tpu.memory_space<semaphore_mem>>) src(%arg28 : memref<80x128xf32, #tpu.memory_space<vmem>>) dst(%dma_wait3A_480 : memref<10240x128xf32, #tpu.memory_space<vmem_shared>>)
      %dma_wait3A_481 = arith.constant 0 : i32
      %dma_wait3A_482 = tpu.memref_slice %arg32[%dma_wait3A_481] : memref<10240xf32, #tpu.memory_space<vmem_shared>> -> memref<10240xf32, #tpu.memory_space<vmem_shared>>
      tpu.wait_indirect_dma semaphore(%arg56 : memref<!tpu.dma_semaphore, #tpu.memory_space<semaphore_mem>>) src(%arg10 : memref<80xf32, #tpu.memory_space<vmem>>) dst(%dma_wait3A_482 : memref<10240xf32, #tpu.memory_space<vmem_shared>>)
      %dma_start3A_483 = arith.constant 0 : i32
      %dma_start3A_484 = arith.constant 0 : i32
      %dma_start3A_485 = tpu.memref_slice %arg31[%dma_start3A_483, %dma_start3A_484] : memref<10240x128xf32, #tpu.memory_space<vmem_shared>> -> memref<10240x128xf32, #tpu.memory_space<vmem_shared>>
      tpu.enqueue_indirect_dma source(%arg29 : memref<80x128xf32, #tpu.memory_space<vmem>>) target(%dma_start3A_485 : memref<10240x128xf32, #tpu.memory_space<vmem_shared>>) offsets(%arg25 : memref<80xi32, #tpu.memory_space<vmem>>) semaphore(%arg53 : memref<!tpu.dma_semaphore, #tpu.memory_space<semaphore_mem>>) {add = true}
      %dma_start3A_486 = arith.constant 0 : i32
      %dma_start3A_487 = tpu.memref_slice %arg32[%dma_start3A_486] : memref<10240xf32, #tpu.memory_space<vmem_shared>> -> memref<10240xf32, #tpu.memory_space<vmem_shared>>
      tpu.enqueue_indirect_dma source(%arg10 : memref<80xf32, #tpu.memory_space<vmem>>) target(%dma_start3A_487 : memref<10240xf32, #tpu.memory_space<vmem_shared>>) offsets(%arg25 : memref<80xi32, #tpu.memory_space<vmem>>) semaphore(%arg55 : memref<!tpu.dma_semaphore, #tpu.memory_space<semaphore_mem>>) {add = true}
      %add3A_488 = arith.constant 8 : i32
      %add3A_489 = arith.addi %add3A_467, %add3A_488 : i32
      %sub3A_490 = arith.constant 1 : i32
      %sub3A_491 = arith.subi %add3A_489, %sub3A_490 : i32
      %lt3A_492 = arith.constant 125 : i32
      %lt3A_493 = arith.cmpi slt, %sub3A_491, %lt3A_492 : i32
      %convert_element_type3A_494 = arith.extui %lt3A_493 : i1 to i32
      %cond3A_495 = arith.constant 0 : i32
      %cond3A_496 = arith.cmpi ne, %convert_element_type3A_494, %cond3A_495 : i32
      scf.if %cond3A_496 {
        %add3A_553 = arith.constant 8 : i32
        %add3A_554 = arith.addi %add3A_467, %add3A_553 : i32
        %sub3A_555 = arith.constant 1 : i32
        %sub3A_556 = arith.subi %add3A_554, %sub3A_555 : i32
        %mul3A_557 = arith.constant 80 : i32
        %mul3A_558 = arith.muli %sub3A_556, %mul3A_557 : i32
        %add3A_559 = arith.addi %mul3A_2, %mul3A_558 : i32
        %dma_start3A_560 = tpu.memref_slice %arg3[%add3A_559] : memref<320000xi32, #tpu.memory_space<hbm>> -> memref<80xi32, #tpu.memory_space<hbm>>
        %dma_start3A_561 = tpu.memref_slice %arg3[%add3A_559] : memref<320000xi32, #tpu.memory_space<hbm>> -> memref<80xi32, #tpu.memory_space<hbm>>
        tpu.enqueue_dma source(%dma_start3A_561 : memref<80xi32, #tpu.memory_space<hbm>>) target(%arg16 : memref<80xi32, #tpu.memory_space<vmem>>) target_semaphore(%arg50 : memref<!tpu.dma_semaphore, #tpu.memory_space<semaphore_mem>>)
        %mul3A_562 = arith.constant 80 : i32
        %mul3A_563 = arith.muli %sub3A_556, %mul3A_562 : i32
        %add3A_564 = arith.addi %mul3A_2, %mul3A_563 : i32
        %dma_start3A_565 = tpu.memref_slice %arg4[%add3A_564] : memref<320000xi32, #tpu.memory_space<hbm>> -> memref<80xi32, #tpu.memory_space<hbm>>
        %dma_start3A_566 = tpu.memref_slice %arg4[%add3A_564] : memref<320000xi32, #tpu.memory_space<hbm>> -> memref<80xi32, #tpu.memory_space<hbm>>
        tpu.enqueue_dma source(%dma_start3A_566 : memref<80xi32, #tpu.memory_space<hbm>>) target(%arg24 : memref<80xi32, #tpu.memory_space<vmem>>) target_semaphore(%arg42 : memref<!tpu.dma_semaphore, #tpu.memory_space<semaphore_mem>>)
      } else {
      }
      %add3A_497 = arith.constant 4 : i32
      %add3A_498 = arith.addi %add3A_467, %add3A_497 : i32
      %sub3A_499 = arith.constant 1 : i32
      %sub3A_500 = arith.subi %add3A_498, %sub3A_499 : i32
      %lt3A_501 = arith.constant 125 : i32
      %lt3A_502 = arith.cmpi slt, %sub3A_500, %lt3A_501 : i32
      %convert_element_type3A_503 = arith.extui %lt3A_502 : i1 to i32
      %cond3A_504 = arith.constant 0 : i32
      %cond3A_505 = arith.cmpi ne, %convert_element_type3A_503, %cond3A_504 : i32
      scf.if %cond3A_505 {
        %add3A_553 = arith.constant 4 : i32
        %add3A_554 = arith.addi %add3A_467, %add3A_553 : i32
        %sub3A_555 = arith.constant 1 : i32
        %sub3A_556 = arith.subi %add3A_554, %sub3A_555 : i32
        %dma_wait3A_557 = arith.constant 0 : i32
        %dma_wait3A_558 = tpu.memref_slice %arg3[%dma_wait3A_557] : memref<320000xi32, #tpu.memory_space<hbm>> -> memref<80xi32, #tpu.memory_space<hbm>>
        %dma_wait3A_559 = arith.constant 0 : i32
        %dma_wait3A_560 = tpu.memref_slice %arg3[%dma_wait3A_559] : memref<320000xi32, #tpu.memory_space<hbm>> -> memref<80xi32, #tpu.memory_space<hbm>>
        tpu.wait_dma2 semaphore(%arg46 : memref<!tpu.dma_semaphore, #tpu.memory_space<semaphore_mem>>) src(%dma_wait3A_560 : memref<80xi32, #tpu.memory_space<hbm>>) dst(%arg12 : memref<80xi32, #tpu.memory_space<vmem>>)
        %dma_start3A_561 = arith.constant 0 : i32
        %dma_start3A_562 = tpu.memref_slice %arg12[%dma_start3A_561] : memref<80xi32, #tpu.memory_space<vmem>> -> memref<80xi32, #tpu.memory_space<vmem>>
        %dma_start3A_563 = arith.constant 0 : i32
        %dma_start3A_564 = arith.constant 0 : i32
        %dma_start3A_565 = tpu.memref_slice %arg2[%dma_start3A_563, %dma_start3A_564] : memref<10000x128xf32, #tpu.memory_space<hbm>> -> memref<10000x128xf32, #tpu.memory_space<hbm>>
        tpu.enqueue_indirect_dma source(%dma_start3A_565 : memref<10000x128xf32, #tpu.memory_space<hbm>>) target(%arg28 : memref<80x128xf32, #tpu.memory_space<vmem>>) offsets(%dma_start3A_562 : memref<80xi32, #tpu.memory_space<vmem>>) semaphore(%arg34 : memref<!tpu.dma_semaphore, #tpu.memory_space<semaphore_mem>>)
      } else {
      }
      %mul3A_506 = arith.constant 8 : i32
      %mul3A_507 = arith.muli %mul3A_506, %scan3A_220 : i32
      %add3A_508 = arith.constant 7 : i32
      %add3A_509 = arith.addi %mul3A_507, %add3A_508 : i32
      %dma_wait3A_510 = arith.constant 0 : i32
      %dma_wait3A_511 = arith.constant 0 : i32
      %dma_wait3A_512 = tpu.memref_slice %arg2[%dma_wait3A_510, %dma_wait3A_511] : memref<10000x128xf32, #tpu.memory_space<hbm>> -> memref<80x128xf32, #tpu.memory_space<hbm>>
      %dma_wait3A_513 = arith.constant 0 : i32
      %dma_wait3A_514 = arith.constant 0 : i32
      %dma_wait3A_515 = tpu.memref_slice %arg2[%dma_wait3A_513, %dma_wait3A_514] : memref<10000x128xf32, #tpu.memory_space<hbm>> -> memref<80x128xf32, #tpu.memory_space<hbm>>
      tpu.wait_dma2 semaphore(%arg36 : memref<!tpu.dma_semaphore, #tpu.memory_space<semaphore_mem>>) src(%dma_wait3A_515 : memref<80x128xf32, #tpu.memory_space<hbm>>) dst(%arg30 : memref<80x128xf32, #tpu.memory_space<vmem>>)
      %dma_wait3A_516 = arith.constant 0 : i32
      %dma_wait3A_517 = tpu.memref_slice %arg4[%dma_wait3A_516] : memref<320000xi32, #tpu.memory_space<hbm>> -> memref<80xi32, #tpu.memory_space<hbm>>
      %dma_wait3A_518 = arith.constant 0 : i32
      %dma_wait3A_519 = tpu.memref_slice %arg4[%dma_wait3A_518] : memref<320000xi32, #tpu.memory_space<hbm>> -> memref<80xi32, #tpu.memory_space<hbm>>
      tpu.wait_dma2 semaphore(%arg44 : memref<!tpu.dma_semaphore, #tpu.memory_space<semaphore_mem>>) src(%dma_wait3A_519 : memref<80xi32, #tpu.memory_space<hbm>>) dst(%arg26 : memref<80xi32, #tpu.memory_space<vmem>>)
      %dma_wait3A_520 = arith.constant 0 : i32
      %dma_wait3A_521 = arith.constant 0 : i32
      %dma_wait3A_522 = tpu.memref_slice %arg31[%dma_wait3A_520, %dma_wait3A_521] : memref<10240x128xf32, #tpu.memory_space<vmem_shared>> -> memref<10240x128xf32, #tpu.memory_space<vmem_shared>>
      tpu.wait_indirect_dma semaphore(%arg53 : memref<!tpu.dma_semaphore, #tpu.memory_space<semaphore_mem>>) src(%arg29 : memref<80x128xf32, #tpu.memory_space<vmem>>) dst(%dma_wait3A_522 : memref<10240x128xf32, #tpu.memory_space<vmem_shared>>)
      %dma_wait3A_523 = arith.constant 0 : i32
      %dma_wait3A_524 = tpu.memref_slice %arg32[%dma_wait3A_523] : memref<10240xf32, #tpu.memory_space<vmem_shared>> -> memref<10240xf32, #tpu.memory_space<vmem_shared>>
      tpu.wait_indirect_dma semaphore(%arg55 : memref<!tpu.dma_semaphore, #tpu.memory_space<semaphore_mem>>) src(%arg10 : memref<80xf32, #tpu.memory_space<vmem>>) dst(%dma_wait3A_524 : memref<10240xf32, #tpu.memory_space<vmem_shared>>)
      %dma_start3A_525 = arith.constant 0 : i32
      %dma_start3A_526 = arith.constant 0 : i32
      %dma_start3A_527 = tpu.memref_slice %arg31[%dma_start3A_525, %dma_start3A_526] : memref<10240x128xf32, #tpu.memory_space<vmem_shared>> -> memref<10240x128xf32, #tpu.memory_space<vmem_shared>>
      tpu.enqueue_indirect_dma source(%arg30 : memref<80x128xf32, #tpu.memory_space<vmem>>) target(%dma_start3A_527 : memref<10240x128xf32, #tpu.memory_space<vmem_shared>>) offsets(%arg26 : memref<80xi32, #tpu.memory_space<vmem>>) semaphore(%arg54 : memref<!tpu.dma_semaphore, #tpu.memory_space<semaphore_mem>>) {add = true}
      %dma_start3A_528 = arith.constant 0 : i32
      %dma_start3A_529 = tpu.memref_slice %arg32[%dma_start3A_528] : memref<10240xf32, #tpu.memory_space<vmem_shared>> -> memref<10240xf32, #tpu.memory_space<vmem_shared>>
      tpu.enqueue_indirect_dma source(%arg10 : memref<80xf32, #tpu.memory_space<vmem>>) target(%dma_start3A_529 : memref<10240xf32, #tpu.memory_space<vmem_shared>>) offsets(%arg26 : memref<80xi32, #tpu.memory_space<vmem>>) semaphore(%arg56 : memref<!tpu.dma_semaphore, #tpu.memory_space<semaphore_mem>>) {add = true}
      %add3A_530 = arith.constant 8 : i32
      %add3A_531 = arith.addi %add3A_509, %add3A_530 : i32
      %sub3A_532 = arith.constant 1 : i32
      %sub3A_533 = arith.subi %add3A_531, %sub3A_532 : i32
      %lt3A_534 = arith.constant 125 : i32
      %lt3A_535 = arith.cmpi slt, %sub3A_533, %lt3A_534 : i32
      %convert_element_type3A_536 = arith.extui %lt3A_535 : i1 to i32
      %cond3A_537 = arith.constant 0 : i32
      %cond3A_538 = arith.cmpi ne, %convert_element_type3A_536, %cond3A_537 : i32
      scf.if %cond3A_538 {
        %add3A_553 = arith.constant 8 : i32
        %add3A_554 = arith.addi %add3A_509, %add3A_553 : i32
        %sub3A_555 = arith.constant 1 : i32
        %sub3A_556 = arith.subi %add3A_554, %sub3A_555 : i32
        %mul3A_557 = arith.constant 80 : i32
        %mul3A_558 = arith.muli %sub3A_556, %mul3A_557 : i32
        %add3A_559 = arith.addi %mul3A_2, %mul3A_558 : i32
        %dma_start3A_560 = tpu.memref_slice %arg3[%add3A_559] : memref<320000xi32, #tpu.memory_space<hbm>> -> memref<80xi32, #tpu.memory_space<hbm>>
        %dma_start3A_561 = tpu.memref_slice %arg3[%add3A_559] : memref<320000xi32, #tpu.memory_space<hbm>> -> memref<80xi32, #tpu.memory_space<hbm>>
        tpu.enqueue_dma source(%dma_start3A_561 : memref<80xi32, #tpu.memory_space<hbm>>) target(%arg17 : memref<80xi32, #tpu.memory_space<vmem>>) target_semaphore(%arg51 : memref<!tpu.dma_semaphore, #tpu.memory_space<semaphore_mem>>)
        %mul3A_562 = arith.constant 80 : i32
        %mul3A_563 = arith.muli %sub3A_556, %mul3A_562 : i32
        %add3A_564 = arith.addi %mul3A_2, %mul3A_563 : i32
        %dma_start3A_565 = tpu.memref_slice %arg4[%add3A_564] : memref<320000xi32, #tpu.memory_space<hbm>> -> memref<80xi32, #tpu.memory_space<hbm>>
        %dma_start3A_566 = tpu.memref_slice %arg4[%add3A_564] : memref<320000xi32, #tpu.memory_space<hbm>> -> memref<80xi32, #tpu.memory_space<hbm>>
        tpu.enqueue_dma source(%dma_start3A_566 : memref<80xi32, #tpu.memory_space<hbm>>) target(%arg25 : memref<80xi32, #tpu.memory_space<vmem>>) target_semaphore(%arg43 : memref<!tpu.dma_semaphore, #tpu.memory_space<semaphore_mem>>)
      } else {
      }
      %add3A_539 = arith.constant 4 : i32
      %add3A_540 = arith.addi %add3A_509, %add3A_539 : i32
      %sub3A_541 = arith.constant 1 : i32
      %sub3A_542 = arith.subi %add3A_540, %sub3A_541 : i32
      %lt3A_543 = arith.constant 125 : i32
      %lt3A_544 = arith.cmpi slt, %sub3A_542, %lt3A_543 : i32
      %convert_element_type3A_545 = arith.extui %lt3A_544 : i1 to i32
      %cond3A_546 = arith.constant 0 : i32
      %cond3A_547 = arith.cmpi ne, %convert_element_type3A_545, %cond3A_546 : i32
      scf.if %cond3A_547 {
        %add3A_553 = arith.constant 4 : i32
        %add3A_554 = arith.addi %add3A_509, %add3A_553 : i32
        %sub3A_555 = arith.constant 1 : i32
        %sub3A_556 = arith.subi %add3A_554, %sub3A_555 : i32
        %dma_wait3A_557 = arith.constant 0 : i32
        %dma_wait3A_558 = tpu.memref_slice %arg3[%dma_wait3A_557] : memref<320000xi32, #tpu.memory_space<hbm>> -> memref<80xi32, #tpu.memory_space<hbm>>
        %dma_wait3A_559 = arith.constant 0 : i32
        %dma_wait3A_560 = tpu.memref_slice %arg3[%dma_wait3A_559] : memref<320000xi32, #tpu.memory_space<hbm>> -> memref<80xi32, #tpu.memory_space<hbm>>
        tpu.wait_dma2 semaphore(%arg47 : memref<!tpu.dma_semaphore, #tpu.memory_space<semaphore_mem>>) src(%dma_wait3A_560 : memref<80xi32, #tpu.memory_space<hbm>>) dst(%arg13 : memref<80xi32, #tpu.memory_space<vmem>>)
        %dma_start3A_561 = arith.constant 0 : i32
        %dma_start3A_562 = tpu.memref_slice %arg13[%dma_start3A_561] : memref<80xi32, #tpu.memory_space<vmem>> -> memref<80xi32, #tpu.memory_space<vmem>>
        %dma_start3A_563 = arith.constant 0 : i32
        %dma_start3A_564 = arith.constant 0 : i32
        %dma_start3A_565 = tpu.memref_slice %arg2[%dma_start3A_563, %dma_start3A_564] : memref<10000x128xf32, #tpu.memory_space<hbm>> -> memref<10000x128xf32, #tpu.memory_space<hbm>>
        tpu.enqueue_indirect_dma source(%dma_start3A_565 : memref<10000x128xf32, #tpu.memory_space<hbm>>) target(%arg29 : memref<80x128xf32, #tpu.memory_space<vmem>>) offsets(%dma_start3A_562 : memref<80xi32, #tpu.memory_space<vmem>>) semaphore(%arg35 : memref<!tpu.dma_semaphore, #tpu.memory_space<semaphore_mem>>)
      } else {
      }
      %dma_wait3A_548 = arith.constant 0 : i32
      %dma_wait3A_549 = arith.constant 0 : i32
      %dma_wait3A_550 = tpu.memref_slice %arg31[%dma_wait3A_548, %dma_wait3A_549] : memref<10240x128xf32, #tpu.memory_space<vmem_shared>> -> memref<10240x128xf32, #tpu.memory_space<vmem_shared>>
      tpu.wait_indirect_dma semaphore(%arg54 : memref<!tpu.dma_semaphore, #tpu.memory_space<semaphore_mem>>) src(%arg30 : memref<80x128xf32, #tpu.memory_space<vmem>>) dst(%dma_wait3A_550 : memref<10240x128xf32, #tpu.memory_space<vmem_shared>>)
      %dma_wait3A_551 = arith.constant 0 : i32
      %dma_wait3A_552 = tpu.memref_slice %arg32[%dma_wait3A_551] : memref<10240xf32, #tpu.memory_space<vmem_shared>> -> memref<10240xf32, #tpu.memory_space<vmem_shared>>
      tpu.wait_indirect_dma semaphore(%arg56 : memref<!tpu.dma_semaphore, #tpu.memory_space<semaphore_mem>>) src(%arg10 : memref<80xf32, #tpu.memory_space<vmem>>) dst(%dma_wait3A_552 : memref<10240xf32, #tpu.memory_space<vmem_shared>>)
    }
    %scan3A_92 = arith.constant 15 : i32
    %dma_wait3A_93 = arith.constant 0 : i32
    %dma_wait3A_94 = arith.constant 0 : i32
    %dma_wait3A_95 = tpu.memref_slice %arg2[%dma_wait3A_93, %dma_wait3A_94] : memref<10000x128xf32, #tpu.memory_space<hbm>> -> memref<80x128xf32, #tpu.memory_space<hbm>>
    %dma_wait3A_96 = arith.constant 0 : i32
    %dma_wait3A_97 = arith.constant 0 : i32
    %dma_wait3A_98 = tpu.memref_slice %arg2[%dma_wait3A_96, %dma_wait3A_97] : memref<10000x128xf32, #tpu.memory_space<hbm>> -> memref<80x128xf32, #tpu.memory_space<hbm>>
    tpu.wait_dma2 semaphore(%arg33 : memref<!tpu.dma_semaphore, #tpu.memory_space<semaphore_mem>>) src(%dma_wait3A_98 : memref<80x128xf32, #tpu.memory_space<hbm>>) dst(%arg27 : memref<80x128xf32, #tpu.memory_space<vmem>>)
    %dma_wait3A_99 = arith.constant 0 : i32
    %dma_wait3A_100 = tpu.memref_slice %arg4[%dma_wait3A_99] : memref<320000xi32, #tpu.memory_space<hbm>> -> memref<80xi32, #tpu.memory_space<hbm>>
    %dma_wait3A_101 = arith.constant 0 : i32
    %dma_wait3A_102 = tpu.memref_slice %arg4[%dma_wait3A_101] : memref<320000xi32, #tpu.memory_space<hbm>> -> memref<80xi32, #tpu.memory_space<hbm>>
    tpu.wait_dma2 semaphore(%arg37 : memref<!tpu.dma_semaphore, #tpu.memory_space<semaphore_mem>>) src(%dma_wait3A_102 : memref<80xi32, #tpu.memory_space<hbm>>) dst(%arg19 : memref<80xi32, #tpu.memory_space<vmem>>)
    %dma_start3A_103 = arith.constant 0 : i32
    %dma_start3A_104 = arith.constant 0 : i32
    %dma_start3A_105 = tpu.memref_slice %arg31[%dma_start3A_103, %dma_start3A_104] : memref<10240x128xf32, #tpu.memory_space<vmem_shared>> -> memref<10240x128xf32, #tpu.memory_space<vmem_shared>>
    tpu.enqueue_indirect_dma source(%arg27 : memref<80x128xf32, #tpu.memory_space<vmem>>) target(%dma_start3A_105 : memref<10240x128xf32, #tpu.memory_space<vmem_shared>>) offsets(%arg19 : memref<80xi32, #tpu.memory_space<vmem>>) semaphore(%arg53 : memref<!tpu.dma_semaphore, #tpu.memory_space<semaphore_mem>>) {add = true}
    %dma_start3A_106 = arith.constant 0 : i32
    %dma_start3A_107 = tpu.memref_slice %arg32[%dma_start3A_106] : memref<10240xf32, #tpu.memory_space<vmem_shared>> -> memref<10240xf32, #tpu.memory_space<vmem_shared>>
    tpu.enqueue_indirect_dma source(%arg10 : memref<80xf32, #tpu.memory_space<vmem>>) target(%dma_start3A_107 : memref<10240xf32, #tpu.memory_space<vmem_shared>>) offsets(%arg19 : memref<80xi32, #tpu.memory_space<vmem>>) semaphore(%arg55 : memref<!tpu.dma_semaphore, #tpu.memory_space<semaphore_mem>>) {add = true}
    %dma_wait3A_108 = arith.constant 0 : i32
    %dma_wait3A_109 = tpu.memref_slice %arg3[%dma_wait3A_108] : memref<320000xi32, #tpu.memory_space<hbm>> -> memref<80xi32, #tpu.memory_space<hbm>>
    %dma_wait3A_110 = arith.constant 0 : i32
    %dma_wait3A_111 = tpu.memref_slice %arg3[%dma_wait3A_110] : memref<320000xi32, #tpu.memory_space<hbm>> -> memref<80xi32, #tpu.memory_space<hbm>>
    tpu.wait_dma2 semaphore(%arg48 : memref<!tpu.dma_semaphore, #tpu.memory_space<semaphore_mem>>) src(%dma_wait3A_111 : memref<80xi32, #tpu.memory_space<hbm>>) dst(%arg14 : memref<80xi32, #tpu.memory_space<vmem>>)
    %dma_start3A_112 = arith.constant 0 : i32
    %dma_start3A_113 = tpu.memref_slice %arg14[%dma_start3A_112] : memref<80xi32, #tpu.memory_space<vmem>> -> memref<80xi32, #tpu.memory_space<vmem>>
    %dma_start3A_114 = arith.constant 0 : i32
    %dma_start3A_115 = arith.constant 0 : i32
    %dma_start3A_116 = tpu.memref_slice %arg2[%dma_start3A_114, %dma_start3A_115] : memref<10000x128xf32, #tpu.memory_space<hbm>> -> memref<10000x128xf32, #tpu.memory_space<hbm>>
    tpu.enqueue_indirect_dma source(%dma_start3A_116 : memref<10000x128xf32, #tpu.memory_space<hbm>>) target(%arg30 : memref<80x128xf32, #tpu.memory_space<vmem>>) offsets(%dma_start3A_113 : memref<80xi32, #tpu.memory_space<vmem>>) semaphore(%arg36 : memref<!tpu.dma_semaphore, #tpu.memory_space<semaphore_mem>>)
    %dma_wait3A_117 = arith.constant 0 : i32
    %dma_wait3A_118 = arith.constant 0 : i32
    %dma_wait3A_119 = tpu.memref_slice %arg2[%dma_wait3A_117, %dma_wait3A_118] : memref<10000x128xf32, #tpu.memory_space<hbm>> -> memref<80x128xf32, #tpu.memory_space<hbm>>
    %dma_wait3A_120 = arith.constant 0 : i32
    %dma_wait3A_121 = arith.constant 0 : i32
    %dma_wait3A_122 = tpu.memref_slice %arg2[%dma_wait3A_120, %dma_wait3A_121] : memref<10000x128xf32, #tpu.memory_space<hbm>> -> memref<80x128xf32, #tpu.memory_space<hbm>>
    tpu.wait_dma2 semaphore(%arg34 : memref<!tpu.dma_semaphore, #tpu.memory_space<semaphore_mem>>) src(%dma_wait3A_122 : memref<80x128xf32, #tpu.memory_space<hbm>>) dst(%arg28 : memref<80x128xf32, #tpu.memory_space<vmem>>)
    %dma_wait3A_123 = arith.constant 0 : i32
    %dma_wait3A_124 = tpu.memref_slice %arg4[%dma_wait3A_123] : memref<320000xi32, #tpu.memory_space<hbm>> -> memref<80xi32, #tpu.memory_space<hbm>>
    %dma_wait3A_125 = arith.constant 0 : i32
    %dma_wait3A_126 = tpu.memref_slice %arg4[%dma_wait3A_125] : memref<320000xi32, #tpu.memory_space<hbm>> -> memref<80xi32, #tpu.memory_space<hbm>>
    tpu.wait_dma2 semaphore(%arg38 : memref<!tpu.dma_semaphore, #tpu.memory_space<semaphore_mem>>) src(%dma_wait3A_126 : memref<80xi32, #tpu.memory_space<hbm>>) dst(%arg20 : memref<80xi32, #tpu.memory_space<vmem>>)
    %dma_wait3A_127 = arith.constant 0 : i32
    %dma_wait3A_128 = arith.constant 0 : i32
    %dma_wait3A_129 = tpu.memref_slice %arg31[%dma_wait3A_127, %dma_wait3A_128] : memref<10240x128xf32, #tpu.memory_space<vmem_shared>> -> memref<10240x128xf32, #tpu.memory_space<vmem_shared>>
    tpu.wait_indirect_dma semaphore(%arg53 : memref<!tpu.dma_semaphore, #tpu.memory_space<semaphore_mem>>) src(%arg27 : memref<80x128xf32, #tpu.memory_space<vmem>>) dst(%dma_wait3A_129 : memref<10240x128xf32, #tpu.memory_space<vmem_shared>>)
    %dma_wait3A_130 = arith.constant 0 : i32
    %dma_wait3A_131 = tpu.memref_slice %arg32[%dma_wait3A_130] : memref<10240xf32, #tpu.memory_space<vmem_shared>> -> memref<10240xf32, #tpu.memory_space<vmem_shared>>
    tpu.wait_indirect_dma semaphore(%arg55 : memref<!tpu.dma_semaphore, #tpu.memory_space<semaphore_mem>>) src(%arg10 : memref<80xf32, #tpu.memory_space<vmem>>) dst(%dma_wait3A_131 : memref<10240xf32, #tpu.memory_space<vmem_shared>>)
    %dma_start3A_132 = arith.constant 0 : i32
    %dma_start3A_133 = arith.constant 0 : i32
    %dma_start3A_134 = tpu.memref_slice %arg31[%dma_start3A_132, %dma_start3A_133] : memref<10240x128xf32, #tpu.memory_space<vmem_shared>> -> memref<10240x128xf32, #tpu.memory_space<vmem_shared>>
    tpu.enqueue_indirect_dma source(%arg28 : memref<80x128xf32, #tpu.memory_space<vmem>>) target(%dma_start3A_134 : memref<10240x128xf32, #tpu.memory_space<vmem_shared>>) offsets(%arg20 : memref<80xi32, #tpu.memory_space<vmem>>) semaphore(%arg54 : memref<!tpu.dma_semaphore, #tpu.memory_space<semaphore_mem>>) {add = true}
    %dma_start3A_135 = arith.constant 0 : i32
    %dma_start3A_136 = tpu.memref_slice %arg32[%dma_start3A_135] : memref<10240xf32, #tpu.memory_space<vmem_shared>> -> memref<10240xf32, #tpu.memory_space<vmem_shared>>
    tpu.enqueue_indirect_dma source(%arg10 : memref<80xf32, #tpu.memory_space<vmem>>) target(%dma_start3A_136 : memref<10240xf32, #tpu.memory_space<vmem_shared>>) offsets(%arg20 : memref<80xi32, #tpu.memory_space<vmem>>) semaphore(%arg56 : memref<!tpu.dma_semaphore, #tpu.memory_space<semaphore_mem>>) {add = true}
    %dma_wait3A_137 = arith.constant 0 : i32
    %dma_wait3A_138 = tpu.memref_slice %arg3[%dma_wait3A_137] : memref<320000xi32, #tpu.memory_space<hbm>> -> memref<80xi32, #tpu.memory_space<hbm>>
    %dma_wait3A_139 = arith.constant 0 : i32
    %dma_wait3A_140 = tpu.memref_slice %arg3[%dma_wait3A_139] : memref<320000xi32, #tpu.memory_space<hbm>> -> memref<80xi32, #tpu.memory_space<hbm>>
    tpu.wait_dma2 semaphore(%arg49 : memref<!tpu.dma_semaphore, #tpu.memory_space<semaphore_mem>>) src(%dma_wait3A_140 : memref<80xi32, #tpu.memory_space<hbm>>) dst(%arg15 : memref<80xi32, #tpu.memory_space<vmem>>)
    %dma_start3A_141 = arith.constant 0 : i32
    %dma_start3A_142 = tpu.memref_slice %arg15[%dma_start3A_141] : memref<80xi32, #tpu.memory_space<vmem>> -> memref<80xi32, #tpu.memory_space<vmem>>
    %dma_start3A_143 = arith.constant 0 : i32
    %dma_start3A_144 = arith.constant 0 : i32
    %dma_start3A_145 = tpu.memref_slice %arg2[%dma_start3A_143, %dma_start3A_144] : memref<10000x128xf32, #tpu.memory_space<hbm>> -> memref<10000x128xf32, #tpu.memory_space<hbm>>
    tpu.enqueue_indirect_dma source(%dma_start3A_145 : memref<10000x128xf32, #tpu.memory_space<hbm>>) target(%arg27 : memref<80x128xf32, #tpu.memory_space<vmem>>) offsets(%dma_start3A_142 : memref<80xi32, #tpu.memory_space<vmem>>) semaphore(%arg33 : memref<!tpu.dma_semaphore, #tpu.memory_space<semaphore_mem>>)
    %dma_wait3A_146 = arith.constant 0 : i32
    %dma_wait3A_147 = arith.constant 0 : i32
    %dma_wait3A_148 = tpu.memref_slice %arg2[%dma_wait3A_146, %dma_wait3A_147] : memref<10000x128xf32, #tpu.memory_space<hbm>> -> memref<80x128xf32, #tpu.memory_space<hbm>>
    %dma_wait3A_149 = arith.constant 0 : i32
    %dma_wait3A_150 = arith.constant 0 : i32
    %dma_wait3A_151 = tpu.memref_slice %arg2[%dma_wait3A_149, %dma_wait3A_150] : memref<10000x128xf32, #tpu.memory_space<hbm>> -> memref<80x128xf32, #tpu.memory_space<hbm>>
    tpu.wait_dma2 semaphore(%arg35 : memref<!tpu.dma_semaphore, #tpu.memory_space<semaphore_mem>>) src(%dma_wait3A_151 : memref<80x128xf32, #tpu.memory_space<hbm>>) dst(%arg29 : memref<80x128xf32, #tpu.memory_space<vmem>>)
    %dma_wait3A_152 = arith.constant 0 : i32
    %dma_wait3A_153 = tpu.memref_slice %arg4[%dma_wait3A_152] : memref<320000xi32, #tpu.memory_space<hbm>> -> memref<80xi32, #tpu.memory_space<hbm>>
    %dma_wait3A_154 = arith.constant 0 : i32
    %dma_wait3A_155 = tpu.memref_slice %arg4[%dma_wait3A_154] : memref<320000xi32, #tpu.memory_space<hbm>> -> memref<80xi32, #tpu.memory_space<hbm>>
    tpu.wait_dma2 semaphore(%arg39 : memref<!tpu.dma_semaphore, #tpu.memory_space<semaphore_mem>>) src(%dma_wait3A_155 : memref<80xi32, #tpu.memory_space<hbm>>) dst(%arg21 : memref<80xi32, #tpu.memory_space<vmem>>)
    %dma_wait3A_156 = arith.constant 0 : i32
    %dma_wait3A_157 = arith.constant 0 : i32
    %dma_wait3A_158 = tpu.memref_slice %arg31[%dma_wait3A_156, %dma_wait3A_157] : memref<10240x128xf32, #tpu.memory_space<vmem_shared>> -> memref<10240x128xf32, #tpu.memory_space<vmem_shared>>
    tpu.wait_indirect_dma semaphore(%arg54 : memref<!tpu.dma_semaphore, #tpu.memory_space<semaphore_mem>>) src(%arg28 : memref<80x128xf32, #tpu.memory_space<vmem>>) dst(%dma_wait3A_158 : memref<10240x128xf32, #tpu.memory_space<vmem_shared>>)
    %dma_wait3A_159 = arith.constant 0 : i32
    %dma_wait3A_160 = tpu.memref_slice %arg32[%dma_wait3A_159] : memref<10240xf32, #tpu.memory_space<vmem_shared>> -> memref<10240xf32, #tpu.memory_space<vmem_shared>>
    tpu.wait_indirect_dma semaphore(%arg56 : memref<!tpu.dma_semaphore, #tpu.memory_space<semaphore_mem>>) src(%arg10 : memref<80xf32, #tpu.memory_space<vmem>>) dst(%dma_wait3A_160 : memref<10240xf32, #tpu.memory_space<vmem_shared>>)
    %dma_start3A_161 = arith.constant 0 : i32
    %dma_start3A_162 = arith.constant 0 : i32
    %dma_start3A_163 = tpu.memref_slice %arg31[%dma_start3A_161, %dma_start3A_162] : memref<10240x128xf32, #tpu.memory_space<vmem_shared>> -> memref<10240x128xf32, #tpu.memory_space<vmem_shared>>
    tpu.enqueue_indirect_dma source(%arg29 : memref<80x128xf32, #tpu.memory_space<vmem>>) target(%dma_start3A_163 : memref<10240x128xf32, #tpu.memory_space<vmem_shared>>) offsets(%arg21 : memref<80xi32, #tpu.memory_space<vmem>>) semaphore(%arg53 : memref<!tpu.dma_semaphore, #tpu.memory_space<semaphore_mem>>) {add = true}
    %dma_start3A_164 = arith.constant 0 : i32
    %dma_start3A_165 = tpu.memref_slice %arg32[%dma_start3A_164] : memref<10240xf32, #tpu.memory_space<vmem_shared>> -> memref<10240xf32, #tpu.memory_space<vmem_shared>>
    tpu.enqueue_indirect_dma source(%arg10 : memref<80xf32, #tpu.memory_space<vmem>>) target(%dma_start3A_165 : memref<10240xf32, #tpu.memory_space<vmem_shared>>) offsets(%arg21 : memref<80xi32, #tpu.memory_space<vmem>>) semaphore(%arg55 : memref<!tpu.dma_semaphore, #tpu.memory_space<semaphore_mem>>) {add = true}
    %dma_wait3A_166 = arith.constant 0 : i32
    %dma_wait3A_167 = arith.constant 0 : i32
    %dma_wait3A_168 = tpu.memref_slice %arg2[%dma_wait3A_166, %dma_wait3A_167] : memref<10000x128xf32, #tpu.memory_space<hbm>> -> memref<80x128xf32, #tpu.memory_space<hbm>>
    %dma_wait3A_169 = arith.constant 0 : i32
    %dma_wait3A_170 = arith.constant 0 : i32
    %dma_wait3A_171 = tpu.memref_slice %arg2[%dma_wait3A_169, %dma_wait3A_170] : memref<10000x128xf32, #tpu.memory_space<hbm>> -> memref<80x128xf32, #tpu.memory_space<hbm>>
    tpu.wait_dma2 semaphore(%arg36 : memref<!tpu.dma_semaphore, #tpu.memory_space<semaphore_mem>>) src(%dma_wait3A_171 : memref<80x128xf32, #tpu.memory_space<hbm>>) dst(%arg30 : memref<80x128xf32, #tpu.memory_space<vmem>>)
    %dma_wait3A_172 = arith.constant 0 : i32
    %dma_wait3A_173 = tpu.memref_slice %arg4[%dma_wait3A_172] : memref<320000xi32, #tpu.memory_space<hbm>> -> memref<80xi32, #tpu.memory_space<hbm>>
    %dma_wait3A_174 = arith.constant 0 : i32
    %dma_wait3A_175 = tpu.memref_slice %arg4[%dma_wait3A_174] : memref<320000xi32, #tpu.memory_space<hbm>> -> memref<80xi32, #tpu.memory_space<hbm>>
    tpu.wait_dma2 semaphore(%arg40 : memref<!tpu.dma_semaphore, #tpu.memory_space<semaphore_mem>>) src(%dma_wait3A_175 : memref<80xi32, #tpu.memory_space<hbm>>) dst(%arg22 : memref<80xi32, #tpu.memory_space<vmem>>)
    %dma_wait3A_176 = arith.constant 0 : i32
    %dma_wait3A_177 = arith.constant 0 : i32
    %dma_wait3A_178 = tpu.memref_slice %arg31[%dma_wait3A_176, %dma_wait3A_177] : memref<10240x128xf32, #tpu.memory_space<vmem_shared>> -> memref<10240x128xf32, #tpu.memory_space<vmem_shared>>
    tpu.wait_indirect_dma semaphore(%arg53 : memref<!tpu.dma_semaphore, #tpu.memory_space<semaphore_mem>>) src(%arg29 : memref<80x128xf32, #tpu.memory_space<vmem>>) dst(%dma_wait3A_178 : memref<10240x128xf32, #tpu.memory_space<vmem_shared>>)
    %dma_wait3A_179 = arith.constant 0 : i32
    %dma_wait3A_180 = tpu.memref_slice %arg32[%dma_wait3A_179] : memref<10240xf32, #tpu.memory_space<vmem_shared>> -> memref<10240xf32, #tpu.memory_space<vmem_shared>>
    tpu.wait_indirect_dma semaphore(%arg55 : memref<!tpu.dma_semaphore, #tpu.memory_space<semaphore_mem>>) src(%arg10 : memref<80xf32, #tpu.memory_space<vmem>>) dst(%dma_wait3A_180 : memref<10240xf32, #tpu.memory_space<vmem_shared>>)
    %dma_start3A_181 = arith.constant 0 : i32
    %dma_start3A_182 = arith.constant 0 : i32
    %dma_start3A_183 = tpu.memref_slice %arg31[%dma_start3A_181, %dma_start3A_182] : memref<10240x128xf32, #tpu.memory_space<vmem_shared>> -> memref<10240x128xf32, #tpu.memory_space<vmem_shared>>
    tpu.enqueue_indirect_dma source(%arg30 : memref<80x128xf32, #tpu.memory_space<vmem>>) target(%dma_start3A_183 : memref<10240x128xf32, #tpu.memory_space<vmem_shared>>) offsets(%arg22 : memref<80xi32, #tpu.memory_space<vmem>>) semaphore(%arg54 : memref<!tpu.dma_semaphore, #tpu.memory_space<semaphore_mem>>) {add = true}
    %dma_start3A_184 = arith.constant 0 : i32
    %dma_start3A_185 = tpu.memref_slice %arg32[%dma_start3A_184] : memref<10240xf32, #tpu.memory_space<vmem_shared>> -> memref<10240xf32, #tpu.memory_space<vmem_shared>>
    tpu.enqueue_indirect_dma source(%arg10 : memref<80xf32, #tpu.memory_space<vmem>>) target(%dma_start3A_185 : memref<10240xf32, #tpu.memory_space<vmem_shared>>) offsets(%arg22 : memref<80xi32, #tpu.memory_space<vmem>>) semaphore(%arg56 : memref<!tpu.dma_semaphore, #tpu.memory_space<semaphore_mem>>) {add = true}
    %dma_wait3A_186 = arith.constant 0 : i32
    %dma_wait3A_187 = arith.constant 0 : i32
    %dma_wait3A_188 = tpu.memref_slice %arg2[%dma_wait3A_186, %dma_wait3A_187] : memref<10000x128xf32, #tpu.memory_space<hbm>> -> memref<80x128xf32, #tpu.memory_space<hbm>>
    %dma_wait3A_189 = arith.constant 0 : i32
    %dma_wait3A_190 = arith.constant 0 : i32
    %dma_wait3A_191 = tpu.memref_slice %arg2[%dma_wait3A_189, %dma_wait3A_190] : memref<10000x128xf32, #tpu.memory_space<hbm>> -> memref<80x128xf32, #tpu.memory_space<hbm>>
    tpu.wait_dma2 semaphore(%arg33 : memref<!tpu.dma_semaphore, #tpu.memory_space<semaphore_mem>>) src(%dma_wait3A_191 : memref<80x128xf32, #tpu.memory_space<hbm>>) dst(%arg27 : memref<80x128xf32, #tpu.memory_space<vmem>>)
    %dma_wait3A_192 = arith.constant 0 : i32
    %dma_wait3A_193 = tpu.memref_slice %arg4[%dma_wait3A_192] : memref<320000xi32, #tpu.memory_space<hbm>> -> memref<80xi32, #tpu.memory_space<hbm>>
    %dma_wait3A_194 = arith.constant 0 : i32
    %dma_wait3A_195 = tpu.memref_slice %arg4[%dma_wait3A_194] : memref<320000xi32, #tpu.memory_space<hbm>> -> memref<80xi32, #tpu.memory_space<hbm>>
    tpu.wait_dma2 semaphore(%arg41 : memref<!tpu.dma_semaphore, #tpu.memory_space<semaphore_mem>>) src(%dma_wait3A_195 : memref<80xi32, #tpu.memory_space<hbm>>) dst(%arg23 : memref<80xi32, #tpu.memory_space<vmem>>)
    %dma_wait3A_196 = arith.constant 0 : i32
    %dma_wait3A_197 = arith.constant 0 : i32
    %dma_wait3A_198 = tpu.memref_slice %arg31[%dma_wait3A_196, %dma_wait3A_197] : memref<10240x128xf32, #tpu.memory_space<vmem_shared>> -> memref<10240x128xf32, #tpu.memory_space<vmem_shared>>
    tpu.wait_indirect_dma semaphore(%arg54 : memref<!tpu.dma_semaphore, #tpu.memory_space<semaphore_mem>>) src(%arg30 : memref<80x128xf32, #tpu.memory_space<vmem>>) dst(%dma_wait3A_198 : memref<10240x128xf32, #tpu.memory_space<vmem_shared>>)
    %dma_wait3A_199 = arith.constant 0 : i32
    %dma_wait3A_200 = tpu.memref_slice %arg32[%dma_wait3A_199] : memref<10240xf32, #tpu.memory_space<vmem_shared>> -> memref<10240xf32, #tpu.memory_space<vmem_shared>>
    tpu.wait_indirect_dma semaphore(%arg56 : memref<!tpu.dma_semaphore, #tpu.memory_space<semaphore_mem>>) src(%arg10 : memref<80xf32, #tpu.memory_space<vmem>>) dst(%dma_wait3A_200 : memref<10240xf32, #tpu.memory_space<vmem_shared>>)
    %dma_start3A_201 = arith.constant 0 : i32
    %dma_start3A_202 = arith.constant 0 : i32
    %dma_start3A_203 = tpu.memref_slice %arg31[%dma_start3A_201, %dma_start3A_202] : memref<10240x128xf32, #tpu.memory_space<vmem_shared>> -> memref<10240x128xf32, #tpu.memory_space<vmem_shared>>
    tpu.enqueue_indirect_dma source(%arg27 : memref<80x128xf32, #tpu.memory_space<vmem>>) target(%dma_start3A_203 : memref<10240x128xf32, #tpu.memory_space<vmem_shared>>) offsets(%arg23 : memref<80xi32, #tpu.memory_space<vmem>>) semaphore(%arg53 : memref<!tpu.dma_semaphore, #tpu.memory_space<semaphore_mem>>) {add = true}
    %dma_start3A_204 = arith.constant 0 : i32
    %dma_start3A_205 = tpu.memref_slice %arg32[%dma_start3A_204] : memref<10240xf32, #tpu.memory_space<vmem_shared>> -> memref<10240xf32, #tpu.memory_space<vmem_shared>>
    tpu.enqueue_indirect_dma source(%arg10 : memref<80xf32, #tpu.memory_space<vmem>>) target(%dma_start3A_205 : memref<10240xf32, #tpu.memory_space<vmem_shared>>) offsets(%arg23 : memref<80xi32, #tpu.memory_space<vmem>>) semaphore(%arg55 : memref<!tpu.dma_semaphore, #tpu.memory_space<semaphore_mem>>) {add = true}
    %dma_wait3A_206 = arith.constant 0 : i32
    %dma_wait3A_207 = arith.constant 0 : i32
    %dma_wait3A_208 = tpu.memref_slice %arg31[%dma_wait3A_206, %dma_wait3A_207] : memref<10240x128xf32, #tpu.memory_space<vmem_shared>> -> memref<10240x128xf32, #tpu.memory_space<vmem_shared>>
    tpu.wait_indirect_dma semaphore(%arg53 : memref<!tpu.dma_semaphore, #tpu.memory_space<semaphore_mem>>) src(%arg27 : memref<80x128xf32, #tpu.memory_space<vmem>>) dst(%dma_wait3A_208 : memref<10240x128xf32, #tpu.memory_space<vmem_shared>>)
    %dma_wait3A_209 = arith.constant 0 : i32
    %dma_wait3A_210 = tpu.memref_slice %arg32[%dma_wait3A_209] : memref<10240xf32, #tpu.memory_space<vmem_shared>> -> memref<10240xf32, #tpu.memory_space<vmem_shared>>
    tpu.wait_indirect_dma semaphore(%arg55 : memref<!tpu.dma_semaphore, #tpu.memory_space<semaphore_mem>>) src(%arg10 : memref<80xf32, #tpu.memory_space<vmem>>) dst(%dma_wait3A_210 : memref<10240xf32, #tpu.memory_space<vmem_shared>>)
    %barrier3A_211 = arith.constant 0 : index
    tpu.barrier barrier_id(%barrier3A_211)
    %mul3A_212 = arith.constant 640 : i32
    %mul3A_213 = arith.muli %arg1, %mul3A_212 : i32
    %mul3A_214 = arith.constant 640 : i32
    %mul3A_215 = arith.muli %arg1, %mul3A_214 : i32
    "tpu.region"() ({
      %run_scoped3A = tpu.sem_alloc : memref<!tpu.dma_semaphore, #tpu.memory_space<semaphore_mem>>
      %dma_start3A_220 = arith.constant 0 : i32
      %dma_start3A_221 = tpu.memref_slice %arg8[%arg0, %mul3A_215, %dma_start3A_220] : memref<2x10240x128xf32, #tpu.memory_space<hbm>> -> memref<1x640x128xf32, #tpu.memory_space<hbm>>
      %dma_start3A_222 = tpu.memref_squeeze %dma_start3A_221 : memref<1x640x128xf32, #tpu.memory_space<hbm>> -> memref<640x128xf32, #tpu.memory_space<hbm>>
      %dma_start3A_223 = arith.constant 0 : i32
      %dma_start3A_224 = tpu.memref_slice %arg31[%mul3A_213, %dma_start3A_223] : memref<10240x128xf32, #tpu.memory_space<vmem_shared>> -> memref<640x128xf32, #tpu.memory_space<vmem_shared>>
      tpu.enqueue_dma source(%dma_start3A_224 : memref<640x128xf32, #tpu.memory_space<vmem_shared>>) target(%dma_start3A_222 : memref<640x128xf32, #tpu.memory_space<hbm>>) target_semaphore(%run_scoped3A : memref<!tpu.dma_semaphore, #tpu.memory_space<semaphore_mem>>)
      %dma_wait3A_225 = arith.constant 0 : i32
      %dma_wait3A_226 = tpu.memref_slice %arg8[%arg0, %mul3A_215, %dma_wait3A_225] : memref<2x10240x128xf32, #tpu.memory_space<hbm>> -> memref<1x640x128xf32, #tpu.memory_space<hbm>>
      %dma_wait3A_227 = tpu.memref_squeeze %dma_wait3A_226 : memref<1x640x128xf32, #tpu.memory_space<hbm>> -> memref<640x128xf32, #tpu.memory_space<hbm>>
      %dma_wait3A_228 = arith.constant 0 : i32
      %dma_wait3A_229 = tpu.memref_slice %arg31[%mul3A_213, %dma_wait3A_228] : memref<10240x128xf32, #tpu.memory_space<vmem_shared>> -> memref<640x128xf32, #tpu.memory_space<vmem_shared>>
      tpu.wait_dma2 semaphore(%run_scoped3A : memref<!tpu.dma_semaphore, #tpu.memory_space<semaphore_mem>>) src(%dma_wait3A_229 : memref<640x128xf32, #tpu.memory_space<vmem_shared>>) dst(%dma_wait3A_227 : memref<640x128xf32, #tpu.memory_space<hbm>>)
      tpu.yield
    }) : () -> ()
    %mul3A_216 = arith.constant 640 : i32
    %mul3A_217 = arith.muli %arg1, %mul3A_216 : i32
    %mul3A_218 = arith.constant 640 : i32
    %mul3A_219 = arith.muli %arg1, %mul3A_218 : i32
    "tpu.region"() ({
      %run_scoped3A = tpu.sem_alloc : memref<!tpu.dma_semaphore, #tpu.memory_space<semaphore_mem>>
      %dma_start3A_220 = tpu.memref_slice %arg9[%arg0, %mul3A_219] : memref<2x10240xf32, #tpu.memory_space<hbm>> -> memref<1x640xf32, #tpu.memory_space<hbm>>
      %dma_start3A_221 = tpu.memref_squeeze %dma_start3A_220 : memref<1x640xf32, #tpu.memory_space<hbm>> -> memref<640xf32, #tpu.memory_space<hbm>>
      %dma_start3A_222 = tpu.memref_slice %arg32[%mul3A_217] : memref<10240xf32, #tpu.memory_space<vmem_shared>> -> memref<640xf32, #tpu.memory_space<vmem_shared>>
      tpu.enqueue_dma source(%dma_start3A_222 : memref<640xf32, #tpu.memory_space<vmem_shared>>) target(%dma_start3A_221 : memref<640xf32, #tpu.memory_space<hbm>>) target_semaphore(%run_scoped3A : memref<!tpu.dma_semaphore, #tpu.memory_space<semaphore_mem>>)
      %dma_wait3A_223 = tpu.memref_slice %arg9[%arg0, %mul3A_219] : memref<2x10240xf32, #tpu.memory_space<hbm>> -> memref<1x640xf32, #tpu.memory_space<hbm>>
      %dma_wait3A_224 = tpu.memref_squeeze %dma_wait3A_223 : memref<1x640xf32, #tpu.memory_space<hbm>> -> memref<640xf32, #tpu.memory_space<hbm>>
      %dma_wait3A_225 = tpu.memref_slice %arg32[%mul3A_217] : memref<10240xf32, #tpu.memory_space<vmem_shared>> -> memref<640xf32, #tpu.memory_space<vmem_shared>>
      tpu.wait_dma2 semaphore(%run_scoped3A : memref<!tpu.dma_semaphore, #tpu.memory_space<semaphore_mem>>) src(%dma_wait3A_225 : memref<640xf32, #tpu.memory_space<vmem_shared>>) dst(%dma_wait3A_224 : memref<640xf32, #tpu.memory_space<hbm>>)
      tpu.yield
    }) : () -> ()
    return
  }
}

#map = affine_map<(d0, d1) -> (0)>
#map1 = affine_map<(d0, d1) -> (0, 0)>
module attributes {stable_mosaic.version = 14 : i64} {
  func.func @_adv_body(%arg0: i32, %arg1: i32, %arg2: memref<10000xf32, #tpu.memory_space<hbm>>, %arg3: memref<320000xi32, #tpu.memory_space<hbm>>, %arg4: memref<320000xi32, #tpu.memory_space<hbm>>, %arg5: memref<10000xf32, #tpu.memory_space<hbm>>, %arg6: memref<32x10000xf32, #tpu.memory_space<hbm>>, %arg7: memref<10000xf32, #tpu.memory_space<vmem>>, %arg8: memref<10000xf32, #tpu.memory_space<vmem>>, %arg9: memref<10000xi32, #tpu.memory_space<vmem>>, %arg10: memref<10000xi32, #tpu.memory_space<vmem>>) attributes {dimension_semantics = [#tpu.dimension_semantics<core_parallel>, #tpu.dimension_semantics<subcore_parallel>], iteration_bounds = array<i64: 2, 16>, scalar_prefetch = 0 : i64, scratch_operands = 4 : i64, tpu.core_type = #tpu.core_type<sc_vector_subcore>, window_params = [{transform_indices = #map}, {transform_indices = #map}, {transform_indices = #map}, {transform_indices = #map}, {transform_indices = #map1}]} {
    %mul3A = arith.constant 2 : i32
    %mul3A_0 = arith.muli %arg1, %mul3A : i32
    %add3A = arith.addi %mul3A_0, %arg0 : i32
    "tpu.region"() ({
      %run_scoped3A = tpu.sem_alloc : memref<!tpu.dma_semaphore, #tpu.memory_space<semaphore_mem>>
      tpu.enqueue_dma source(%arg2 : memref<10000xf32, #tpu.memory_space<hbm>>) target(%arg7 : memref<10000xf32, #tpu.memory_space<vmem>>) target_semaphore(%run_scoped3A : memref<!tpu.dma_semaphore, #tpu.memory_space<semaphore_mem>>)
      tpu.wait_dma2 semaphore(%run_scoped3A : memref<!tpu.dma_semaphore, #tpu.memory_space<semaphore_mem>>) src(%arg2 : memref<10000xf32, #tpu.memory_space<hbm>>) dst(%arg7 : memref<10000xf32, #tpu.memory_space<vmem>>)
      tpu.yield
    }) : () -> ()
    "tpu.region"() ({
      %run_scoped3A = tpu.sem_alloc : memref<!tpu.dma_semaphore, #tpu.memory_space<semaphore_mem>>
      tpu.enqueue_dma source(%arg5 : memref<10000xf32, #tpu.memory_space<hbm>>) target(%arg8 : memref<10000xf32, #tpu.memory_space<vmem>>) target_semaphore(%run_scoped3A : memref<!tpu.dma_semaphore, #tpu.memory_space<semaphore_mem>>)
      tpu.wait_dma2 semaphore(%run_scoped3A : memref<!tpu.dma_semaphore, #tpu.memory_space<semaphore_mem>>) src(%arg5 : memref<10000xf32, #tpu.memory_space<hbm>>) dst(%arg8 : memref<10000xf32, #tpu.memory_space<vmem>>)
      tpu.yield
    }) : () -> ()
    %mul3A_1 = arith.constant 10000 : i32
    %mul3A_2 = arith.muli %add3A, %mul3A_1 : i32
    "tpu.region"() ({
      %run_scoped3A = tpu.sem_alloc : memref<!tpu.dma_semaphore, #tpu.memory_space<semaphore_mem>>
      %dma_start3A = tpu.memref_slice %arg3[%mul3A_2] : memref<320000xi32, #tpu.memory_space<hbm>> -> memref<10000xi32, #tpu.memory_space<hbm>>
      %dma_start3A_10 = tpu.memref_slice %arg3[%mul3A_2] : memref<320000xi32, #tpu.memory_space<hbm>> -> memref<10000xi32, #tpu.memory_space<hbm>>
      tpu.enqueue_dma source(%dma_start3A_10 : memref<10000xi32, #tpu.memory_space<hbm>>) target(%arg9 : memref<10000xi32, #tpu.memory_space<vmem>>) target_semaphore(%run_scoped3A : memref<!tpu.dma_semaphore, #tpu.memory_space<semaphore_mem>>)
      %dma_wait3A = tpu.memref_slice %arg3[%mul3A_2] : memref<320000xi32, #tpu.memory_space<hbm>> -> memref<10000xi32, #tpu.memory_space<hbm>>
      %dma_wait3A_11 = tpu.memref_slice %arg3[%mul3A_2] : memref<320000xi32, #tpu.memory_space<hbm>> -> memref<10000xi32, #tpu.memory_space<hbm>>
      tpu.wait_dma2 semaphore(%run_scoped3A : memref<!tpu.dma_semaphore, #tpu.memory_space<semaphore_mem>>) src(%dma_wait3A_11 : memref<10000xi32, #tpu.memory_space<hbm>>) dst(%arg9 : memref<10000xi32, #tpu.memory_space<vmem>>)
      tpu.yield
    }) : () -> ()
    %mul3A_3 = arith.constant 10000 : i32
    %mul3A_4 = arith.muli %add3A, %mul3A_3 : i32
    "tpu.region"() ({
      %run_scoped3A = tpu.sem_alloc : memref<!tpu.dma_semaphore, #tpu.memory_space<semaphore_mem>>
      %dma_start3A = tpu.memref_slice %arg4[%mul3A_4] : memref<320000xi32, #tpu.memory_space<hbm>> -> memref<10000xi32, #tpu.memory_space<hbm>>
      %dma_start3A_10 = tpu.memref_slice %arg4[%mul3A_4] : memref<320000xi32, #tpu.memory_space<hbm>> -> memref<10000xi32, #tpu.memory_space<hbm>>
      tpu.enqueue_dma source(%dma_start3A_10 : memref<10000xi32, #tpu.memory_space<hbm>>) target(%arg10 : memref<10000xi32, #tpu.memory_space<vmem>>) target_semaphore(%run_scoped3A : memref<!tpu.dma_semaphore, #tpu.memory_space<semaphore_mem>>)
      %dma_wait3A = tpu.memref_slice %arg4[%mul3A_4] : memref<320000xi32, #tpu.memory_space<hbm>> -> memref<10000xi32, #tpu.memory_space<hbm>>
      %dma_wait3A_11 = tpu.memref_slice %arg4[%mul3A_4] : memref<320000xi32, #tpu.memory_space<hbm>> -> memref<10000xi32, #tpu.memory_space<hbm>>
      tpu.wait_dma2 semaphore(%run_scoped3A : memref<!tpu.dma_semaphore, #tpu.memory_space<semaphore_mem>>) src(%dma_wait3A_11 : memref<10000xi32, #tpu.memory_space<hbm>>) dst(%arg10 : memref<10000xi32, #tpu.memory_space<vmem>>)
      tpu.yield
    }) : () -> ()
    %scan3A = arith.constant 0 : i32
    %scan3A_5 = arith.constant 0 : i32
    %scan3A_6 = arith.constant 125 : i32
    %scan3A_7 = arith.addi %scan3A_5, %scan3A_6 : i32
    %scan3A_8 = arith.constant 1 : i32
    scf.for %scan3A_10 = %scan3A_5 to %scan3A_7 step %scan3A_8  : i32 {
      %mul3A_11 = arith.constant 5 : i32
      %mul3A_12 = arith.muli %scan3A_10, %mul3A_11 : i32
      %add3A_13 = arith.constant 0 : i32
      %add3A_14 = arith.addi %mul3A_12, %add3A_13 : i32
      %mul3A_15 = arith.constant 16 : i32
      %mul3A_16 = arith.muli %add3A_14, %mul3A_15 : i32
      %get3A = arith.index_cast %mul3A_16 : i32 to index
      %get3A_17 = tpu.vector_load %arg9[%get3A] {strides = array<i32>} : memref<10000xi32, #tpu.memory_space<vmem>>, vector<16xi32>,
      %gather3A = tpu.vector_load_idx %arg7[%get3A_17] : memref<10000xf32, #tpu.memory_space<vmem>>[vector<16xi32>], vector<16xf32>,
      %get3A_18 = arith.index_cast %mul3A_16 : i32 to index
      %get3A_19 = tpu.vector_load %arg10[%get3A_18] {strides = array<i32>} : memref<10000xi32, #tpu.memory_space<vmem>>, vector<16xi32>,
      tpu.vector_store_idx %arg8[%get3A_19], %gather3A {add = true} : memref<10000xf32, #tpu.memory_space<vmem>>[vector<16xi32>], vector<16xf32>,
      %mul3A_20 = arith.constant 5 : i32
      %mul3A_21 = arith.muli %scan3A_10, %mul3A_20 : i32
      %add3A_22 = arith.constant 1 : i32
      %add3A_23 = arith.addi %mul3A_21, %add3A_22 : i32
      %mul3A_24 = arith.constant 16 : i32
      %mul3A_25 = arith.muli %add3A_23, %mul3A_24 : i32
      %get3A_26 = arith.index_cast %mul3A_25 : i32 to index
      %get3A_27 = tpu.vector_load %arg9[%get3A_26] {strides = array<i32>} : memref<10000xi32, #tpu.memory_space<vmem>>, vector<16xi32>,
      %gather3A_28 = tpu.vector_load_idx %arg7[%get3A_27] : memref<10000xf32, #tpu.memory_space<vmem>>[vector<16xi32>], vector<16xf32>,
      %get3A_29 = arith.index_cast %mul3A_25 : i32 to index
      %get3A_30 = tpu.vector_load %arg10[%get3A_29] {strides = array<i32>} : memref<10000xi32, #tpu.memory_space<vmem>>, vector<16xi32>,
      tpu.vector_store_idx %arg8[%get3A_30], %gather3A_28 {add = true} : memref<10000xf32, #tpu.memory_space<vmem>>[vector<16xi32>], vector<16xf32>,
      %mul3A_31 = arith.constant 5 : i32
      %mul3A_32 = arith.muli %scan3A_10, %mul3A_31 : i32
      %add3A_33 = arith.constant 2 : i32
      %add3A_34 = arith.addi %mul3A_32, %add3A_33 : i32
      %mul3A_35 = arith.constant 16 : i32
      %mul3A_36 = arith.muli %add3A_34, %mul3A_35 : i32
      %get3A_37 = arith.index_cast %mul3A_36 : i32 to index
      %get3A_38 = tpu.vector_load %arg9[%get3A_37] {strides = array<i32>} : memref<10000xi32, #tpu.memory_space<vmem>>, vector<16xi32>,
      %gather3A_39 = tpu.vector_load_idx %arg7[%get3A_38] : memref<10000xf32, #tpu.memory_space<vmem>>[vector<16xi32>], vector<16xf32>,
      %get3A_40 = arith.index_cast %mul3A_36 : i32 to index
      %get3A_41 = tpu.vector_load %arg10[%get3A_40] {strides = array<i32>} : memref<10000xi32, #tpu.memory_space<vmem>>, vector<16xi32>,
      tpu.vector_store_idx %arg8[%get3A_41], %gather3A_39 {add = true} : memref<10000xf32, #tpu.memory_space<vmem>>[vector<16xi32>], vector<16xf32>,
      %mul3A_42 = arith.constant 5 : i32
      %mul3A_43 = arith.muli %scan3A_10, %mul3A_42 : i32
      %add3A_44 = arith.constant 3 : i32
      %add3A_45 = arith.addi %mul3A_43, %add3A_44 : i32
      %mul3A_46 = arith.constant 16 : i32
      %mul3A_47 = arith.muli %add3A_45, %mul3A_46 : i32
      %get3A_48 = arith.index_cast %mul3A_47 : i32 to index
      %get3A_49 = tpu.vector_load %arg9[%get3A_48] {strides = array<i32>} : memref<10000xi32, #tpu.memory_space<vmem>>, vector<16xi32>,
      %gather3A_50 = tpu.vector_load_idx %arg7[%get3A_49] : memref<10000xf32, #tpu.memory_space<vmem>>[vector<16xi32>], vector<16xf32>,
      %get3A_51 = arith.index_cast %mul3A_47 : i32 to index
      %get3A_52 = tpu.vector_load %arg10[%get3A_51] {strides = array<i32>} : memref<10000xi32, #tpu.memory_space<vmem>>, vector<16xi32>,
      tpu.vector_store_idx %arg8[%get3A_52], %gather3A_50 {add = true} : memref<10000xf32, #tpu.memory_space<vmem>>[vector<16xi32>], vector<16xf32>,
      %mul3A_53 = arith.constant 5 : i32
      %mul3A_54 = arith.muli %scan3A_10, %mul3A_53 : i32
      %add3A_55 = arith.constant 4 : i32
      %add3A_56 = arith.addi %mul3A_54, %add3A_55 : i32
      %mul3A_57 = arith.constant 16 : i32
      %mul3A_58 = arith.muli %add3A_56, %mul3A_57 : i32
      %get3A_59 = arith.index_cast %mul3A_58 : i32 to index
      %get3A_60 = tpu.vector_load %arg9[%get3A_59] {strides = array<i32>} : memref<10000xi32, #tpu.memory_space<vmem>>, vector<16xi32>,
      %gather3A_61 = tpu.vector_load_idx %arg7[%get3A_60] : memref<10000xf32, #tpu.memory_space<vmem>>[vector<16xi32>], vector<16xf32>,
      %get3A_62 = arith.index_cast %mul3A_58 : i32 to index
      %get3A_63 = tpu.vector_load %arg10[%get3A_62] {strides = array<i32>} : memref<10000xi32, #tpu.memory_space<vmem>>, vector<16xi32>,
      tpu.vector_store_idx %arg8[%get3A_63], %gather3A_61 {add = true} : memref<10000xf32, #tpu.memory_space<vmem>>[vector<16xi32>], vector<16xf32>,
    }
    %scan3A_9 = arith.constant 125 : i32
    "tpu.region"() ({
      %run_scoped3A = tpu.sem_alloc : memref<!tpu.dma_semaphore, #tpu.memory_space<semaphore_mem>>
      %dma_start3A = arith.constant 0 : i32
      %dma_start3A_10 = tpu.memref_slice %arg6[%add3A, %dma_start3A] : memref<32x10000xf32, #tpu.memory_space<hbm>> -> memref<1x10000xf32, #tpu.memory_space<hbm>>
      %dma_start3A_11 = tpu.memref_squeeze %dma_start3A_10 : memref<1x10000xf32, #tpu.memory_space<hbm>> -> memref<10000xf32, #tpu.memory_space<hbm>>
      %dma_start3A_12 = arith.constant 0 : i32
      %dma_start3A_13 = tpu.memref_slice %arg6[%add3A, %dma_start3A_12] : memref<32x10000xf32, #tpu.memory_space<hbm>> -> memref<1x10000xf32, #tpu.memory_space<hbm>>
      %dma_start3A_14 = tpu.memref_squeeze %dma_start3A_13 : memref<1x10000xf32, #tpu.memory_space<hbm>> -> memref<10000xf32, #tpu.memory_space<hbm>>
      tpu.enqueue_dma source(%arg8 : memref<10000xf32, #tpu.memory_space<vmem>>) target(%dma_start3A_14 : memref<10000xf32, #tpu.memory_space<hbm>>) target_semaphore(%run_scoped3A : memref<!tpu.dma_semaphore, #tpu.memory_space<semaphore_mem>>)
      %dma_wait3A = arith.constant 0 : i32
      %dma_wait3A_15 = tpu.memref_slice %arg6[%add3A, %dma_wait3A] : memref<32x10000xf32, #tpu.memory_space<hbm>> -> memref<1x10000xf32, #tpu.memory_space<hbm>>
      %dma_wait3A_16 = tpu.memref_squeeze %dma_wait3A_15 : memref<1x10000xf32, #tpu.memory_space<hbm>> -> memref<10000xf32, #tpu.memory_space<hbm>>
      %dma_wait3A_17 = arith.constant 0 : i32
      %dma_wait3A_18 = tpu.memref_slice %arg6[%add3A, %dma_wait3A_17] : memref<32x10000xf32, #tpu.memory_space<hbm>> -> memref<1x10000xf32, #tpu.memory_space<hbm>>
      %dma_wait3A_19 = tpu.memref_squeeze %dma_wait3A_18 : memref<1x10000xf32, #tpu.memory_space<hbm>> -> memref<10000xf32, #tpu.memory_space<hbm>>
      tpu.wait_dma2 semaphore(%run_scoped3A : memref<!tpu.dma_semaphore, #tpu.memory_space<semaphore_mem>>) src(%arg8 : memref<10000xf32, #tpu.memory_space<vmem>>) dst(%dma_wait3A_19 : memref<10000xf32, #tpu.memory_space<hbm>>)
      tpu.yield
    }) : () -> ()
    return
  }
}

#map = affine_map<(d0, d1) -> (0, 0)>
#map1 = affine_map<(d0, d1) -> (0)>
#map2 = affine_map<(d0, d1) -> (0, 0, 0)>
module attributes {stable_mosaic.version = 14 : i64} {
  func.func @_seg_body_nodeg(%arg0: i32, %arg1: i32, %arg2: memref<10000x128xf32, #tpu.memory_space<hbm>>, %arg3: memref<320000xi32, #tpu.memory_space<hbm>>, %arg4: memref<320000xi32, #tpu.memory_space<hbm>>, %arg5: memref<640x128xf32, #tpu.memory_space<hbm>>, %arg6: memref<2x10240x128xf32, #tpu.memory_space<hbm>>, %arg7: memref<80xi32, #tpu.memory_space<vmem>>, %arg8: memref<80xi32, #tpu.memory_space<vmem>>, %arg9: memref<80xi32, #tpu.memory_space<vmem>>, %arg10: memref<80xi32, #tpu.memory_space<vmem>>, %arg11: memref<80xi32, #tpu.memory_space<vmem>>, %arg12: memref<80xi32, #tpu.memory_space<vmem>>, %arg13: memref<80xi32, #tpu.memory_space<vmem>>, %arg14: memref<80xi32, #tpu.memory_space<vmem>>, %arg15: memref<80xi32, #tpu.memory_space<vmem>>, %arg16: memref<80xi32, #tpu.memory_space<vmem>>, %arg17: memref<80xi32, #tpu.memory_space<vmem>>, %arg18: memref<80xi32, #tpu.memory_space<vmem>>, %arg19: memref<80xi32, #tpu.memory_space<vmem>>, %arg20: memref<80xi32, #tpu.memory_space<vmem>>, %arg21: memref<80xi32, #tpu.memory_space<vmem>>, %arg22: memref<80xi32, #tpu.memory_space<vmem>>, %arg23: memref<80x128xf32, #tpu.memory_space<vmem>>, %arg24: memref<80x128xf32, #tpu.memory_space<vmem>>, %arg25: memref<80x128xf32, #tpu.memory_space<vmem>>, %arg26: memref<80x128xf32, #tpu.memory_space<vmem>>, %arg27: memref<10240x128xf32, #tpu.memory_space<vmem_shared>>, %arg28: memref<!tpu.dma_semaphore, #tpu.memory_space<semaphore_mem>>, %arg29: memref<!tpu.dma_semaphore, #tpu.memory_space<semaphore_mem>>, %arg30: memref<!tpu.dma_semaphore, #tpu.memory_space<semaphore_mem>>, %arg31: memref<!tpu.dma_semaphore, #tpu.memory_space<semaphore_mem>>, %arg32: memref<!tpu.dma_semaphore, #tpu.memory_space<semaphore_mem>>, %arg33: memref<!tpu.dma_semaphore, #tpu.memory_space<semaphore_mem>>, %arg34: memref<!tpu.dma_semaphore, #tpu.memory_space<semaphore_mem>>, %arg35: memref<!tpu.dma_semaphore, #tpu.memory_space<semaphore_mem>>, %arg36: memref<!tpu.dma_semaphore, #tpu.memory_space<semaphore_mem>>, %arg37: memref<!tpu.dma_semaphore, #tpu.memory_space<semaphore_mem>>, %arg38: memref<!tpu.dma_semaphore, #tpu.memory_space<semaphore_mem>>, %arg39: memref<!tpu.dma_semaphore, #tpu.memory_space<semaphore_mem>>, %arg40: memref<!tpu.dma_semaphore, #tpu.memory_space<semaphore_mem>>, %arg41: memref<!tpu.dma_semaphore, #tpu.memory_space<semaphore_mem>>, %arg42: memref<!tpu.dma_semaphore, #tpu.memory_space<semaphore_mem>>, %arg43: memref<!tpu.dma_semaphore, #tpu.memory_space<semaphore_mem>>, %arg44: memref<!tpu.dma_semaphore, #tpu.memory_space<semaphore_mem>>, %arg45: memref<!tpu.dma_semaphore, #tpu.memory_space<semaphore_mem>>, %arg46: memref<!tpu.dma_semaphore, #tpu.memory_space<semaphore_mem>>, %arg47: memref<!tpu.dma_semaphore, #tpu.memory_space<semaphore_mem>>, %arg48: memref<!tpu.dma_semaphore, #tpu.memory_space<semaphore_mem>>, %arg49: memref<!tpu.dma_semaphore, #tpu.memory_space<semaphore_mem>>) attributes {dimension_semantics = [#tpu.dimension_semantics<core_parallel>, #tpu.dimension_semantics<subcore_parallel>], iteration_bounds = array<i64: 2, 16>, scalar_prefetch = 0 : i64, scratch_operands = 43 : i64, tpu.core_type = #tpu.core_type<sc_vector_subcore>, window_params = [{transform_indices = #map}, {transform_indices = #map1}, {transform_indices = #map1}, {transform_indices = #map}, {transform_indices = #map2}]} {
    %mul3A = arith.constant 2 : i32
    %mul3A_0 = arith.muli %arg1, %mul3A : i32
    %add3A = arith.addi %mul3A_0, %arg0 : i32
    %mul3A_1 = arith.constant 10000 : i32
    %mul3A_2 = arith.muli %add3A, %mul3A_1 : i32
    %mul3A_3 = arith.constant 640 : i32
    %mul3A_4 = arith.muli %arg1, %mul3A_3 : i32
    "tpu.region"() ({
      %run_scoped3A = tpu.sem_alloc : memref<!tpu.dma_semaphore, #tpu.memory_space<semaphore_mem>>
      %dma_start3A_194 = arith.constant 0 : i32
      %dma_start3A_195 = tpu.memref_slice %arg27[%mul3A_4, %dma_start3A_194] : memref<10240x128xf32, #tpu.memory_space<vmem_shared>> -> memref<640x128xf32, #tpu.memory_space<vmem_shared>>
      tpu.enqueue_dma source(%arg5 : memref<640x128xf32, #tpu.memory_space<hbm>>) target(%dma_start3A_195 : memref<640x128xf32, #tpu.memory_space<vmem_shared>>) target_semaphore(%run_scoped3A : memref<!tpu.dma_semaphore, #tpu.memory_space<semaphore_mem>>)
      %dma_wait3A_196 = arith.constant 0 : i32
      %dma_wait3A_197 = tpu.memref_slice %arg27[%mul3A_4, %dma_wait3A_196] : memref<10240x128xf32, #tpu.memory_space<vmem_shared>> -> memref<640x128xf32, #tpu.memory_space<vmem_shared>>
      tpu.wait_dma2 semaphore(%run_scoped3A : memref<!tpu.dma_semaphore, #tpu.memory_space<semaphore_mem>>) src(%arg5 : memref<640x128xf32, #tpu.memory_space<hbm>>) dst(%dma_wait3A_197 : memref<640x128xf32, #tpu.memory_space<vmem_shared>>)
      tpu.yield
    }) : () -> ()
    %barrier3A = arith.constant 0 : index
    tpu.barrier barrier_id(%barrier3A)
    %add3A_5 = arith.constant 0 : i32
    %add3A_6 = arith.addi %mul3A_2, %add3A_5 : i32
    %dma_start3A = tpu.memref_slice %arg3[%add3A_6] : memref<320000xi32, #tpu.memory_space<hbm>> -> memref<80xi32, #tpu.memory_space<hbm>>
    %dma_start3A_7 = tpu.memref_slice %arg3[%add3A_6] : memref<320000xi32, #tpu.memory_space<hbm>> -> memref<80xi32, #tpu.memory_space<hbm>>
    tpu.enqueue_dma source(%dma_start3A_7 : memref<80xi32, #tpu.memory_space<hbm>>) target(%arg7 : memref<80xi32, #tpu.memory_space<vmem>>) target_semaphore(%arg40 : memref<!tpu.dma_semaphore, #tpu.memory_space<semaphore_mem>>)
    %add3A_8 = arith.constant 0 : i32
    %add3A_9 = arith.addi %mul3A_2, %add3A_8 : i32
    %dma_start3A_10 = tpu.memref_slice %arg4[%add3A_9] : memref<320000xi32, #tpu.memory_space<hbm>> -> memref<80xi32, #tpu.memory_space<hbm>>
    %dma_start3A_11 = tpu.memref_slice %arg4[%add3A_9] : memref<320000xi32, #tpu.memory_space<hbm>> -> memref<80xi32, #tpu.memory_space<hbm>>
    tpu.enqueue_dma source(%dma_start3A_11 : memref<80xi32, #tpu.memory_space<hbm>>) target(%arg15 : memref<80xi32, #tpu.memory_space<vmem>>) target_semaphore(%arg32 : memref<!tpu.dma_semaphore, #tpu.memory_space<semaphore_mem>>)
    %add3A_12 = arith.constant 80 : i32
    %add3A_13 = arith.addi %mul3A_2, %add3A_12 : i32
    %dma_start3A_14 = tpu.memref_slice %arg3[%add3A_13] : memref<320000xi32, #tpu.memory_space<hbm>> -> memref<80xi32, #tpu.memory_space<hbm>>
    %dma_start3A_15 = tpu.memref_slice %arg3[%add3A_13] : memref<320000xi32, #tpu.memory_space<hbm>> -> memref<80xi32, #tpu.memory_space<hbm>>
    tpu.enqueue_dma source(%dma_start3A_15 : memref<80xi32, #tpu.memory_space<hbm>>) target(%arg8 : memref<80xi32, #tpu.memory_space<vmem>>) target_semaphore(%arg41 : memref<!tpu.dma_semaphore, #tpu.memory_space<semaphore_mem>>)
    %add3A_16 = arith.constant 80 : i32
    %add3A_17 = arith.addi %mul3A_2, %add3A_16 : i32
    %dma_start3A_18 = tpu.memref_slice %arg4[%add3A_17] : memref<320000xi32, #tpu.memory_space<hbm>> -> memref<80xi32, #tpu.memory_space<hbm>>
    %dma_start3A_19 = tpu.memref_slice %arg4[%add3A_17] : memref<320000xi32, #tpu.memory_space<hbm>> -> memref<80xi32, #tpu.memory_space<hbm>>
    tpu.enqueue_dma source(%dma_start3A_19 : memref<80xi32, #tpu.memory_space<hbm>>) target(%arg16 : memref<80xi32, #tpu.memory_space<vmem>>) target_semaphore(%arg33 : memref<!tpu.dma_semaphore, #tpu.memory_space<semaphore_mem>>)
    %add3A_20 = arith.constant 160 : i32
    %add3A_21 = arith.addi %mul3A_2, %add3A_20 : i32
    %dma_start3A_22 = tpu.memref_slice %arg3[%add3A_21] : memref<320000xi32, #tpu.memory_space<hbm>> -> memref<80xi32, #tpu.memory_space<hbm>>
    %dma_start3A_23 = tpu.memref_slice %arg3[%add3A_21] : memref<320000xi32, #tpu.memory_space<hbm>> -> memref<80xi32, #tpu.memory_space<hbm>>
    tpu.enqueue_dma source(%dma_start3A_23 : memref<80xi32, #tpu.memory_space<hbm>>) target(%arg9 : memref<80xi32, #tpu.memory_space<vmem>>) target_semaphore(%arg42 : memref<!tpu.dma_semaphore, #tpu.memory_space<semaphore_mem>>)
    %add3A_24 = arith.constant 160 : i32
    %add3A_25 = arith.addi %mul3A_2, %add3A_24 : i32
    %dma_start3A_26 = tpu.memref_slice %arg4[%add3A_25] : memref<320000xi32, #tpu.memory_space<hbm>> -> memref<80xi32, #tpu.memory_space<hbm>>
    %dma_start3A_27 = tpu.memref_slice %arg4[%add3A_25] : memref<320000xi32, #tpu.memory_space<hbm>> -> memref<80xi32, #tpu.memory_space<hbm>>
    tpu.enqueue_dma source(%dma_start3A_27 : memref<80xi32, #tpu.memory_space<hbm>>) target(%arg17 : memref<80xi32, #tpu.memory_space<vmem>>) target_semaphore(%arg34 : memref<!tpu.dma_semaphore, #tpu.memory_space<semaphore_mem>>)
    %add3A_28 = arith.constant 240 : i32
    %add3A_29 = arith.addi %mul3A_2, %add3A_28 : i32
    %dma_start3A_30 = tpu.memref_slice %arg3[%add3A_29] : memref<320000xi32, #tpu.memory_space<hbm>> -> memref<80xi32, #tpu.memory_space<hbm>>
    %dma_start3A_31 = tpu.memref_slice %arg3[%add3A_29] : memref<320000xi32, #tpu.memory_space<hbm>> -> memref<80xi32, #tpu.memory_space<hbm>>
    tpu.enqueue_dma source(%dma_start3A_31 : memref<80xi32, #tpu.memory_space<hbm>>) target(%arg10 : memref<80xi32, #tpu.memory_space<vmem>>) target_semaphore(%arg43 : memref<!tpu.dma_semaphore, #tpu.memory_space<semaphore_mem>>)
    %add3A_32 = arith.constant 240 : i32
    %add3A_33 = arith.addi %mul3A_2, %add3A_32 : i32
    %dma_start3A_34 = tpu.memref_slice %arg4[%add3A_33] : memref<320000xi32, #tpu.memory_space<hbm>> -> memref<80xi32, #tpu.memory_space<hbm>>
    %dma_start3A_35 = tpu.memref_slice %arg4[%add3A_33] : memref<320000xi32, #tpu.memory_space<hbm>> -> memref<80xi32, #tpu.memory_space<hbm>>
    tpu.enqueue_dma source(%dma_start3A_35 : memref<80xi32, #tpu.memory_space<hbm>>) target(%arg18 : memref<80xi32, #tpu.memory_space<vmem>>) target_semaphore(%arg35 : memref<!tpu.dma_semaphore, #tpu.memory_space<semaphore_mem>>)
    %add3A_36 = arith.constant 320 : i32
    %add3A_37 = arith.addi %mul3A_2, %add3A_36 : i32
    %dma_start3A_38 = tpu.memref_slice %arg3[%add3A_37] : memref<320000xi32, #tpu.memory_space<hbm>> -> memref<80xi32, #tpu.memory_space<hbm>>
    %dma_start3A_39 = tpu.memref_slice %arg3[%add3A_37] : memref<320000xi32, #tpu.memory_space<hbm>> -> memref<80xi32, #tpu.memory_space<hbm>>
    tpu.enqueue_dma source(%dma_start3A_39 : memref<80xi32, #tpu.memory_space<hbm>>) target(%arg11 : memref<80xi32, #tpu.memory_space<vmem>>) target_semaphore(%arg44 : memref<!tpu.dma_semaphore, #tpu.memory_space<semaphore_mem>>)
    %add3A_40 = arith.constant 320 : i32
    %add3A_41 = arith.addi %mul3A_2, %add3A_40 : i32
    %dma_start3A_42 = tpu.memref_slice %arg4[%add3A_41] : memref<320000xi32, #tpu.memory_space<hbm>> -> memref<80xi32, #tpu.memory_space<hbm>>
    %dma_start3A_43 = tpu.memref_slice %arg4[%add3A_41] : memref<320000xi32, #tpu.memory_space<hbm>> -> memref<80xi32, #tpu.memory_space<hbm>>
    tpu.enqueue_dma source(%dma_start3A_43 : memref<80xi32, #tpu.memory_space<hbm>>) target(%arg19 : memref<80xi32, #tpu.memory_space<vmem>>) target_semaphore(%arg36 : memref<!tpu.dma_semaphore, #tpu.memory_space<semaphore_mem>>)
    %add3A_44 = arith.constant 400 : i32
    %add3A_45 = arith.addi %mul3A_2, %add3A_44 : i32
    %dma_start3A_46 = tpu.memref_slice %arg3[%add3A_45] : memref<320000xi32, #tpu.memory_space<hbm>> -> memref<80xi32, #tpu.memory_space<hbm>>
    %dma_start3A_47 = tpu.memref_slice %arg3[%add3A_45] : memref<320000xi32, #tpu.memory_space<hbm>> -> memref<80xi32, #tpu.memory_space<hbm>>
    tpu.enqueue_dma source(%dma_start3A_47 : memref<80xi32, #tpu.memory_space<hbm>>) target(%arg12 : memref<80xi32, #tpu.memory_space<vmem>>) target_semaphore(%arg45 : memref<!tpu.dma_semaphore, #tpu.memory_space<semaphore_mem>>)
    %add3A_48 = arith.constant 400 : i32
    %add3A_49 = arith.addi %mul3A_2, %add3A_48 : i32
    %dma_start3A_50 = tpu.memref_slice %arg4[%add3A_49] : memref<320000xi32, #tpu.memory_space<hbm>> -> memref<80xi32, #tpu.memory_space<hbm>>
    %dma_start3A_51 = tpu.memref_slice %arg4[%add3A_49] : memref<320000xi32, #tpu.memory_space<hbm>> -> memref<80xi32, #tpu.memory_space<hbm>>
    tpu.enqueue_dma source(%dma_start3A_51 : memref<80xi32, #tpu.memory_space<hbm>>) target(%arg20 : memref<80xi32, #tpu.memory_space<vmem>>) target_semaphore(%arg37 : memref<!tpu.dma_semaphore, #tpu.memory_space<semaphore_mem>>)
    %add3A_52 = arith.constant 480 : i32
    %add3A_53 = arith.addi %mul3A_2, %add3A_52 : i32
    %dma_start3A_54 = tpu.memref_slice %arg3[%add3A_53] : memref<320000xi32, #tpu.memory_space<hbm>> -> memref<80xi32, #tpu.memory_space<hbm>>
    %dma_start3A_55 = tpu.memref_slice %arg3[%add3A_53] : memref<320000xi32, #tpu.memory_space<hbm>> -> memref<80xi32, #tpu.memory_space<hbm>>
    tpu.enqueue_dma source(%dma_start3A_55 : memref<80xi32, #tpu.memory_space<hbm>>) target(%arg13 : memref<80xi32, #tpu.memory_space<vmem>>) target_semaphore(%arg46 : memref<!tpu.dma_semaphore, #tpu.memory_space<semaphore_mem>>)
    %add3A_56 = arith.constant 480 : i32
    %add3A_57 = arith.addi %mul3A_2, %add3A_56 : i32
    %dma_start3A_58 = tpu.memref_slice %arg4[%add3A_57] : memref<320000xi32, #tpu.memory_space<hbm>> -> memref<80xi32, #tpu.memory_space<hbm>>
    %dma_start3A_59 = tpu.memref_slice %arg4[%add3A_57] : memref<320000xi32, #tpu.memory_space<hbm>> -> memref<80xi32, #tpu.memory_space<hbm>>
    tpu.enqueue_dma source(%dma_start3A_59 : memref<80xi32, #tpu.memory_space<hbm>>) target(%arg21 : memref<80xi32, #tpu.memory_space<vmem>>) target_semaphore(%arg38 : memref<!tpu.dma_semaphore, #tpu.memory_space<semaphore_mem>>)
    %dma_wait3A = arith.constant 0 : i32
    %dma_wait3A_60 = tpu.memref_slice %arg3[%dma_wait3A] : memref<320000xi32, #tpu.memory_space<hbm>> -> memref<80xi32, #tpu.memory_space<hbm>>
    %dma_wait3A_61 = arith.constant 0 : i32
    %dma_wait3A_62 = tpu.memref_slice %arg3[%dma_wait3A_61] : memref<320000xi32, #tpu.memory_space<hbm>> -> memref<80xi32, #tpu.memory_space<hbm>>
    tpu.wait_dma2 semaphore(%arg40 : memref<!tpu.dma_semaphore, #tpu.memory_space<semaphore_mem>>) src(%dma_wait3A_62 : memref<80xi32, #tpu.memory_space<hbm>>) dst(%arg7 : memref<80xi32, #tpu.memory_space<vmem>>)
    %dma_start3A_63 = arith.constant 0 : i32
    %dma_start3A_64 = tpu.memref_slice %arg7[%dma_start3A_63] : memref<80xi32, #tpu.memory_space<vmem>> -> memref<80xi32, #tpu.memory_space<vmem>>
    %dma_start3A_65 = arith.constant 0 : i32
    %dma_start3A_66 = arith.constant 0 : i32
    %dma_start3A_67 = tpu.memref_slice %arg2[%dma_start3A_65, %dma_start3A_66] : memref<10000x128xf32, #tpu.memory_space<hbm>> -> memref<10000x128xf32, #tpu.memory_space<hbm>>
    tpu.enqueue_indirect_dma source(%dma_start3A_67 : memref<10000x128xf32, #tpu.memory_space<hbm>>) target(%arg23 : memref<80x128xf32, #tpu.memory_space<vmem>>) offsets(%dma_start3A_64 : memref<80xi32, #tpu.memory_space<vmem>>) semaphore(%arg28 : memref<!tpu.dma_semaphore, #tpu.memory_space<semaphore_mem>>)
    %dma_wait3A_68 = arith.constant 0 : i32
    %dma_wait3A_69 = tpu.memref_slice %arg3[%dma_wait3A_68] : memref<320000xi32, #tpu.memory_space<hbm>> -> memref<80xi32, #tpu.memory_space<hbm>>
    %dma_wait3A_70 = arith.constant 0 : i32
    %dma_wait3A_71 = tpu.memref_slice %arg3[%dma_wait3A_70] : memref<320000xi32, #tpu.memory_space<hbm>> -> memref<80xi32, #tpu.memory_space<hbm>>
    tpu.wait_dma2 semaphore(%arg41 : memref<!tpu.dma_semaphore, #tpu.memory_space<semaphore_mem>>) src(%dma_wait3A_71 : memref<80xi32, #tpu.memory_space<hbm>>) dst(%arg8 : memref<80xi32, #tpu.memory_space<vmem>>)
    %dma_start3A_72 = arith.constant 0 : i32
    %dma_start3A_73 = tpu.memref_slice %arg8[%dma_start3A_72] : memref<80xi32, #tpu.memory_space<vmem>> -> memref<80xi32, #tpu.memory_space<vmem>>
    %dma_start3A_74 = arith.constant 0 : i32
    %dma_start3A_75 = arith.constant 0 : i32
    %dma_start3A_76 = tpu.memref_slice %arg2[%dma_start3A_74, %dma_start3A_75] : memref<10000x128xf32, #tpu.memory_space<hbm>> -> memref<10000x128xf32, #tpu.memory_space<hbm>>
    tpu.enqueue_indirect_dma source(%dma_start3A_76 : memref<10000x128xf32, #tpu.memory_space<hbm>>) target(%arg24 : memref<80x128xf32, #tpu.memory_space<vmem>>) offsets(%dma_start3A_73 : memref<80xi32, #tpu.memory_space<vmem>>) semaphore(%arg29 : memref<!tpu.dma_semaphore, #tpu.memory_space<semaphore_mem>>)
    %dma_wait3A_77 = arith.constant 0 : i32
    %dma_wait3A_78 = tpu.memref_slice %arg3[%dma_wait3A_77] : memref<320000xi32, #tpu.memory_space<hbm>> -> memref<80xi32, #tpu.memory_space<hbm>>
    %dma_wait3A_79 = arith.constant 0 : i32
    %dma_wait3A_80 = tpu.memref_slice %arg3[%dma_wait3A_79] : memref<320000xi32, #tpu.memory_space<hbm>> -> memref<80xi32, #tpu.memory_space<hbm>>
    tpu.wait_dma2 semaphore(%arg42 : memref<!tpu.dma_semaphore, #tpu.memory_space<semaphore_mem>>) src(%dma_wait3A_80 : memref<80xi32, #tpu.memory_space<hbm>>) dst(%arg9 : memref<80xi32, #tpu.memory_space<vmem>>)
    %dma_start3A_81 = arith.constant 0 : i32
    %dma_start3A_82 = tpu.memref_slice %arg9[%dma_start3A_81] : memref<80xi32, #tpu.memory_space<vmem>> -> memref<80xi32, #tpu.memory_space<vmem>>
    %dma_start3A_83 = arith.constant 0 : i32
    %dma_start3A_84 = arith.constant 0 : i32
    %dma_start3A_85 = tpu.memref_slice %arg2[%dma_start3A_83, %dma_start3A_84] : memref<10000x128xf32, #tpu.memory_space<hbm>> -> memref<10000x128xf32, #tpu.memory_space<hbm>>
    tpu.enqueue_indirect_dma source(%dma_start3A_85 : memref<10000x128xf32, #tpu.memory_space<hbm>>) target(%arg25 : memref<80x128xf32, #tpu.memory_space<vmem>>) offsets(%dma_start3A_82 : memref<80xi32, #tpu.memory_space<vmem>>) semaphore(%arg30 : memref<!tpu.dma_semaphore, #tpu.memory_space<semaphore_mem>>)
    %scan3A = arith.constant 0 : i32
    %scan3A_86 = arith.constant 0 : i32
    %scan3A_87 = arith.constant 15 : i32
    %scan3A_88 = arith.addi %scan3A_86, %scan3A_87 : i32
    %scan3A_89 = arith.constant 1 : i32
    scf.for %scan3A_194 = %scan3A_86 to %scan3A_88 step %scan3A_89  : i32 {
      %mul3A_195 = arith.constant 8 : i32
      %mul3A_196 = arith.muli %mul3A_195, %scan3A_194 : i32
      %add3A_197 = arith.constant 0 : i32
      %add3A_198 = arith.addi %mul3A_196, %add3A_197 : i32
      %dma_wait3A_199 = arith.constant 0 : i32
      %dma_wait3A_200 = arith.constant 0 : i32
      %dma_wait3A_201 = tpu.memref_slice %arg2[%dma_wait3A_199, %dma_wait3A_200] : memref<10000x128xf32, #tpu.memory_space<hbm>> -> memref<80x128xf32, #tpu.memory_space<hbm>>
      %dma_wait3A_202 = arith.constant 0 : i32
      %dma_wait3A_203 = arith.constant 0 : i32
      %dma_wait3A_204 = tpu.memref_slice %arg2[%dma_wait3A_202, %dma_wait3A_203] : memref<10000x128xf32, #tpu.memory_space<hbm>> -> memref<80x128xf32, #tpu.memory_space<hbm>>
      tpu.wait_dma2 semaphore(%arg28 : memref<!tpu.dma_semaphore, #tpu.memory_space<semaphore_mem>>) src(%dma_wait3A_204 : memref<80x128xf32, #tpu.memory_space<hbm>>) dst(%arg23 : memref<80x128xf32, #tpu.memory_space<vmem>>)
      %dma_wait3A_205 = arith.constant 0 : i32
      %dma_wait3A_206 = tpu.memref_slice %arg4[%dma_wait3A_205] : memref<320000xi32, #tpu.memory_space<hbm>> -> memref<80xi32, #tpu.memory_space<hbm>>
      %dma_wait3A_207 = arith.constant 0 : i32
      %dma_wait3A_208 = tpu.memref_slice %arg4[%dma_wait3A_207] : memref<320000xi32, #tpu.memory_space<hbm>> -> memref<80xi32, #tpu.memory_space<hbm>>
      tpu.wait_dma2 semaphore(%arg32 : memref<!tpu.dma_semaphore, #tpu.memory_space<semaphore_mem>>) src(%dma_wait3A_208 : memref<80xi32, #tpu.memory_space<hbm>>) dst(%arg15 : memref<80xi32, #tpu.memory_space<vmem>>)
      %dma_start3A_209 = arith.constant 0 : i32
      %dma_start3A_210 = arith.constant 0 : i32
      %dma_start3A_211 = tpu.memref_slice %arg27[%dma_start3A_209, %dma_start3A_210] : memref<10240x128xf32, #tpu.memory_space<vmem_shared>> -> memref<10240x128xf32, #tpu.memory_space<vmem_shared>>
      tpu.enqueue_indirect_dma source(%arg23 : memref<80x128xf32, #tpu.memory_space<vmem>>) target(%dma_start3A_211 : memref<10240x128xf32, #tpu.memory_space<vmem_shared>>) offsets(%arg15 : memref<80xi32, #tpu.memory_space<vmem>>) semaphore(%arg48 : memref<!tpu.dma_semaphore, #tpu.memory_space<semaphore_mem>>) {add = true}
      %add3A_212 = arith.constant 8 : i32
      %add3A_213 = arith.addi %add3A_198, %add3A_212 : i32
      %sub3A = arith.constant 1 : i32
      %sub3A_214 = arith.subi %add3A_213, %sub3A : i32
      %lt3A = arith.constant 125 : i32
      %lt3A_215 = arith.cmpi slt, %sub3A_214, %lt3A : i32
      %convert_element_type3A = arith.extui %lt3A_215 : i1 to i32
      %cond3A = arith.constant 0 : i32
      %cond3A_216 = arith.cmpi ne, %convert_element_type3A, %cond3A : i32
      scf.if %cond3A_216 {
        %add3A_495 = arith.constant 8 : i32
        %add3A_496 = arith.addi %add3A_198, %add3A_495 : i32
        %sub3A_497 = arith.constant 1 : i32
        %sub3A_498 = arith.subi %add3A_496, %sub3A_497 : i32
        %mul3A_499 = arith.constant 80 : i32
        %mul3A_500 = arith.muli %sub3A_498, %mul3A_499 : i32
        %add3A_501 = arith.addi %mul3A_2, %mul3A_500 : i32
        %dma_start3A_502 = tpu.memref_slice %arg3[%add3A_501] : memref<320000xi32, #tpu.memory_space<hbm>> -> memref<80xi32, #tpu.memory_space<hbm>>
        %dma_start3A_503 = tpu.memref_slice %arg3[%add3A_501] : memref<320000xi32, #tpu.memory_space<hbm>> -> memref<80xi32, #tpu.memory_space<hbm>>
        tpu.enqueue_dma source(%dma_start3A_503 : memref<80xi32, #tpu.memory_space<hbm>>) target(%arg14 : memref<80xi32, #tpu.memory_space<vmem>>) target_semaphore(%arg47 : memref<!tpu.dma_semaphore, #tpu.memory_space<semaphore_mem>>)
        %mul3A_504 = arith.constant 80 : i32
        %mul3A_505 = arith.muli %sub3A_498, %mul3A_504 : i32
        %add3A_506 = arith.addi %mul3A_2, %mul3A_505 : i32
        %dma_start3A_507 = tpu.memref_slice %arg4[%add3A_506] : memref<320000xi32, #tpu.memory_space<hbm>> -> memref<80xi32, #tpu.memory_space<hbm>>
        %dma_start3A_508 = tpu.memref_slice %arg4[%add3A_506] : memref<320000xi32, #tpu.memory_space<hbm>> -> memref<80xi32, #tpu.memory_space<hbm>>
        tpu.enqueue_dma source(%dma_start3A_508 : memref<80xi32, #tpu.memory_space<hbm>>) target(%arg22 : memref<80xi32, #tpu.memory_space<vmem>>) target_semaphore(%arg39 : memref<!tpu.dma_semaphore, #tpu.memory_space<semaphore_mem>>)
      } else {
      }
      %add3A_217 = arith.constant 4 : i32
      %add3A_218 = arith.addi %add3A_198, %add3A_217 : i32
      %sub3A_219 = arith.constant 1 : i32
      %sub3A_220 = arith.subi %add3A_218, %sub3A_219 : i32
      %lt3A_221 = arith.constant 125 : i32
      %lt3A_222 = arith.cmpi slt, %sub3A_220, %lt3A_221 : i32
      %convert_element_type3A_223 = arith.extui %lt3A_222 : i1 to i32
      %cond3A_224 = arith.constant 0 : i32
      %cond3A_225 = arith.cmpi ne, %convert_element_type3A_223, %cond3A_224 : i32
      scf.if %cond3A_225 {
        %add3A_495 = arith.constant 4 : i32
        %add3A_496 = arith.addi %add3A_198, %add3A_495 : i32
        %sub3A_497 = arith.constant 1 : i32
        %sub3A_498 = arith.subi %add3A_496, %sub3A_497 : i32
        %dma_wait3A_499 = arith.constant 0 : i32
        %dma_wait3A_500 = tpu.memref_slice %arg3[%dma_wait3A_499] : memref<320000xi32, #tpu.memory_space<hbm>> -> memref<80xi32, #tpu.memory_space<hbm>>
        %dma_wait3A_501 = arith.constant 0 : i32
        %dma_wait3A_502 = tpu.memref_slice %arg3[%dma_wait3A_501] : memref<320000xi32, #tpu.memory_space<hbm>> -> memref<80xi32, #tpu.memory_space<hbm>>
        tpu.wait_dma2 semaphore(%arg43 : memref<!tpu.dma_semaphore, #tpu.memory_space<semaphore_mem>>) src(%dma_wait3A_502 : memref<80xi32, #tpu.memory_space<hbm>>) dst(%arg10 : memref<80xi32, #tpu.memory_space<vmem>>)
        %dma_start3A_503 = arith.constant 0 : i32
        %dma_start3A_504 = tpu.memref_slice %arg10[%dma_start3A_503] : memref<80xi32, #tpu.memory_space<vmem>> -> memref<80xi32, #tpu.memory_space<vmem>>
        %dma_start3A_505 = arith.constant 0 : i32
        %dma_start3A_506 = arith.constant 0 : i32
        %dma_start3A_507 = tpu.memref_slice %arg2[%dma_start3A_505, %dma_start3A_506] : memref<10000x128xf32, #tpu.memory_space<hbm>> -> memref<10000x128xf32, #tpu.memory_space<hbm>>
        tpu.enqueue_indirect_dma source(%dma_start3A_507 : memref<10000x128xf32, #tpu.memory_space<hbm>>) target(%arg26 : memref<80x128xf32, #tpu.memory_space<vmem>>) offsets(%dma_start3A_504 : memref<80xi32, #tpu.memory_space<vmem>>) semaphore(%arg31 : memref<!tpu.dma_semaphore, #tpu.memory_space<semaphore_mem>>)
      } else {
      }
      %mul3A_226 = arith.constant 8 : i32
      %mul3A_227 = arith.muli %mul3A_226, %scan3A_194 : i32
      %add3A_228 = arith.constant 1 : i32
      %add3A_229 = arith.addi %mul3A_227, %add3A_228 : i32
      %dma_wait3A_230 = arith.constant 0 : i32
      %dma_wait3A_231 = arith.constant 0 : i32
      %dma_wait3A_232 = tpu.memref_slice %arg2[%dma_wait3A_230, %dma_wait3A_231] : memref<10000x128xf32, #tpu.memory_space<hbm>> -> memref<80x128xf32, #tpu.memory_space<hbm>>
      %dma_wait3A_233 = arith.constant 0 : i32
      %dma_wait3A_234 = arith.constant 0 : i32
      %dma_wait3A_235 = tpu.memref_slice %arg2[%dma_wait3A_233, %dma_wait3A_234] : memref<10000x128xf32, #tpu.memory_space<hbm>> -> memref<80x128xf32, #tpu.memory_space<hbm>>
      tpu.wait_dma2 semaphore(%arg29 : memref<!tpu.dma_semaphore, #tpu.memory_space<semaphore_mem>>) src(%dma_wait3A_235 : memref<80x128xf32, #tpu.memory_space<hbm>>) dst(%arg24 : memref<80x128xf32, #tpu.memory_space<vmem>>)
      %dma_wait3A_236 = arith.constant 0 : i32
      %dma_wait3A_237 = tpu.memref_slice %arg4[%dma_wait3A_236] : memref<320000xi32, #tpu.memory_space<hbm>> -> memref<80xi32, #tpu.memory_space<hbm>>
      %dma_wait3A_238 = arith.constant 0 : i32
      %dma_wait3A_239 = tpu.memref_slice %arg4[%dma_wait3A_238] : memref<320000xi32, #tpu.memory_space<hbm>> -> memref<80xi32, #tpu.memory_space<hbm>>
      tpu.wait_dma2 semaphore(%arg33 : memref<!tpu.dma_semaphore, #tpu.memory_space<semaphore_mem>>) src(%dma_wait3A_239 : memref<80xi32, #tpu.memory_space<hbm>>) dst(%arg16 : memref<80xi32, #tpu.memory_space<vmem>>)
      %dma_wait3A_240 = arith.constant 0 : i32
      %dma_wait3A_241 = arith.constant 0 : i32
      %dma_wait3A_242 = tpu.memref_slice %arg27[%dma_wait3A_240, %dma_wait3A_241] : memref<10240x128xf32, #tpu.memory_space<vmem_shared>> -> memref<10240x128xf32, #tpu.memory_space<vmem_shared>>
      tpu.wait_indirect_dma semaphore(%arg48 : memref<!tpu.dma_semaphore, #tpu.memory_space<semaphore_mem>>) src(%arg23 : memref<80x128xf32, #tpu.memory_space<vmem>>) dst(%dma_wait3A_242 : memref<10240x128xf32, #tpu.memory_space<vmem_shared>>)
      %dma_start3A_243 = arith.constant 0 : i32
      %dma_start3A_244 = arith.constant 0 : i32
      %dma_start3A_245 = tpu.memref_slice %arg27[%dma_start3A_243, %dma_start3A_244] : memref<10240x128xf32, #tpu.memory_space<vmem_shared>> -> memref<10240x128xf32, #tpu.memory_space<vmem_shared>>
      tpu.enqueue_indirect_dma source(%arg24 : memref<80x128xf32, #tpu.memory_space<vmem>>) target(%dma_start3A_245 : memref<10240x128xf32, #tpu.memory_space<vmem_shared>>) offsets(%arg16 : memref<80xi32, #tpu.memory_space<vmem>>) semaphore(%arg49 : memref<!tpu.dma_semaphore, #tpu.memory_space<semaphore_mem>>) {add = true}
      %add3A_246 = arith.constant 8 : i32
      %add3A_247 = arith.addi %add3A_229, %add3A_246 : i32
      %sub3A_248 = arith.constant 1 : i32
      %sub3A_249 = arith.subi %add3A_247, %sub3A_248 : i32
      %lt3A_250 = arith.constant 125 : i32
      %lt3A_251 = arith.cmpi slt, %sub3A_249, %lt3A_250 : i32
      %convert_element_type3A_252 = arith.extui %lt3A_251 : i1 to i32
      %cond3A_253 = arith.constant 0 : i32
      %cond3A_254 = arith.cmpi ne, %convert_element_type3A_252, %cond3A_253 : i32
      scf.if %cond3A_254 {
        %add3A_495 = arith.constant 8 : i32
        %add3A_496 = arith.addi %add3A_229, %add3A_495 : i32
        %sub3A_497 = arith.constant 1 : i32
        %sub3A_498 = arith.subi %add3A_496, %sub3A_497 : i32
        %mul3A_499 = arith.constant 80 : i32
        %mul3A_500 = arith.muli %sub3A_498, %mul3A_499 : i32
        %add3A_501 = arith.addi %mul3A_2, %mul3A_500 : i32
        %dma_start3A_502 = tpu.memref_slice %arg3[%add3A_501] : memref<320000xi32, #tpu.memory_space<hbm>> -> memref<80xi32, #tpu.memory_space<hbm>>
        %dma_start3A_503 = tpu.memref_slice %arg3[%add3A_501] : memref<320000xi32, #tpu.memory_space<hbm>> -> memref<80xi32, #tpu.memory_space<hbm>>
        tpu.enqueue_dma source(%dma_start3A_503 : memref<80xi32, #tpu.memory_space<hbm>>) target(%arg7 : memref<80xi32, #tpu.memory_space<vmem>>) target_semaphore(%arg40 : memref<!tpu.dma_semaphore, #tpu.memory_space<semaphore_mem>>)
        %mul3A_504 = arith.constant 80 : i32
        %mul3A_505 = arith.muli %sub3A_498, %mul3A_504 : i32
        %add3A_506 = arith.addi %mul3A_2, %mul3A_505 : i32
        %dma_start3A_507 = tpu.memref_slice %arg4[%add3A_506] : memref<320000xi32, #tpu.memory_space<hbm>> -> memref<80xi32, #tpu.memory_space<hbm>>
        %dma_start3A_508 = tpu.memref_slice %arg4[%add3A_506] : memref<320000xi32, #tpu.memory_space<hbm>> -> memref<80xi32, #tpu.memory_space<hbm>>
        tpu.enqueue_dma source(%dma_start3A_508 : memref<80xi32, #tpu.memory_space<hbm>>) target(%arg15 : memref<80xi32, #tpu.memory_space<vmem>>) target_semaphore(%arg32 : memref<!tpu.dma_semaphore, #tpu.memory_space<semaphore_mem>>)
      } else {
      }
      %add3A_255 = arith.constant 4 : i32
      %add3A_256 = arith.addi %add3A_229, %add3A_255 : i32
      %sub3A_257 = arith.constant 1 : i32
      %sub3A_258 = arith.subi %add3A_256, %sub3A_257 : i32
      %lt3A_259 = arith.constant 125 : i32
      %lt3A_260 = arith.cmpi slt, %sub3A_258, %lt3A_259 : i32
      %convert_element_type3A_261 = arith.extui %lt3A_260 : i1 to i32
      %cond3A_262 = arith.constant 0 : i32
      %cond3A_263 = arith.cmpi ne, %convert_element_type3A_261, %cond3A_262 : i32
      scf.if %cond3A_263 {
        %add3A_495 = arith.constant 4 : i32
        %add3A_496 = arith.addi %add3A_229, %add3A_495 : i32
        %sub3A_497 = arith.constant 1 : i32
        %sub3A_498 = arith.subi %add3A_496, %sub3A_497 : i32
        %dma_wait3A_499 = arith.constant 0 : i32
        %dma_wait3A_500 = tpu.memref_slice %arg3[%dma_wait3A_499] : memref<320000xi32, #tpu.memory_space<hbm>> -> memref<80xi32, #tpu.memory_space<hbm>>
        %dma_wait3A_501 = arith.constant 0 : i32
        %dma_wait3A_502 = tpu.memref_slice %arg3[%dma_wait3A_501] : memref<320000xi32, #tpu.memory_space<hbm>> -> memref<80xi32, #tpu.memory_space<hbm>>
        tpu.wait_dma2 semaphore(%arg44 : memref<!tpu.dma_semaphore, #tpu.memory_space<semaphore_mem>>) src(%dma_wait3A_502 : memref<80xi32, #tpu.memory_space<hbm>>) dst(%arg11 : memref<80xi32, #tpu.memory_space<vmem>>)
        %dma_start3A_503 = arith.constant 0 : i32
        %dma_start3A_504 = tpu.memref_slice %arg11[%dma_start3A_503] : memref<80xi32, #tpu.memory_space<vmem>> -> memref<80xi32, #tpu.memory_space<vmem>>
        %dma_start3A_505 = arith.constant 0 : i32
        %dma_start3A_506 = arith.constant 0 : i32
        %dma_start3A_507 = tpu.memref_slice %arg2[%dma_start3A_505, %dma_start3A_506] : memref<10000x128xf32, #tpu.memory_space<hbm>> -> memref<10000x128xf32, #tpu.memory_space<hbm>>
        tpu.enqueue_indirect_dma source(%dma_start3A_507 : memref<10000x128xf32, #tpu.memory_space<hbm>>) target(%arg23 : memref<80x128xf32, #tpu.memory_space<vmem>>) offsets(%dma_start3A_504 : memref<80xi32, #tpu.memory_space<vmem>>) semaphore(%arg28 : memref<!tpu.dma_semaphore, #tpu.memory_space<semaphore_mem>>)
      } else {
      }
      %mul3A_264 = arith.constant 8 : i32
      %mul3A_265 = arith.muli %mul3A_264, %scan3A_194 : i32
      %add3A_266 = arith.constant 2 : i32
      %add3A_267 = arith.addi %mul3A_265, %add3A_266 : i32
      %dma_wait3A_268 = arith.constant 0 : i32
      %dma_wait3A_269 = arith.constant 0 : i32
      %dma_wait3A_270 = tpu.memref_slice %arg2[%dma_wait3A_268, %dma_wait3A_269] : memref<10000x128xf32, #tpu.memory_space<hbm>> -> memref<80x128xf32, #tpu.memory_space<hbm>>
      %dma_wait3A_271 = arith.constant 0 : i32
      %dma_wait3A_272 = arith.constant 0 : i32
      %dma_wait3A_273 = tpu.memref_slice %arg2[%dma_wait3A_271, %dma_wait3A_272] : memref<10000x128xf32, #tpu.memory_space<hbm>> -> memref<80x128xf32, #tpu.memory_space<hbm>>
      tpu.wait_dma2 semaphore(%arg30 : memref<!tpu.dma_semaphore, #tpu.memory_space<semaphore_mem>>) src(%dma_wait3A_273 : memref<80x128xf32, #tpu.memory_space<hbm>>) dst(%arg25 : memref<80x128xf32, #tpu.memory_space<vmem>>)
      %dma_wait3A_274 = arith.constant 0 : i32
      %dma_wait3A_275 = tpu.memref_slice %arg4[%dma_wait3A_274] : memref<320000xi32, #tpu.memory_space<hbm>> -> memref<80xi32, #tpu.memory_space<hbm>>
      %dma_wait3A_276 = arith.constant 0 : i32
      %dma_wait3A_277 = tpu.memref_slice %arg4[%dma_wait3A_276] : memref<320000xi32, #tpu.memory_space<hbm>> -> memref<80xi32, #tpu.memory_space<hbm>>
      tpu.wait_dma2 semaphore(%arg34 : memref<!tpu.dma_semaphore, #tpu.memory_space<semaphore_mem>>) src(%dma_wait3A_277 : memref<80xi32, #tpu.memory_space<hbm>>) dst(%arg17 : memref<80xi32, #tpu.memory_space<vmem>>)
      %dma_wait3A_278 = arith.constant 0 : i32
      %dma_wait3A_279 = arith.constant 0 : i32
      %dma_wait3A_280 = tpu.memref_slice %arg27[%dma_wait3A_278, %dma_wait3A_279] : memref<10240x128xf32, #tpu.memory_space<vmem_shared>> -> memref<10240x128xf32, #tpu.memory_space<vmem_shared>>
      tpu.wait_indirect_dma semaphore(%arg49 : memref<!tpu.dma_semaphore, #tpu.memory_space<semaphore_mem>>) src(%arg24 : memref<80x128xf32, #tpu.memory_space<vmem>>) dst(%dma_wait3A_280 : memref<10240x128xf32, #tpu.memory_space<vmem_shared>>)
      %dma_start3A_281 = arith.constant 0 : i32
      %dma_start3A_282 = arith.constant 0 : i32
      %dma_start3A_283 = tpu.memref_slice %arg27[%dma_start3A_281, %dma_start3A_282] : memref<10240x128xf32, #tpu.memory_space<vmem_shared>> -> memref<10240x128xf32, #tpu.memory_space<vmem_shared>>
      tpu.enqueue_indirect_dma source(%arg25 : memref<80x128xf32, #tpu.memory_space<vmem>>) target(%dma_start3A_283 : memref<10240x128xf32, #tpu.memory_space<vmem_shared>>) offsets(%arg17 : memref<80xi32, #tpu.memory_space<vmem>>) semaphore(%arg48 : memref<!tpu.dma_semaphore, #tpu.memory_space<semaphore_mem>>) {add = true}
      %add3A_284 = arith.constant 8 : i32
      %add3A_285 = arith.addi %add3A_267, %add3A_284 : i32
      %sub3A_286 = arith.constant 1 : i32
      %sub3A_287 = arith.subi %add3A_285, %sub3A_286 : i32
      %lt3A_288 = arith.constant 125 : i32
      %lt3A_289 = arith.cmpi slt, %sub3A_287, %lt3A_288 : i32
      %convert_element_type3A_290 = arith.extui %lt3A_289 : i1 to i32
      %cond3A_291 = arith.constant 0 : i32
      %cond3A_292 = arith.cmpi ne, %convert_element_type3A_290, %cond3A_291 : i32
      scf.if %cond3A_292 {
        %add3A_495 = arith.constant 8 : i32
        %add3A_496 = arith.addi %add3A_267, %add3A_495 : i32
        %sub3A_497 = arith.constant 1 : i32
        %sub3A_498 = arith.subi %add3A_496, %sub3A_497 : i32
        %mul3A_499 = arith.constant 80 : i32
        %mul3A_500 = arith.muli %sub3A_498, %mul3A_499 : i32
        %add3A_501 = arith.addi %mul3A_2, %mul3A_500 : i32
        %dma_start3A_502 = tpu.memref_slice %arg3[%add3A_501] : memref<320000xi32, #tpu.memory_space<hbm>> -> memref<80xi32, #tpu.memory_space<hbm>>
        %dma_start3A_503 = tpu.memref_slice %arg3[%add3A_501] : memref<320000xi32, #tpu.memory_space<hbm>> -> memref<80xi32, #tpu.memory_space<hbm>>
        tpu.enqueue_dma source(%dma_start3A_503 : memref<80xi32, #tpu.memory_space<hbm>>) target(%arg8 : memref<80xi32, #tpu.memory_space<vmem>>) target_semaphore(%arg41 : memref<!tpu.dma_semaphore, #tpu.memory_space<semaphore_mem>>)
        %mul3A_504 = arith.constant 80 : i32
        %mul3A_505 = arith.muli %sub3A_498, %mul3A_504 : i32
        %add3A_506 = arith.addi %mul3A_2, %mul3A_505 : i32
        %dma_start3A_507 = tpu.memref_slice %arg4[%add3A_506] : memref<320000xi32, #tpu.memory_space<hbm>> -> memref<80xi32, #tpu.memory_space<hbm>>
        %dma_start3A_508 = tpu.memref_slice %arg4[%add3A_506] : memref<320000xi32, #tpu.memory_space<hbm>> -> memref<80xi32, #tpu.memory_space<hbm>>
        tpu.enqueue_dma source(%dma_start3A_508 : memref<80xi32, #tpu.memory_space<hbm>>) target(%arg16 : memref<80xi32, #tpu.memory_space<vmem>>) target_semaphore(%arg33 : memref<!tpu.dma_semaphore, #tpu.memory_space<semaphore_mem>>)
      } else {
      }
      %add3A_293 = arith.constant 4 : i32
      %add3A_294 = arith.addi %add3A_267, %add3A_293 : i32
      %sub3A_295 = arith.constant 1 : i32
      %sub3A_296 = arith.subi %add3A_294, %sub3A_295 : i32
      %lt3A_297 = arith.constant 125 : i32
      %lt3A_298 = arith.cmpi slt, %sub3A_296, %lt3A_297 : i32
      %convert_element_type3A_299 = arith.extui %lt3A_298 : i1 to i32
      %cond3A_300 = arith.constant 0 : i32
      %cond3A_301 = arith.cmpi ne, %convert_element_type3A_299, %cond3A_300 : i32
      scf.if %cond3A_301 {
        %add3A_495 = arith.constant 4 : i32
        %add3A_496 = arith.addi %add3A_267, %add3A_495 : i32
        %sub3A_497 = arith.constant 1 : i32
        %sub3A_498 = arith.subi %add3A_496, %sub3A_497 : i32
        %dma_wait3A_499 = arith.constant 0 : i32
        %dma_wait3A_500 = tpu.memref_slice %arg3[%dma_wait3A_499] : memref<320000xi32, #tpu.memory_space<hbm>> -> memref<80xi32, #tpu.memory_space<hbm>>
        %dma_wait3A_501 = arith.constant 0 : i32
        %dma_wait3A_502 = tpu.memref_slice %arg3[%dma_wait3A_501] : memref<320000xi32, #tpu.memory_space<hbm>> -> memref<80xi32, #tpu.memory_space<hbm>>
        tpu.wait_dma2 semaphore(%arg45 : memref<!tpu.dma_semaphore, #tpu.memory_space<semaphore_mem>>) src(%dma_wait3A_502 : memref<80xi32, #tpu.memory_space<hbm>>) dst(%arg12 : memref<80xi32, #tpu.memory_space<vmem>>)
        %dma_start3A_503 = arith.constant 0 : i32
        %dma_start3A_504 = tpu.memref_slice %arg12[%dma_start3A_503] : memref<80xi32, #tpu.memory_space<vmem>> -> memref<80xi32, #tpu.memory_space<vmem>>
        %dma_start3A_505 = arith.constant 0 : i32
        %dma_start3A_506 = arith.constant 0 : i32
        %dma_start3A_507 = tpu.memref_slice %arg2[%dma_start3A_505, %dma_start3A_506] : memref<10000x128xf32, #tpu.memory_space<hbm>> -> memref<10000x128xf32, #tpu.memory_space<hbm>>
        tpu.enqueue_indirect_dma source(%dma_start3A_507 : memref<10000x128xf32, #tpu.memory_space<hbm>>) target(%arg24 : memref<80x128xf32, #tpu.memory_space<vmem>>) offsets(%dma_start3A_504 : memref<80xi32, #tpu.memory_space<vmem>>) semaphore(%arg29 : memref<!tpu.dma_semaphore, #tpu.memory_space<semaphore_mem>>)
      } else {
      }
      %mul3A_302 = arith.constant 8 : i32
      %mul3A_303 = arith.muli %mul3A_302, %scan3A_194 : i32
      %add3A_304 = arith.constant 3 : i32
      %add3A_305 = arith.addi %mul3A_303, %add3A_304 : i32
      %dma_wait3A_306 = arith.constant 0 : i32
      %dma_wait3A_307 = arith.constant 0 : i32
      %dma_wait3A_308 = tpu.memref_slice %arg2[%dma_wait3A_306, %dma_wait3A_307] : memref<10000x128xf32, #tpu.memory_space<hbm>> -> memref<80x128xf32, #tpu.memory_space<hbm>>
      %dma_wait3A_309 = arith.constant 0 : i32
      %dma_wait3A_310 = arith.constant 0 : i32
      %dma_wait3A_311 = tpu.memref_slice %arg2[%dma_wait3A_309, %dma_wait3A_310] : memref<10000x128xf32, #tpu.memory_space<hbm>> -> memref<80x128xf32, #tpu.memory_space<hbm>>
      tpu.wait_dma2 semaphore(%arg31 : memref<!tpu.dma_semaphore, #tpu.memory_space<semaphore_mem>>) src(%dma_wait3A_311 : memref<80x128xf32, #tpu.memory_space<hbm>>) dst(%arg26 : memref<80x128xf32, #tpu.memory_space<vmem>>)
      %dma_wait3A_312 = arith.constant 0 : i32
      %dma_wait3A_313 = tpu.memref_slice %arg4[%dma_wait3A_312] : memref<320000xi32, #tpu.memory_space<hbm>> -> memref<80xi32, #tpu.memory_space<hbm>>
      %dma_wait3A_314 = arith.constant 0 : i32
      %dma_wait3A_315 = tpu.memref_slice %arg4[%dma_wait3A_314] : memref<320000xi32, #tpu.memory_space<hbm>> -> memref<80xi32, #tpu.memory_space<hbm>>
      tpu.wait_dma2 semaphore(%arg35 : memref<!tpu.dma_semaphore, #tpu.memory_space<semaphore_mem>>) src(%dma_wait3A_315 : memref<80xi32, #tpu.memory_space<hbm>>) dst(%arg18 : memref<80xi32, #tpu.memory_space<vmem>>)
      %dma_wait3A_316 = arith.constant 0 : i32
      %dma_wait3A_317 = arith.constant 0 : i32
      %dma_wait3A_318 = tpu.memref_slice %arg27[%dma_wait3A_316, %dma_wait3A_317] : memref<10240x128xf32, #tpu.memory_space<vmem_shared>> -> memref<10240x128xf32, #tpu.memory_space<vmem_shared>>
      tpu.wait_indirect_dma semaphore(%arg48 : memref<!tpu.dma_semaphore, #tpu.memory_space<semaphore_mem>>) src(%arg25 : memref<80x128xf32, #tpu.memory_space<vmem>>) dst(%dma_wait3A_318 : memref<10240x128xf32, #tpu.memory_space<vmem_shared>>)
      %dma_start3A_319 = arith.constant 0 : i32
      %dma_start3A_320 = arith.constant 0 : i32
      %dma_start3A_321 = tpu.memref_slice %arg27[%dma_start3A_319, %dma_start3A_320] : memref<10240x128xf32, #tpu.memory_space<vmem_shared>> -> memref<10240x128xf32, #tpu.memory_space<vmem_shared>>
      tpu.enqueue_indirect_dma source(%arg26 : memref<80x128xf32, #tpu.memory_space<vmem>>) target(%dma_start3A_321 : memref<10240x128xf32, #tpu.memory_space<vmem_shared>>) offsets(%arg18 : memref<80xi32, #tpu.memory_space<vmem>>) semaphore(%arg49 : memref<!tpu.dma_semaphore, #tpu.memory_space<semaphore_mem>>) {add = true}
      %add3A_322 = arith.constant 8 : i32
      %add3A_323 = arith.addi %add3A_305, %add3A_322 : i32
      %sub3A_324 = arith.constant 1 : i32
      %sub3A_325 = arith.subi %add3A_323, %sub3A_324 : i32
      %lt3A_326 = arith.constant 125 : i32
      %lt3A_327 = arith.cmpi slt, %sub3A_325, %lt3A_326 : i32
      %convert_element_type3A_328 = arith.extui %lt3A_327 : i1 to i32
      %cond3A_329 = arith.constant 0 : i32
      %cond3A_330 = arith.cmpi ne, %convert_element_type3A_328, %cond3A_329 : i32
      scf.if %cond3A_330 {
        %add3A_495 = arith.constant 8 : i32
        %add3A_496 = arith.addi %add3A_305, %add3A_495 : i32
        %sub3A_497 = arith.constant 1 : i32
        %sub3A_498 = arith.subi %add3A_496, %sub3A_497 : i32
        %mul3A_499 = arith.constant 80 : i32
        %mul3A_500 = arith.muli %sub3A_498, %mul3A_499 : i32
        %add3A_501 = arith.addi %mul3A_2, %mul3A_500 : i32
        %dma_start3A_502 = tpu.memref_slice %arg3[%add3A_501] : memref<320000xi32, #tpu.memory_space<hbm>> -> memref<80xi32, #tpu.memory_space<hbm>>
        %dma_start3A_503 = tpu.memref_slice %arg3[%add3A_501] : memref<320000xi32, #tpu.memory_space<hbm>> -> memref<80xi32, #tpu.memory_space<hbm>>
        tpu.enqueue_dma source(%dma_start3A_503 : memref<80xi32, #tpu.memory_space<hbm>>) target(%arg9 : memref<80xi32, #tpu.memory_space<vmem>>) target_semaphore(%arg42 : memref<!tpu.dma_semaphore, #tpu.memory_space<semaphore_mem>>)
        %mul3A_504 = arith.constant 80 : i32
        %mul3A_505 = arith.muli %sub3A_498, %mul3A_504 : i32
        %add3A_506 = arith.addi %mul3A_2, %mul3A_505 : i32
        %dma_start3A_507 = tpu.memref_slice %arg4[%add3A_506] : memref<320000xi32, #tpu.memory_space<hbm>> -> memref<80xi32, #tpu.memory_space<hbm>>
        %dma_start3A_508 = tpu.memref_slice %arg4[%add3A_506] : memref<320000xi32, #tpu.memory_space<hbm>> -> memref<80xi32, #tpu.memory_space<hbm>>
        tpu.enqueue_dma source(%dma_start3A_508 : memref<80xi32, #tpu.memory_space<hbm>>) target(%arg17 : memref<80xi32, #tpu.memory_space<vmem>>) target_semaphore(%arg34 : memref<!tpu.dma_semaphore, #tpu.memory_space<semaphore_mem>>)
      } else {
      }
      %add3A_331 = arith.constant 4 : i32
      %add3A_332 = arith.addi %add3A_305, %add3A_331 : i32
      %sub3A_333 = arith.constant 1 : i32
      %sub3A_334 = arith.subi %add3A_332, %sub3A_333 : i32
      %lt3A_335 = arith.constant 125 : i32
      %lt3A_336 = arith.cmpi slt, %sub3A_334, %lt3A_335 : i32
      %convert_element_type3A_337 = arith.extui %lt3A_336 : i1 to i32
      %cond3A_338 = arith.constant 0 : i32
      %cond3A_339 = arith.cmpi ne, %convert_element_type3A_337, %cond3A_338 : i32
      scf.if %cond3A_339 {
        %add3A_495 = arith.constant 4 : i32
        %add3A_496 = arith.addi %add3A_305, %add3A_495 : i32
        %sub3A_497 = arith.constant 1 : i32
        %sub3A_498 = arith.subi %add3A_496, %sub3A_497 : i32
        %dma_wait3A_499 = arith.constant 0 : i32
        %dma_wait3A_500 = tpu.memref_slice %arg3[%dma_wait3A_499] : memref<320000xi32, #tpu.memory_space<hbm>> -> memref<80xi32, #tpu.memory_space<hbm>>
        %dma_wait3A_501 = arith.constant 0 : i32
        %dma_wait3A_502 = tpu.memref_slice %arg3[%dma_wait3A_501] : memref<320000xi32, #tpu.memory_space<hbm>> -> memref<80xi32, #tpu.memory_space<hbm>>
        tpu.wait_dma2 semaphore(%arg46 : memref<!tpu.dma_semaphore, #tpu.memory_space<semaphore_mem>>) src(%dma_wait3A_502 : memref<80xi32, #tpu.memory_space<hbm>>) dst(%arg13 : memref<80xi32, #tpu.memory_space<vmem>>)
        %dma_start3A_503 = arith.constant 0 : i32
        %dma_start3A_504 = tpu.memref_slice %arg13[%dma_start3A_503] : memref<80xi32, #tpu.memory_space<vmem>> -> memref<80xi32, #tpu.memory_space<vmem>>
        %dma_start3A_505 = arith.constant 0 : i32
        %dma_start3A_506 = arith.constant 0 : i32
        %dma_start3A_507 = tpu.memref_slice %arg2[%dma_start3A_505, %dma_start3A_506] : memref<10000x128xf32, #tpu.memory_space<hbm>> -> memref<10000x128xf32, #tpu.memory_space<hbm>>
        tpu.enqueue_indirect_dma source(%dma_start3A_507 : memref<10000x128xf32, #tpu.memory_space<hbm>>) target(%arg25 : memref<80x128xf32, #tpu.memory_space<vmem>>) offsets(%dma_start3A_504 : memref<80xi32, #tpu.memory_space<vmem>>) semaphore(%arg30 : memref<!tpu.dma_semaphore, #tpu.memory_space<semaphore_mem>>)
      } else {
      }
      %mul3A_340 = arith.constant 8 : i32
      %mul3A_341 = arith.muli %mul3A_340, %scan3A_194 : i32
      %add3A_342 = arith.constant 4 : i32
      %add3A_343 = arith.addi %mul3A_341, %add3A_342 : i32
      %dma_wait3A_344 = arith.constant 0 : i32
      %dma_wait3A_345 = arith.constant 0 : i32
      %dma_wait3A_346 = tpu.memref_slice %arg2[%dma_wait3A_344, %dma_wait3A_345] : memref<10000x128xf32, #tpu.memory_space<hbm>> -> memref<80x128xf32, #tpu.memory_space<hbm>>
      %dma_wait3A_347 = arith.constant 0 : i32
      %dma_wait3A_348 = arith.constant 0 : i32
      %dma_wait3A_349 = tpu.memref_slice %arg2[%dma_wait3A_347, %dma_wait3A_348] : memref<10000x128xf32, #tpu.memory_space<hbm>> -> memref<80x128xf32, #tpu.memory_space<hbm>>
      tpu.wait_dma2 semaphore(%arg28 : memref<!tpu.dma_semaphore, #tpu.memory_space<semaphore_mem>>) src(%dma_wait3A_349 : memref<80x128xf32, #tpu.memory_space<hbm>>) dst(%arg23 : memref<80x128xf32, #tpu.memory_space<vmem>>)
      %dma_wait3A_350 = arith.constant 0 : i32
      %dma_wait3A_351 = tpu.memref_slice %arg4[%dma_wait3A_350] : memref<320000xi32, #tpu.memory_space<hbm>> -> memref<80xi32, #tpu.memory_space<hbm>>
      %dma_wait3A_352 = arith.constant 0 : i32
      %dma_wait3A_353 = tpu.memref_slice %arg4[%dma_wait3A_352] : memref<320000xi32, #tpu.memory_space<hbm>> -> memref<80xi32, #tpu.memory_space<hbm>>
      tpu.wait_dma2 semaphore(%arg36 : memref<!tpu.dma_semaphore, #tpu.memory_space<semaphore_mem>>) src(%dma_wait3A_353 : memref<80xi32, #tpu.memory_space<hbm>>) dst(%arg19 : memref<80xi32, #tpu.memory_space<vmem>>)
      %dma_wait3A_354 = arith.constant 0 : i32
      %dma_wait3A_355 = arith.constant 0 : i32
      %dma_wait3A_356 = tpu.memref_slice %arg27[%dma_wait3A_354, %dma_wait3A_355] : memref<10240x128xf32, #tpu.memory_space<vmem_shared>> -> memref<10240x128xf32, #tpu.memory_space<vmem_shared>>
      tpu.wait_indirect_dma semaphore(%arg49 : memref<!tpu.dma_semaphore, #tpu.memory_space<semaphore_mem>>) src(%arg26 : memref<80x128xf32, #tpu.memory_space<vmem>>) dst(%dma_wait3A_356 : memref<10240x128xf32, #tpu.memory_space<vmem_shared>>)
      %dma_start3A_357 = arith.constant 0 : i32
      %dma_start3A_358 = arith.constant 0 : i32
      %dma_start3A_359 = tpu.memref_slice %arg27[%dma_start3A_357, %dma_start3A_358] : memref<10240x128xf32, #tpu.memory_space<vmem_shared>> -> memref<10240x128xf32, #tpu.memory_space<vmem_shared>>
      tpu.enqueue_indirect_dma source(%arg23 : memref<80x128xf32, #tpu.memory_space<vmem>>) target(%dma_start3A_359 : memref<10240x128xf32, #tpu.memory_space<vmem_shared>>) offsets(%arg19 : memref<80xi32, #tpu.memory_space<vmem>>) semaphore(%arg48 : memref<!tpu.dma_semaphore, #tpu.memory_space<semaphore_mem>>) {add = true}
      %add3A_360 = arith.constant 8 : i32
      %add3A_361 = arith.addi %add3A_343, %add3A_360 : i32
      %sub3A_362 = arith.constant 1 : i32
      %sub3A_363 = arith.subi %add3A_361, %sub3A_362 : i32
      %lt3A_364 = arith.constant 125 : i32
      %lt3A_365 = arith.cmpi slt, %sub3A_363, %lt3A_364 : i32
      %convert_element_type3A_366 = arith.extui %lt3A_365 : i1 to i32
      %cond3A_367 = arith.constant 0 : i32
      %cond3A_368 = arith.cmpi ne, %convert_element_type3A_366, %cond3A_367 : i32
      scf.if %cond3A_368 {
        %add3A_495 = arith.constant 8 : i32
        %add3A_496 = arith.addi %add3A_343, %add3A_495 : i32
        %sub3A_497 = arith.constant 1 : i32
        %sub3A_498 = arith.subi %add3A_496, %sub3A_497 : i32
        %mul3A_499 = arith.constant 80 : i32
        %mul3A_500 = arith.muli %sub3A_498, %mul3A_499 : i32
        %add3A_501 = arith.addi %mul3A_2, %mul3A_500 : i32
        %dma_start3A_502 = tpu.memref_slice %arg3[%add3A_501] : memref<320000xi32, #tpu.memory_space<hbm>> -> memref<80xi32, #tpu.memory_space<hbm>>
        %dma_start3A_503 = tpu.memref_slice %arg3[%add3A_501] : memref<320000xi32, #tpu.memory_space<hbm>> -> memref<80xi32, #tpu.memory_space<hbm>>
        tpu.enqueue_dma source(%dma_start3A_503 : memref<80xi32, #tpu.memory_space<hbm>>) target(%arg10 : memref<80xi32, #tpu.memory_space<vmem>>) target_semaphore(%arg43 : memref<!tpu.dma_semaphore, #tpu.memory_space<semaphore_mem>>)
        %mul3A_504 = arith.constant 80 : i32
        %mul3A_505 = arith.muli %sub3A_498, %mul3A_504 : i32
        %add3A_506 = arith.addi %mul3A_2, %mul3A_505 : i32
        %dma_start3A_507 = tpu.memref_slice %arg4[%add3A_506] : memref<320000xi32, #tpu.memory_space<hbm>> -> memref<80xi32, #tpu.memory_space<hbm>>
        %dma_start3A_508 = tpu.memref_slice %arg4[%add3A_506] : memref<320000xi32, #tpu.memory_space<hbm>> -> memref<80xi32, #tpu.memory_space<hbm>>
        tpu.enqueue_dma source(%dma_start3A_508 : memref<80xi32, #tpu.memory_space<hbm>>) target(%arg18 : memref<80xi32, #tpu.memory_space<vmem>>) target_semaphore(%arg35 : memref<!tpu.dma_semaphore, #tpu.memory_space<semaphore_mem>>)
      } else {
      }
      %add3A_369 = arith.constant 4 : i32
      %add3A_370 = arith.addi %add3A_343, %add3A_369 : i32
      %sub3A_371 = arith.constant 1 : i32
      %sub3A_372 = arith.subi %add3A_370, %sub3A_371 : i32
      %lt3A_373 = arith.constant 125 : i32
      %lt3A_374 = arith.cmpi slt, %sub3A_372, %lt3A_373 : i32
      %convert_element_type3A_375 = arith.extui %lt3A_374 : i1 to i32
      %cond3A_376 = arith.constant 0 : i32
      %cond3A_377 = arith.cmpi ne, %convert_element_type3A_375, %cond3A_376 : i32
      scf.if %cond3A_377 {
        %add3A_495 = arith.constant 4 : i32
        %add3A_496 = arith.addi %add3A_343, %add3A_495 : i32
        %sub3A_497 = arith.constant 1 : i32
        %sub3A_498 = arith.subi %add3A_496, %sub3A_497 : i32
        %dma_wait3A_499 = arith.constant 0 : i32
        %dma_wait3A_500 = tpu.memref_slice %arg3[%dma_wait3A_499] : memref<320000xi32, #tpu.memory_space<hbm>> -> memref<80xi32, #tpu.memory_space<hbm>>
        %dma_wait3A_501 = arith.constant 0 : i32
        %dma_wait3A_502 = tpu.memref_slice %arg3[%dma_wait3A_501] : memref<320000xi32, #tpu.memory_space<hbm>> -> memref<80xi32, #tpu.memory_space<hbm>>
        tpu.wait_dma2 semaphore(%arg47 : memref<!tpu.dma_semaphore, #tpu.memory_space<semaphore_mem>>) src(%dma_wait3A_502 : memref<80xi32, #tpu.memory_space<hbm>>) dst(%arg14 : memref<80xi32, #tpu.memory_space<vmem>>)
        %dma_start3A_503 = arith.constant 0 : i32
        %dma_start3A_504 = tpu.memref_slice %arg14[%dma_start3A_503] : memref<80xi32, #tpu.memory_space<vmem>> -> memref<80xi32, #tpu.memory_space<vmem>>
        %dma_start3A_505 = arith.constant 0 : i32
        %dma_start3A_506 = arith.constant 0 : i32
        %dma_start3A_507 = tpu.memref_slice %arg2[%dma_start3A_505, %dma_start3A_506] : memref<10000x128xf32, #tpu.memory_space<hbm>> -> memref<10000x128xf32, #tpu.memory_space<hbm>>
        tpu.enqueue_indirect_dma source(%dma_start3A_507 : memref<10000x128xf32, #tpu.memory_space<hbm>>) target(%arg26 : memref<80x128xf32, #tpu.memory_space<vmem>>) offsets(%dma_start3A_504 : memref<80xi32, #tpu.memory_space<vmem>>) semaphore(%arg31 : memref<!tpu.dma_semaphore, #tpu.memory_space<semaphore_mem>>)
      } else {
      }
      %mul3A_378 = arith.constant 8 : i32
      %mul3A_379 = arith.muli %mul3A_378, %scan3A_194 : i32
      %add3A_380 = arith.constant 5 : i32
      %add3A_381 = arith.addi %mul3A_379, %add3A_380 : i32
      %dma_wait3A_382 = arith.constant 0 : i32
      %dma_wait3A_383 = arith.constant 0 : i32
      %dma_wait3A_384 = tpu.memref_slice %arg2[%dma_wait3A_382, %dma_wait3A_383] : memref<10000x128xf32, #tpu.memory_space<hbm>> -> memref<80x128xf32, #tpu.memory_space<hbm>>
      %dma_wait3A_385 = arith.constant 0 : i32
      %dma_wait3A_386 = arith.constant 0 : i32
      %dma_wait3A_387 = tpu.memref_slice %arg2[%dma_wait3A_385, %dma_wait3A_386] : memref<10000x128xf32, #tpu.memory_space<hbm>> -> memref<80x128xf32, #tpu.memory_space<hbm>>
      tpu.wait_dma2 semaphore(%arg29 : memref<!tpu.dma_semaphore, #tpu.memory_space<semaphore_mem>>) src(%dma_wait3A_387 : memref<80x128xf32, #tpu.memory_space<hbm>>) dst(%arg24 : memref<80x128xf32, #tpu.memory_space<vmem>>)
      %dma_wait3A_388 = arith.constant 0 : i32
      %dma_wait3A_389 = tpu.memref_slice %arg4[%dma_wait3A_388] : memref<320000xi32, #tpu.memory_space<hbm>> -> memref<80xi32, #tpu.memory_space<hbm>>
      %dma_wait3A_390 = arith.constant 0 : i32
      %dma_wait3A_391 = tpu.memref_slice %arg4[%dma_wait3A_390] : memref<320000xi32, #tpu.memory_space<hbm>> -> memref<80xi32, #tpu.memory_space<hbm>>
      tpu.wait_dma2 semaphore(%arg37 : memref<!tpu.dma_semaphore, #tpu.memory_space<semaphore_mem>>) src(%dma_wait3A_391 : memref<80xi32, #tpu.memory_space<hbm>>) dst(%arg20 : memref<80xi32, #tpu.memory_space<vmem>>)
      %dma_wait3A_392 = arith.constant 0 : i32
      %dma_wait3A_393 = arith.constant 0 : i32
      %dma_wait3A_394 = tpu.memref_slice %arg27[%dma_wait3A_392, %dma_wait3A_393] : memref<10240x128xf32, #tpu.memory_space<vmem_shared>> -> memref<10240x128xf32, #tpu.memory_space<vmem_shared>>
      tpu.wait_indirect_dma semaphore(%arg48 : memref<!tpu.dma_semaphore, #tpu.memory_space<semaphore_mem>>) src(%arg23 : memref<80x128xf32, #tpu.memory_space<vmem>>) dst(%dma_wait3A_394 : memref<10240x128xf32, #tpu.memory_space<vmem_shared>>)
      %dma_start3A_395 = arith.constant 0 : i32
      %dma_start3A_396 = arith.constant 0 : i32
      %dma_start3A_397 = tpu.memref_slice %arg27[%dma_start3A_395, %dma_start3A_396] : memref<10240x128xf32, #tpu.memory_space<vmem_shared>> -> memref<10240x128xf32, #tpu.memory_space<vmem_shared>>
      tpu.enqueue_indirect_dma source(%arg24 : memref<80x128xf32, #tpu.memory_space<vmem>>) target(%dma_start3A_397 : memref<10240x128xf32, #tpu.memory_space<vmem_shared>>) offsets(%arg20 : memref<80xi32, #tpu.memory_space<vmem>>) semaphore(%arg49 : memref<!tpu.dma_semaphore, #tpu.memory_space<semaphore_mem>>) {add = true}
      %add3A_398 = arith.constant 8 : i32
      %add3A_399 = arith.addi %add3A_381, %add3A_398 : i32
      %sub3A_400 = arith.constant 1 : i32
      %sub3A_401 = arith.subi %add3A_399, %sub3A_400 : i32
      %lt3A_402 = arith.constant 125 : i32
      %lt3A_403 = arith.cmpi slt, %sub3A_401, %lt3A_402 : i32
      %convert_element_type3A_404 = arith.extui %lt3A_403 : i1 to i32
      %cond3A_405 = arith.constant 0 : i32
      %cond3A_406 = arith.cmpi ne, %convert_element_type3A_404, %cond3A_405 : i32
      scf.if %cond3A_406 {
        %add3A_495 = arith.constant 8 : i32
        %add3A_496 = arith.addi %add3A_381, %add3A_495 : i32
        %sub3A_497 = arith.constant 1 : i32
        %sub3A_498 = arith.subi %add3A_496, %sub3A_497 : i32
        %mul3A_499 = arith.constant 80 : i32
        %mul3A_500 = arith.muli %sub3A_498, %mul3A_499 : i32
        %add3A_501 = arith.addi %mul3A_2, %mul3A_500 : i32
        %dma_start3A_502 = tpu.memref_slice %arg3[%add3A_501] : memref<320000xi32, #tpu.memory_space<hbm>> -> memref<80xi32, #tpu.memory_space<hbm>>
        %dma_start3A_503 = tpu.memref_slice %arg3[%add3A_501] : memref<320000xi32, #tpu.memory_space<hbm>> -> memref<80xi32, #tpu.memory_space<hbm>>
        tpu.enqueue_dma source(%dma_start3A_503 : memref<80xi32, #tpu.memory_space<hbm>>) target(%arg11 : memref<80xi32, #tpu.memory_space<vmem>>) target_semaphore(%arg44 : memref<!tpu.dma_semaphore, #tpu.memory_space<semaphore_mem>>)
        %mul3A_504 = arith.constant 80 : i32
        %mul3A_505 = arith.muli %sub3A_498, %mul3A_504 : i32
        %add3A_506 = arith.addi %mul3A_2, %mul3A_505 : i32
        %dma_start3A_507 = tpu.memref_slice %arg4[%add3A_506] : memref<320000xi32, #tpu.memory_space<hbm>> -> memref<80xi32, #tpu.memory_space<hbm>>
        %dma_start3A_508 = tpu.memref_slice %arg4[%add3A_506] : memref<320000xi32, #tpu.memory_space<hbm>> -> memref<80xi32, #tpu.memory_space<hbm>>
        tpu.enqueue_dma source(%dma_start3A_508 : memref<80xi32, #tpu.memory_space<hbm>>) target(%arg19 : memref<80xi32, #tpu.memory_space<vmem>>) target_semaphore(%arg36 : memref<!tpu.dma_semaphore, #tpu.memory_space<semaphore_mem>>)
      } else {
      }
      %add3A_407 = arith.constant 4 : i32
      %add3A_408 = arith.addi %add3A_381, %add3A_407 : i32
      %sub3A_409 = arith.constant 1 : i32
      %sub3A_410 = arith.subi %add3A_408, %sub3A_409 : i32
      %lt3A_411 = arith.constant 125 : i32
      %lt3A_412 = arith.cmpi slt, %sub3A_410, %lt3A_411 : i32
      %convert_element_type3A_413 = arith.extui %lt3A_412 : i1 to i32
      %cond3A_414 = arith.constant 0 : i32
      %cond3A_415 = arith.cmpi ne, %convert_element_type3A_413, %cond3A_414 : i32
      scf.if %cond3A_415 {
        %add3A_495 = arith.constant 4 : i32
        %add3A_496 = arith.addi %add3A_381, %add3A_495 : i32
        %sub3A_497 = arith.constant 1 : i32
        %sub3A_498 = arith.subi %add3A_496, %sub3A_497 : i32
        %dma_wait3A_499 = arith.constant 0 : i32
        %dma_wait3A_500 = tpu.memref_slice %arg3[%dma_wait3A_499] : memref<320000xi32, #tpu.memory_space<hbm>> -> memref<80xi32, #tpu.memory_space<hbm>>
        %dma_wait3A_501 = arith.constant 0 : i32
        %dma_wait3A_502 = tpu.memref_slice %arg3[%dma_wait3A_501] : memref<320000xi32, #tpu.memory_space<hbm>> -> memref<80xi32, #tpu.memory_space<hbm>>
        tpu.wait_dma2 semaphore(%arg40 : memref<!tpu.dma_semaphore, #tpu.memory_space<semaphore_mem>>) src(%dma_wait3A_502 : memref<80xi32, #tpu.memory_space<hbm>>) dst(%arg7 : memref<80xi32, #tpu.memory_space<vmem>>)
        %dma_start3A_503 = arith.constant 0 : i32
        %dma_start3A_504 = tpu.memref_slice %arg7[%dma_start3A_503] : memref<80xi32, #tpu.memory_space<vmem>> -> memref<80xi32, #tpu.memory_space<vmem>>
        %dma_start3A_505 = arith.constant 0 : i32
        %dma_start3A_506 = arith.constant 0 : i32
        %dma_start3A_507 = tpu.memref_slice %arg2[%dma_start3A_505, %dma_start3A_506] : memref<10000x128xf32, #tpu.memory_space<hbm>> -> memref<10000x128xf32, #tpu.memory_space<hbm>>
        tpu.enqueue_indirect_dma source(%dma_start3A_507 : memref<10000x128xf32, #tpu.memory_space<hbm>>) target(%arg23 : memref<80x128xf32, #tpu.memory_space<vmem>>) offsets(%dma_start3A_504 : memref<80xi32, #tpu.memory_space<vmem>>) semaphore(%arg28 : memref<!tpu.dma_semaphore, #tpu.memory_space<semaphore_mem>>)
      } else {
      }
      %mul3A_416 = arith.constant 8 : i32
      %mul3A_417 = arith.muli %mul3A_416, %scan3A_194 : i32
      %add3A_418 = arith.constant 6 : i32
      %add3A_419 = arith.addi %mul3A_417, %add3A_418 : i32
      %dma_wait3A_420 = arith.constant 0 : i32
      %dma_wait3A_421 = arith.constant 0 : i32
      %dma_wait3A_422 = tpu.memref_slice %arg2[%dma_wait3A_420, %dma_wait3A_421] : memref<10000x128xf32, #tpu.memory_space<hbm>> -> memref<80x128xf32, #tpu.memory_space<hbm>>
      %dma_wait3A_423 = arith.constant 0 : i32
      %dma_wait3A_424 = arith.constant 0 : i32
      %dma_wait3A_425 = tpu.memref_slice %arg2[%dma_wait3A_423, %dma_wait3A_424] : memref<10000x128xf32, #tpu.memory_space<hbm>> -> memref<80x128xf32, #tpu.memory_space<hbm>>
      tpu.wait_dma2 semaphore(%arg30 : memref<!tpu.dma_semaphore, #tpu.memory_space<semaphore_mem>>) src(%dma_wait3A_425 : memref<80x128xf32, #tpu.memory_space<hbm>>) dst(%arg25 : memref<80x128xf32, #tpu.memory_space<vmem>>)
      %dma_wait3A_426 = arith.constant 0 : i32
      %dma_wait3A_427 = tpu.memref_slice %arg4[%dma_wait3A_426] : memref<320000xi32, #tpu.memory_space<hbm>> -> memref<80xi32, #tpu.memory_space<hbm>>
      %dma_wait3A_428 = arith.constant 0 : i32
      %dma_wait3A_429 = tpu.memref_slice %arg4[%dma_wait3A_428] : memref<320000xi32, #tpu.memory_space<hbm>> -> memref<80xi32, #tpu.memory_space<hbm>>
      tpu.wait_dma2 semaphore(%arg38 : memref<!tpu.dma_semaphore, #tpu.memory_space<semaphore_mem>>) src(%dma_wait3A_429 : memref<80xi32, #tpu.memory_space<hbm>>) dst(%arg21 : memref<80xi32, #tpu.memory_space<vmem>>)
      %dma_wait3A_430 = arith.constant 0 : i32
      %dma_wait3A_431 = arith.constant 0 : i32
      %dma_wait3A_432 = tpu.memref_slice %arg27[%dma_wait3A_430, %dma_wait3A_431] : memref<10240x128xf32, #tpu.memory_space<vmem_shared>> -> memref<10240x128xf32, #tpu.memory_space<vmem_shared>>
      tpu.wait_indirect_dma semaphore(%arg49 : memref<!tpu.dma_semaphore, #tpu.memory_space<semaphore_mem>>) src(%arg24 : memref<80x128xf32, #tpu.memory_space<vmem>>) dst(%dma_wait3A_432 : memref<10240x128xf32, #tpu.memory_space<vmem_shared>>)
      %dma_start3A_433 = arith.constant 0 : i32
      %dma_start3A_434 = arith.constant 0 : i32
      %dma_start3A_435 = tpu.memref_slice %arg27[%dma_start3A_433, %dma_start3A_434] : memref<10240x128xf32, #tpu.memory_space<vmem_shared>> -> memref<10240x128xf32, #tpu.memory_space<vmem_shared>>
      tpu.enqueue_indirect_dma source(%arg25 : memref<80x128xf32, #tpu.memory_space<vmem>>) target(%dma_start3A_435 : memref<10240x128xf32, #tpu.memory_space<vmem_shared>>) offsets(%arg21 : memref<80xi32, #tpu.memory_space<vmem>>) semaphore(%arg48 : memref<!tpu.dma_semaphore, #tpu.memory_space<semaphore_mem>>) {add = true}
      %add3A_436 = arith.constant 8 : i32
      %add3A_437 = arith.addi %add3A_419, %add3A_436 : i32
      %sub3A_438 = arith.constant 1 : i32
      %sub3A_439 = arith.subi %add3A_437, %sub3A_438 : i32
      %lt3A_440 = arith.constant 125 : i32
      %lt3A_441 = arith.cmpi slt, %sub3A_439, %lt3A_440 : i32
      %convert_element_type3A_442 = arith.extui %lt3A_441 : i1 to i32
      %cond3A_443 = arith.constant 0 : i32
      %cond3A_444 = arith.cmpi ne, %convert_element_type3A_442, %cond3A_443 : i32
      scf.if %cond3A_444 {
        %add3A_495 = arith.constant 8 : i32
        %add3A_496 = arith.addi %add3A_419, %add3A_495 : i32
        %sub3A_497 = arith.constant 1 : i32
        %sub3A_498 = arith.subi %add3A_496, %sub3A_497 : i32
        %mul3A_499 = arith.constant 80 : i32
        %mul3A_500 = arith.muli %sub3A_498, %mul3A_499 : i32
        %add3A_501 = arith.addi %mul3A_2, %mul3A_500 : i32
        %dma_start3A_502 = tpu.memref_slice %arg3[%add3A_501] : memref<320000xi32, #tpu.memory_space<hbm>> -> memref<80xi32, #tpu.memory_space<hbm>>
        %dma_start3A_503 = tpu.memref_slice %arg3[%add3A_501] : memref<320000xi32, #tpu.memory_space<hbm>> -> memref<80xi32, #tpu.memory_space<hbm>>
        tpu.enqueue_dma source(%dma_start3A_503 : memref<80xi32, #tpu.memory_space<hbm>>) target(%arg12 : memref<80xi32, #tpu.memory_space<vmem>>) target_semaphore(%arg45 : memref<!tpu.dma_semaphore, #tpu.memory_space<semaphore_mem>>)
        %mul3A_504 = arith.constant 80 : i32
        %mul3A_505 = arith.muli %sub3A_498, %mul3A_504 : i32
        %add3A_506 = arith.addi %mul3A_2, %mul3A_505 : i32
        %dma_start3A_507 = tpu.memref_slice %arg4[%add3A_506] : memref<320000xi32, #tpu.memory_space<hbm>> -> memref<80xi32, #tpu.memory_space<hbm>>
        %dma_start3A_508 = tpu.memref_slice %arg4[%add3A_506] : memref<320000xi32, #tpu.memory_space<hbm>> -> memref<80xi32, #tpu.memory_space<hbm>>
        tpu.enqueue_dma source(%dma_start3A_508 : memref<80xi32, #tpu.memory_space<hbm>>) target(%arg20 : memref<80xi32, #tpu.memory_space<vmem>>) target_semaphore(%arg37 : memref<!tpu.dma_semaphore, #tpu.memory_space<semaphore_mem>>)
      } else {
      }
      %add3A_445 = arith.constant 4 : i32
      %add3A_446 = arith.addi %add3A_419, %add3A_445 : i32
      %sub3A_447 = arith.constant 1 : i32
      %sub3A_448 = arith.subi %add3A_446, %sub3A_447 : i32
      %lt3A_449 = arith.constant 125 : i32
      %lt3A_450 = arith.cmpi slt, %sub3A_448, %lt3A_449 : i32
      %convert_element_type3A_451 = arith.extui %lt3A_450 : i1 to i32
      %cond3A_452 = arith.constant 0 : i32
      %cond3A_453 = arith.cmpi ne, %convert_element_type3A_451, %cond3A_452 : i32
      scf.if %cond3A_453 {
        %add3A_495 = arith.constant 4 : i32
        %add3A_496 = arith.addi %add3A_419, %add3A_495 : i32
        %sub3A_497 = arith.constant 1 : i32
        %sub3A_498 = arith.subi %add3A_496, %sub3A_497 : i32
        %dma_wait3A_499 = arith.constant 0 : i32
        %dma_wait3A_500 = tpu.memref_slice %arg3[%dma_wait3A_499] : memref<320000xi32, #tpu.memory_space<hbm>> -> memref<80xi32, #tpu.memory_space<hbm>>
        %dma_wait3A_501 = arith.constant 0 : i32
        %dma_wait3A_502 = tpu.memref_slice %arg3[%dma_wait3A_501] : memref<320000xi32, #tpu.memory_space<hbm>> -> memref<80xi32, #tpu.memory_space<hbm>>
        tpu.wait_dma2 semaphore(%arg41 : memref<!tpu.dma_semaphore, #tpu.memory_space<semaphore_mem>>) src(%dma_wait3A_502 : memref<80xi32, #tpu.memory_space<hbm>>) dst(%arg8 : memref<80xi32, #tpu.memory_space<vmem>>)
        %dma_start3A_503 = arith.constant 0 : i32
        %dma_start3A_504 = tpu.memref_slice %arg8[%dma_start3A_503] : memref<80xi32, #tpu.memory_space<vmem>> -> memref<80xi32, #tpu.memory_space<vmem>>
        %dma_start3A_505 = arith.constant 0 : i32
        %dma_start3A_506 = arith.constant 0 : i32
        %dma_start3A_507 = tpu.memref_slice %arg2[%dma_start3A_505, %dma_start3A_506] : memref<10000x128xf32, #tpu.memory_space<hbm>> -> memref<10000x128xf32, #tpu.memory_space<hbm>>
        tpu.enqueue_indirect_dma source(%dma_start3A_507 : memref<10000x128xf32, #tpu.memory_space<hbm>>) target(%arg24 : memref<80x128xf32, #tpu.memory_space<vmem>>) offsets(%dma_start3A_504 : memref<80xi32, #tpu.memory_space<vmem>>) semaphore(%arg29 : memref<!tpu.dma_semaphore, #tpu.memory_space<semaphore_mem>>)
      } else {
      }
      %mul3A_454 = arith.constant 8 : i32
      %mul3A_455 = arith.muli %mul3A_454, %scan3A_194 : i32
      %add3A_456 = arith.constant 7 : i32
      %add3A_457 = arith.addi %mul3A_455, %add3A_456 : i32
      %dma_wait3A_458 = arith.constant 0 : i32
      %dma_wait3A_459 = arith.constant 0 : i32
      %dma_wait3A_460 = tpu.memref_slice %arg2[%dma_wait3A_458, %dma_wait3A_459] : memref<10000x128xf32, #tpu.memory_space<hbm>> -> memref<80x128xf32, #tpu.memory_space<hbm>>
      %dma_wait3A_461 = arith.constant 0 : i32
      %dma_wait3A_462 = arith.constant 0 : i32
      %dma_wait3A_463 = tpu.memref_slice %arg2[%dma_wait3A_461, %dma_wait3A_462] : memref<10000x128xf32, #tpu.memory_space<hbm>> -> memref<80x128xf32, #tpu.memory_space<hbm>>
      tpu.wait_dma2 semaphore(%arg31 : memref<!tpu.dma_semaphore, #tpu.memory_space<semaphore_mem>>) src(%dma_wait3A_463 : memref<80x128xf32, #tpu.memory_space<hbm>>) dst(%arg26 : memref<80x128xf32, #tpu.memory_space<vmem>>)
      %dma_wait3A_464 = arith.constant 0 : i32
      %dma_wait3A_465 = tpu.memref_slice %arg4[%dma_wait3A_464] : memref<320000xi32, #tpu.memory_space<hbm>> -> memref<80xi32, #tpu.memory_space<hbm>>
      %dma_wait3A_466 = arith.constant 0 : i32
      %dma_wait3A_467 = tpu.memref_slice %arg4[%dma_wait3A_466] : memref<320000xi32, #tpu.memory_space<hbm>> -> memref<80xi32, #tpu.memory_space<hbm>>
      tpu.wait_dma2 semaphore(%arg39 : memref<!tpu.dma_semaphore, #tpu.memory_space<semaphore_mem>>) src(%dma_wait3A_467 : memref<80xi32, #tpu.memory_space<hbm>>) dst(%arg22 : memref<80xi32, #tpu.memory_space<vmem>>)
      %dma_wait3A_468 = arith.constant 0 : i32
      %dma_wait3A_469 = arith.constant 0 : i32
      %dma_wait3A_470 = tpu.memref_slice %arg27[%dma_wait3A_468, %dma_wait3A_469] : memref<10240x128xf32, #tpu.memory_space<vmem_shared>> -> memref<10240x128xf32, #tpu.memory_space<vmem_shared>>
      tpu.wait_indirect_dma semaphore(%arg48 : memref<!tpu.dma_semaphore, #tpu.memory_space<semaphore_mem>>) src(%arg25 : memref<80x128xf32, #tpu.memory_space<vmem>>) dst(%dma_wait3A_470 : memref<10240x128xf32, #tpu.memory_space<vmem_shared>>)
      %dma_start3A_471 = arith.constant 0 : i32
      %dma_start3A_472 = arith.constant 0 : i32
      %dma_start3A_473 = tpu.memref_slice %arg27[%dma_start3A_471, %dma_start3A_472] : memref<10240x128xf32, #tpu.memory_space<vmem_shared>> -> memref<10240x128xf32, #tpu.memory_space<vmem_shared>>
      tpu.enqueue_indirect_dma source(%arg26 : memref<80x128xf32, #tpu.memory_space<vmem>>) target(%dma_start3A_473 : memref<10240x128xf32, #tpu.memory_space<vmem_shared>>) offsets(%arg22 : memref<80xi32, #tpu.memory_space<vmem>>) semaphore(%arg49 : memref<!tpu.dma_semaphore, #tpu.memory_space<semaphore_mem>>) {add = true}
      %add3A_474 = arith.constant 8 : i32
      %add3A_475 = arith.addi %add3A_457, %add3A_474 : i32
      %sub3A_476 = arith.constant 1 : i32
      %sub3A_477 = arith.subi %add3A_475, %sub3A_476 : i32
      %lt3A_478 = arith.constant 125 : i32
      %lt3A_479 = arith.cmpi slt, %sub3A_477, %lt3A_478 : i32
      %convert_element_type3A_480 = arith.extui %lt3A_479 : i1 to i32
      %cond3A_481 = arith.constant 0 : i32
      %cond3A_482 = arith.cmpi ne, %convert_element_type3A_480, %cond3A_481 : i32
      scf.if %cond3A_482 {
        %add3A_495 = arith.constant 8 : i32
        %add3A_496 = arith.addi %add3A_457, %add3A_495 : i32
        %sub3A_497 = arith.constant 1 : i32
        %sub3A_498 = arith.subi %add3A_496, %sub3A_497 : i32
        %mul3A_499 = arith.constant 80 : i32
        %mul3A_500 = arith.muli %sub3A_498, %mul3A_499 : i32
        %add3A_501 = arith.addi %mul3A_2, %mul3A_500 : i32
        %dma_start3A_502 = tpu.memref_slice %arg3[%add3A_501] : memref<320000xi32, #tpu.memory_space<hbm>> -> memref<80xi32, #tpu.memory_space<hbm>>
        %dma_start3A_503 = tpu.memref_slice %arg3[%add3A_501] : memref<320000xi32, #tpu.memory_space<hbm>> -> memref<80xi32, #tpu.memory_space<hbm>>
        tpu.enqueue_dma source(%dma_start3A_503 : memref<80xi32, #tpu.memory_space<hbm>>) target(%arg13 : memref<80xi32, #tpu.memory_space<vmem>>) target_semaphore(%arg46 : memref<!tpu.dma_semaphore, #tpu.memory_space<semaphore_mem>>)
        %mul3A_504 = arith.constant 80 : i32
        %mul3A_505 = arith.muli %sub3A_498, %mul3A_504 : i32
        %add3A_506 = arith.addi %mul3A_2, %mul3A_505 : i32
        %dma_start3A_507 = tpu.memref_slice %arg4[%add3A_506] : memref<320000xi32, #tpu.memory_space<hbm>> -> memref<80xi32, #tpu.memory_space<hbm>>
        %dma_start3A_508 = tpu.memref_slice %arg4[%add3A_506] : memref<320000xi32, #tpu.memory_space<hbm>> -> memref<80xi32, #tpu.memory_space<hbm>>
        tpu.enqueue_dma source(%dma_start3A_508 : memref<80xi32, #tpu.memory_space<hbm>>) target(%arg21 : memref<80xi32, #tpu.memory_space<vmem>>) target_semaphore(%arg38 : memref<!tpu.dma_semaphore, #tpu.memory_space<semaphore_mem>>)
      } else {
      }
      %add3A_483 = arith.constant 4 : i32
      %add3A_484 = arith.addi %add3A_457, %add3A_483 : i32
      %sub3A_485 = arith.constant 1 : i32
      %sub3A_486 = arith.subi %add3A_484, %sub3A_485 : i32
      %lt3A_487 = arith.constant 125 : i32
      %lt3A_488 = arith.cmpi slt, %sub3A_486, %lt3A_487 : i32
      %convert_element_type3A_489 = arith.extui %lt3A_488 : i1 to i32
      %cond3A_490 = arith.constant 0 : i32
      %cond3A_491 = arith.cmpi ne, %convert_element_type3A_489, %cond3A_490 : i32
      scf.if %cond3A_491 {
        %add3A_495 = arith.constant 4 : i32
        %add3A_496 = arith.addi %add3A_457, %add3A_495 : i32
        %sub3A_497 = arith.constant 1 : i32
        %sub3A_498 = arith.subi %add3A_496, %sub3A_497 : i32
        %dma_wait3A_499 = arith.constant 0 : i32
        %dma_wait3A_500 = tpu.memref_slice %arg3[%dma_wait3A_499] : memref<320000xi32, #tpu.memory_space<hbm>> -> memref<80xi32, #tpu.memory_space<hbm>>
        %dma_wait3A_501 = arith.constant 0 : i32
        %dma_wait3A_502 = tpu.memref_slice %arg3[%dma_wait3A_501] : memref<320000xi32, #tpu.memory_space<hbm>> -> memref<80xi32, #tpu.memory_space<hbm>>
        tpu.wait_dma2 semaphore(%arg42 : memref<!tpu.dma_semaphore, #tpu.memory_space<semaphore_mem>>) src(%dma_wait3A_502 : memref<80xi32, #tpu.memory_space<hbm>>) dst(%arg9 : memref<80xi32, #tpu.memory_space<vmem>>)
        %dma_start3A_503 = arith.constant 0 : i32
        %dma_start3A_504 = tpu.memref_slice %arg9[%dma_start3A_503] : memref<80xi32, #tpu.memory_space<vmem>> -> memref<80xi32, #tpu.memory_space<vmem>>
        %dma_start3A_505 = arith.constant 0 : i32
        %dma_start3A_506 = arith.constant 0 : i32
        %dma_start3A_507 = tpu.memref_slice %arg2[%dma_start3A_505, %dma_start3A_506] : memref<10000x128xf32, #tpu.memory_space<hbm>> -> memref<10000x128xf32, #tpu.memory_space<hbm>>
        tpu.enqueue_indirect_dma source(%dma_start3A_507 : memref<10000x128xf32, #tpu.memory_space<hbm>>) target(%arg25 : memref<80x128xf32, #tpu.memory_space<vmem>>) offsets(%dma_start3A_504 : memref<80xi32, #tpu.memory_space<vmem>>) semaphore(%arg30 : memref<!tpu.dma_semaphore, #tpu.memory_space<semaphore_mem>>)
      } else {
      }
      %dma_wait3A_492 = arith.constant 0 : i32
      %dma_wait3A_493 = arith.constant 0 : i32
      %dma_wait3A_494 = tpu.memref_slice %arg27[%dma_wait3A_492, %dma_wait3A_493] : memref<10240x128xf32, #tpu.memory_space<vmem_shared>> -> memref<10240x128xf32, #tpu.memory_space<vmem_shared>>
      tpu.wait_indirect_dma semaphore(%arg49 : memref<!tpu.dma_semaphore, #tpu.memory_space<semaphore_mem>>) src(%arg26 : memref<80x128xf32, #tpu.memory_space<vmem>>) dst(%dma_wait3A_494 : memref<10240x128xf32, #tpu.memory_space<vmem_shared>>)
    }
    %scan3A_90 = arith.constant 15 : i32
    %dma_wait3A_91 = arith.constant 0 : i32
    %dma_wait3A_92 = arith.constant 0 : i32
    %dma_wait3A_93 = tpu.memref_slice %arg2[%dma_wait3A_91, %dma_wait3A_92] : memref<10000x128xf32, #tpu.memory_space<hbm>> -> memref<80x128xf32, #tpu.memory_space<hbm>>
    %dma_wait3A_94 = arith.constant 0 : i32
    %dma_wait3A_95 = arith.constant 0 : i32
    %dma_wait3A_96 = tpu.memref_slice %arg2[%dma_wait3A_94, %dma_wait3A_95] : memref<10000x128xf32, #tpu.memory_space<hbm>> -> memref<80x128xf32, #tpu.memory_space<hbm>>
    tpu.wait_dma2 semaphore(%arg28 : memref<!tpu.dma_semaphore, #tpu.memory_space<semaphore_mem>>) src(%dma_wait3A_96 : memref<80x128xf32, #tpu.memory_space<hbm>>) dst(%arg23 : memref<80x128xf32, #tpu.memory_space<vmem>>)
    %dma_wait3A_97 = arith.constant 0 : i32
    %dma_wait3A_98 = tpu.memref_slice %arg4[%dma_wait3A_97] : memref<320000xi32, #tpu.memory_space<hbm>> -> memref<80xi32, #tpu.memory_space<hbm>>
    %dma_wait3A_99 = arith.constant 0 : i32
    %dma_wait3A_100 = tpu.memref_slice %arg4[%dma_wait3A_99] : memref<320000xi32, #tpu.memory_space<hbm>> -> memref<80xi32, #tpu.memory_space<hbm>>
    tpu.wait_dma2 semaphore(%arg32 : memref<!tpu.dma_semaphore, #tpu.memory_space<semaphore_mem>>) src(%dma_wait3A_100 : memref<80xi32, #tpu.memory_space<hbm>>) dst(%arg15 : memref<80xi32, #tpu.memory_space<vmem>>)
    %dma_start3A_101 = arith.constant 0 : i32
    %dma_start3A_102 = arith.constant 0 : i32
    %dma_start3A_103 = tpu.memref_slice %arg27[%dma_start3A_101, %dma_start3A_102] : memref<10240x128xf32, #tpu.memory_space<vmem_shared>> -> memref<10240x128xf32, #tpu.memory_space<vmem_shared>>
    tpu.enqueue_indirect_dma source(%arg23 : memref<80x128xf32, #tpu.memory_space<vmem>>) target(%dma_start3A_103 : memref<10240x128xf32, #tpu.memory_space<vmem_shared>>) offsets(%arg15 : memref<80xi32, #tpu.memory_space<vmem>>) semaphore(%arg48 : memref<!tpu.dma_semaphore, #tpu.memory_space<semaphore_mem>>) {add = true}
    %dma_wait3A_104 = arith.constant 0 : i32
    %dma_wait3A_105 = tpu.memref_slice %arg3[%dma_wait3A_104] : memref<320000xi32, #tpu.memory_space<hbm>> -> memref<80xi32, #tpu.memory_space<hbm>>
    %dma_wait3A_106 = arith.constant 0 : i32
    %dma_wait3A_107 = tpu.memref_slice %arg3[%dma_wait3A_106] : memref<320000xi32, #tpu.memory_space<hbm>> -> memref<80xi32, #tpu.memory_space<hbm>>
    tpu.wait_dma2 semaphore(%arg43 : memref<!tpu.dma_semaphore, #tpu.memory_space<semaphore_mem>>) src(%dma_wait3A_107 : memref<80xi32, #tpu.memory_space<hbm>>) dst(%arg10 : memref<80xi32, #tpu.memory_space<vmem>>)
    %dma_start3A_108 = arith.constant 0 : i32
    %dma_start3A_109 = tpu.memref_slice %arg10[%dma_start3A_108] : memref<80xi32, #tpu.memory_space<vmem>> -> memref<80xi32, #tpu.memory_space<vmem>>
    %dma_start3A_110 = arith.constant 0 : i32
    %dma_start3A_111 = arith.constant 0 : i32
    %dma_start3A_112 = tpu.memref_slice %arg2[%dma_start3A_110, %dma_start3A_111] : memref<10000x128xf32, #tpu.memory_space<hbm>> -> memref<10000x128xf32, #tpu.memory_space<hbm>>
    tpu.enqueue_indirect_dma source(%dma_start3A_112 : memref<10000x128xf32, #tpu.memory_space<hbm>>) target(%arg26 : memref<80x128xf32, #tpu.memory_space<vmem>>) offsets(%dma_start3A_109 : memref<80xi32, #tpu.memory_space<vmem>>) semaphore(%arg31 : memref<!tpu.dma_semaphore, #tpu.memory_space<semaphore_mem>>)
    %dma_wait3A_113 = arith.constant 0 : i32
    %dma_wait3A_114 = arith.constant 0 : i32
    %dma_wait3A_115 = tpu.memref_slice %arg2[%dma_wait3A_113, %dma_wait3A_114] : memref<10000x128xf32, #tpu.memory_space<hbm>> -> memref<80x128xf32, #tpu.memory_space<hbm>>
    %dma_wait3A_116 = arith.constant 0 : i32
    %dma_wait3A_117 = arith.constant 0 : i32
    %dma_wait3A_118 = tpu.memref_slice %arg2[%dma_wait3A_116, %dma_wait3A_117] : memref<10000x128xf32, #tpu.memory_space<hbm>> -> memref<80x128xf32, #tpu.memory_space<hbm>>
    tpu.wait_dma2 semaphore(%arg29 : memref<!tpu.dma_semaphore, #tpu.memory_space<semaphore_mem>>) src(%dma_wait3A_118 : memref<80x128xf32, #tpu.memory_space<hbm>>) dst(%arg24 : memref<80x128xf32, #tpu.memory_space<vmem>>)
    %dma_wait3A_119 = arith.constant 0 : i32
    %dma_wait3A_120 = tpu.memref_slice %arg4[%dma_wait3A_119] : memref<320000xi32, #tpu.memory_space<hbm>> -> memref<80xi32, #tpu.memory_space<hbm>>
    %dma_wait3A_121 = arith.constant 0 : i32
    %dma_wait3A_122 = tpu.memref_slice %arg4[%dma_wait3A_121] : memref<320000xi32, #tpu.memory_space<hbm>> -> memref<80xi32, #tpu.memory_space<hbm>>
    tpu.wait_dma2 semaphore(%arg33 : memref<!tpu.dma_semaphore, #tpu.memory_space<semaphore_mem>>) src(%dma_wait3A_122 : memref<80xi32, #tpu.memory_space<hbm>>) dst(%arg16 : memref<80xi32, #tpu.memory_space<vmem>>)
    %dma_wait3A_123 = arith.constant 0 : i32
    %dma_wait3A_124 = arith.constant 0 : i32
    %dma_wait3A_125 = tpu.memref_slice %arg27[%dma_wait3A_123, %dma_wait3A_124] : memref<10240x128xf32, #tpu.memory_space<vmem_shared>> -> memref<10240x128xf32, #tpu.memory_space<vmem_shared>>
    tpu.wait_indirect_dma semaphore(%arg48 : memref<!tpu.dma_semaphore, #tpu.memory_space<semaphore_mem>>) src(%arg23 : memref<80x128xf32, #tpu.memory_space<vmem>>) dst(%dma_wait3A_125 : memref<10240x128xf32, #tpu.memory_space<vmem_shared>>)
    %dma_start3A_126 = arith.constant 0 : i32
    %dma_start3A_127 = arith.constant 0 : i32
    %dma_start3A_128 = tpu.memref_slice %arg27[%dma_start3A_126, %dma_start3A_127] : memref<10240x128xf32, #tpu.memory_space<vmem_shared>> -> memref<10240x128xf32, #tpu.memory_space<vmem_shared>>
    tpu.enqueue_indirect_dma source(%arg24 : memref<80x128xf32, #tpu.memory_space<vmem>>) target(%dma_start3A_128 : memref<10240x128xf32, #tpu.memory_space<vmem_shared>>) offsets(%arg16 : memref<80xi32, #tpu.memory_space<vmem>>) semaphore(%arg49 : memref<!tpu.dma_semaphore, #tpu.memory_space<semaphore_mem>>) {add = true}
    %dma_wait3A_129 = arith.constant 0 : i32
    %dma_wait3A_130 = tpu.memref_slice %arg3[%dma_wait3A_129] : memref<320000xi32, #tpu.memory_space<hbm>> -> memref<80xi32, #tpu.memory_space<hbm>>
    %dma_wait3A_131 = arith.constant 0 : i32
    %dma_wait3A_132 = tpu.memref_slice %arg3[%dma_wait3A_131] : memref<320000xi32, #tpu.memory_space<hbm>> -> memref<80xi32, #tpu.memory_space<hbm>>
    tpu.wait_dma2 semaphore(%arg44 : memref<!tpu.dma_semaphore, #tpu.memory_space<semaphore_mem>>) src(%dma_wait3A_132 : memref<80xi32, #tpu.memory_space<hbm>>) dst(%arg11 : memref<80xi32, #tpu.memory_space<vmem>>)
    %dma_start3A_133 = arith.constant 0 : i32
    %dma_start3A_134 = tpu.memref_slice %arg11[%dma_start3A_133] : memref<80xi32, #tpu.memory_space<vmem>> -> memref<80xi32, #tpu.memory_space<vmem>>
    %dma_start3A_135 = arith.constant 0 : i32
    %dma_start3A_136 = arith.constant 0 : i32
    %dma_start3A_137 = tpu.memref_slice %arg2[%dma_start3A_135, %dma_start3A_136] : memref<10000x128xf32, #tpu.memory_space<hbm>> -> memref<10000x128xf32, #tpu.memory_space<hbm>>
    tpu.enqueue_indirect_dma source(%dma_start3A_137 : memref<10000x128xf32, #tpu.memory_space<hbm>>) target(%arg23 : memref<80x128xf32, #tpu.memory_space<vmem>>) offsets(%dma_start3A_134 : memref<80xi32, #tpu.memory_space<vmem>>) semaphore(%arg28 : memref<!tpu.dma_semaphore, #tpu.memory_space<semaphore_mem>>)
    %dma_wait3A_138 = arith.constant 0 : i32
    %dma_wait3A_139 = arith.constant 0 : i32
    %dma_wait3A_140 = tpu.memref_slice %arg2[%dma_wait3A_138, %dma_wait3A_139] : memref<10000x128xf32, #tpu.memory_space<hbm>> -> memref<80x128xf32, #tpu.memory_space<hbm>>
    %dma_wait3A_141 = arith.constant 0 : i32
    %dma_wait3A_142 = arith.constant 0 : i32
    %dma_wait3A_143 = tpu.memref_slice %arg2[%dma_wait3A_141, %dma_wait3A_142] : memref<10000x128xf32, #tpu.memory_space<hbm>> -> memref<80x128xf32, #tpu.memory_space<hbm>>
    tpu.wait_dma2 semaphore(%arg30 : memref<!tpu.dma_semaphore, #tpu.memory_space<semaphore_mem>>) src(%dma_wait3A_143 : memref<80x128xf32, #tpu.memory_space<hbm>>) dst(%arg25 : memref<80x128xf32, #tpu.memory_space<vmem>>)
    %dma_wait3A_144 = arith.constant 0 : i32
    %dma_wait3A_145 = tpu.memref_slice %arg4[%dma_wait3A_144] : memref<320000xi32, #tpu.memory_space<hbm>> -> memref<80xi32, #tpu.memory_space<hbm>>
    %dma_wait3A_146 = arith.constant 0 : i32
    %dma_wait3A_147 = tpu.memref_slice %arg4[%dma_wait3A_146] : memref<320000xi32, #tpu.memory_space<hbm>> -> memref<80xi32, #tpu.memory_space<hbm>>
    tpu.wait_dma2 semaphore(%arg34 : memref<!tpu.dma_semaphore, #tpu.memory_space<semaphore_mem>>) src(%dma_wait3A_147 : memref<80xi32, #tpu.memory_space<hbm>>) dst(%arg17 : memref<80xi32, #tpu.memory_space<vmem>>)
    %dma_wait3A_148 = arith.constant 0 : i32
    %dma_wait3A_149 = arith.constant 0 : i32
    %dma_wait3A_150 = tpu.memref_slice %arg27[%dma_wait3A_148, %dma_wait3A_149] : memref<10240x128xf32, #tpu.memory_space<vmem_shared>> -> memref<10240x128xf32, #tpu.memory_space<vmem_shared>>
    tpu.wait_indirect_dma semaphore(%arg49 : memref<!tpu.dma_semaphore, #tpu.memory_space<semaphore_mem>>) src(%arg24 : memref<80x128xf32, #tpu.memory_space<vmem>>) dst(%dma_wait3A_150 : memref<10240x128xf32, #tpu.memory_space<vmem_shared>>)
    %dma_start3A_151 = arith.constant 0 : i32
    %dma_start3A_152 = arith.constant 0 : i32
    %dma_start3A_153 = tpu.memref_slice %arg27[%dma_start3A_151, %dma_start3A_152] : memref<10240x128xf32, #tpu.memory_space<vmem_shared>> -> memref<10240x128xf32, #tpu.memory_space<vmem_shared>>
    tpu.enqueue_indirect_dma source(%arg25 : memref<80x128xf32, #tpu.memory_space<vmem>>) target(%dma_start3A_153 : memref<10240x128xf32, #tpu.memory_space<vmem_shared>>) offsets(%arg17 : memref<80xi32, #tpu.memory_space<vmem>>) semaphore(%arg48 : memref<!tpu.dma_semaphore, #tpu.memory_space<semaphore_mem>>) {add = true}
    %dma_wait3A_154 = arith.constant 0 : i32
    %dma_wait3A_155 = arith.constant 0 : i32
    %dma_wait3A_156 = tpu.memref_slice %arg2[%dma_wait3A_154, %dma_wait3A_155] : memref<10000x128xf32, #tpu.memory_space<hbm>> -> memref<80x128xf32, #tpu.memory_space<hbm>>
    %dma_wait3A_157 = arith.constant 0 : i32
    %dma_wait3A_158 = arith.constant 0 : i32
    %dma_wait3A_159 = tpu.memref_slice %arg2[%dma_wait3A_157, %dma_wait3A_158] : memref<10000x128xf32, #tpu.memory_space<hbm>> -> memref<80x128xf32, #tpu.memory_space<hbm>>
    tpu.wait_dma2 semaphore(%arg31 : memref<!tpu.dma_semaphore, #tpu.memory_space<semaphore_mem>>) src(%dma_wait3A_159 : memref<80x128xf32, #tpu.memory_space<hbm>>) dst(%arg26 : memref<80x128xf32, #tpu.memory_space<vmem>>)
    %dma_wait3A_160 = arith.constant 0 : i32
    %dma_wait3A_161 = tpu.memref_slice %arg4[%dma_wait3A_160] : memref<320000xi32, #tpu.memory_space<hbm>> -> memref<80xi32, #tpu.memory_space<hbm>>
    %dma_wait3A_162 = arith.constant 0 : i32
    %dma_wait3A_163 = tpu.memref_slice %arg4[%dma_wait3A_162] : memref<320000xi32, #tpu.memory_space<hbm>> -> memref<80xi32, #tpu.memory_space<hbm>>
    tpu.wait_dma2 semaphore(%arg35 : memref<!tpu.dma_semaphore, #tpu.memory_space<semaphore_mem>>) src(%dma_wait3A_163 : memref<80xi32, #tpu.memory_space<hbm>>) dst(%arg18 : memref<80xi32, #tpu.memory_space<vmem>>)
    %dma_wait3A_164 = arith.constant 0 : i32
    %dma_wait3A_165 = arith.constant 0 : i32
    %dma_wait3A_166 = tpu.memref_slice %arg27[%dma_wait3A_164, %dma_wait3A_165] : memref<10240x128xf32, #tpu.memory_space<vmem_shared>> -> memref<10240x128xf32, #tpu.memory_space<vmem_shared>>
    tpu.wait_indirect_dma semaphore(%arg48 : memref<!tpu.dma_semaphore, #tpu.memory_space<semaphore_mem>>) src(%arg25 : memref<80x128xf32, #tpu.memory_space<vmem>>) dst(%dma_wait3A_166 : memref<10240x128xf32, #tpu.memory_space<vmem_shared>>)
    %dma_start3A_167 = arith.constant 0 : i32
    %dma_start3A_168 = arith.constant 0 : i32
    %dma_start3A_169 = tpu.memref_slice %arg27[%dma_start3A_167, %dma_start3A_168] : memref<10240x128xf32, #tpu.memory_space<vmem_shared>> -> memref<10240x128xf32, #tpu.memory_space<vmem_shared>>
    tpu.enqueue_indirect_dma source(%arg26 : memref<80x128xf32, #tpu.memory_space<vmem>>) target(%dma_start3A_169 : memref<10240x128xf32, #tpu.memory_space<vmem_shared>>) offsets(%arg18 : memref<80xi32, #tpu.memory_space<vmem>>) semaphore(%arg49 : memref<!tpu.dma_semaphore, #tpu.memory_space<semaphore_mem>>) {add = true}
    %dma_wait3A_170 = arith.constant 0 : i32
    %dma_wait3A_171 = arith.constant 0 : i32
    %dma_wait3A_172 = tpu.memref_slice %arg2[%dma_wait3A_170, %dma_wait3A_171] : memref<10000x128xf32, #tpu.memory_space<hbm>> -> memref<80x128xf32, #tpu.memory_space<hbm>>
    %dma_wait3A_173 = arith.constant 0 : i32
    %dma_wait3A_174 = arith.constant 0 : i32
    %dma_wait3A_175 = tpu.memref_slice %arg2[%dma_wait3A_173, %dma_wait3A_174] : memref<10000x128xf32, #tpu.memory_space<hbm>> -> memref<80x128xf32, #tpu.memory_space<hbm>>
    tpu.wait_dma2 semaphore(%arg28 : memref<!tpu.dma_semaphore, #tpu.memory_space<semaphore_mem>>) src(%dma_wait3A_175 : memref<80x128xf32, #tpu.memory_space<hbm>>) dst(%arg23 : memref<80x128xf32, #tpu.memory_space<vmem>>)
    %dma_wait3A_176 = arith.constant 0 : i32
    %dma_wait3A_177 = tpu.memref_slice %arg4[%dma_wait3A_176] : memref<320000xi32, #tpu.memory_space<hbm>> -> memref<80xi32, #tpu.memory_space<hbm>>
    %dma_wait3A_178 = arith.constant 0 : i32
    %dma_wait3A_179 = tpu.memref_slice %arg4[%dma_wait3A_178] : memref<320000xi32, #tpu.memory_space<hbm>> -> memref<80xi32, #tpu.memory_space<hbm>>
    tpu.wait_dma2 semaphore(%arg36 : memref<!tpu.dma_semaphore, #tpu.memory_space<semaphore_mem>>) src(%dma_wait3A_179 : memref<80xi32, #tpu.memory_space<hbm>>) dst(%arg19 : memref<80xi32, #tpu.memory_space<vmem>>)
    %dma_wait3A_180 = arith.constant 0 : i32
    %dma_wait3A_181 = arith.constant 0 : i32
    %dma_wait3A_182 = tpu.memref_slice %arg27[%dma_wait3A_180, %dma_wait3A_181] : memref<10240x128xf32, #tpu.memory_space<vmem_shared>> -> memref<10240x128xf32, #tpu.memory_space<vmem_shared>>
    tpu.wait_indirect_dma semaphore(%arg49 : memref<!tpu.dma_semaphore, #tpu.memory_space<semaphore_mem>>) src(%arg26 : memref<80x128xf32, #tpu.memory_space<vmem>>) dst(%dma_wait3A_182 : memref<10240x128xf32, #tpu.memory_space<vmem_shared>>)
    %dma_start3A_183 = arith.constant 0 : i32
    %dma_start3A_184 = arith.constant 0 : i32
    %dma_start3A_185 = tpu.memref_slice %arg27[%dma_start3A_183, %dma_start3A_184] : memref<10240x128xf32, #tpu.memory_space<vmem_shared>> -> memref<10240x128xf32, #tpu.memory_space<vmem_shared>>
    tpu.enqueue_indirect_dma source(%arg23 : memref<80x128xf32, #tpu.memory_space<vmem>>) target(%dma_start3A_185 : memref<10240x128xf32, #tpu.memory_space<vmem_shared>>) offsets(%arg19 : memref<80xi32, #tpu.memory_space<vmem>>) semaphore(%arg48 : memref<!tpu.dma_semaphore, #tpu.memory_space<semaphore_mem>>) {add = true}
    %dma_wait3A_186 = arith.constant 0 : i32
    %dma_wait3A_187 = arith.constant 0 : i32
    %dma_wait3A_188 = tpu.memref_slice %arg27[%dma_wait3A_186, %dma_wait3A_187] : memref<10240x128xf32, #tpu.memory_space<vmem_shared>> -> memref<10240x128xf32, #tpu.memory_space<vmem_shared>>
    tpu.wait_indirect_dma semaphore(%arg48 : memref<!tpu.dma_semaphore, #tpu.memory_space<semaphore_mem>>) src(%arg23 : memref<80x128xf32, #tpu.memory_space<vmem>>) dst(%dma_wait3A_188 : memref<10240x128xf32, #tpu.memory_space<vmem_shared>>)
    %barrier3A_189 = arith.constant 0 : index
    tpu.barrier barrier_id(%barrier3A_189)
    %mul3A_190 = arith.constant 640 : i32
    %mul3A_191 = arith.muli %arg1, %mul3A_190 : i32
    %mul3A_192 = arith.constant 640 : i32
    %mul3A_193 = arith.muli %arg1, %mul3A_192 : i32
    "tpu.region"() ({
      %run_scoped3A = tpu.sem_alloc : memref<!tpu.dma_semaphore, #tpu.memory_space<semaphore_mem>>
      %dma_start3A_194 = arith.constant 0 : i32
      %dma_start3A_195 = tpu.memref_slice %arg6[%arg0, %mul3A_193, %dma_start3A_194] : memref<2x10240x128xf32, #tpu.memory_space<hbm>> -> memref<1x640x128xf32, #tpu.memory_space<hbm>>
      %dma_start3A_196 = tpu.memref_squeeze %dma_start3A_195 : memref<1x640x128xf32, #tpu.memory_space<hbm>> -> memref<640x128xf32, #tpu.memory_space<hbm>>
      %dma_start3A_197 = arith.constant 0 : i32
      %dma_start3A_198 = tpu.memref_slice %arg27[%mul3A_191, %dma_start3A_197] : memref<10240x128xf32, #tpu.memory_space<vmem_shared>> -> memref<640x128xf32, #tpu.memory_space<vmem_shared>>
      tpu.enqueue_dma source(%dma_start3A_198 : memref<640x128xf32, #tpu.memory_space<vmem_shared>>) target(%dma_start3A_196 : memref<640x128xf32, #tpu.memory_space<hbm>>) target_semaphore(%run_scoped3A : memref<!tpu.dma_semaphore, #tpu.memory_space<semaphore_mem>>)
      %dma_wait3A_199 = arith.constant 0 : i32
      %dma_wait3A_200 = tpu.memref_slice %arg6[%arg0, %mul3A_193, %dma_wait3A_199] : memref<2x10240x128xf32, #tpu.memory_space<hbm>> -> memref<1x640x128xf32, #tpu.memory_space<hbm>>
      %dma_wait3A_201 = tpu.memref_squeeze %dma_wait3A_200 : memref<1x640x128xf32, #tpu.memory_space<hbm>> -> memref<640x128xf32, #tpu.memory_space<hbm>>
      %dma_wait3A_202 = arith.constant 0 : i32
      %dma_wait3A_203 = tpu.memref_slice %arg27[%mul3A_191, %dma_wait3A_202] : memref<10240x128xf32, #tpu.memory_space<vmem_shared>> -> memref<640x128xf32, #tpu.memory_space<vmem_shared>>
      tpu.wait_dma2 semaphore(%run_scoped3A : memref<!tpu.dma_semaphore, #tpu.memory_space<semaphore_mem>>) src(%dma_wait3A_203 : memref<640x128xf32, #tpu.memory_space<vmem_shared>>) dst(%dma_wait3A_201 : memref<640x128xf32, #tpu.memory_space<hbm>>)
      tpu.yield
    }) : () -> ()
    return
  }
}

module attributes {stable_mosaic.version = 14 : i64} {
  func.func @_tc2_body(%arg0: i32, %arg1: memref<2x1000x128xf32, #tpu.memory_space<vmem>>, %arg2: memref<1000x128xf32, #tpu.memory_space<vmem>>, %arg3: memref<2x1x1x1000xf32, #tpu.memory_space<vmem>>, %arg4: memref<128x128xf32, #tpu.memory_space<vmem>>, %arg5: memref<128x128xf32, #tpu.memory_space<vmem>>, %arg6: memref<1x128xf32, #tpu.memory_space<vmem>>, %arg7: memref<1x128xf32, #tpu.memory_space<vmem>>, %arg8: memref<1x128xf32, #tpu.memory_space<vmem>>, %arg9: memref<1x1x1000xi32, #tpu.memory_space<vmem>>, %arg10: memref<1x1x1000xf32, #tpu.memory_space<vmem>>, %arg11: memref<1x1x1000xf32, #tpu.memory_space<vmem>>, %arg12: memref<64x128xf32, #tpu.memory_space<vmem>>) attributes {dimension_semantics = [#tpu.dimension_semantics<arbitrary>], iteration_bounds = array<i64: 10>, scalar_prefetch = 0 : i64, scratch_operands = 0 : i64, tpu.core_type = #tpu.core_type<tc>, window_params = [{transform_indices = @transform_0, window_bounds = array<i64: 2, 1000, 128>}, {transform_indices = @transform_1, window_bounds = array<i64: 1000, 128>}, {transform_indices = @transform_2, window_bounds = array<i64: 2, 1, 1, 1000>}, {pipeline_mode = #tpu.pipeline_mode<synchronous>, transform_indices = @transform_3, window_bounds = array<i64: 128, 128>}, {pipeline_mode = #tpu.pipeline_mode<synchronous>, transform_indices = @transform_4, window_bounds = array<i64: 128, 128>}, {pipeline_mode = #tpu.pipeline_mode<synchronous>, transform_indices = @transform_5, window_bounds = array<i64: 1, 128>}, {pipeline_mode = #tpu.pipeline_mode<synchronous>, transform_indices = @transform_6, window_bounds = array<i64: 1, 128>}, {pipeline_mode = #tpu.pipeline_mode<synchronous>, transform_indices = @transform_7, window_bounds = array<i64: 1, 128>}, {transform_indices = @transform_8, window_bounds = array<i64: 1, 1, 1000>}, {transform_indices = @transform_9, window_bounds = array<i64: 1, 1, 1000>}, {transform_indices = @transform_10, window_bounds = array<i64: 1, 1, 1000>}, {pipeline_mode = #tpu.pipeline_mode<synchronous>, transform_indices = @transform_11, window_bounds = array<i64: 64, 128>}]} {
    %get3A = arith.constant 0 : index
    %get3A_0 = arith.constant 0 : index
    %get3A_1 = arith.constant 0 : index
    %get3A_2 = arith.constant 0 : index
    %get3A_3 = vector.load %arg3[%get3A, %get3A_0, %get3A_1, %get3A_2] : memref<2x1x1x1000xf32, #tpu.memory_space<vmem>>, vector<2x1x1x1000xf32>
    %reshape3A = vector.shape_cast %get3A_3 : vector<2x1x1x1000xf32> to vector<2x1000xf32>
    %reduce_sum3A = arith.constant dense<0.000000e+00> : vector<1000xf32>
    %reduce_sum3A_4 = vector.multi_reduction <add>, %reshape3A, %reduce_sum3A [0] : vector<2x1000xf32> to vector<1000xf32>
    %gt3A = arith.constant 0.000000e+00 : f32
    %gt3A_5 = vector.broadcast %gt3A : f32 to vector<1000xf32>
    %gt3A_6 = arith.cmpf ogt, %reduce_sum3A_4, %gt3A_5 : vector<1000xf32>
    %max3A = arith.constant 1.000000e+00 : f32
    %max3A_7 = vector.broadcast %max3A : f32 to vector<1000xf32>
    %max3A_8 = arith.maximumf %reduce_sum3A_4, %max3A_7 : vector<1000xf32>
    %div3A = arith.constant 1.000000e+00 : f32
    %div3A_9 = vector.broadcast %div3A : f32 to vector<1000xf32>
    %div3A_10 = arith.divf %div3A_9, %max3A_8 : vector<1000xf32>
    %jit3A = arith.constant 0.000000e+00 : f32
    %broadcast_in_dim3A = vector.broadcast %jit3A : f32 to vector<1000xf32>
    %select_n3A = arith.select %gt3A_6, %div3A_10, %broadcast_in_dim3A : vector<1000xi1>, vector<1000xf32>
    %get3A_11 = arith.constant 0 : index
    %get3A_12 = arith.constant 0 : index
    %get3A_13 = arith.constant 0 : index
    %get3A_14 = vector.load %arg1[%get3A_11, %get3A_12, %get3A_13] : memref<2x1000x128xf32, #tpu.memory_space<vmem>>, vector<1x1000x128xf32>
    %get3A_15 = vector.shape_cast %get3A_14 : vector<1x1000x128xf32> to vector<1000x128xf32>
    %get3A_16 = arith.constant 1 : index
    %get3A_17 = arith.constant 0 : index
    %get3A_18 = arith.constant 0 : index
    %get3A_19 = vector.load %arg1[%get3A_16, %get3A_17, %get3A_18] : memref<2x1000x128xf32, #tpu.memory_space<vmem>>, vector<1x1000x128xf32>
    %get3A_20 = vector.shape_cast %get3A_19 : vector<1x1000x128xf32> to vector<1000x128xf32>
    %add3A = arith.addf %get3A_15, %get3A_20 : vector<1000x128xf32>
    %broadcast_in_dim3A_21 = vector.shape_cast %select_n3A : vector<1000xf32> to vector<1000x1xf32>
    %mul3A = vector.broadcast %broadcast_in_dim3A_21 : vector<1000x1xf32> to vector<1000x128xf32>
    %mul3A_22 = arith.mulf %add3A, %mul3A : vector<1000x128xf32>
    %get3A_23 = arith.constant 0 : index
    %get3A_24 = arith.constant 0 : index
    %get3A_25 = vector.load %arg4[%get3A_23, %get3A_24] : memref<128x128xf32, #tpu.memory_space<vmem>>, vector<128x128xf32>
    %dot_general3A = arith.constant dense<0.000000e+00> : vector<1000x128xf32>
    %dot_general3A_26 = tpu.matmul %mul3A_22, %get3A_25, %dot_general3A {dimension_numbers = #tpu.dot_dimension_numbers<[1], [0], [0], [1], [0, 0, 1, 1], [], []>, precision = #tpu.contract_precision<fp32>, transpose_lhs_hint = false} : vector<1000x128xf32>, vector<128x128xf32>, vector<1000x128xf32> -> vector<1000x128xf32>
    %get3A_27 = arith.constant 0 : index
    %get3A_28 = arith.constant 0 : index
    %get3A_29 = vector.load %arg2[%get3A_27, %get3A_28] : memref<1000x128xf32, #tpu.memory_space<vmem>>, vector<1000x128xf32>
    %get3A_30 = arith.constant 0 : index
    %get3A_31 = arith.constant 0 : index
    %get3A_32 = vector.load %arg5[%get3A_30, %get3A_31] : memref<128x128xf32, #tpu.memory_space<vmem>>, vector<128x128xf32>
    %dot_general3A_33 = arith.constant dense<0.000000e+00> : vector<1000x128xf32>
    %dot_general3A_34 = tpu.matmul %get3A_29, %get3A_32, %dot_general3A_33 {dimension_numbers = #tpu.dot_dimension_numbers<[1], [0], [0], [1], [0, 0, 1, 1], [], []>, precision = #tpu.contract_precision<fp32>, transpose_lhs_hint = false} : vector<1000x128xf32>, vector<128x128xf32>, vector<1000x128xf32> -> vector<1000x128xf32>
    %add3A_35 = arith.addf %dot_general3A_26, %dot_general3A_34 : vector<1000x128xf32>
    %get3A_36 = arith.constant 0 : index
    %get3A_37 = arith.constant 0 : index
    %get3A_38 = vector.load %arg6[%get3A_36, %get3A_37] : memref<1x128xf32, #tpu.memory_space<vmem>>, vector<1x128xf32>
    %add3A_39 = vector.broadcast %get3A_38 : vector<1x128xf32> to vector<1000x128xf32>
    %add3A_40 = arith.addf %add3A_35, %add3A_39 : vector<1000x128xf32>
    %get3A_41 = arith.constant 0 : index
    %get3A_42 = arith.constant 0 : index
    %get3A_43 = vector.load %arg7[%get3A_41, %get3A_42] : memref<1x128xf32, #tpu.memory_space<vmem>>, vector<1x128xf32>
    %mul3A_44 = vector.broadcast %get3A_43 : vector<1x128xf32> to vector<1000x128xf32>
    %mul3A_45 = arith.mulf %add3A_40, %mul3A_44 : vector<1000x128xf32>
    %reduce_sum3A_46 = arith.constant dense<0.000000e+00> : vector<1000xf32>
    %reduce_sum3A_47 = vector.multi_reduction <add>, %mul3A_45, %reduce_sum3A_46 [1] : vector<1000x128xf32> to vector<1000xf32>
    %reshape3A_48 = vector.shape_cast %reduce_sum3A_47 : vector<1000xf32> to vector<1x1x1000xf32>
    %swap3A = arith.constant 0 : index
    %swap3A_49 = arith.constant 0 : index
    %swap3A_50 = arith.constant 0 : index
    %swap3A_51 = vector.load %arg10[%swap3A, %swap3A_49, %swap3A_50] : memref<1x1x1000xf32, #tpu.memory_space<vmem>>, vector<1x1x1000xf32>
    tpu.vector_store %arg10[%swap3A, %swap3A_49, %swap3A_50], %reshape3A_48 {strides = array<i32>} : memref<1x1x1000xf32, #tpu.memory_space<vmem>>, vector<1x1x1000xf32>,
    %get3A_52 = arith.constant 0 : index
    %get3A_53 = arith.constant 0 : index
    %get3A_54 = vector.load %arg8[%get3A_52, %get3A_53] : memref<1x128xf32, #tpu.memory_space<vmem>>, vector<1x128xf32>
    %mul3A_55 = vector.broadcast %get3A_54 : vector<1x128xf32> to vector<1000x128xf32>
    %mul3A_56 = arith.mulf %add3A_40, %mul3A_55 : vector<1000x128xf32>
    %reduce_sum3A_57 = arith.constant dense<0.000000e+00> : vector<1000xf32>
    %reduce_sum3A_58 = vector.multi_reduction <add>, %mul3A_56, %reduce_sum3A_57 [1] : vector<1000x128xf32> to vector<1000xf32>
    %reshape3A_59 = vector.shape_cast %reduce_sum3A_58 : vector<1000xf32> to vector<1x1x1000xf32>
    %swap3A_60 = arith.constant 0 : index
    %swap3A_61 = arith.constant 0 : index
    %swap3A_62 = arith.constant 0 : index
    %swap3A_63 = vector.load %arg11[%swap3A_60, %swap3A_61, %swap3A_62] : memref<1x1x1000xf32, #tpu.memory_space<vmem>>, vector<1x1x1000xf32>
    tpu.vector_store %arg11[%swap3A_60, %swap3A_61, %swap3A_62], %reshape3A_59 {strides = array<i32>} : memref<1x1x1000xf32, #tpu.memory_space<vmem>>, vector<1x1x1000xf32>,
    %get3A_64 = arith.constant 0 : index
    %get3A_65 = arith.constant 0 : index
    %get3A_66 = arith.constant 0 : index
    %get3A_67 = vector.load %arg9[%get3A_64, %get3A_65, %get3A_66] : memref<1x1x1000xi32, #tpu.memory_space<vmem>>, vector<1x1x1000xi32>
    %reshape3A_68 = vector.shape_cast %get3A_67 : vector<1x1x1000xi32> to vector<1000xi32>
    %broadcast_in_dim3A_69 = vector.shape_cast %reshape3A_68 : vector<1000xi32> to vector<1000x1xi32>
    %iota3A = tpu.iota {dimensions = array<i32: 1>} : vector<1000x64xi32>
    %eq3A = vector.broadcast %broadcast_in_dim3A_69 : vector<1000x1xi32> to vector<1000x64xi32>
    %eq3A_70 = arith.cmpi eq, %eq3A, %iota3A : vector<1000x64xi32>
    %convert_element_type3A = arith.extui %eq3A_70 : vector<1000x64xi1> to vector<1000x64xi32>
    %convert_element_type3A_71 = arith.sitofp %convert_element_type3A : vector<1000x64xi32> to vector<1000x64xf32>
    %eq3A_72 = arith.constant 0 : i32
    %eq3A_73 = arith.cmpi eq, %arg0, %eq3A_72 : i32
    %convert_element_type3A_74 = arith.extui %eq3A_73 : i1 to i32
    %cond3A = arith.constant 0 : i32
    %cond3A_75 = arith.cmpi ne, %convert_element_type3A_74, %cond3A : i32
    scf.if %cond3A_75 {
      %broadcast_in_dim3A_85 = arith.constant 0.000000e+00 : f32
      %broadcast_in_dim3A_86 = vector.broadcast %broadcast_in_dim3A_85 : f32 to vector<64x128xf32>
      %swap3A_87 = arith.constant 0 : index
      %swap3A_88 = arith.constant 0 : index
      %swap3A_89 = vector.load %arg12[%swap3A_87, %swap3A_88] : memref<64x128xf32, #tpu.memory_space<vmem>>, vector<64x128xf32>
      tpu.vector_store %arg12[%swap3A_87, %swap3A_88], %broadcast_in_dim3A_86 {strides = array<i32>} : memref<64x128xf32, #tpu.memory_space<vmem>>, vector<64x128xf32>,
    } else {
    }
    %get3A_76 = arith.constant 0 : index
    %get3A_77 = arith.constant 0 : index
    %get3A_78 = vector.load %arg12[%get3A_76, %get3A_77] : memref<64x128xf32, #tpu.memory_space<vmem>>, vector<64x128xf32>
    %dot_general3A_79 = arith.constant dense<0.000000e+00> : vector<64x128xf32>
    %dot_general3A_80 = tpu.matmul %convert_element_type3A_71, %add3A_40, %dot_general3A_79 {dimension_numbers = #tpu.dot_dimension_numbers<[0], [0], [1], [1], [0, 1, 1, 1], [], []>, precision = #tpu.contract_precision<fp32>, transpose_lhs_hint = false} : vector<1000x64xf32>, vector<1000x128xf32>, vector<64x128xf32> -> vector<64x128xf32>
    %add3A_81 = arith.addf %get3A_78, %dot_general3A_80 : vector<64x128xf32>
    %swap3A_82 = arith.constant 0 : index
    %swap3A_83 = arith.constant 0 : index
    %swap3A_84 = vector.load %arg12[%swap3A_82, %swap3A_83] : memref<64x128xf32, #tpu.memory_space<vmem>>, vector<64x128xf32>
    tpu.vector_store %arg12[%swap3A_82, %swap3A_83], %add3A_81 {strides = array<i32>} : memref<64x128xf32, #tpu.memory_space<vmem>>, vector<64x128xf32>,
    return
  }
  func.func @transform_0(%arg0: i32) -> (i32, i32, i32) {
    %c0_i32 = arith.constant 0 : i32
    %c0_i32_0 = arith.constant 0 : i32
    %c0_i32_1 = arith.constant 0 : i32
    return %c0_i32, %arg0, %c0_i32_0 : i32, i32, i32
  }
  func.func @transform_1(%arg0: i32) -> (i32, i32) {
    %c0_i32 = arith.constant 0 : i32
    %c0_i32_0 = arith.constant 0 : i32
    return %arg0, %c0_i32 : i32, i32
  }
  func.func @transform_2(%arg0: i32) -> (i32, i32, i32, i32) {
    %c0_i32 = arith.constant 0 : i32
    %c0_i32_0 = arith.constant 0 : i32
    %c0_i32_1 = arith.constant 0 : i32
    %c0_i32_2 = arith.constant 0 : i32
    return %c0_i32, %arg0, %c0_i32_0, %c0_i32_1 : i32, i32, i32, i32
  }
  func.func @transform_3(%arg0: i32) -> (i32, i32) {
    %c0_i32 = arith.constant 0 : i32
    %c0_i32_0 = arith.constant 0 : i32
    %c0_i32_1 = arith.constant 0 : i32
    return %c0_i32, %c0_i32_0 : i32, i32
  }
  func.func @transform_4(%arg0: i32) -> (i32, i32) {
    %c0_i32 = arith.constant 0 : i32
    %c0_i32_0 = arith.constant 0 : i32
    %c0_i32_1 = arith.constant 0 : i32
    return %c0_i32, %c0_i32_0 : i32, i32
  }
  func.func @transform_5(%arg0: i32) -> (i32, i32) {
    %c0_i32 = arith.constant 0 : i32
    %c0_i32_0 = arith.constant 0 : i32
    %c0_i32_1 = arith.constant 0 : i32
    return %c0_i32, %c0_i32_0 : i32, i32
  }
  func.func @transform_6(%arg0: i32) -> (i32, i32) {
    %c0_i32 = arith.constant 0 : i32
    %c0_i32_0 = arith.constant 0 : i32
    %c0_i32_1 = arith.constant 0 : i32
    return %c0_i32, %c0_i32_0 : i32, i32
  }
  func.func @transform_7(%arg0: i32) -> (i32, i32) {
    %c0_i32 = arith.constant 0 : i32
    %c0_i32_0 = arith.constant 0 : i32
    %c0_i32_1 = arith.constant 0 : i32
    return %c0_i32, %c0_i32_0 : i32, i32
  }
  func.func @transform_8(%arg0: i32) -> (i32, i32, i32) {
    %c0_i32 = arith.constant 0 : i32
    %c0_i32_0 = arith.constant 0 : i32
    %c0_i32_1 = arith.constant 0 : i32
    return %arg0, %c0_i32, %c0_i32_0 : i32, i32, i32
  }
  func.func @transform_9(%arg0: i32) -> (i32, i32, i32) {
    %c0_i32 = arith.constant 0 : i32
    %c0_i32_0 = arith.constant 0 : i32
    %c0_i32_1 = arith.constant 0 : i32
    return %arg0, %c0_i32, %c0_i32_0 : i32, i32, i32
  }
  func.func @transform_10(%arg0: i32) -> (i32, i32, i32) {
    %c0_i32 = arith.constant 0 : i32
    %c0_i32_0 = arith.constant 0 : i32
    %c0_i32_1 = arith.constant 0 : i32
    return %arg0, %c0_i32, %c0_i32_0 : i32, i32, i32
  }
  func.func @transform_11(%arg0: i32) -> (i32, i32) {
    %c0_i32 = arith.constant 0 : i32
    %c0_i32_0 = arith.constant 0 : i32
    %c0_i32_1 = arith.constant 0 : i32
    return %c0_i32, %c0_i32_0 : i32, i32
  }
}

module attributes {stable_mosaic.version = 14 : i64} {
  func.func @_tc1_body(%arg0: i32, %arg1: memref<2x1000x128xf32, #tpu.memory_space<vmem>>, %arg2: memref<1000x128xf32, #tpu.memory_space<vmem>>, %arg3: memref<2x1x1x1000xf32, #tpu.memory_space<vmem>>, %arg4: memref<128x128xf32, #tpu.memory_space<vmem>>, %arg5: memref<128x128xf32, #tpu.memory_space<vmem>>, %arg6: memref<1x128xf32, #tpu.memory_space<vmem>>, %arg7: memref<1000x128xf32, #tpu.memory_space<vmem>>) attributes {dimension_semantics = [#tpu.dimension_semantics<arbitrary>], iteration_bounds = array<i64: 10>, scalar_prefetch = 0 : i64, scratch_operands = 0 : i64, tpu.core_type = #tpu.core_type<tc>, window_params = [{transform_indices = @transform_0, window_bounds = array<i64: 2, 1000, 128>}, {transform_indices = @transform_1, window_bounds = array<i64: 1000, 128>}, {transform_indices = @transform_2, window_bounds = array<i64: 2, 1, 1, 1000>}, {pipeline_mode = #tpu.pipeline_mode<synchronous>, transform_indices = @transform_3, window_bounds = array<i64: 128, 128>}, {pipeline_mode = #tpu.pipeline_mode<synchronous>, transform_indices = @transform_4, window_bounds = array<i64: 128, 128>}, {pipeline_mode = #tpu.pipeline_mode<synchronous>, transform_indices = @transform_5, window_bounds = array<i64: 1, 128>}, {transform_indices = @transform_6, window_bounds = array<i64: 1000, 128>}]} {
    %get3A = arith.constant 0 : index
    %get3A_0 = arith.constant 0 : index
    %get3A_1 = arith.constant 0 : index
    %get3A_2 = arith.constant 0 : index
    %get3A_3 = vector.load %arg3[%get3A, %get3A_0, %get3A_1, %get3A_2] : memref<2x1x1x1000xf32, #tpu.memory_space<vmem>>, vector<2x1x1x1000xf32>
    %reshape3A = vector.shape_cast %get3A_3 : vector<2x1x1x1000xf32> to vector<2x1000xf32>
    %reduce_sum3A = arith.constant dense<0.000000e+00> : vector<1000xf32>
    %reduce_sum3A_4 = vector.multi_reduction <add>, %reshape3A, %reduce_sum3A [0] : vector<2x1000xf32> to vector<1000xf32>
    %gt3A = arith.constant 0.000000e+00 : f32
    %gt3A_5 = vector.broadcast %gt3A : f32 to vector<1000xf32>
    %gt3A_6 = arith.cmpf ogt, %reduce_sum3A_4, %gt3A_5 : vector<1000xf32>
    %max3A = arith.constant 1.000000e+00 : f32
    %max3A_7 = vector.broadcast %max3A : f32 to vector<1000xf32>
    %max3A_8 = arith.maximumf %reduce_sum3A_4, %max3A_7 : vector<1000xf32>
    %div3A = arith.constant 1.000000e+00 : f32
    %div3A_9 = vector.broadcast %div3A : f32 to vector<1000xf32>
    %div3A_10 = arith.divf %div3A_9, %max3A_8 : vector<1000xf32>
    %jit3A = arith.constant 0.000000e+00 : f32
    %broadcast_in_dim3A = vector.broadcast %jit3A : f32 to vector<1000xf32>
    %select_n3A = arith.select %gt3A_6, %div3A_10, %broadcast_in_dim3A : vector<1000xi1>, vector<1000xf32>
    %get3A_11 = arith.constant 0 : index
    %get3A_12 = arith.constant 0 : index
    %get3A_13 = arith.constant 0 : index
    %get3A_14 = vector.load %arg1[%get3A_11, %get3A_12, %get3A_13] : memref<2x1000x128xf32, #tpu.memory_space<vmem>>, vector<1x1000x128xf32>
    %get3A_15 = vector.shape_cast %get3A_14 : vector<1x1000x128xf32> to vector<1000x128xf32>
    %get3A_16 = arith.constant 1 : index
    %get3A_17 = arith.constant 0 : index
    %get3A_18 = arith.constant 0 : index
    %get3A_19 = vector.load %arg1[%get3A_16, %get3A_17, %get3A_18] : memref<2x1000x128xf32, #tpu.memory_space<vmem>>, vector<1x1000x128xf32>
    %get3A_20 = vector.shape_cast %get3A_19 : vector<1x1000x128xf32> to vector<1000x128xf32>
    %add3A = arith.addf %get3A_15, %get3A_20 : vector<1000x128xf32>
    %broadcast_in_dim3A_21 = vector.shape_cast %select_n3A : vector<1000xf32> to vector<1000x1xf32>
    %mul3A = vector.broadcast %broadcast_in_dim3A_21 : vector<1000x1xf32> to vector<1000x128xf32>
    %mul3A_22 = arith.mulf %add3A, %mul3A : vector<1000x128xf32>
    %get3A_23 = arith.constant 0 : index
    %get3A_24 = arith.constant 0 : index
    %get3A_25 = vector.load %arg4[%get3A_23, %get3A_24] : memref<128x128xf32, #tpu.memory_space<vmem>>, vector<128x128xf32>
    %dot_general3A = arith.constant dense<0.000000e+00> : vector<1000x128xf32>
    %dot_general3A_26 = tpu.matmul %mul3A_22, %get3A_25, %dot_general3A {dimension_numbers = #tpu.dot_dimension_numbers<[1], [0], [0], [1], [0, 0, 1, 1], [], []>, precision = #tpu.contract_precision<fp32>, transpose_lhs_hint = false} : vector<1000x128xf32>, vector<128x128xf32>, vector<1000x128xf32> -> vector<1000x128xf32>
    %get3A_27 = arith.constant 0 : index
    %get3A_28 = arith.constant 0 : index
    %get3A_29 = vector.load %arg2[%get3A_27, %get3A_28] : memref<1000x128xf32, #tpu.memory_space<vmem>>, vector<1000x128xf32>
    %get3A_30 = arith.constant 0 : index
    %get3A_31 = arith.constant 0 : index
    %get3A_32 = vector.load %arg5[%get3A_30, %get3A_31] : memref<128x128xf32, #tpu.memory_space<vmem>>, vector<128x128xf32>
    %dot_general3A_33 = arith.constant dense<0.000000e+00> : vector<1000x128xf32>
    %dot_general3A_34 = tpu.matmul %get3A_29, %get3A_32, %dot_general3A_33 {dimension_numbers = #tpu.dot_dimension_numbers<[1], [0], [0], [1], [0, 0, 1, 1], [], []>, precision = #tpu.contract_precision<fp32>, transpose_lhs_hint = false} : vector<1000x128xf32>, vector<128x128xf32>, vector<1000x128xf32> -> vector<1000x128xf32>
    %add3A_35 = arith.addf %dot_general3A_26, %dot_general3A_34 : vector<1000x128xf32>
    %get3A_36 = arith.constant 0 : index
    %get3A_37 = arith.constant 0 : index
    %get3A_38 = vector.load %arg6[%get3A_36, %get3A_37] : memref<1x128xf32, #tpu.memory_space<vmem>>, vector<1x128xf32>
    %add3A_39 = vector.broadcast %get3A_38 : vector<1x128xf32> to vector<1000x128xf32>
    %add3A_40 = arith.addf %add3A_35, %add3A_39 : vector<1000x128xf32>
    %max3A_41 = arith.constant 0.000000e+00 : f32
    %max3A_42 = vector.broadcast %max3A_41 : f32 to vector<1000x128xf32>
    %max3A_43 = arith.maximumf %add3A_40, %max3A_42 : vector<1000x128xf32>
    %swap3A = arith.constant 0 : index
    %swap3A_44 = arith.constant 0 : index
    %swap3A_45 = vector.load %arg7[%swap3A, %swap3A_44] : memref<1000x128xf32, #tpu.memory_space<vmem>>, vector<1000x128xf32>
    tpu.vector_store %arg7[%swap3A, %swap3A_44], %max3A_43 {strides = array<i32>} : memref<1000x128xf32, #tpu.memory_space<vmem>>, vector<1000x128xf32>,
    return
  }
  func.func @transform_0(%arg0: i32) -> (i32, i32, i32) {
    %c0_i32 = arith.constant 0 : i32
    %c0_i32_0 = arith.constant 0 : i32
    %c0_i32_1 = arith.constant 0 : i32
    return %c0_i32, %arg0, %c0_i32_0 : i32, i32, i32
  }
  func.func @transform_1(%arg0: i32) -> (i32, i32) {
    %c0_i32 = arith.constant 0 : i32
    %c0_i32_0 = arith.constant 0 : i32
    return %arg0, %c0_i32 : i32, i32
  }
  func.func @transform_2(%arg0: i32) -> (i32, i32, i32, i32) {
    %c0_i32 = arith.constant 0 : i32
    %c0_i32_0 = arith.constant 0 : i32
    %c0_i32_1 = arith.constant 0 : i32
    %c0_i32_2 = arith.constant 0 : i32
    return %c0_i32, %arg0, %c0_i32_0, %c0_i32_1 : i32, i32, i32, i32
  }
  func.func @transform_3(%arg0: i32) -> (i32, i32) {
    %c0_i32 = arith.constant 0 : i32
    %c0_i32_0 = arith.constant 0 : i32
    %c0_i32_1 = arith.constant 0 : i32
    return %c0_i32, %c0_i32_0 : i32, i32
  }
  func.func @transform_4(%arg0: i32) -> (i32, i32) {
    %c0_i32 = arith.constant 0 : i32
    %c0_i32_0 = arith.constant 0 : i32
    %c0_i32_1 = arith.constant 0 : i32
    return %c0_i32, %c0_i32_0 : i32, i32
  }
  func.func @transform_5(%arg0: i32) -> (i32, i32) {
    %c0_i32 = arith.constant 0 : i32
    %c0_i32_0 = arith.constant 0 : i32
    %c0_i32_1 = arith.constant 0 : i32
    return %c0_i32, %c0_i32_0 : i32, i32
  }
  func.func @transform_6(%arg0: i32) -> (i32, i32) {
    %c0_i32 = arith.constant 0 : i32
    %c0_i32_0 = arith.constant 0 : i32
    return %arg0, %c0_i32 : i32, i32
  }
}

module attributes {stable_mosaic.version = 14 : i64} {
  func.func @_tc3_body(%arg0: i32, %arg1: i32, %arg2: memref<32x1x1x1000xf32, #tpu.memory_space<vmem>>, %arg3: memref<2x1x1x1000xf32, #tpu.memory_space<vmem>>, %arg4: memref<1x1x1000xf32, #tpu.memory_space<vmem>>, %arg5: memref<64x128xf32, #tpu.memory_space<vmem>>, %arg6: memref<1x128xf32, #tpu.memory_space<vmem>>, %arg7: memref<1x1xf32, #tpu.memory_space<vmem>>, %arg8: memref<1x1xf32, #tpu.memory_space<vmem>>, %arg9: memref<1x1x1000xi32, #tpu.memory_space<vmem>>, %arg10: memref<1x1x1000xf32, #tpu.memory_space<vmem>>, %arg11: memref<10x1x1000xf32, #tpu.memory_space<vmem>>, %arg12: memref<1x64xf32, #tpu.memory_space<vmem>>, %arg13: memref<1x64xf32, #tpu.memory_space<vmem>>, %arg14: memref<1x64xf32, #tpu.memory_space<vmem>>) attributes {dimension_semantics = [#tpu.dimension_semantics<arbitrary>, #tpu.dimension_semantics<arbitrary>], iteration_bounds = array<i64: 2, 10>, scalar_prefetch = 0 : i64, scratch_operands = 4 : i64, tpu.core_type = #tpu.core_type<tc>, window_params = [{transform_indices = @transform_0, window_bounds = array<i64: 32, 1, 1, 1000>}, {transform_indices = @transform_1, window_bounds = array<i64: 2, 1, 1, 1000>}, {transform_indices = @transform_2, window_bounds = array<i64: 1, 1, 1000>}, {pipeline_mode = #tpu.pipeline_mode<synchronous>, transform_indices = @transform_3, window_bounds = array<i64: 64, 128>}, {pipeline_mode = #tpu.pipeline_mode<synchronous>, transform_indices = @transform_4, window_bounds = array<i64: 1, 128>}, {pipeline_mode = #tpu.pipeline_mode<synchronous>, transform_indices = @transform_5, window_bounds = array<i64: 1, 1>}, {pipeline_mode = #tpu.pipeline_mode<synchronous>, transform_indices = @transform_6, window_bounds = array<i64: 1, 1>}, {transform_indices = @transform_7, window_bounds = array<i64: 1, 1, 1000>}, {transform_indices = @transform_8, window_bounds = array<i64: 1, 1, 1000>}]} {
    %get3A = arith.constant 0 : index
    %get3A_0 = arith.constant 0 : index
    %get3A_1 = arith.constant 0 : index
    %get3A_2 = vector.load %arg9[%get3A, %get3A_0, %get3A_1] : memref<1x1x1000xi32, #tpu.memory_space<vmem>>, vector<1x1x1000xi32>
    %reshape3A = vector.shape_cast %get3A_2 : vector<1x1x1000xi32> to vector<1000xi32>
    %broadcast_in_dim3A = vector.shape_cast %reshape3A : vector<1000xi32> to vector<1000x1xi32>
    %iota3A = tpu.iota {dimensions = array<i32: 1>} : vector<1000x64xi32>
    %eq3A = vector.broadcast %broadcast_in_dim3A : vector<1000x1xi32> to vector<1000x64xi32>
    %eq3A_3 = arith.cmpi eq, %eq3A, %iota3A : vector<1000x64xi32>
    %convert_element_type3A = arith.extui %eq3A_3 : vector<1000x64xi1> to vector<1000x64xi32>
    %convert_element_type3A_4 = arith.sitofp %convert_element_type3A : vector<1000x64xi32> to vector<1000x64xf32>
    %eq3A_5 = arith.constant 0 : i32
    %eq3A_6 = arith.cmpi eq, %arg0, %eq3A_5 : i32
    %convert_element_type3A_7 = arith.extui %eq3A_6 : i1 to i32
    %cond3A = arith.constant 0 : i32
    %cond3A_8 = arith.cmpi ne, %convert_element_type3A_7, %cond3A : i32
    scf.if %cond3A_8 {
      %get3A_14 = arith.constant 0 : index
      %get3A_15 = arith.constant 0 : index
      %get3A_16 = arith.constant 0 : index
      %get3A_17 = arith.constant 0 : index
      %get3A_18 = vector.load %arg3[%get3A_14, %get3A_15, %get3A_16, %get3A_17] : memref<2x1x1x1000xf32, #tpu.memory_space<vmem>>, vector<2x1x1x1000xf32>
      %reshape3A_19 = vector.shape_cast %get3A_18 : vector<2x1x1x1000xf32> to vector<2x1000xf32>
      %reduce_sum3A = arith.constant dense<0.000000e+00> : vector<1000xf32>
      %reduce_sum3A_20 = vector.multi_reduction <add>, %reshape3A_19, %reduce_sum3A [0] : vector<2x1000xf32> to vector<1000xf32>
      %gt3A = arith.constant 0.000000e+00 : f32
      %gt3A_21 = vector.broadcast %gt3A : f32 to vector<1000xf32>
      %gt3A_22 = arith.cmpf ogt, %reduce_sum3A_20, %gt3A_21 : vector<1000xf32>
      %max3A = arith.constant 1.000000e+00 : f32
      %max3A_23 = vector.broadcast %max3A : f32 to vector<1000xf32>
      %max3A_24 = arith.maximumf %reduce_sum3A_20, %max3A_23 : vector<1000xf32>
      %div3A = arith.constant 1.000000e+00 : f32
      %div3A_25 = vector.broadcast %div3A : f32 to vector<1000xf32>
      %div3A_26 = arith.divf %div3A_25, %max3A_24 : vector<1000xf32>
      %jit3A = arith.constant 0.000000e+00 : f32
      %broadcast_in_dim3A_27 = vector.broadcast %jit3A : f32 to vector<1000xf32>
      %select_n3A = arith.select %gt3A_22, %div3A_26, %broadcast_in_dim3A_27 : vector<1000xi1>, vector<1000xf32>
      %get3A_28 = arith.constant 0 : index
      %get3A_29 = arith.constant 0 : index
      %get3A_30 = arith.constant 0 : index
      %get3A_31 = arith.constant 0 : index
      %get3A_32 = vector.load %arg2[%get3A_28, %get3A_29, %get3A_30, %get3A_31] : memref<32x1x1x1000xf32, #tpu.memory_space<vmem>>, vector<32x1x1x1000xf32>
      %reshape3A_33 = vector.shape_cast %get3A_32 : vector<32x1x1x1000xf32> to vector<32x1000xf32>
      %reduce_sum3A_34 = arith.constant dense<0.000000e+00> : vector<1000xf32>
      %reduce_sum3A_35 = vector.multi_reduction <add>, %reshape3A_33, %reduce_sum3A_34 [0] : vector<32x1000xf32> to vector<1000xf32>
      %get3A_36 = arith.constant 0 : index
      %get3A_37 = arith.constant 0 : index
      %get3A_38 = arith.constant 0 : index
      %get3A_39 = vector.load %arg4[%get3A_36, %get3A_37, %get3A_38] : memref<1x1x1000xf32, #tpu.memory_space<vmem>>, vector<1x1x1000xf32>
      %reshape3A_40 = vector.shape_cast %get3A_39 : vector<1x1x1000xf32> to vector<1000xf32>
      %mul3A = arith.mulf %reduce_sum3A_35, %select_n3A : vector<1000xf32>
      %add3A = arith.addf %mul3A, %reshape3A_40 : vector<1000xf32>
      %get3A_41 = arith.constant 0 : index
      %get3A_42 = arith.constant 0 : index
      %get3A_43 = vector.load %arg7[%get3A_41, %get3A_42] : memref<1x1xf32, #tpu.memory_space<vmem>>, vector<1x1xf32>
      %get3A_44 = vector.extract %get3A_43[0, 0] : f32 from vector<1x1xf32>
      %add3A_45 = vector.broadcast %get3A_44 : f32 to vector<1000xf32>
      %add3A_46 = arith.addf %add3A, %add3A_45 : vector<1000xf32>
      %tanh3A = math.tanh %add3A_46 : vector<1000xf32>
      %mul3A_47 = arith.constant 2.000000e+00 : f32
      %mul3A_48 = vector.broadcast %mul3A_47 : f32 to vector<1000xf32>
      %mul3A_49 = arith.mulf %mul3A_48, %tanh3A : vector<1000xf32>
      %reshape3A_50 = vector.shape_cast %mul3A_49 : vector<1000xf32> to vector<1x1x1000xf32>
      %swap3A = arith.index_cast %arg1 : i32 to index
      %swap3A_51 = arith.constant 0 : index
      %swap3A_52 = arith.constant 0 : index
      %swap3A_53 = vector.load %arg11[%swap3A, %swap3A_51, %swap3A_52] : memref<10x1x1000xf32, #tpu.memory_space<vmem>>, vector<1x1x1000xf32>
      tpu.vector_store %arg11[%swap3A, %swap3A_51, %swap3A_52], %reshape3A_50 {strides = array<i32>} : memref<10x1x1000xf32, #tpu.memory_space<vmem>>, vector<1x1x1000xf32>,
      %eq3A_54 = arith.constant 0 : i32
      %eq3A_55 = arith.cmpi eq, %arg1, %eq3A_54 : i32
      %convert_element_type3A_56 = arith.extui %eq3A_55 : i1 to i32
      %cond3A_57 = arith.constant 0 : i32
      %cond3A_58 = arith.cmpi ne, %convert_element_type3A_56, %cond3A_57 : i32
      scf.if %cond3A_58 {
        %broadcast_in_dim3A_82 = arith.constant 0.000000e+00 : f32
        %broadcast_in_dim3A_83 = vector.broadcast %broadcast_in_dim3A_82 : f32 to vector<1x64xf32>
        %swap3A_84 = arith.constant 0 : index
        %swap3A_85 = arith.constant 0 : index
        %swap3A_86 = vector.load %arg12[%swap3A_84, %swap3A_85] : memref<1x64xf32, #tpu.memory_space<vmem>>, vector<1x64xf32>
        tpu.vector_store %arg12[%swap3A_84, %swap3A_85], %broadcast_in_dim3A_83 {strides = array<i32>} : memref<1x64xf32, #tpu.memory_space<vmem>>, vector<1x64xf32>,
        %broadcast_in_dim3A_87 = arith.constant 0.000000e+00 : f32
        %broadcast_in_dim3A_88 = vector.broadcast %broadcast_in_dim3A_87 : f32 to vector<1x64xf32>
        %swap3A_89 = arith.constant 0 : index
        %swap3A_90 = arith.constant 0 : index
        %swap3A_91 = vector.load %arg13[%swap3A_89, %swap3A_90] : memref<1x64xf32, #tpu.memory_space<vmem>>, vector<1x64xf32>
        tpu.vector_store %arg13[%swap3A_89, %swap3A_90], %broadcast_in_dim3A_88 {strides = array<i32>} : memref<1x64xf32, #tpu.memory_space<vmem>>, vector<1x64xf32>,
        %get3A_92 = arith.constant 0 : index
        %get3A_93 = arith.constant 0 : index
        %get3A_94 = vector.load %arg5[%get3A_92, %get3A_93] : memref<64x128xf32, #tpu.memory_space<vmem>>, vector<64x128xf32>
        %get3A_95 = arith.constant 0 : index
        %get3A_96 = arith.constant 0 : index
        %get3A_97 = vector.load %arg6[%get3A_95, %get3A_96] : memref<1x128xf32, #tpu.memory_space<vmem>>, vector<1x128xf32>
        %mul3A_98 = vector.broadcast %get3A_97 : vector<1x128xf32> to vector<64x128xf32>
        %mul3A_99 = arith.mulf %get3A_94, %mul3A_98 : vector<64x128xf32>
        %reduce_sum3A_100 = arith.constant dense<0.000000e+00> : vector<64xf32>
        %reduce_sum3A_101 = vector.multi_reduction <add>, %mul3A_99, %reduce_sum3A_100 [1] : vector<64x128xf32> to vector<64xf32>
        %get3A_102 = arith.constant 0 : index
        %get3A_103 = arith.constant 0 : index
        %get3A_104 = vector.load %arg8[%get3A_102, %get3A_103] : memref<1x1xf32, #tpu.memory_space<vmem>>, vector<1x1xf32>
        %get3A_105 = vector.extract %get3A_104[0, 0] : f32 from vector<1x1xf32>
        %add3A_106 = vector.broadcast %get3A_105 : f32 to vector<64xf32>
        %add3A_107 = arith.addf %reduce_sum3A_101, %add3A_106 : vector<64xf32>
        %tanh3A_108 = math.tanh %add3A_107 : vector<64xf32>
        %reshape3A_109 = vector.shape_cast %tanh3A_108 : vector<64xf32> to vector<1x64xf32>
        %swap3A_110 = arith.constant 0 : index
        %swap3A_111 = arith.constant 0 : index
        %swap3A_112 = vector.load %arg14[%swap3A_110, %swap3A_111] : memref<1x64xf32, #tpu.memory_space<vmem>>, vector<1x64xf32>
        tpu.vector_store %arg14[%swap3A_110, %swap3A_111], %reshape3A_109 {strides = array<i32>} : memref<1x64xf32, #tpu.memory_space<vmem>>, vector<1x64xf32>,
      } else {
      }
      %get3A_59 = arith.constant 0 : index
      %get3A_60 = arith.constant 0 : index
      %get3A_61 = vector.load %arg12[%get3A_59, %get3A_60] : memref<1x64xf32, #tpu.memory_space<vmem>>, vector<1x64xf32>
      %broadcast_in_dim3A_62 = vector.shape_cast %mul3A_49 : vector<1000xf32> to vector<1000x1xf32>
      %mul3A_63 = vector.broadcast %broadcast_in_dim3A_62 : vector<1000x1xf32> to vector<1000x64xf32>
      %mul3A_64 = arith.mulf %convert_element_type3A_4, %mul3A_63 : vector<1000x64xf32>
      %reduce_sum3A_65 = arith.constant dense<0.000000e+00> : vector<64xf32>
      %reduce_sum3A_66 = vector.multi_reduction <add>, %mul3A_64, %reduce_sum3A_65 [0] : vector<1000x64xf32> to vector<64xf32>
      %reshape3A_67 = vector.shape_cast %reduce_sum3A_66 : vector<64xf32> to vector<1x64xf32>
      %add3A_68 = arith.addf %get3A_61, %reshape3A_67 : vector<1x64xf32>
      %swap3A_69 = arith.constant 0 : index
      %swap3A_70 = arith.constant 0 : index
      %swap3A_71 = vector.load %arg12[%swap3A_69, %swap3A_70] : memref<1x64xf32, #tpu.memory_space<vmem>>, vector<1x64xf32>
      tpu.vector_store %arg12[%swap3A_69, %swap3A_70], %add3A_68 {strides = array<i32>} : memref<1x64xf32, #tpu.memory_space<vmem>>, vector<1x64xf32>,
      %get3A_72 = arith.constant 0 : index
      %get3A_73 = arith.constant 0 : index
      %get3A_74 = vector.load %arg13[%get3A_72, %get3A_73] : memref<1x64xf32, #tpu.memory_space<vmem>>, vector<1x64xf32>
      %reduce_sum3A_75 = arith.constant dense<0.000000e+00> : vector<64xf32>
      %reduce_sum3A_76 = vector.multi_reduction <add>, %convert_element_type3A_4, %reduce_sum3A_75 [0] : vector<1000x64xf32> to vector<64xf32>
      %reshape3A_77 = vector.shape_cast %reduce_sum3A_76 : vector<64xf32> to vector<1x64xf32>
      %add3A_78 = arith.addf %get3A_74, %reshape3A_77 : vector<1x64xf32>
      %swap3A_79 = arith.constant 0 : index
      %swap3A_80 = arith.constant 0 : index
      %swap3A_81 = vector.load %arg13[%swap3A_79, %swap3A_80] : memref<1x64xf32, #tpu.memory_space<vmem>>, vector<1x64xf32>
      tpu.vector_store %arg13[%swap3A_79, %swap3A_80], %add3A_78 {strides = array<i32>} : memref<1x64xf32, #tpu.memory_space<vmem>>, vector<1x64xf32>,
    } else {
    }
    %eq3A_9 = arith.constant 1 : i32
    %eq3A_10 = arith.cmpi eq, %arg0, %eq3A_9 : i32
    %convert_element_type3A_11 = arith.extui %eq3A_10 : i1 to i32
    %cond3A_12 = arith.constant 0 : i32
    %cond3A_13 = arith.cmpi ne, %convert_element_type3A_11, %cond3A_12 : i32
    scf.if %cond3A_13 {
      %get3A_14 = arith.constant 0 : index
      %get3A_15 = arith.constant 0 : index
      %get3A_16 = vector.load %arg13[%get3A_14, %get3A_15] : memref<1x64xf32, #tpu.memory_space<vmem>>, vector<1x64xf32>
      %reshape3A_17 = vector.shape_cast %get3A_16 : vector<1x64xf32> to vector<64xf32>
      %get3A_18 = arith.constant 0 : index
      %get3A_19 = arith.constant 0 : index
      %get3A_20 = vector.load %arg12[%get3A_18, %get3A_19] : memref<1x64xf32, #tpu.memory_space<vmem>>, vector<1x64xf32>
      %reshape3A_21 = vector.shape_cast %get3A_20 : vector<1x64xf32> to vector<64xf32>
      %gt3A = arith.constant 0.000000e+00 : f32
      %gt3A_22 = vector.broadcast %gt3A : f32 to vector<64xf32>
      %gt3A_23 = arith.cmpf ogt, %reshape3A_17, %gt3A_22 : vector<64xf32>
      %max3A = arith.constant 1.000000e+00 : f32
      %max3A_24 = vector.broadcast %max3A : f32 to vector<64xf32>
      %max3A_25 = arith.maximumf %reshape3A_17, %max3A_24 : vector<64xf32>
      %div3A = arith.divf %reshape3A_21, %max3A_25 : vector<64xf32>
      %jit3A = arith.constant 0.000000e+00 : f32
      %broadcast_in_dim3A_26 = vector.broadcast %jit3A : f32 to vector<64xf32>
      %select_n3A = arith.select %gt3A_23, %div3A, %broadcast_in_dim3A_26 : vector<64xi1>, vector<64xf32>
      %get3A_27 = arith.constant 0 : index
      %get3A_28 = arith.constant 0 : index
      %get3A_29 = vector.load %arg14[%get3A_27, %get3A_28] : memref<1x64xf32, #tpu.memory_space<vmem>>, vector<1x64xf32>
      %reshape3A_30 = vector.shape_cast %get3A_29 : vector<1x64xf32> to vector<64xf32>
      %sub3A = arith.subf %reshape3A_30, %select_n3A : vector<64xf32>
      %broadcast_in_dim3A_31 = vector.shape_cast %sub3A : vector<64xf32> to vector<1x64xf32>
      %mul3A = vector.broadcast %broadcast_in_dim3A_31 : vector<1x64xf32> to vector<1000x64xf32>
      %mul3A_32 = arith.mulf %convert_element_type3A_4, %mul3A : vector<1000x64xf32>
      %reduce_sum3A = arith.constant dense<0.000000e+00> : vector<1000xf32>
      %reduce_sum3A_33 = vector.multi_reduction <add>, %mul3A_32, %reduce_sum3A [1] : vector<1000x64xf32> to vector<1000xf32>
      %get3A_34 = arith.index_cast %arg1 : i32 to index
      %get3A_35 = arith.constant 0 : index
      %get3A_36 = arith.constant 0 : index
      %get3A_37 = vector.load %arg11[%get3A_34, %get3A_35, %get3A_36] : memref<10x1x1000xf32, #tpu.memory_space<vmem>>, vector<1x1x1000xf32>
      %reshape3A_38 = vector.shape_cast %get3A_37 : vector<1x1x1000xf32> to vector<1000xf32>
      %add3A = arith.addf %reduce_sum3A_33, %reshape3A_38 : vector<1000xf32>
      %tanh3A = math.tanh %add3A : vector<1000xf32>
      %reshape3A_39 = vector.shape_cast %tanh3A : vector<1000xf32> to vector<1x1x1000xf32>
      %swap3A = arith.constant 0 : index
      %swap3A_40 = arith.constant 0 : index
      %swap3A_41 = arith.constant 0 : index
      %swap3A_42 = vector.load %arg10[%swap3A, %swap3A_40, %swap3A_41] : memref<1x1x1000xf32, #tpu.memory_space<vmem>>, vector<1x1x1000xf32>
      tpu.vector_store %arg10[%swap3A, %swap3A_40, %swap3A_41], %reshape3A_39 {strides = array<i32>} : memref<1x1x1000xf32, #tpu.memory_space<vmem>>, vector<1x1x1000xf32>,
    } else {
    }
    return
  }
  func.func @transform_0(%arg0: i32, %arg1: i32) -> (i32, i32, i32, i32) {
    %c0_i32 = arith.constant 0 : i32
    %c0_i32_0 = arith.constant 0 : i32
    %c0_i32_1 = arith.constant 0 : i32
    %c0_i32_2 = arith.constant 0 : i32
    return %c0_i32, %arg1, %c0_i32_0, %c0_i32_1 : i32, i32, i32, i32
  }
  func.func @transform_1(%arg0: i32, %arg1: i32) -> (i32, i32, i32, i32) {
    %c0_i32 = arith.constant 0 : i32
    %c0_i32_0 = arith.constant 0 : i32
    %c0_i32_1 = arith.constant 0 : i32
    %c0_i32_2 = arith.constant 0 : i32
    return %c0_i32, %arg1, %c0_i32_0, %c0_i32_1 : i32, i32, i32, i32
  }
  func.func @transform_2(%arg0: i32, %arg1: i32) -> (i32, i32, i32) {
    %c0_i32 = arith.constant 0 : i32
    %c0_i32_0 = arith.constant 0 : i32
    %c0_i32_1 = arith.constant 0 : i32
    return %arg1, %c0_i32, %c0_i32_0 : i32, i32, i32
  }
  func.func @transform_3(%arg0: i32, %arg1: i32) -> (i32, i32) {
    %c0_i32 = arith.constant 0 : i32
    %c0_i32_0 = arith.constant 0 : i32
    %c0_i32_1 = arith.constant 0 : i32
    return %c0_i32, %c0_i32_0 : i32, i32
  }
  func.func @transform_4(%arg0: i32, %arg1: i32) -> (i32, i32) {
    %c0_i32 = arith.constant 0 : i32
    %c0_i32_0 = arith.constant 0 : i32
    %c0_i32_1 = arith.constant 0 : i32
    return %c0_i32, %c0_i32_0 : i32, i32
  }
  func.func @transform_5(%arg0: i32, %arg1: i32) -> (i32, i32) {
    %c0_i32 = arith.constant 0 : i32
    %c0_i32_0 = arith.constant 0 : i32
    %c0_i32_1 = arith.constant 0 : i32
    return %c0_i32, %c0_i32_0 : i32, i32
  }
  func.func @transform_6(%arg0: i32, %arg1: i32) -> (i32, i32) {
    %c0_i32 = arith.constant 0 : i32
    %c0_i32_0 = arith.constant 0 : i32
    %c0_i32_1 = arith.constant 0 : i32
    return %c0_i32, %c0_i32_0 : i32, i32
  }
  func.func @transform_7(%arg0: i32, %arg1: i32) -> (i32, i32, i32) {
    %c0_i32 = arith.constant 0 : i32
    %c0_i32_0 = arith.constant 0 : i32
    %c0_i32_1 = arith.constant 0 : i32
    return %arg1, %c0_i32, %c0_i32_0 : i32, i32, i32
  }
  func.func @transform_8(%arg0: i32, %arg1: i32) -> (i32, i32, i32) {
    %c0_i32 = arith.constant 0 : i32
    %c0_i32_0 = arith.constant 0 : i32
    %c0_i32_1 = arith.constant 0 : i32
    return %arg1, %c0_i32, %c0_i32_0 : i32, i32, i32
  }
}

</mosaic_0001>

<sc_bundles>
// kernel: kernel.11.cloned.1.call-start
scs
__scs_entry_jumppad:
0x0: {  	(pc) =	sbr.rel $0x88, $3  }
0x1: {  	(tag) =	ssettag $0x0;
	lr =	simm.s32 $0x1  }
0x2: {  	[smem:$0x3F93] =	sst lr;
	_ =	strace $0xD0000000  }
0x3: {  	_ = 	snop  }
0x4: {  	_ = 	snop  }
0x5: {  	_ = 	snop  }
0x6: {  	_ = 	snop  }
0x7: {  	_ = 	snop  }
__scs_overlays_trampoline_lowered:
0x8: {  	[smem:$0x3FA2] =	sst s0  }
0x9: {  	[smem:$0x3FA3] =	sst s1  }
0xa: {  	[smem:$0x3FA4] =	sst s2  }
0xb: {  	[smem:$0x3FA5] =	sst s3  }
0xc: {  	[smem:$0x3FA6] =	sst s4  }
0xd: {  	[smem:$0x3FA7] =	sst s5  }
0xe: {  	[smem:$0x3FA8] =	sst s6  }
0xf: {  	[smem:$0x3FA9] =	sst s7  }
0x10: {  	[smem:$0x3FAA] =	sst s8  }
0x11: {  	[smem:$0x3FAB] =	sst s9;
	s0 =	simm.s32 @!p0 $0x0  }
0x12: {  	s1 =	sld [smem:$0x3F91];
	s0 =	simm.s32 @p0 $0x1  }
0x13: {  	[smem:$0x3FAC] =	sst s0;
	s0 =	simm.s32 @!p1 $0x0  }
0x14: {  	s2 =	sld [smem:$0x3F90];
	s0 =	simm.s32 @p1 $0x1  }
0x15: {  	[smem:$0x3FAD] =	sst s0;
	s0 =	simm.s32 @!p2 $0x0  }
0x16: {  	s3 =	sld [smem:$0x3FDB];
	s0 =	simm.s32 @p2 $0x1  }
0x17: {  	s4 =	simm.s32 $0x1BF5;
	[smem:$0x3FAF] =	sst s0  }
0x18: {  	s0 =	sld [smem:$0x3F92];
	_ =	swait.ge [sflag:s4], $0x0  }
0x19: {  	s7 =	sld [smem:$0x3F93]  }
0x1a: {  	s8 =	sadd.s32 $0xFFFFE003, lr  }
0x1b: {  	s9 =	sadd.s32 $0xFFFFFEF7, lr;
	s5 =	simm.s32 $0xFFFFFFFF;
	p2 =	slt.u32 s8, $0xFFFFF086  }
0x1c: {  	p1 =	slt.u32 s9, $0xF7A;
	s5 =	simm.s32 @!p2 $0x0  }
0x1d: {  	s5 =	simm.s32 @p1 $0x1;
	p0 =	seq.s32 s7, s2  }
0x1e: {  	s7 =	smul.u32 @!p0 $0xF7A, s2;
	p2 =	seq.s32 @!p0 s5, $0x0  }
0x1f: {  	s9 =	smul.u32 $0xF7A, s1;
	s8 =	simm.s32 @!p0 $0x1BF5;
	p2 =	por !p2, p0  }
0x20: {  	[sflag:s8] =	ssyncset.s32 @!p0 $0xFFFFF086;
	s6 =	sadd.s32 @!p0 s3, s7;
	s7 =	simm.s32 @!p0 $0x108  }
0x21: {  	s3 =	sadd.s32 s3, s9;
	s6 =	sadd.s32 @!p0 $0x88, s6;
	s7 =	simm.s32 @p2 $0x1082  }
0x22: {  	[simem:s7], [sflag:s8] =	dma.local @!p0 [hbm:s6], $0xF7A  }
0x23: {  	s9 =	sor.u32 $0xD0000000, s2;
	s6 =	simm.s32 $0x108;
	_ =	swait.ge @!p0 [sflag:s8], $0x0  }
0x24: {  	s3 =	sadd.s32 $0x88, s3;
	s6 =	simm.s32 @!p1 $0x1082;
	[sflag:s4] =	ssyncset.s32 $0xFFFFF086  }
0x25: {  	[simem:s6], [sflag:s4] =	dma.local [hbm:s3], $0xF7A  }
0x26: {  	[smem:$0x3F93] =	sst s1;
	(tag) =	ssettag s2;
	_ =	strace s9  }
0x27: {  	s1 =	sld [smem:$0x3FA3]  }
0x28: {  	s2 =	sld [smem:$0x3FA4]  }
0x29: {  	s4 =	sld [smem:$0x3FA6]  }
0x2a: {  	p0 =	seq.s32 s5, $0x0;
	s5 =	sld [smem:$0x3FA7]  }
0x2b: {  	s6 =	sld [smem:$0x3FA8]  }
0x2c: {  	s7 =	sld [smem:$0x3FA9]  }
0x2d: {  	s3 =	simm.s32 $0x108;
	s8 =	sld [smem:$0x3FAA]  }
0x2e: {  	s3 =	simm.s32 @!p0 $0x1082;
	s9 =	sld [smem:$0x3FAB]  }
0x2f: {  	lr =	sadd.s32 s0, s3;
	s0 =	sld [smem:$0x3FA2]  }
0x30: {  	s3 =	sld [smem:$0x3FA5]  }
0x31: {  	[smem:$0x3FAE] =	sst s10  }
0x32: {  	s10 =	sld [smem:$0x3FAC];
	_ =	sdelay $0x3  }
0x33: {  	p0 =	seq.s32 s10, $0x1;
	s10 =	sld [smem:$0x3FAE];
	_ =	sdelay $0x3  }
0x34: {  	[smem:$0x3FAE] =	sst s10  }
0x35: {  	s10 =	sld [smem:$0x3FAD];
	_ =	sdelay $0x3  }
0x36: {  	p1 =	seq.s32 s10, $0x1;
	s10 =	sld [smem:$0x3FAE];
	_ =	sdelay $0x3  }
0x37: {  	[smem:$0x3FAE] =	sst s10  }
0x38: {  	s10 =	sld [smem:$0x3FAF]  }
0x39: {  	_ = 	snop;
	(pc) =	sbr.ind lr, $3  }
0x3a: {  	_ = 	snop  }
0x3b: {  	_ = 	snop  }
0x3c: {  	p2 =	seq.s32 s10, $0x1;
	s10 =	sld [smem:$0x3FAE]  }
0x3d: {  	_ =	shalt  }
0x3e: {  	_ =	shalt  }
0x3f: {  	_ =	shalt  }
0x40: {  	_ =	shalt  }
0x41: {  	_ =	shalt  }
0x42: {  	_ =	shalt  }
0x43: {  	_ =	shalt  }
0x44: {  	_ =	shalt  }
0x45: {  	_ =	shalt  }
0x46: {  	_ =	shalt  }
0x47: {  	_ =	shalt  }
0x48: {  	_ =	shalt  }
0x49: {  	_ =	shalt  }
0x4a: {  	_ =	shalt  }
0x4b: {  	_ =	shalt  }
0x4c: {  	_ =	shalt  }
0x4d: {  	_ =	shalt  }
0x4e: {  	_ =	shalt  }
0x4f: {  	_ =	shalt  }
0x50: {  	_ =	shalt  }
0x51: {  	_ =	shalt  }
0x52: {  	_ =	shalt  }
0x53: {  	_ =	shalt  }
0x54: {  	_ =	shalt  }
0x55: {  	_ =	shalt  }
0x56: {  	_ =	shalt  }
0x57: {  	_ =	shalt  }
0x58: {  	_ =	shalt  }
0x59: {  	_ =	shalt  }
0x5a: {  	_ =	shalt  }
0x5b: {  	_ =	shalt  }
0x5c: {  	_ =	shalt  }
0x5d: {  	_ =	shalt  }
0x5e: {  	_ =	shalt  }
0x5f: {  	_ =	shalt  }
0x60: {  	_ =	shalt  }
0x61: {  	_ =	shalt  }
0x62: {  	_ =	shalt  }
0x63: {  	_ =	shalt  }
0x64: {  	_ =	shalt  }
0x65: {  	_ =	shalt  }
0x66: {  	_ =	shalt  }
0x67: {  	_ =	shalt  }
0x68: {  	_ =	shalt  }
0x69: {  	_ =	shalt  }
0x6a: {  	_ =	shalt  }
0x6b: {  	_ =	shalt  }
0x6c: {  	_ =	shalt  }
0x6d: {  	_ =	shalt  }
0x6e: {  	_ =	shalt  }
0x6f: {  	_ =	shalt  }
0x70: {  	_ =	shalt  }
0x71: {  	_ =	shalt  }
0x72: {  	_ =	shalt  }
0x73: {  	_ =	shalt  }
0x74: {  	_ =	shalt  }
0x75: {  	_ =	shalt  }
0x76: {  	_ =	shalt  }
0x77: {  	_ =	shalt  }
0x78: {  	_ =	shalt  }
0x79: {  	_ =	shalt  }
0x7a: {  	_ =	shalt  }
0x7b: {  	_ =	shalt  }
0x7c: {  	_ =	shalt  }
0x7d: {  	_ =	shalt  }
0x7e: {  	_ =	shalt  }
0x7f: {  	_ =	shalt  }
0x80: {  	_ =	shalt  }
0x81: {  	_ =	shalt  }
0x82: {  	_ =	shalt  }
0x83: {  	_ =	shalt  }
0x84: {  	_ =	shalt  }
0x85: {  	_ =	shalt  }
0x86: {  	_ =	shalt  }
0x87: {  	_ =	shalt  }
.Lfunc_end0:
.L_simem_size_0:
called_computation.1_lowered:
.L_overlay_start_0:
0x88: {  	s2 =	sld [smem:$0x3FD9]  }
0x89: {  	s3 =	sld [smem:$0x3FFE];
	_ =	sdelay $0x1  }
0x8a: {  	s1 =	srdreg.scid  }
0x8b: {  	s0 =	sand.u32 $0x1, s1  }
0x8c: {  	s16 =	sshll.u32 s0, $0xA;
	s2 =	sadd.s32 s3, s2  }
0x8d: {  	s2 =	sadd.s32 s2, s16  }
0x8e: {  	[smem:$0x3FBA] =	sst s2  }
0x8f: {  	_ = 	snop  }
0x90: {  	(tm) =	ssettm $0x1  }
0x91: {  	s17 =	sld [smem:$0x3FFB];
	_ =	sdelay $0x3  }
0x92: {  	_ =	strace s17  }
0x93: {  	s2 =	sld [smem:$0x3FFC];
	_ =	sdelay $0x3  }
0x94: {  	_ =	strace s2  }
0x95: {  	s2 =	sld [smem:$0x3FFD];
	_ =	sdelay $0x3  }
0x96: {  	_ =	strace s2  }
0x97: {  	_ =	strace $0x8FFFFFFF  }
0x98: {  	s18 =	sld [smem:$0x3FDB];
	_ =	sdelay $0x1  }
0x99: {  	s19 =	simm.s32 $_scs_section_size  }
0x9a: {  	s4 =	simm.s32 $_size__tile_overlayer_lowered;
	s5 =	simm.s32 $_tile_overlayer_lowered  }
0x9b: {  	s22 =	simm.s32 $0x1BFF;
	s21 =	sshll.u32 s5, $0x1;
	s2 =	sadd.s32 s19, s18  }
0x9c: {  	s6 =	simm.s32 $0x0;
	s20 =	sshll.u32 s4, $0x1;
	s4 =	sadd.s32 s21, s2  }
0x9d: {  	[timem:s6], [sflag:s22] =	dma.local [hbm:s4], s20  }
0x9e: {  	_ =	swait.ge [sflag:s22], s20  }
0x9f: {  	s3 =	ssub.s32 $0x0, s20;
	[sflag:s22] =	ssyncset.done $0x0  }
0xa0: {  	[sflag:s22] =	ssyncadd.s32 s3;
	_ =	sdelay $0x1  }
0xa1: {  	s23 =	simm.s32 $0x1B8B  }
0xa2: {  	_ =	swait.ge [sflag:s23], $0x1  }
0xa3: {  	[sflag:s23] =	ssyncset.done $0x0  }
0xa4: {  	s25 =	simm.s32 $0x1B8E;
	s24 =	sld [smem:$0x3FFE];
	[sflag:s23] =	ssyncadd.s32 $0xFFFFFFFF  }
0xa5: {  	s26 =	simm.s32 $execute0_lowered;
	[smem:$0x3FD2] =	sst s25  }
0xa6: {  	s4 =	sshll.u32 s26, $0x1;
	_ =	strace $0x80000049;
	[dreg:$0x1] =	wrdreg $0xFFFFFFFF  }
0xa7: {  	s28 =	simm.s32 $_size_execute0_lowered;
	s2 =	sadd.s32 s2, s4;
	[dreg:$0x0] =	wrdreg $0x0  }
0xa8: {  	s4 =	sshll.u32 s28, $0x1;
	[dreg:$0x2] =	wrdreg s2  }
0xa9: {  	[dreg:$0x3] =	wrdreg s4  }
0xaa: {  	[dreg:$0x4] =	wrdreg $0xC0  }
0xab: {  	_ =	task [dreg:s6], $0x5FFFF  }
0xac: {  	[dreg:$0x1] =	wrdreg $0xFFFFFFFF  }
0xad: {  	[dreg:$0x0] =	wrdreg $0x60  }
0xae: {  	[dreg:$0x2] =	wrdreg s24  }
0xaf: {  	[dreg:$0x3] =	wrdreg $0xA8000  }
0xb0: {  	[dreg:$0x4] =	wrdreg $0x9  }
0xb1: {  	_ =	task.clear_ibuf [dreg:s6], $0x5FFFF;
	_ =	strace $0x90000049  }
0xb2: {  	s29 =	simm.s32 $0x9;
	_ =	strace $0x8000004B  }
0xb3: {  	_ =	swait.ge [sflag:s29], $0x1  }
0xb4: {  	[sflag:s29] =	ssyncadd.s32 $0xFFFFFFFF  }
0xb5: {  	_ =	strace $0x9000004B  }
0xb6: {  	_ =	sfence  }
0xb7: {  	s30 =	sld [smem:$0x0];
	_ =	sdelay $0x2  }
0xb8: {  	s31 =	sshll.u32 s1, $0xD;
	s1 =	sshrl.u32 s1, $0x2  }
0xb9: {  	s3 =	sand.u32 $0x4000, s31;
	s1 =	sadd.s32 s1, s30  }
0xba: {  	s0 =	sor.u32 s3, s0;
	s1 =	sshll.u32 s1, $0x11  }
0xbb: {  	s0 =	sor.u32 s1, s0  }
0xbc: {  	s0 =	sadd.s32 $0x8F2B, s0  }
0xbd: {  	[sflag:s0] =	ssyncadd.remote.s32 $0x1  }
0xbe: {  	_ =	sfence.sel $0xFFFF  }
0xbf: {  	[dreg:$0x0] =	wrdreg $0xFFFFFFFF;
	(pc) =	sbr.abs _section_cstart, $3  }
0xc0: {  	[dreg:$0x1] =	wrdreg $0xFFFFFFFF  }
0xc1: {  	_ =	task.clear_ibuf [dreg:s6], $0x2FFFF;
	_ =	strace $0x9FFFFFFF  }
0xc2: {  	(tm) =	ssettm $0x7FFFFFFF  }
0xc3: {  	_ =	shalt  }
tec
execute0_lowered:
.L_overlay_start_1:
0x0: {  	(tag) =	ssettag $0x1  }
0x1: {  	s0 =	rddreg [dreg:$0x0]  }
0x2: {  	s1 =	rddreg [dreg:$0x1];
	s2 =	srdreg.scid;
	s3 =	simm.s32 $0x0  }
0x3: {  	s9 =	stileid.u32;
	s5 =	sand.u32 $0x1, s2;
	[smem:$0x7FF] =	sst s3  }
0x4: {  	s6 =	smul.u32 $0x14000, s9;
	s4 =	sadd.s32 $0x18600, s0;
	s13 =	sadd.s32 $0xC000, s0  }
0x5: {  	s15 =	sadd.s32 $0x2200, s0;
	s7 =	sadd.s32 $0x15E00, s0;
	s10 =	smul.u32 $0x50000, s9  }
0x6: {  	s8 =	sshll.u32 s9, $0x1;
	s12 =	sshll.u32 s9, $0x6;
	s14 =	smul.u32 $0x4E20, s9  }
0x7: {  	s2 =	smul.u32 $0x140000, s5;
	_ =	strace $0x8000004A;
	[dreg:$0x11] =	wrdreg s7  }
0x8: {  	s11 =	ssub.s32 $0x2, s5;
	s16 =	sor.u32 $0x1C17, s12;
	s7 =	sshrl.u32 s10, $0x2  }
0x9: {  	[dreg:$0x13] =	wrdreg s16;
	s2 =	sadd.s32 s6, s2;
	s6 =	sor.u32 s5, s8  }
0xa: {  	s8 =	sshrl.u32 s11, $0x1;
	s2 =	sshrl.u32 s2, $0x3;
	s6 =	smul.u32 $0x2710, s6  }
0xb: {  	s7 =	sadd.s32 s7, s1;
	s5 =	smul.u32 $0x2710, s5;
	s0 =	sadd.s32 s2, s0  }
0xc: {  	[dreg:$0x12] =	wrdreg s7;
	s6 =	sshrl.u32 s6, $0x3;
	s0 =	sadd.s32 $0x3F800, s0  }
0xd: {  	s2 =	ssub.s32 s11, s8;
	s17 =	sadd.s32 s13, s6;
	[smem:$0x7FB] =	sst s0  }
0xe: {  	s18 =	sadd.s32 $0xA, s6;
	s19 =	sadd.s32 s15, s6;
	[dreg:$0x14] =	wrdreg s17  }
0xf: {  	s5 =	sadd.s32 s5, s14;
	[dreg:$0x15] =	wrdreg s19;
	s20 =	sadd.s32 s13, s18  }
0x10: {  	s21 =	sadd.s32 $0x14, s6;
	s8 =	sadd.s32 s15, s18;
	[dreg:$0x16] =	wrdreg s20  }
0x11: {  	s25 =	sadd.s32 $0x2D0, s5;
	s22 =	sadd.s32 s13, s21;
	[dreg:$0x17] =	wrdreg s8  }
0x12: {  	s24 =	sadd.s32 $0x1E, s6;
	s23 =	sadd.s32 s15, s21;
	[dreg:$0x18] =	wrdreg s22  }
0x13: {  	s10 =	sadd.s32 $0x320, s5;
	s26 =	sadd.s32 s13, s24;
	[dreg:$0x19] =	wrdreg s23  }
0x14: {  	s28 =	sshrl.u32 s25, $0x3;
	s7 =	sadd.s32 s15, s24;
	[dreg:$0x1a] =	wrdreg s26  }
0x15: {  	s11 =	sshrl.u32 s10, $0x3;
	s31 =	sadd.s32 s28, s15;
	[dreg:$0x1b] =	wrdreg s7  }
0x16: {  	s30 =	simm.s32 $0x300;
	s12 =	sadd.s32 s11, s15;
	[dreg:$0x3] =	wrdreg s31  }
0x17: {  	s14 =	sadd.s32 $0x370, s5;
	s17 =	sadd.s32 s11, s13;
	[dreg:$0x5] =	wrdreg s12  }
0x18: {  	s18 =	sshrl.u32 s14, $0x3;
	s7 =	sadd.s32 s28, s13;
	[dreg:$0x6] =	wrdreg s17  }
0x19: {  	s24 =	sadd.s32 $0x410, s5;
	s19 =	sadd.s32 s18, s15;
	[dreg:$0x4] =	wrdreg s7  }
0x1a: {  	s21 =	sadd.s32 s18, s13;
	s26 =	sshrl.u32 s24, $0x3;
	[dreg:$0x7] =	wrdreg s19  }
0x1b: {  	s8 =	sadd.s32 $0x28, s6;
	[dreg:$0x8] =	wrdreg s21;
	s28 =	sadd.s32 s26, s15  }
0x1c: {  	s20 =	sadd.s32 $0x3C0, s5;
	s11 =	sadd.s32 s26, s13;
	[dreg:$0xb] =	wrdreg s28  }
0x1d: {  	s22 =	sshrl.u32 s20, $0x3;
	s20 =	sadd.s32 s13, s8;
	[dreg:$0xc] =	wrdreg s11  }
0x1e: {  	s31 =	sadd.s32 $0x460, s5;
	s8 =	sadd.s32 s15, s8;
	[dreg:$0x1c] =	wrdreg s20  }
0x1f: {  	s12 =	sshrl.u32 s31, $0x3;
	s31 =	sadd.s32 $0x280, s5;
	[dreg:$0x1d] =	wrdreg s8  }
0x20: {  	s29 =	simm.s32 $0x16;
	s23 =	sadd.s32 s22, s15;
	[smem:$0x7FD] =	sst s31  }
0x21: {  	s9 =	simm.s32 $0x17;
	s25 =	sadd.s32 s22, s13;
	[dreg:$0x9] =	wrdreg s23  }
0x22: {  	s17 =	sadd.s32 $0x230, s5;
	s14 =	sadd.s32 s12, s15;
	[dreg:$0xa] =	wrdreg s25  }
0x23: {  	s19 =	sshrl.u32 s17, $0x3;
	s18 =	sadd.s32 s12, s13;
	[dreg:$0xd] =	wrdreg s14  }
0x24: {  	s0 =	simm.s32 $0x80;
	s21 =	sadd.s32 s19, s15;
	[dreg:$0xe] =	wrdreg s18  }
0x25: {  	s17 =	simm.s32 $0x50;
	s22 =	sadd.s32 s19, s13;
	[dreg:$0xf] =	wrdreg s21  }
0x26: {  	s28 =	smax.u32 s2, $0x1;
	s23 =	sadd.s32 $0x32, s6;
	[dreg:$0x10] =	wrdreg s22  }
0x27: {  	s2 =	simm.s32 $0x0;
	[smem:$0x7FC] =	sst s28;
	s24 =	sadd.s32 s13, s23  }
0x28: {  	s6 =	sadd.s32 $0x3C, s6;
	s25 =	sadd.s32 s15, s23;
	[dreg:$0x1e] =	wrdreg s24  }
0x29: {  	s14 =	simm.s32 $0x15;
	s26 =	sadd.s32 s13, s6;
	[dreg:$0x1f] =	wrdreg s25  }
0x2a: {  	s6 =	sadd.s32 s15, s6;
	s23 =	simm.s32 $0x680;
	[smem:$0x7F9] =	sst s26  }
0x2b: {  	[smem:$0x7FA] =	sst s6;
	s24 =	simm.s32 $0x100;
	s25 =	simm.s32 $0x280  }
.LBB2_1:
0x2c: {  	[smem:$0x7F7] =	sst s2  }
0x2d: {  	s6 =	rddreg [dreg:$0x12]  }
0x2e: {  	s8 =	rddreg [dreg:$0x11];
	s7 =	sshrl.u32 s6, $0x3  }
0x2f: {  	[smem:$0x7F8] =	sst s7  }
0x30: {  	[spmem:s7], [sflag:s16] =	dma.local [hbm:s8], $0x2800  }
0x31: {  	_ =	swait.ge [sflag:s9], $0x2800  }
0x32: {  	[sflag:s9] =	ssyncset.done $0x0  }
0x33: {  	[sflag:s9] =	ssyncadd.s32 $0xFFFFD800  }
0x34: {  	[bflag:$0x0] =	sbarrier.arrive $0xFFFF  }
0x35: {  	s10 =	rddreg [dreg:$0x14]  }
0x36: {  	s11 =	rddreg [dreg:$0x15]  }
0x37: {  	[tilespmem:s3], [sflag:$0xD] =	stream.linear.gather [hbm4b:s10+s3], $0x50, $0x38;
	[tilespmem:$0x1E800] =	vst v63  }
0x38: {  	s19 =	simm.s32 $0x400;
	s12 =	rddreg [dreg:$0x16]  }
0x39: {  	[tilespmem:s19], [sflag:$0x5] =	stream.linear.gather [hbm4b:s11+s3], $0x50, $0x38;
	[tilespmem:$0x1E800] =	vst v63  }
0x3a: {  	s16 =	rddreg [dreg:$0x17]  }
0x3b: {  	[tilespmem:s0], [sflag:$0xE] =	stream.linear.gather [hbm4b:s12+s3], $0x50, $0x38;
	[tilespmem:$0x1E800] =	vst v63  }
0x3c: {  	s2 =	simm.s32 $0x480;
	s18 =	rddreg [dreg:$0x18]  }
0x3d: {  	[tilespmem:s2], [sflag:$0x6] =	stream.linear.gather [hbm4b:s16+s3], $0x50, $0x38;
	[tilespmem:$0x1E800] =	vst v63  }
0x3e: {  	s20 =	rddreg [dreg:$0x19]  }
0x3f: {  	[tilespmem:s24], [sflag:$0xF] =	stream.linear.gather [hbm4b:s18+s3], $0x50, $0x38;
	[tilespmem:$0x1E800] =	vst v63  }
0x40: {  	s21 =	rddreg [dreg:$0x1a];
	s11 =	simm.s32 $0x500  }
0x41: {  	[tilespmem:s11], [sflag:$0x7] =	stream.linear.gather [hbm4b:s20+s3], $0x50, $0x38;
	[tilespmem:$0x1E800] =	vst v63  }
0x42: {  	s22 =	rddreg [dreg:$0x1b];
	s18 =	simm.s32 $0x180  }
0x43: {  	[tilespmem:s18], [sflag:$0x10] =	stream.linear.gather [hbm4b:s21+s3], $0x50, $0x38;
	[tilespmem:$0x1E800] =	vst v63  }
0x44: {  	s5 =	simm.s32 $0x580;
	s26 =	rddreg [dreg:$0x1c]  }
0x45: {  	[tilespmem:s5], [sflag:$0x8] =	stream.linear.gather [hbm4b:s22+s3], $0x50, $0x38;
	[tilespmem:$0x1E800] =	vst v63  }
0x46: {  	s28 =	simm.s32 $0x200;
	s8 =	rddreg [dreg:$0x1e]  }
0x47: {  	[tilespmem:s28], [sflag:$0x11] =	stream.linear.gather [hbm4b:s26+s3], $0x50, $0x38;
	[tilespmem:$0x1E800] =	vst v63  }
0x48: {  	s7 =	simm.s32 $0x600;
	s5 =	rddreg [dreg:$0x1d]  }
0x49: {  	[tilespmem:s7], [sflag:$0x9] =	stream.linear.gather [hbm4b:s5+s3], $0x50, $0x38;
	[tilespmem:$0x1E800] =	vst v63  }
0x4a: {  	s9 =	rddreg [dreg:$0x1f]  }
0x4b: {  	[tilespmem:s25], [sflag:$0x12] =	stream.linear.gather [hbm4b:s8+s3], $0x50, $0x38;
	[tilespmem:$0x1E800] =	vst v63  }
0x4c: {  	s10 =	sld [smem:$0x7F9]  }
0x4d: {  	[tilespmem:s23], [sflag:$0xA] =	stream.linear.gather [hbm4b:s9+s3], $0x50, $0x38;
	[tilespmem:$0x1E800] =	vst v63  }
0x4e: {  	s16 =	sld [smem:$0x7FA]  }
0x4f: {  	[tilespmem:s30], [sflag:$0x13] =	stream.linear.gather [hbm4b:s10+s3], $0x50, $0x38;
	[tilespmem:$0x1E800] =	vst v63  }
0x50: {  	s20 =	simm.s32 $0x700;
	s7 =	simm.s32 $0xD  }
0x51: {  	[tilespmem:s20], [sflag:$0xB] =	stream.linear.gather [hbm4b:s16+s3], $0x50, $0x38;
	[tilespmem:$0x1E800] =	vst v63  }
0x52: {  	_ =	swait.ge [sflag:s7], $0x50  }
0x53: {  	[sflag:s7] =	ssyncset.done $0x0  }
0x54: {  	s8 =	simm.s32 $0xE;
	s20 =	simm.s32 $0x800;
	[sflag:s7] =	ssyncadd.s32 $0xFFFFFFB0  }
0x55: {  	[tilespmem:s20], [sflag:$0x1] =	stream.indirect.gather [hbm4b:s4+s17], $0x80, s3, s17, $0xb8;
	[tilespmem:$0x1E800] =	vst v63  }
0x56: {  	_ =	swait.ge [sflag:s8], $0x50  }
0x57: {  	[sflag:s8] =	ssyncset.done $0x0  }
0x58: {  	s22 =	simm.s32 $0x3000;
	s10 =	simm.s32 $0xF;
	[sflag:s8] =	ssyncadd.s32 $0xFFFFFFB0  }
0x59: {  	[tilespmem:s22], [sflag:$0x2] =	stream.indirect.gather [hbm4b:s4+s17], $0x80, s0, s17, $0xb8;
	[tilespmem:$0x1E800] =	vst v63  }
0x5a: {  	_ =	swait.ge [sflag:s10], $0x50  }
0x5b: {  	[sflag:s10] =	ssyncset.done $0x0  }
0x5c: {  	s28 =	simm.s32 $0x5800;
	s26 =	simm.s32 $0x1;
	[sflag:s10] =	ssyncadd.s32 $0xFFFFFFB0  }
0x5d: {  	[tilespmem:s28], [sflag:$0x3] =	stream.indirect.gather [hbm4b:s4+s17], $0x80, s24, s17, $0xb8;
	[tilespmem:$0x1E800] =	vst v63  }
0x5e: {  	_ =	swait.ge [sflag:s26], $0x2800  }
0x5f: {  	[sflag:s26] =	ssyncset.done $0x0  }
0x60: {  	s21 =	simm.s32 $0x5;
	[sflag:s26] =	ssyncadd.s32 $0xFFFFD800  }
0x61: {  	_ =	swait.ge [sflag:s21], $0x50  }
0x62: {  	[sflag:s21] =	ssyncset.done $0x0  }
0x63: {  	s5 =	rddreg [dreg:$0x10];
	[sflag:s21] =	ssyncadd.s32 $0xFFFFFFB0  }
0x64: {  	[spmem:s1] =	stream.indirect.scatter.add.f32 [tilespmem:s20], [sflag:$0x15], $0x80, s19, s17, $0xb8;
	[tilespmem:$0x1E800] =	vst v63  }
0x65: {  	s6 =	rddreg [dreg:$0xf];
	s9 =	sadd.s32 $0x0, s5;
	s21 =	simm.s32 $0x380  }
0x66: {  	[tilespmem:s21], [sflag:$0x14] =	stream.linear.gather [hbm4b:s9+s3], $0x50, $0x38;
	[tilespmem:$0x1E800] =	vst v63  }
0x67: {  	s5 =	sadd.s32 $0x0, s6;
	s6 =	simm.s32 $0x780;
	s9 =	simm.s32 $0x10  }
0x68: {  	[tilespmem:s6], [sflag:$0xC] =	stream.linear.gather [hbm4b:s5+s3], $0x50, $0x38;
	[tilespmem:$0x1E800] =	vst v63  }
0x69: {  	_ =	swait.ge [sflag:s9], $0x50  }
0x6a: {  	[sflag:s9] =	ssyncset.done $0x0  }
0x6b: {  	s21 =	simm.s32 $0x8000;
	s5 =	simm.s32 $0x2;
	[sflag:s9] =	ssyncadd.s32 $0xFFFFFFB0  }
0x6c: {  	[tilespmem:s21], [sflag:$0x4] =	stream.indirect.gather [hbm4b:s4+s17], $0x80, s18, s17, $0xb8;
	[tilespmem:$0x1E800] =	vst v63  }
0x6d: {  	_ =	swait.ge [sflag:s5], $0x2800  }
0x6e: {  	[sflag:s5] =	ssyncset.done $0x0  }
0x6f: {  	s16 =	simm.s32 $0x6;
	[sflag:s5] =	ssyncadd.s32 $0xFFFFD800  }
0x70: {  	_ =	swait.ge [sflag:s16], $0x50  }
0x71: {  	[sflag:s16] =	ssyncset.done $0x0  }
0x72: {  	[sflag:s16] =	ssyncadd.s32 $0xFFFFFFB0  }
0x73: {  	_ =	swait.ge [sflag:s14], $0x2800  }
0x74: {  	[sflag:s14] =	ssyncset.done $0x0;
	s6 =	sld [smem:$0x7FD]  }
0x75: {  	[sflag:s14] =	ssyncadd.s32 $0xFFFFD800  }
0x76: {  	[spmem:s1] =	stream.indirect.scatter.add.f32 [tilespmem:s22], [sflag:$0x16], $0x80, s2, s17, $0xb8;
	[tilespmem:$0x1E800] =	vst v63  }
0x77: {  	s9 =	sshrl.u32 s6, $0x3  }
0x78: {  	s16 =	sadd.s32 s13, s9  }
0x79: {  	[tilespmem:s3], [sflag:$0xD] =	stream.linear.gather [hbm4b:s16+s3], $0x50, $0x38;
	[tilespmem:$0x1E800] =	vst v63  }
0x7a: {  	s9 =	sadd.s32 s15, s9  }
0x7b: {  	[tilespmem:s19], [sflag:$0x5] =	stream.linear.gather [hbm4b:s9+s3], $0x50, $0x38;
	[tilespmem:$0x1E800] =	vst v63  }
0x7c: {  	s19 =	simm.s32 $0x11  }
0x7d: {  	_ =	swait.ge [sflag:s19], $0x50  }
0x7e: {  	[sflag:s19] =	ssyncset.done $0x0  }
0x7f: {  	s12 =	simm.s32 $0x200;
	[sflag:s19] =	ssyncadd.s32 $0xFFFFFFB0  }
0x80: {  	[tilespmem:s20], [sflag:$0x1] =	stream.indirect.gather [hbm4b:s4+s17], $0x80, s12, s17, $0xb8;
	[tilespmem:$0x1E800] =	vst v63  }
0x81: {  	s12 =	simm.s32 $0x3  }
0x82: {  	_ =	swait.ge [sflag:s12], $0x2800  }
0x83: {  	[sflag:s12] =	ssyncset.done $0x0  }
0x84: {  	s16 =	simm.s32 $0x7;
	[sflag:s12] =	ssyncadd.s32 $0xFFFFD800  }
0x85: {  	_ =	swait.ge [sflag:s16], $0x50  }
0x86: {  	[sflag:s16] =	ssyncset.done $0x0  }
0x87: {  	[sflag:s16] =	ssyncadd.s32 $0xFFFFFFB0  }
0x88: {  	_ =	swait.ge [sflag:s29], $0x2800  }
0x89: {  	[sflag:s29] =	ssyncset.done $0x0  }
0x8a: {  	s9 =	rddreg [dreg:$0x4];
	[sflag:s29] =	ssyncadd.s32 $0xFFFFD800  }
0x8b: {  	[spmem:s1] =	stream.indirect.scatter.add.f32 [tilespmem:s28], [sflag:$0x15], $0x80, s11, s17, $0xb8;
	[tilespmem:$0x1E800] =	vst v63  }
0x8c: {  	s16 =	rddreg [dreg:$0x3];
	s9 =	sadd.s32 $0x0, s9  }
0x8d: {  	[tilespmem:s0], [sflag:$0xE] =	stream.linear.gather [hbm4b:s9+s3], $0x50, $0x38;
	[tilespmem:$0x1E800] =	vst v63  }
0x8e: {  	s16 =	sadd.s32 $0x0, s16  }
0x8f: {  	[tilespmem:s2], [sflag:$0x6] =	stream.linear.gather [hbm4b:s16+s3], $0x50, $0x38;
	[tilespmem:$0x1E800] =	vst v63  }
0x90: {  	s16 =	simm.s32 $0x12  }
0x91: {  	_ =	swait.ge [sflag:s16], $0x50  }
0x92: {  	[sflag:s16] =	ssyncset.done $0x0  }
0x93: {  	[sflag:s16] =	ssyncadd.s32 $0xFFFFFFB0  }
0x94: {  	[tilespmem:s22], [sflag:$0x2] =	stream.indirect.gather [hbm4b:s4+s17], $0x80, s25, s17, $0xb8;
	[tilespmem:$0x1E800] =	vst v63  }
0x95: {  	s25 =	simm.s32 $0x4  }
0x96: {  	_ =	swait.ge [sflag:s25], $0x2800  }
0x97: {  	[sflag:s25] =	ssyncset.done $0x0  }
0x98: {  	s9 =	simm.s32 $0x8;
	[sflag:s25] =	ssyncadd.s32 $0xFFFFD800  }
0x99: {  	_ =	swait.ge [sflag:s9], $0x50  }
0x9a: {  	[sflag:s9] =	ssyncset.done $0x0  }
0x9b: {  	[sflag:s9] =	ssyncadd.s32 $0xFFFFFFB0  }
0x9c: {  	_ =	swait.ge [sflag:s14], $0x2800  }
0x9d: {  	[sflag:s14] =	ssyncset.done $0x0  }
0x9e: {  	s31 =	simm.s32 $0x580;
	s16 =	rddreg [dreg:$0x6];
	[sflag:s14] =	ssyncadd.s32 $0xFFFFD800  }
0x9f: {  	[spmem:s1] =	stream.indirect.scatter.add.f32 [tilespmem:s21], [sflag:$0x16], $0x80, s31, s17, $0xb8;
	[tilespmem:$0x1E800] =	vst v63  }
0xa0: {  	s2 =	rddreg [dreg:$0x5];
	s9 =	sadd.s32 $0x0, s16  }
0xa1: {  	[tilespmem:s24], [sflag:$0xF] =	stream.linear.gather [hbm4b:s9+s3], $0x50, $0x38;
	[tilespmem:$0x1E800] =	vst v63  }
0xa2: {  	s2 =	sadd.s32 $0x0, s2;
	s16 =	simm.s32 $0x13  }
0xa3: {  	[tilespmem:s11], [sflag:$0x7] =	stream.linear.gather [hbm4b:s2+s3], $0x50, $0x38;
	[tilespmem:$0x1E800] =	vst v63  }
0xa4: {  	_ =	swait.ge [sflag:s16], $0x50  }
0xa5: {  	[sflag:s16] =	ssyncset.done $0x0  }
0xa6: {  	[sflag:s16] =	ssyncadd.s32 $0xFFFFFFB0  }
0xa7: {  	[tilespmem:s28], [sflag:$0x3] =	stream.indirect.gather [hbm4b:s4+s17], $0x80, s30, s17, $0xb8;
	[tilespmem:$0x1E800] =	vst v63  }
0xa8: {  	_ =	swait.ge [sflag:s26], $0x2800  }
0xa9: {  	[sflag:s26] =	ssyncset.done $0x0  }
0xaa: {  	[sflag:s26] =	ssyncadd.s32 $0xFFFFD800;
	s26 =	simm.s32 $0x9  }
0xab: {  	_ =	swait.ge [sflag:s26], $0x50  }
0xac: {  	[sflag:s26] =	ssyncset.done $0x0  }
0xad: {  	[sflag:s26] =	ssyncadd.s32 $0xFFFFFFB0  }
0xae: {  	_ =	swait.ge [sflag:s29], $0x2800  }
0xaf: {  	[sflag:s29] =	ssyncset.done $0x0  }
0xb0: {  	s11 =	simm.s32 $0x600;
	s30 =	rddreg [dreg:$0x8];
	[sflag:s29] =	ssyncadd.s32 $0xFFFFD800  }
0xb1: {  	[spmem:s1] =	stream.indirect.scatter.add.f32 [tilespmem:s20], [sflag:$0x15], $0x80, s11, s17, $0xb8;
	[tilespmem:$0x1E800] =	vst v63  }
0xb2: {  	s2 =	rddreg [dreg:$0x7];
	s9 =	sadd.s32 $0x0, s30  }
0xb3: {  	[tilespmem:s18], [sflag:$0x10] =	stream.linear.gather [hbm4b:s9+s3], $0x50, $0x38;
	[tilespmem:$0x1E800] =	vst v63  }
0xb4: {  	s26 =	sadd.s32 $0x0, s2;
	s30 =	simm.s32 $0x14  }
0xb5: {  	[tilespmem:s31], [sflag:$0x8] =	stream.linear.gather [hbm4b:s26+s3], $0x50, $0x38;
	[tilespmem:$0x1E800] =	vst v63  }
0xb6: {  	_ =	swait.ge [sflag:s30], $0x50  }
0xb7: {  	[sflag:s30] =	ssyncset.done $0x0  }
0xb8: {  	s31 =	simm.s32 $0x380;
	[sflag:s30] =	ssyncadd.s32 $0xFFFFFFB0  }
0xb9: {  	[tilespmem:s21], [sflag:$0x4] =	stream.indirect.gather [hbm4b:s4+s17], $0x80, s31, s17, $0xb8;
	[tilespmem:$0x1E800] =	vst v63  }
0xba: {  	_ =	swait.ge [sflag:s5], $0x2800  }
0xbb: {  	[sflag:s5] =	ssyncset.done $0x0  }
0xbc: {  	s9 =	simm.s32 $0xA;
	[sflag:s5] =	ssyncadd.s32 $0xFFFFD800  }
0xbd: {  	_ =	swait.ge [sflag:s9], $0x50  }
0xbe: {  	[sflag:s9] =	ssyncset.done $0x0  }
0xbf: {  	[sflag:s9] =	ssyncadd.s32 $0xFFFFFFB0  }
0xc0: {  	_ =	swait.ge [sflag:s14], $0x2800  }
0xc1: {  	[sflag:s14] =	ssyncset.done $0x0  }
0xc2: {  	s16 =	rddreg [dreg:$0xa];
	[sflag:s14] =	ssyncadd.s32 $0xFFFFD800  }
0xc3: {  	[spmem:s1] =	stream.indirect.scatter.add.f32 [tilespmem:s22], [sflag:$0x16], $0x80, s23, s17, $0xb8;
	[tilespmem:$0x1E800] =	vst v63  }
0xc4: {  	s19 =	simm.s32 $0x200;
	s18 =	rddreg [dreg:$0x9];
	s9 =	sadd.s32 $0x0, s16  }
0xc5: {  	[tilespmem:s19], [sflag:$0x11] =	stream.linear.gather [hbm4b:s9+s3], $0x50, $0x38;
	[tilespmem:$0x1E800] =	vst v63  }
0xc6: {  	s19 =	sadd.s32 $0x0, s18  }
0xc7: {  	[tilespmem:s11], [sflag:$0x9] =	stream.linear.gather [hbm4b:s19+s3], $0x50, $0x38;
	[tilespmem:$0x1E800] =	vst v63  }
0xc8: {  	_ =	swait.ge [sflag:s7], $0x50  }
0xc9: {  	[sflag:s7] =	ssyncset.done $0x0  }
0xca: {  	[sflag:s7] =	ssyncadd.s32 $0xFFFFFFB0  }
0xcb: {  	[tilespmem:s20], [sflag:$0x1] =	stream.indirect.gather [hbm4b:s4+s17], $0x80, s3, s17, $0xb8;
	[tilespmem:$0x1E800] =	vst v63  }
0xcc: {  	_ =	swait.ge [sflag:s12], $0x2800  }
0xcd: {  	[sflag:s12] =	ssyncset.done $0x0  }
0xce: {  	s23 =	simm.s32 $0xB;
	[sflag:s12] =	ssyncadd.s32 $0xFFFFD800  }
0xcf: {  	_ =	swait.ge [sflag:s23], $0x50  }
0xd0: {  	[sflag:s23] =	ssyncset.done $0x0  }
0xd1: {  	[sflag:s23] =	ssyncadd.s32 $0xFFFFFFB0  }
0xd2: {  	p0 =	por $0x0, $0x0;
	_ =	swait.ge [sflag:s29], $0x2800  }
0xd3: {  	s2 =	simm.s32 @!p0 $0x0;
	[sflag:s29] =	ssyncset.done $0x0  }
0xd4: {  	s26 =	simm.s32 $0x700;
	s9 =	rddreg [dreg:$0xc];
	[sflag:s29] =	ssyncadd.s32 $0xFFFFD800  }
0xd5: {  	[spmem:s1] =	stream.indirect.scatter.add.f32 [tilespmem:s28], [sflag:$0x15], $0x80, s26, s17, $0xb8;
	[tilespmem:$0x1E800] =	vst v63  }
0xd6: {  	s19 =	simm.s32 @!p0 $0x280;
	s16 =	rddreg [dreg:$0xb];
	s9 =	sadd.s32 @!p0 $0x0, s9  }
0xd7: {  	[tilespmem:s19], [sflag:$0x12] =	stream.linear.gather @!p0 [hbm4b:s9+s2], $0x50, $0x38;
	[tilespmem:$0x1E800] =	vst v63  }
0xd8: {  	s9 =	sadd.s32 @!p0 $0x0, s16;
	s16 =	simm.s32 @!p0 $0x680  }
0xd9: {  	[tilespmem:s16], [sflag:$0xA] =	stream.linear.gather @!p0 [hbm4b:s9+s2], $0x50, $0x38;
	[tilespmem:$0x1E800] =	vst v63  }
0xda: {  	_ =	swait.ge [sflag:s8], $0x50  }
0xdb: {  	[sflag:s8] =	ssyncset.done $0x0  }
0xdc: {  	[sflag:s8] =	ssyncadd.s32 $0xFFFFFFB0  }
0xdd: {  	[tilespmem:s22], [sflag:$0x2] =	stream.indirect.gather [hbm4b:s4+s17], $0x80, s0, s17, $0xb8;
	[tilespmem:$0x1E800] =	vst v63  }
0xde: {  	_ =	swait.ge [sflag:s25], $0x2800  }
0xdf: {  	[sflag:s25] =	ssyncset.done $0x0  }
0xe0: {  	s30 =	simm.s32 $0xC;
	[sflag:s25] =	ssyncadd.s32 $0xFFFFD800  }
0xe1: {  	_ =	swait.ge [sflag:s30], $0x50  }
0xe2: {  	[sflag:s30] =	ssyncset.done $0x0  }
0xe3: {  	[sflag:s30] =	ssyncadd.s32 $0xFFFFFFB0  }
0xe4: {  	_ =	swait.ge [sflag:s14], $0x2800  }
0xe5: {  	[sflag:s14] =	ssyncset.done $0x0  }
0xe6: {  	s31 =	simm.s32 $0x780;
	s9 =	rddreg [dreg:$0xe];
	[sflag:s14] =	ssyncadd.s32 $0xFFFFD800  }
0xe7: {  	[spmem:s1] =	stream.indirect.scatter.add.f32 [tilespmem:s21], [sflag:$0x16], $0x80, s31, s17, $0xb8;
	[tilespmem:$0x1E800] =	vst v63  }
0xe8: {  	s19 =	simm.s32 @!p0 $0x300;
	s16 =	rddreg [dreg:$0xd];
	s9 =	sadd.s32 @!p0 $0x0, s9  }
0xe9: {  	[tilespmem:s19], [sflag:$0x13] =	stream.linear.gather @!p0 [hbm4b:s9+s2], $0x50, $0x38;
	[tilespmem:$0x1E800] =	vst v63  }
0xea: {  	s9 =	sadd.s32 @!p0 $0x0, s16;
	s16 =	simm.s32 @!p0 $0x700  }
0xeb: {  	[tilespmem:s16], [sflag:$0xB] =	stream.linear.gather @!p0 [hbm4b:s9+s2], $0x50, $0x38;
	[tilespmem:$0x1E800] =	vst v63  }
0xec: {  	_ =	swait.ge [sflag:s10], $0x50  }
0xed: {  	[sflag:s10] =	ssyncset.done $0x0  }
0xee: {  	[sflag:s10] =	ssyncadd.s32 $0xFFFFFFB0  }
0xef: {  	[tilespmem:s28], [sflag:$0x3] =	stream.indirect.gather [hbm4b:s4+s17], $0x80, s24, s17, $0xb8;
	[tilespmem:$0x1E800] =	vst v63  }
0xf0: {  	_ =	swait.ge [sflag:s29], $0x2800  }
0xf1: {  	s9 =	simm.s32 $0x50;
	s16 =	smov.u32 s6;
	[sflag:s29] =	ssyncset.done $0x0  }
.LBB2_2:
0xf2: {  	[sflag:s29] =	ssyncadd.s32 $0xFFFFD800;
	s10 =	simm.s32 $0x1  }
0xf3: {  	_ =	swait.ge [sflag:s10], $0x2800  }
0xf4: {  	[sflag:s10] =	ssyncset.done $0x0  }
0xf5: {  	s0 =	simm.s32 $0x5;
	[sflag:s10] =	ssyncadd.s32 $0xFFFFD800  }
0xf6: {  	_ =	swait.ge [sflag:s0], $0x50  }
0xf7: {  	s19 =	smov.u32 s9;
	s6 =	simm.s32 $0x400;
	[sflag:s0] =	ssyncset.done $0x0  }
0xf8: {  	s20 =	simm.s32 $0x800;
	s21 =	rddreg [dreg:$0x10];
	[sflag:s0] =	ssyncadd.s32 $0xFFFFFFB0  }
0xf9: {  	[spmem:s1] =	stream.indirect.scatter.add.f32 [tilespmem:s20], [sflag:$0x15], $0x80, s6, s17, $0xb8;
	[tilespmem:$0x1E800] =	vst v63  }
0xfa: {  	s18 =	simm.s32 $0x380;
	s24 =	rddreg [dreg:$0xf];
	s21 =	sadd.s32 s19, s21  }
0xfb: {  	[tilespmem:s18], [sflag:$0x14] =	stream.linear.gather [hbm4b:s21+s3], $0x50, $0x38;
	[tilespmem:$0x1E800] =	vst v63  }
0xfc: {  	s12 =	simm.s32 $0x780;
	s11 =	sadd.s32 s19, s24;
	s21 =	simm.s32 $0x10  }
0xfd: {  	[tilespmem:s12], [sflag:$0xC] =	stream.linear.gather [hbm4b:s11+s3], $0x50, $0x38;
	[tilespmem:$0x1E800] =	vst v63  }
0xfe: {  	_ =	swait.ge [sflag:s21], $0x50  }
0xff: {  	s7 =	simm.s32 $0x8000;
	[sflag:s21] =	ssyncset.done $0x0  }
0x100: {  	s5 =	simm.s32 $0x2;
	s11 =	simm.s32 $0x180;
	[sflag:s21] =	ssyncadd.s32 $0xFFFFFFB0  }
0x101: {  	[tilespmem:s7], [sflag:$0x4] =	stream.indirect.gather [hbm4b:s4+s17], $0x80, s11, s17, $0xb8;
	[tilespmem:$0x1E800] =	vst v63  }
0x102: {  	_ =	swait.ge [sflag:s5], $0x2800  }
0x103: {  	[sflag:s5] =	ssyncset.done $0x0  }
0x104: {  	s22 =	simm.s32 $0x6;
	[sflag:s5] =	ssyncadd.s32 $0xFFFFD800  }
0x105: {  	_ =	swait.ge [sflag:s22], $0x50  }
0x106: {  	[sflag:s22] =	ssyncset.done $0x0  }
0x107: {  	[sflag:s22] =	ssyncadd.s32 $0xFFFFFFB0  }
0x108: {  	_ =	swait.ge [sflag:s14], $0x2800  }
0x109: {  	s16 =	sadd.s32 $0x280, s16;
	s26 =	simm.s32 $0x480;
	[sflag:s14] =	ssyncset.done $0x0  }
0x10a: {  	s23 =	sshrl.u32 s16, $0x3;
	s22 =	simm.s32 $0x3000;
	[sflag:s14] =	ssyncadd.s32 $0xFFFFD800  }
0x10b: {  	[spmem:s1] =	stream.indirect.scatter.add.f32 [tilespmem:s22], [sflag:$0x16], $0x80, s26, s17, $0xb8;
	[tilespmem:$0x1E800] =	vst v63  }
0x10c: {  	s25 =	sadd.s32 s13, s23  }
0x10d: {  	[tilespmem:s3], [sflag:$0xD] =	stream.linear.gather [hbm4b:s25+s3], $0x50, $0x38;
	[tilespmem:$0x1E800] =	vst v63  }
0x10e: {  	s28 =	simm.s32 $0x11;
	s21 =	sadd.s32 s15, s23  }
0x10f: {  	[tilespmem:s6], [sflag:$0x5] =	stream.linear.gather [hbm4b:s21+s3], $0x50, $0x38;
	[tilespmem:$0x1E800] =	vst v63  }
0x110: {  	_ =	swait.ge [sflag:s28], $0x50  }
0x111: {  	[sflag:s28] =	ssyncset.done $0x0  }
0x112: {  	s31 =	simm.s32 $0x3;
	s25 =	simm.s32 $0x200;
	[sflag:s28] =	ssyncadd.s32 $0xFFFFFFB0  }
0x113: {  	[tilespmem:s20], [sflag:$0x1] =	stream.indirect.gather [hbm4b:s4+s17], $0x80, s25, s17, $0xb8;
	[tilespmem:$0x1E800] =	vst v63  }
0x114: {  	_ =	swait.ge [sflag:s31], $0x2800  }
0x115: {  	[sflag:s31] =	ssyncset.done $0x0  }
0x116: {  	s30 =	simm.s32 $0x7;
	[sflag:s31] =	ssyncadd.s32 $0xFFFFD800  }
0x117: {  	_ =	swait.ge [sflag:s30], $0x50  }
0x118: {  	[sflag:s30] =	ssyncset.done $0x0  }
0x119: {  	[sflag:s30] =	ssyncadd.s32 $0xFFFFFFB0  }
0x11a: {  	_ =	swait.ge [sflag:s29], $0x2800  }
0x11b: {  	s6 =	simm.s32 $0x500;
	[sflag:s29] =	ssyncset.done $0x0  }
0x11c: {  	s28 =	simm.s32 $0x5800;
	s0 =	rddreg [dreg:$0x4];
	[sflag:s29] =	ssyncadd.s32 $0xFFFFD800  }
0x11d: {  	[spmem:s1] =	stream.indirect.scatter.add.f32 [tilespmem:s28], [sflag:$0x15], $0x80, s6, s17, $0xb8;
	[tilespmem:$0x1E800] =	vst v63  }
0x11e: {  	s12 =	simm.s32 $0x80;
	s2 =	rddreg [dreg:$0x3];
	s21 =	sadd.s32 s19, s0  }
0x11f: {  	[tilespmem:s12], [sflag:$0xE] =	stream.linear.gather [hbm4b:s21+s3], $0x50, $0x38;
	[tilespmem:$0x1E800] =	vst v63  }
0x120: {  	s23 =	simm.s32 $0x12;
	s8 =	sadd.s32 s19, s2  }
0x121: {  	[tilespmem:s26], [sflag:$0x6] =	stream.linear.gather [hbm4b:s8+s3], $0x50, $0x38;
	[tilespmem:$0x1E800] =	vst v63  }
0x122: {  	_ =	swait.ge [sflag:s23], $0x50  }
0x123: {  	[sflag:s23] =	ssyncset.done $0x0  }
0x124: {  	s24 =	simm.s32 $0x280;
	s30 =	simm.s32 $0x4;
	[sflag:s23] =	ssyncadd.s32 $0xFFFFFFB0  }
0x125: {  	[tilespmem:s22], [sflag:$0x2] =	stream.indirect.gather [hbm4b:s4+s17], $0x80, s24, s17, $0xb8;
	[tilespmem:$0x1E800] =	vst v63  }
0x126: {  	_ =	swait.ge [sflag:s30], $0x2800  }
0x127: {  	[sflag:s30] =	ssyncset.done $0x0  }
0x128: {  	s26 =	simm.s32 $0x8;
	[sflag:s30] =	ssyncadd.s32 $0xFFFFD800  }
0x129: {  	_ =	swait.ge [sflag:s26], $0x50  }
0x12a: {  	[sflag:s26] =	ssyncset.done $0x0  }
0x12b: {  	[sflag:s26] =	ssyncadd.s32 $0xFFFFFFB0  }
0x12c: {  	_ =	swait.ge [sflag:s14], $0x2800  }
0x12d: {  	[sflag:s14] =	ssyncset.done $0x0  }
0x12e: {  	s26 =	simm.s32 $0x580;
	s0 =	rddreg [dreg:$0x6];
	[sflag:s14] =	ssyncadd.s32 $0xFFFFD800  }
0x12f: {  	[spmem:s1] =	stream.indirect.scatter.add.f32 [tilespmem:s7], [sflag:$0x16], $0x80, s26, s17, $0xb8;
	[tilespmem:$0x1E800] =	vst v63  }
0x130: {  	s23 =	simm.s32 $0x100;
	s8 =	rddreg [dreg:$0x5];
	s21 =	sadd.s32 s19, s0  }
0x131: {  	[tilespmem:s23], [sflag:$0xF] =	stream.linear.gather [hbm4b:s21+s3], $0x50, $0x38;
	[tilespmem:$0x1E800] =	vst v63  }
0x132: {  	s24 =	simm.s32 $0x13;
	s0 =	sadd.s32 s19, s8  }
0x133: {  	[tilespmem:s6], [sflag:$0x7] =	stream.linear.gather [hbm4b:s0+s3], $0x50, $0x38;
	[tilespmem:$0x1E800] =	vst v63  }
0x134: {  	_ =	swait.ge [sflag:s24], $0x50  }
0x135: {  	[sflag:s24] =	ssyncset.done $0x0  }
0x136: {  	s6 =	simm.s32 $0x300;
	[sflag:s24] =	ssyncadd.s32 $0xFFFFFFB0  }
0x137: {  	[tilespmem:s28], [sflag:$0x3] =	stream.indirect.gather [hbm4b:s4+s17], $0x80, s6, s17, $0xb8;
	[tilespmem:$0x1E800] =	vst v63  }
0x138: {  	_ =	swait.ge [sflag:s10], $0x2800  }
0x139: {  	[sflag:s10] =	ssyncset.done $0x0  }
0x13a: {  	s21 =	simm.s32 $0x9;
	[sflag:s10] =	ssyncadd.s32 $0xFFFFD800  }
0x13b: {  	_ =	swait.ge [sflag:s21], $0x50  }
0x13c: {  	[sflag:s21] =	ssyncset.done $0x0  }
0x13d: {  	[sflag:s21] =	ssyncadd.s32 $0xFFFFFFB0  }
0x13e: {  	_ =	swait.ge [sflag:s29], $0x2800  }
0x13f: {  	[sflag:s29] =	ssyncset.done $0x0  }
0x140: {  	s6 =	simm.s32 $0x600;
	s24 =	rddreg [dreg:$0x8];
	[sflag:s29] =	ssyncadd.s32 $0xFFFFD800  }
0x141: {  	[spmem:s1] =	stream.indirect.scatter.add.f32 [tilespmem:s20], [sflag:$0x15], $0x80, s6, s17, $0xb8;
	[tilespmem:$0x1E800] =	vst v63  }
0x142: {  	s0 =	rddreg [dreg:$0x7];
	s21 =	sadd.s32 s19, s24  }
0x143: {  	[tilespmem:s11], [sflag:$0x10] =	stream.linear.gather [hbm4b:s21+s3], $0x50, $0x38;
	[tilespmem:$0x1E800] =	vst v63  }
0x144: {  	s24 =	sadd.s32 s19, s0  }
0x145: {  	[tilespmem:s26], [sflag:$0x8] =	stream.linear.gather [hbm4b:s24+s3], $0x50, $0x38;
	[tilespmem:$0x1E800] =	vst v63  }
0x146: {  	s26 =	simm.s32 $0x14  }
0x147: {  	_ =	swait.ge [sflag:s26], $0x50  }
0x148: {  	[sflag:s26] =	ssyncset.done $0x0  }
0x149: {  	[sflag:s26] =	ssyncadd.s32 $0xFFFFFFB0  }
0x14a: {  	[tilespmem:s7], [sflag:$0x4] =	stream.indirect.gather [hbm4b:s4+s17], $0x80, s18, s17, $0xb8;
	[tilespmem:$0x1E800] =	vst v63  }
0x14b: {  	_ =	swait.ge [sflag:s5], $0x2800  }
0x14c: {  	[sflag:s5] =	ssyncset.done $0x0  }
0x14d: {  	s21 =	simm.s32 $0xA;
	[sflag:s5] =	ssyncadd.s32 $0xFFFFD800  }
0x14e: {  	_ =	swait.ge [sflag:s21], $0x50  }
0x14f: {  	[sflag:s21] =	ssyncset.done $0x0  }
0x150: {  	[sflag:s21] =	ssyncadd.s32 $0xFFFFFFB0  }
0x151: {  	_ =	swait.ge [sflag:s14], $0x2800  }
0x152: {  	[sflag:s14] =	ssyncset.done $0x0  }
0x153: {  	s5 =	simm.s32 $0x680;
	s24 =	rddreg [dreg:$0xa];
	[sflag:s14] =	ssyncadd.s32 $0xFFFFD800  }
0x154: {  	[spmem:s1] =	stream.indirect.scatter.add.f32 [tilespmem:s22], [sflag:$0x16], $0x80, s5, s17, $0xb8;
	[tilespmem:$0x1E800] =	vst v63  }
0x155: {  	s26 =	rddreg [dreg:$0x9];
	s21 =	sadd.s32 s19, s24  }
0x156: {  	[tilespmem:s25], [sflag:$0x11] =	stream.linear.gather [hbm4b:s21+s3], $0x50, $0x38;
	[tilespmem:$0x1E800] =	vst v63  }
0x157: {  	s18 =	sadd.s32 s19, s26;
	s21 =	simm.s32 $0xD  }
0x158: {  	[tilespmem:s6], [sflag:$0x9] =	stream.linear.gather [hbm4b:s18+s3], $0x50, $0x38;
	[tilespmem:$0x1E800] =	vst v63  }
0x159: {  	_ =	swait.ge [sflag:s21], $0x50  }
0x15a: {  	[sflag:s21] =	ssyncset.done $0x0  }
0x15b: {  	[sflag:s21] =	ssyncadd.s32 $0xFFFFFFB0  }
0x15c: {  	[tilespmem:s20], [sflag:$0x1] =	stream.indirect.gather [hbm4b:s4+s17], $0x80, s3, s17, $0xb8;
	[tilespmem:$0x1E800] =	vst v63  }
0x15d: {  	_ =	swait.ge [sflag:s31], $0x2800  }
0x15e: {  	[sflag:s31] =	ssyncset.done $0x0  }
0x15f: {  	s24 =	simm.s32 $0xB;
	[sflag:s31] =	ssyncadd.s32 $0xFFFFD800  }
0x160: {  	_ =	swait.ge [sflag:s24], $0x50  }
0x161: {  	[sflag:s24] =	ssyncset.done $0x0  }
0x162: {  	[sflag:s24] =	ssyncadd.s32 $0xFFFFFFB0  }
0x163: {  	p1 =	seq.s32 s19, $0x460;
	_ =	swait.ge [sflag:s29], $0x2800  }
0x164: {  	s26 =	simm.s32 $0x700;
	s18 =	smov.u32 s13;
	[sflag:s29] =	ssyncset.done $0x0  }
0x165: {  	s13 =	simm.s32 @!p1 $0x280;
	s21 =	rddreg [dreg:$0xc];
	[sflag:s29] =	ssyncadd.s32 $0xFFFFD800  }
0x166: {  	[spmem:s1] =	stream.indirect.scatter.add.f32 [tilespmem:s28], [sflag:$0x15], $0x80, s26, s17, $0xb8;
	[tilespmem:$0x1E800] =	vst v63  }
0x167: {  	s24 =	rddreg [dreg:$0xb];
	s21 =	sadd.s32 @!p1 s19, s21;
	s26 =	simm.s32 @!p1 $0x0  }
0x168: {  	[tilespmem:s13], [sflag:$0x12] =	stream.linear.gather @!p1 [hbm4b:s21+s26], $0x50, $0x38;
	[tilespmem:$0x1E800] =	vst v63  }
0x169: {  	s13 =	sadd.s32 @!p1 s19, s24;
	s21 =	simm.s32 @!p1 $0x680  }
0x16a: {  	[tilespmem:s21], [sflag:$0xA] =	stream.linear.gather @!p1 [hbm4b:s13+s26], $0x50, $0x38;
	[tilespmem:$0x1E800] =	vst v63  }
0x16b: {  	s21 =	simm.s32 $0xE  }
0x16c: {  	_ =	swait.ge [sflag:s21], $0x50  }
0x16d: {  	[sflag:s21] =	ssyncset.done $0x0  }
0x16e: {  	[sflag:s21] =	ssyncadd.s32 $0xFFFFFFB0  }
0x16f: {  	[tilespmem:s22], [sflag:$0x2] =	stream.indirect.gather [hbm4b:s4+s17], $0x80, s12, s17, $0xb8;
	[tilespmem:$0x1E800] =	vst v63  }
0x170: {  	_ =	swait.ge [sflag:s30], $0x2800  }
0x171: {  	[sflag:s30] =	ssyncset.done $0x0  }
0x172: {  	s24 =	simm.s32 $0xC;
	[sflag:s30] =	ssyncadd.s32 $0xFFFFD800  }
0x173: {  	_ =	swait.ge [sflag:s24], $0x50  }
0x174: {  	[sflag:s24] =	ssyncset.done $0x0  }
0x175: {  	[sflag:s24] =	ssyncadd.s32 $0xFFFFFFB0  }
0x176: {  	s9 =	sadd.s32 $0x50, s9;
	s31 =	smov.u32 s15;
	_ =	swait.ge [sflag:s14], $0x2800  }
0x177: {  	p0 =	sne.s32 s9, $0x4B0;
	s15 =	smov.u32 s31;
	[sflag:s14] =	ssyncset.done $0x0  }
0x178: {  	s30 =	simm.s32 $0x780;
	s13 =	rddreg [dreg:$0xe];
	[sflag:s14] =	ssyncadd.s32 $0xFFFFD800  }
0x179: {  	[spmem:s1] =	stream.indirect.scatter.add.f32 [tilespmem:s7], [sflag:$0x16], $0x80, s30, s17, $0xb8;
	[tilespmem:$0x1E800] =	vst v63  }
0x17a: {  	s24 =	simm.s32 @!p1 $0x300;
	s21 =	rddreg [dreg:$0xd];
	s13 =	sadd.s32 @!p1 s19, s13  }
0x17b: {  	[tilespmem:s24], [sflag:$0x13] =	stream.linear.gather @!p1 [hbm4b:s13+s26], $0x50, $0x38;
	[tilespmem:$0x1E800] =	vst v63  }
0x17c: {  	s31 =	simm.s32 $0xF;
	s13 =	sadd.s32 @!p1 s19, s21;
	s19 =	simm.s32 @!p1 $0x700  }
0x17d: {  	[tilespmem:s19], [sflag:$0xB] =	stream.linear.gather @!p1 [hbm4b:s13+s26], $0x50, $0x38;
	[tilespmem:$0x1E800] =	vst v63  }
0x17e: {  	s2 =	simm.s32 $0x480;
	s8 =	simm.s32 $0x500;
	_ =	swait.ge [sflag:s31], $0x50  }
.Ltmp0:
0x17f: {  	s10 =	simm.s32 $0x180;
	[sflag:s31] =	ssyncset.done $0x0;
	(pc) =	sbr.rel @p0 .LBB2_2-.Ltmp0, $4  }
0x180: {  	s0 =	simm.s32 $0x200;
	s11 =	simm.s32 $0x580;
	[sflag:s31] =	ssyncadd.s32 $0xFFFFFFB0  }
0x181: {  	[tilespmem:s28], [sflag:$0x3] =	stream.indirect.gather [hbm4b:s4+s17], $0x80, s23, s17, $0xb8;
	[tilespmem:$0x1E800] =	vst v63  }
0x182: {  	s25 =	simm.s32 $0x600;
	s20 =	simm.s32 $0x3000;
	_ =	swait.ge [sflag:s29], $0x2800  }
0x183: {  	s13 =	smov.u32 s18;
	s19 =	simm.s32 $0x5800;
	[sflag:s29] =	ssyncset.done $0x0  }
0x184: {  	[sflag:s29] =	ssyncadd.s32 $0xFFFFD800;
	s16 =	simm.s32 $0x1  }
0x185: {  	_ =	swait.ge [sflag:s16], $0x2800  }
0x186: {  	[sflag:s16] =	ssyncset.done $0x0  }
0x187: {  	s6 =	simm.s32 $0x5;
	[sflag:s16] =	ssyncadd.s32 $0xFFFFD800  }
0x188: {  	_ =	swait.ge [sflag:s6], $0x50  }
0x189: {  	s7 =	simm.s32 $0x800;
	[sflag:s6] =	ssyncset.done $0x0  }
0x18a: {  	s5 =	simm.s32 $0x400;
	s9 =	simm.s32 $0x10;
	[sflag:s6] =	ssyncadd.s32 $0xFFFFFFB0  }
0x18b: {  	[spmem:s1] =	stream.indirect.scatter.add.f32 [tilespmem:s7], [sflag:$0x15], $0x80, s5, s17, $0xb8;
	[tilespmem:$0x1E800] =	vst v63  }
0x18c: {  	_ =	swait.ge [sflag:s9], $0x50  }
0x18d: {  	[sflag:s9] =	ssyncset.done $0x0  }
0x18e: {  	[sflag:s9] =	ssyncadd.s32 $0xFFFFFFB0;
	s9 =	simm.s32 $0x8000  }
0x18f: {  	[tilespmem:s9], [sflag:$0x4] =	stream.indirect.gather [hbm4b:s4+s17], $0x80, s10, s17, $0xb8;
	[tilespmem:$0x1E800] =	vst v63  }
0x190: {  	s10 =	simm.s32 $0x2  }
0x191: {  	_ =	swait.ge [sflag:s10], $0x2800  }
0x192: {  	[sflag:s10] =	ssyncset.done $0x0  }
0x193: {  	s12 =	simm.s32 $0x6;
	[sflag:s10] =	ssyncadd.s32 $0xFFFFD800  }
0x194: {  	_ =	swait.ge [sflag:s12], $0x50  }
0x195: {  	[sflag:s12] =	ssyncset.done $0x0  }
0x196: {  	[sflag:s12] =	ssyncadd.s32 $0xFFFFFFB0  }
0x197: {  	_ =	swait.ge [sflag:s14], $0x2800  }
0x198: {  	[sflag:s14] =	ssyncset.done $0x0  }
0x199: {  	s18 =	simm.s32 $0x11;
	[sflag:s14] =	ssyncadd.s32 $0xFFFFD800  }
0x19a: {  	[spmem:s1] =	stream.indirect.scatter.add.f32 [tilespmem:s20], [sflag:$0x16], $0x80, s2, s17, $0xb8;
	[tilespmem:$0x1E800] =	vst v63  }
0x19b: {  	_ =	swait.ge [sflag:s18], $0x50  }
0x19c: {  	[sflag:s18] =	ssyncset.done $0x0  }
0x19d: {  	s20 =	simm.s32 $0x3;
	[sflag:s18] =	ssyncadd.s32 $0xFFFFFFB0  }
0x19e: {  	[tilespmem:s7], [sflag:$0x1] =	stream.indirect.gather [hbm4b:s4+s17], $0x80, s0, s17, $0xb8;
	[tilespmem:$0x1E800] =	vst v63  }
0x19f: {  	_ =	swait.ge [sflag:s20], $0x2800  }
0x1a0: {  	[sflag:s20] =	ssyncset.done $0x0  }
0x1a1: {  	s21 =	simm.s32 $0x7;
	[sflag:s20] =	ssyncadd.s32 $0xFFFFD800  }
0x1a2: {  	_ =	swait.ge [sflag:s21], $0x50  }
0x1a3: {  	[sflag:s21] =	ssyncset.done $0x0  }
0x1a4: {  	[sflag:s21] =	ssyncadd.s32 $0xFFFFFFB0  }
0x1a5: {  	_ =	swait.ge [sflag:s29], $0x2800  }
0x1a6: {  	[sflag:s29] =	ssyncset.done $0x0  }
0x1a7: {  	s22 =	simm.s32 $0x4;
	[sflag:s29] =	ssyncadd.s32 $0xFFFFD800  }
0x1a8: {  	[spmem:s1] =	stream.indirect.scatter.add.f32 [tilespmem:s19], [sflag:$0x15], $0x80, s8, s17, $0xb8;
	[tilespmem:$0x1E800] =	vst v63  }
0x1a9: {  	_ =	swait.ge [sflag:s22], $0x2800  }
0x1aa: {  	[sflag:s22] =	ssyncset.done $0x0  }
0x1ab: {  	s23 =	simm.s32 $0x8;
	[sflag:s22] =	ssyncadd.s32 $0xFFFFD800  }
0x1ac: {  	_ =	swait.ge [sflag:s23], $0x50  }
0x1ad: {  	[sflag:s23] =	ssyncset.done $0x0  }
0x1ae: {  	[sflag:s23] =	ssyncadd.s32 $0xFFFFFFB0  }
0x1af: {  	_ =	swait.ge [sflag:s14], $0x2800  }
0x1b0: {  	[sflag:s14] =	ssyncset.done $0x0  }
0x1b1: {  	[sflag:s14] =	ssyncadd.s32 $0xFFFFD800  }
0x1b2: {  	[spmem:s1] =	stream.indirect.scatter.add.f32 [tilespmem:s9], [sflag:$0x16], $0x80, s11, s17, $0xb8;
	[tilespmem:$0x1E800] =	vst v63  }
0x1b3: {  	_ =	swait.ge [sflag:s16], $0x2800  }
0x1b4: {  	[sflag:s16] =	ssyncset.done $0x0  }
0x1b5: {  	s24 =	simm.s32 $0x9;
	[sflag:s16] =	ssyncadd.s32 $0xFFFFD800  }
0x1b6: {  	_ =	swait.ge [sflag:s24], $0x50  }
0x1b7: {  	[sflag:s24] =	ssyncset.done $0x0  }
0x1b8: {  	[sflag:s24] =	ssyncadd.s32 $0xFFFFFFB0  }
0x1b9: {  	_ =	swait.ge [sflag:s29], $0x2800  }
0x1ba: {  	[sflag:s29] =	ssyncset.done $0x0  }
0x1bb: {  	[sflag:s29] =	ssyncadd.s32 $0xFFFFD800  }
0x1bc: {  	[spmem:s1] =	stream.indirect.scatter.add.f32 [tilespmem:s7], [sflag:$0x15], $0x80, s25, s17, $0xb8;
	[tilespmem:$0x1E800] =	vst v63  }
0x1bd: {  	_ =	swait.ge [sflag:s14], $0x2800  }
0x1be: {  	[sflag:s14] =	ssyncset.done $0x0  }
0x1bf: {  	[sflag:s14] =	ssyncadd.s32 $0xFFFFD800  }
0x1c0: {  	[bflag:$0x0] =	sbarrier.arrive $0xFFFF  }
0x1c1: {  	s25 =	sld [smem:$0x7FB]  }
0x1c2: {  	s26 =	sld [smem:$0x7F8];
	_ =	sdelay $0x1  }
0x1c3: {  	s9 =	simm.s32 $0x17;
	s16 =	rddreg [dreg:$0x13]  }
0x1c4: {  	[hbm:s25], [sflag:s16] =	dma.local [spmem:s26], $0x2800  }
0x1c5: {  	_ =	swait.ge [sflag:s9], $0x2800  }
0x1c6: {  	s28 =	sld [smem:$0x7F7]  }
0x1c7: {  	s31 =	sld [smem:$0x7FC];
	_ =	sdelay $0x1  }
0x1c8: {  	s2 =	sadd.s32 $0x1, s28  }
0x1c9: {  	p0 =	sne.s32 s2, s31  }
.Ltmp1:
0x1ca: {  	_ = 	snop;
	(pc) =	sbr.rel @p0 .LBB2_1-.Ltmp1, $4  }
0x1cb: {  	_ = 	snop  }
0x1cc: {  	s30 =	simm.s32 $0x300  }
0x1cd: {  	s0 =	simm.s32 $0x80;
	s23 =	simm.s32 $0x680;
	[sflag:s9] =	ssyncset.done $0x0  }
0x1ce: {  	s24 =	simm.s32 $0x100;
	s25 =	simm.s32 $0x280;
	[sflag:s9] =	ssyncadd.s32 $0xFFFFD800  }
0x1cf: {  	_ =	sfence.sel $0x180000  }
0x1d0: {  	[bflag:$0x0] =	sbarrier.arrive $0xFFFF  }
0x1d1: {  	_ =	strace $0x9000004A  }
0x1d2: {  	s0 =	stileid.u32;
	[bflag:$0x2] =	sbarrier.arrive $0xFFFF  }
0x1d3: {  	p0 =	sne.s32 s0, $0x0;
	s0 =	rddreg [dreg:$0x2]  }
0x1d4: {  	s0 =	sadd.s32 @!p0 $0x100000, s0  }
0x1d5: {  	[sflag:s0] =	ssyncadd.tile.s32 @!p0 $0x1;
	_ =	shalt  }
.Lfunc_end2:
_tile_overlayer_lowered:
.L_overlay_start_2:
0x1d6: {  	(tag) =	ssettag $0x2  }
0x1d7: {  	s0 =	rddreg [dreg:$0x0];
	s2 =	stileid.u32  }
0x1d8: {  	s1 =	rddreg [dreg:$0x1];
	p0 =	sne.s32 s2, $0x0  }
0x1d9: {  	s3 =	rddreg [dreg:$0x2];
	[bflag:$0x3] =	sbarrier.arrive $0xFFFF;
	s2 =	simm.s32 @!p0 $0x1C17  }
0x1da: {  	[timem:s3], [sflag:s2] =	dma.local @!p0 [hbm:s0], s1  }
0x1db: {  	s0 =	simm.s32 @!p0 $0x17  }
0x1dc: {  	_ =	swait.ge @!p0 [sflag:s0], s1  }
0x1dd: {  	s1 =	ssub.s32 @!p0 $0x0, s1;
	[sflag:s0] =	ssyncset.done @!p0 $0x0  }
0x1de: {  	[sflag:s0] =	ssyncadd.s32 @!p0 s1  }
0x1df: {  	[bflag:$0x3] =	sbarrier.arrive $0xFFFF  }
0x1e0: {  	_ =	shalt  }

// kernel: kernel.14.cloned.1.call-start
scs
__scs_entry_jumppad:
0x0: {  	(pc) =	sbr.rel $0x88, $3  }
0x1: {  	(tag) =	ssettag $0x0;
	lr =	simm.s32 $0x1  }
0x2: {  	[smem:$0x3F93] =	sst lr;
	_ =	strace $0xD0000000  }
0x3: {  	_ = 	snop  }
0x4: {  	_ = 	snop  }
0x5: {  	_ = 	snop  }
0x6: {  	_ = 	snop  }
0x7: {  	_ = 	snop  }
__scs_overlays_trampoline_lowered:
0x8: {  	[smem:$0x3FA2] =	sst s0  }
0x9: {  	[smem:$0x3FA3] =	sst s1  }
0xa: {  	[smem:$0x3FA4] =	sst s2  }
0xb: {  	[smem:$0x3FA5] =	sst s3  }
0xc: {  	[smem:$0x3FA6] =	sst s4  }
0xd: {  	[smem:$0x3FA7] =	sst s5  }
0xe: {  	[smem:$0x3FA8] =	sst s6  }
0xf: {  	[smem:$0x3FA9] =	sst s7  }
0x10: {  	[smem:$0x3FAA] =	sst s8  }
0x11: {  	[smem:$0x3FAB] =	sst s9;
	s0 =	simm.s32 @!p0 $0x0  }
0x12: {  	s1 =	sld [smem:$0x3F91];
	s0 =	simm.s32 @p0 $0x1  }
0x13: {  	[smem:$0x3FAC] =	sst s0;
	s0 =	simm.s32 @!p1 $0x0  }
0x14: {  	s2 =	sld [smem:$0x3F90];
	s0 =	simm.s32 @p1 $0x1  }
0x15: {  	[smem:$0x3FAD] =	sst s0;
	s0 =	simm.s32 @!p2 $0x0  }
0x16: {  	s3 =	sld [smem:$0x3FDB];
	s0 =	simm.s32 @p2 $0x1  }
0x17: {  	s4 =	simm.s32 $0x1BF5;
	[smem:$0x3FAF] =	sst s0  }
0x18: {  	s0 =	sld [smem:$0x3F92];
	_ =	swait.ge [sflag:s4], $0x0  }
0x19: {  	s7 =	sld [smem:$0x3F93]  }
0x1a: {  	s8 =	sadd.s32 $0xFFFFE003, lr  }
0x1b: {  	s9 =	sadd.s32 $0xFFFFFEF7, lr;
	s5 =	simm.s32 $0xFFFFFFFF;
	p2 =	slt.u32 s8, $0xFFFFF086  }
0x1c: {  	p1 =	slt.u32 s9, $0xF7A;
	s5 =	simm.s32 @!p2 $0x0  }
0x1d: {  	s5 =	simm.s32 @p1 $0x1;
	p0 =	seq.s32 s7, s2  }
0x1e: {  	s7 =	smul.u32 @!p0 $0xF7A, s2;
	p2 =	seq.s32 @!p0 s5, $0x0  }
0x1f: {  	s9 =	smul.u32 $0xF7A, s1;
	s8 =	simm.s32 @!p0 $0x1BF5;
	p2 =	por !p2, p0  }
0x20: {  	[sflag:s8] =	ssyncset.s32 @!p0 $0xFFFFF086;
	s6 =	sadd.s32 @!p0 s3, s7;
	s7 =	simm.s32 @!p0 $0x108  }
0x21: {  	s3 =	sadd.s32 s3, s9;
	s6 =	sadd.s32 @!p0 $0x88, s6;
	s7 =	simm.s32 @p2 $0x1082  }
0x22: {  	[simem:s7], [sflag:s8] =	dma.local @!p0 [hbm:s6], $0xF7A  }
0x23: {  	s9 =	sor.u32 $0xD0000000, s2;
	s6 =	simm.s32 $0x108;
	_ =	swait.ge @!p0 [sflag:s8], $0x0  }
0x24: {  	s3 =	sadd.s32 $0x88, s3;
	s6 =	simm.s32 @!p1 $0x1082;
	[sflag:s4] =	ssyncset.s32 $0xFFFFF086  }
0x25: {  	[simem:s6], [sflag:s4] =	dma.local [hbm:s3], $0xF7A  }
0x26: {  	[smem:$0x3F93] =	sst s1;
	(tag) =	ssettag s2;
	_ =	strace s9  }
0x27: {  	s1 =	sld [smem:$0x3FA3]  }
0x28: {  	s2 =	sld [smem:$0x3FA4]  }
0x29: {  	s4 =	sld [smem:$0x3FA6]  }
0x2a: {  	p0 =	seq.s32 s5, $0x0;
	s5 =	sld [smem:$0x3FA7]  }
0x2b: {  	s6 =	sld [smem:$0x3FA8]  }
0x2c: {  	s7 =	sld [smem:$0x3FA9]  }
0x2d: {  	s3 =	simm.s32 $0x108;
	s8 =	sld [smem:$0x3FAA]  }
0x2e: {  	s3 =	simm.s32 @!p0 $0x1082;
	s9 =	sld [smem:$0x3FAB]  }
0x2f: {  	lr =	sadd.s32 s0, s3;
	s0 =	sld [smem:$0x3FA2]  }
0x30: {  	s3 =	sld [smem:$0x3FA5]  }
0x31: {  	[smem:$0x3FAE] =	sst s10  }
0x32: {  	s10 =	sld [smem:$0x3FAC];
	_ =	sdelay $0x3  }
0x33: {  	p0 =	seq.s32 s10, $0x1;
	s10 =	sld [smem:$0x3FAE];
	_ =	sdelay $0x3  }
0x34: {  	[smem:$0x3FAE] =	sst s10  }
0x35: {  	s10 =	sld [smem:$0x3FAD];
	_ =	sdelay $0x3  }
0x36: {  	p1 =	seq.s32 s10, $0x1;
	s10 =	sld [smem:$0x3FAE];
	_ =	sdelay $0x3  }
0x37: {  	[smem:$0x3FAE] =	sst s10  }
0x38: {  	s10 =	sld [smem:$0x3FAF]  }
0x39: {  	_ = 	snop;
	(pc) =	sbr.ind lr, $3  }
0x3a: {  	_ = 	snop  }
0x3b: {  	_ = 	snop  }
0x3c: {  	p2 =	seq.s32 s10, $0x1;
	s10 =	sld [smem:$0x3FAE]  }
0x3d: {  	_ =	shalt  }
0x3e: {  	_ =	shalt  }
0x3f: {  	_ =	shalt  }
0x40: {  	_ =	shalt  }
0x41: {  	_ =	shalt  }
0x42: {  	_ =	shalt  }
0x43: {  	_ =	shalt  }
0x44: {  	_ =	shalt  }
0x45: {  	_ =	shalt  }
0x46: {  	_ =	shalt  }
0x47: {  	_ =	shalt  }
0x48: {  	_ =	shalt  }
0x49: {  	_ =	shalt  }
0x4a: {  	_ =	shalt  }
0x4b: {  	_ =	shalt  }
0x4c: {  	_ =	shalt  }
0x4d: {  	_ =	shalt  }
0x4e: {  	_ =	shalt  }
0x4f: {  	_ =	shalt  }
0x50: {  	_ =	shalt  }
0x51: {  	_ =	shalt  }
0x52: {  	_ =	shalt  }
0x53: {  	_ =	shalt  }
0x54: {  	_ =	shalt  }
0x55: {  	_ =	shalt  }
0x56: {  	_ =	shalt  }
0x57: {  	_ =	shalt  }
0x58: {  	_ =	shalt  }
0x59: {  	_ =	shalt  }
0x5a: {  	_ =	shalt  }
0x5b: {  	_ =	shalt  }
0x5c: {  	_ =	shalt  }
0x5d: {  	_ =	shalt  }
0x5e: {  	_ =	shalt  }
0x5f: {  	_ =	shalt  }
0x60: {  	_ =	shalt  }
0x61: {  	_ =	shalt  }
0x62: {  	_ =	shalt  }
0x63: {  	_ =	shalt  }
0x64: {  	_ =	shalt  }
0x65: {  	_ =	shalt  }
0x66: {  	_ =	shalt  }
0x67: {  	_ =	shalt  }
0x68: {  	_ =	shalt  }
0x69: {  	_ =	shalt  }
0x6a: {  	_ =	shalt  }
0x6b: {  	_ =	shalt  }
0x6c: {  	_ =	shalt  }
0x6d: {  	_ =	shalt  }
0x6e: {  	_ =	shalt  }
0x6f: {  	_ =	shalt  }
0x70: {  	_ =	shalt  }
0x71: {  	_ =	shalt  }
0x72: {  	_ =	shalt  }
0x73: {  	_ =	shalt  }
0x74: {  	_ =	shalt  }
0x75: {  	_ =	shalt  }
0x76: {  	_ =	shalt  }
0x77: {  	_ =	shalt  }
0x78: {  	_ =	shalt  }
0x79: {  	_ =	shalt  }
0x7a: {  	_ =	shalt  }
0x7b: {  	_ =	shalt  }
0x7c: {  	_ =	shalt  }
0x7d: {  	_ =	shalt  }
0x7e: {  	_ =	shalt  }
0x7f: {  	_ =	shalt  }
0x80: {  	_ =	shalt  }
0x81: {  	_ =	shalt  }
0x82: {  	_ =	shalt  }
0x83: {  	_ =	shalt  }
0x84: {  	_ =	shalt  }
0x85: {  	_ =	shalt  }
0x86: {  	_ =	shalt  }
0x87: {  	_ =	shalt  }
.Lfunc_end0:
.L_simem_size_0:
called_computation.2_lowered:
.L_overlay_start_0:
0x88: {  	s2 =	sld [smem:$0x3FD9]  }
0x89: {  	s3 =	sld [smem:$0x3FFE];
	_ =	sdelay $0x1  }
0x8a: {  	s1 =	srdreg.scid  }
0x8b: {  	s0 =	sand.u32 $0x1, s1  }
0x8c: {  	s17 =	sshll.u32 s0, $0xA;
	s2 =	sadd.s32 s3, s2  }
0x8d: {  	s2 =	sadd.s32 s2, s17  }
0x8e: {  	[smem:$0x3FBA] =	sst s2  }
0x8f: {  	_ = 	snop  }
0x90: {  	s2 =	sld [smem:$0x3FD0];
	(tm) =	ssettm $0x1  }
0x91: {  	s18 =	sld [smem:$0x3FFB];
	_ =	sdelay $0x3  }
0x92: {  	_ =	strace s18  }
0x93: {  	s3 =	sld [smem:$0x3FFC];
	_ =	sdelay $0x3  }
0x94: {  	_ =	strace s3  }
0x95: {  	s3 =	sld [smem:$0x3FFD];
	_ =	sdelay $0x3  }
0x96: {  	_ =	strace s3  }
0x97: {  	_ =	strace $0x8FFFFFFF  }
0x98: {  	s19 =	sld [smem:$0x3FDB];
	_ =	sdelay $0x1  }
0x99: {  	s4 =	simm.s32 $_scs_section_size  }
0x9a: {  	s5 =	simm.s32 $_size__tile_overlayer_lowered;
	s6 =	simm.s32 $_tile_overlayer_lowered  }
0x9b: {  	s22 =	simm.s32 $0x1BFF;
	s21 =	sshll.u32 s6, $0x1;
	s3 =	sadd.s32 s4, s19  }
0x9c: {  	s7 =	simm.s32 $0x0;
	s20 =	sshll.u32 s5, $0x1;
	s5 =	sadd.s32 s21, s3  }
0x9d: {  	[timem:s7], [sflag:s22] =	dma.local [hbm:s5], s20  }
0x9e: {  	_ =	swait.ge [sflag:s22], s20  }
0x9f: {  	s4 =	ssub.s32 $0x0, s20;
	[sflag:s22] =	ssyncset.done $0x0  }
0xa0: {  	[sflag:s22] =	ssyncadd.s32 s4;
	_ =	sdelay $0x1  }
0xa1: {  	s23 =	simm.s32 $0x1B8B  }
0xa2: {  	_ =	swait.ge [sflag:s23], $0x1  }
0xa3: {  	[sflag:s23] =	ssyncset.done $0x0  }
0xa4: {  	s25 =	simm.s32 $0x1B8E;
	s24 =	sld [smem:$0x3FFE];
	[sflag:s23] =	ssyncadd.s32 $0xFFFFFFFF  }
0xa5: {  	s26 =	simm.s32 $execute0_lowered;
	[smem:$0x3FD2] =	sst s25  }
0xa6: {  	s5 =	sshll.u32 s26, $0x1;
	_ =	strace $0x8000004C;
	[dreg:$0x1] =	wrdreg $0xFFFFFFFF  }
0xa7: {  	s28 =	simm.s32 $_size_execute0_lowered;
	s3 =	sadd.s32 s3, s5;
	[dreg:$0x0] =	wrdreg $0x0  }
0xa8: {  	s5 =	sshll.u32 s28, $0x1;
	[dreg:$0x2] =	wrdreg s3  }
0xa9: {  	[dreg:$0x3] =	wrdreg s5  }
0xaa: {  	[dreg:$0x4] =	wrdreg $0xC0  }
0xab: {  	_ =	task [dreg:s7], $0x5FFFF  }
0xac: {  	[dreg:$0x1] =	wrdreg $0xFFFFFFFF  }
0xad: {  	[dreg:$0x0] =	wrdreg $0x60  }
0xae: {  	[dreg:$0x2] =	wrdreg s24  }
0xaf: {  	[dreg:$0x3] =	wrdreg s2  }
0xb0: {  	[dreg:$0x4] =	wrdreg $0x9  }
0xb1: {  	_ =	task.clear_ibuf [dreg:s7], $0x5FFFF;
	_ =	strace $0x9000004C  }
0xb2: {  	s29 =	simm.s32 $0x9;
	_ =	strace $0x8000004E  }
0xb3: {  	_ =	swait.ge [sflag:s29], $0x1  }
0xb4: {  	[sflag:s29] =	ssyncadd.s32 $0xFFFFFFFF  }
0xb5: {  	_ =	strace $0x9000004E  }
0xb6: {  	_ =	sfence  }
0xb7: {  	s30 =	sld [smem:$0x0];
	_ =	sdelay $0x2  }
0xb8: {  	s31 =	sshll.u32 s1, $0xD;
	s1 =	sshrl.u32 s1, $0x2  }
0xb9: {  	s3 =	sand.u32 $0x4000, s31;
	s1 =	sadd.s32 s1, s30  }
0xba: {  	s0 =	sor.u32 s3, s0;
	s1 =	sshll.u32 s1, $0x11  }
0xbb: {  	s0 =	sor.u32 s1, s0  }
0xbc: {  	s0 =	sadd.s32 $0x8F2B, s0  }
0xbd: {  	[sflag:s0] =	ssyncadd.remote.s32 $0x1  }
0xbe: {  	_ =	sfence.sel $0xFFFF  }
0xbf: {  	[dreg:$0x0] =	wrdreg $0xFFFFFFFF;
	(pc) =	sbr.abs _section_cstart, $3  }
0xc0: {  	[dreg:$0x1] =	wrdreg $0xFFFFFFFF  }
0xc1: {  	_ =	task.clear_ibuf [dreg:s7], $0x2FFFF;
	_ =	strace $0x9FFFFFFF  }
0xc2: {  	(tm) =	ssettm $0x7FFFFFFF  }
0xc3: {  	_ =	shalt  }
tec
execute0_lowered:
.L_overlay_start_1:
0x0: {  	(tag) =	ssettag $0x1  }
0x1: {  	s5 =	rddreg [dreg:$0x0];
	s1 =	srdreg.scid  }
0x2: {  	s0 =	stileid.u32;
	s2 =	rddreg [dreg:$0x1];
	s10 =	simm.s32 $0x2780  }
0x3: {  	s11 =	simm.s32 $0x4F00;
	s12 =	simm.s32 $0x7680;
	s13 =	simm.s32 $0x80  }
0x4: {  	s14 =	simm.s32 $0x400;
	s15 =	simm.s32 $0x0;
	s6 =	sand.u32 $0x1, s1  }
0x5: {  	s3 =	sshll.u32 s0, $0x1;
	s1 =	rddreg [dreg:$0x2];
	s7 =	sshrl.u32 s0, $0x2  }
0x6: {  	s4 =	sor.u32 s6, s3;
	s3 =	simm.s32 $0x0;
	s7 =	smul.u32 $0x13C00, s7  }
0x7: {  	s6 =	ssub.s32 $0x2, s6;
	s8 =	sshll.u32 s4, $0x7;
	[smem:$0x7FF] =	sst s3  }
0x8: {  	s9 =	smul.u32 $0x4E2, s4;
	s4 =	sadd.s32 $0x15E00, s5;
	s8 =	sand.u32 $0x380, s8  }
0x9: {  	s30 =	sshrl.u32 s6, $0x1;
	_ =	strace $0x8000004D;
	s7 =	sor.u32 s7, s8  }
0xa: {  	s31 =	ssub.s32 s6, s30;
	s29 =	sadd.s32 s9, s5;
	s7 =	sshrl.u32 s7, $0x3  }
0xb: {  	s8 =	smax.u32 s31, $0x1;
	s9 =	simm.s32 $0x1;
	s7 =	sadd.s32 s7, s5  }
0xc: {  	s6 =	sadd.s32 $0x2200, s29;
	s5 =	sadd.s32 $0xC000, s29;
	s7 =	sadd.s32 $0x16400, s7  }
.LBB2_1:
0xd: {  	[tilespmem:s3], [sflag:$0x1] =	stream.linear.gather [hbm4b:s4+s3], $0x2780, $0x38;
	[tilespmem:$0x9E00] =	vst v63  }
0xe: {  	_ =	swait.ge [sflag:s9], $0x2780  }
0xf: {  	[sflag:s9] =	ssyncset.done $0x0  }
0x10: {  	[sflag:s9] =	ssyncadd.s32 $0xFFFFD880  }
0x11: {  	[tilespmem:s10], [sflag:$0x1] =	stream.linear.gather [hbm4b:s2+s3], $0x2780, $0x38;
	[tilespmem:$0x9E00] =	vst v63  }
0x12: {  	_ =	swait.ge [sflag:s9], $0x2780  }
0x13: {  	[sflag:s9] =	ssyncset.done $0x0  }
0x14: {  	[sflag:s9] =	ssyncadd.s32 $0xFFFFD880  }
0x15: {  	[tilespmem:s11], [sflag:$0x1] =	stream.linear.gather [hbm4b:s5+s3], $0x2710, $0x38;
	[tilespmem:$0x9E00] =	vst v63  }
0x16: {  	_ =	swait.ge [sflag:s9], $0x2710  }
0x17: {  	[sflag:s9] =	ssyncset.done $0x0  }
0x18: {  	[sflag:s9] =	ssyncadd.s32 $0xFFFFD8F0  }
0x19: {  	[tilespmem:s12], [sflag:$0x1] =	stream.linear.gather [hbm4b:s6+s3], $0x2710, $0x38;
	[tilespmem:$0x9E00] =	vst v63  }
0x1a: {  	_ =	swait.ge [sflag:s9], $0x2710  }
0x1b: {  	[sflag:s9] =	ssyncset.done $0x0  }
0x1c: {  	s16 =	simm.s32 $0x0;
	[sflag:s9] =	ssyncadd.s32 $0xFFFFD8F0  }
.LBB2_2:
0x1d: {  	s17 =	sshra.s32 s16, $0x2  }
0x1e: {  	v0 =	vld [tilespmem:s17+$0x4F00];
	_ =	sdelay $0x4  }
0x1f: {  	v1 =	vld [tilespmem:s17+$0x7680];
	_ =	sdelay $0x2  }
0x20: {  	v0 =	vld.idx.msk [tilespmem:v0+s3+$0x0], $0xffff;
	_ =	sdelay $0x4  }
0x21: {  	[tilespmem:v1+s10+$0x0] =	vst.idx.add.f32.msk $0xffff, v0  }
0x22: {  	v0 =	vld [tilespmem:s17+$0x4F10];
	_ =	sdelay $0x4  }
0x23: {  	v1 =	vld [tilespmem:s17+$0x7690];
	_ =	sdelay $0x2  }
0x24: {  	v0 =	vld.idx.msk [tilespmem:v0+s3+$0x0], $0xffff;
	_ =	sdelay $0x4  }
0x25: {  	[tilespmem:v1+s10+$0x0] =	vst.idx.add.f32.msk $0xffff, v0  }
0x26: {  	v0 =	vld [tilespmem:s17+$0x4F20];
	_ =	sdelay $0x4  }
0x27: {  	v1 =	vld [tilespmem:s17+$0x76A0];
	_ =	sdelay $0x2  }
0x28: {  	v0 =	vld.idx.msk [tilespmem:v0+s3+$0x0], $0xffff;
	_ =	sdelay $0x4  }
0x29: {  	[tilespmem:v1+s10+$0x0] =	vst.idx.add.f32.msk $0xffff, v0  }
0x2a: {  	v0 =	vld [tilespmem:s17+$0x4F30];
	_ =	sdelay $0x4  }
0x2b: {  	v1 =	vld [tilespmem:s17+$0x76B0];
	_ =	sdelay $0x2  }
0x2c: {  	v0 =	vld.idx.msk [tilespmem:v0+s3+$0x0], $0xffff;
	_ =	sdelay $0x4  }
0x2d: {  	[tilespmem:v1+s10+$0x0] =	vst.idx.add.f32.msk $0xffff, v0  }
0x2e: {  	v0 =	vld [tilespmem:s17+$0x4F40];
	_ =	sdelay $0x4  }
0x2f: {  	v1 =	vld [tilespmem:s17+$0x76C0];
	_ =	sdelay $0x2  }
0x30: {  	p0 =	sne.s32 s16, $0x9B00;
	v0 =	vld.idx.msk [tilespmem:v0+s3+$0x0], $0xffff  }
.Ltmp0:
0x31: {  	_ = 	snop;
	(pc) =	sbr.rel @p0 .LBB2_2-.Ltmp0, $2  }
0x32: {  	_ =	sdelay $0x2  }
0x33: {  	s16 =	sadd.s32 $0x140, s16;
	[tilespmem:v1+s10+$0x0] =	vst.idx.add.f32.msk $0xffff, v0  }
0x34: {  	s15 =	sadd.s32 $0x1, s15  }
0x35: {  	p0 =	sne.s32 s15, s8  }
.Ltmp1:
0x36: {  	_ = 	snop;
	(pc) =	sbr.rel @p0 .LBB2_1-.Ltmp1, $4  }
0x37: {  	[hbm4b:s7+s13] =	stream.strided.scatter [tilespmem:s10], [sflag:$0x1], $0x2780, s14, s13, $0x38;
	[tilespmem:$0x9E00] =	vst v63  }
0x38: {  	_ =	swait.ge [sflag:s9], $0x2780  }
0x39: {  	[sflag:s9] =	ssyncset.done $0x0  }
0x3a: {  	[sflag:s9] =	ssyncadd.s32 $0xFFFFD880  }
0x3b: {  	_ =	sfence.sel $0x180000  }
0x3c: {  	[bflag:$0x0] =	sbarrier.arrive $0xFFFF  }
0x3d: {  	p0 =	sne.s32 s0, $0x0;
	_ =	strace $0x9000004D  }
0x3e: {  	s0 =	sadd.s32 @!p0 $0x100000, s1;
	[bflag:$0x2] =	sbarrier.arrive $0xFFFF  }
0x3f: {  	[sflag:s0] =	ssyncadd.tile.s32 @!p0 $0x1;
	_ =	shalt  }
.Lfunc_end2:
_tile_overlayer_lowered:
.L_overlay_start_2:
0x40: {  	(tag) =	ssettag $0x2  }
0x41: {  	s0 =	rddreg [dreg:$0x0];
	s2 =	stileid.u32  }
0x42: {  	s1 =	rddreg [dreg:$0x1];
	p0 =	sne.s32 s2, $0x0  }
0x43: {  	s3 =	rddreg [dreg:$0x2];
	[bflag:$0x3] =	sbarrier.arrive $0xFFFF;
	s2 =	simm.s32 @!p0 $0x1C01  }
0x44: {  	[timem:s3], [sflag:s2] =	dma.local @!p0 [hbm:s0], s1  }
0x45: {  	s0 =	simm.s32 @!p0 $0x1  }
0x46: {  	_ =	swait.ge @!p0 [sflag:s0], s1  }
0x47: {  	s1 =	ssub.s32 @!p0 $0x0, s1;
	[sflag:s0] =	ssyncset.done @!p0 $0x0  }
0x48: {  	[sflag:s0] =	ssyncadd.s32 @!p0 s1  }
0x49: {  	[bflag:$0x3] =	sbarrier.arrive $0xFFFF  }
0x4a: {  	_ =	shalt  }

// kernel: kernel.8.cloned.1.call-start
scs
__scs_entry_jumppad:
0x0: {  	(pc) =	sbr.rel $0x88, $3  }
0x1: {  	(tag) =	ssettag $0x0;
	lr =	simm.s32 $0x1  }
0x2: {  	[smem:$0x3F93] =	sst lr;
	_ =	strace $0xD0000000  }
0x3: {  	_ = 	snop  }
0x4: {  	_ = 	snop  }
0x5: {  	_ = 	snop  }
0x6: {  	_ = 	snop  }
0x7: {  	_ = 	snop  }
__scs_overlays_trampoline_lowered:
0x8: {  	[smem:$0x3FA2] =	sst s0  }
0x9: {  	[smem:$0x3FA3] =	sst s1  }
0xa: {  	[smem:$0x3FA4] =	sst s2  }
0xb: {  	[smem:$0x3FA5] =	sst s3  }
0xc: {  	[smem:$0x3FA6] =	sst s4  }
0xd: {  	[smem:$0x3FA7] =	sst s5  }
0xe: {  	[smem:$0x3FA8] =	sst s6  }
0xf: {  	[smem:$0x3FA9] =	sst s7  }
0x10: {  	[smem:$0x3FAA] =	sst s8  }
0x11: {  	[smem:$0x3FAB] =	sst s9;
	s0 =	simm.s32 @!p0 $0x0  }
0x12: {  	s1 =	sld [smem:$0x3F91];
	s0 =	simm.s32 @p0 $0x1  }
0x13: {  	[smem:$0x3FAC] =	sst s0;
	s0 =	simm.s32 @!p1 $0x0  }
0x14: {  	s2 =	sld [smem:$0x3F90];
	s0 =	simm.s32 @p1 $0x1  }
0x15: {  	[smem:$0x3FAD] =	sst s0;
	s0 =	simm.s32 @!p2 $0x0  }
0x16: {  	s3 =	sld [smem:$0x3FDB];
	s0 =	simm.s32 @p2 $0x1  }
0x17: {  	s4 =	simm.s32 $0x1BF5;
	[smem:$0x3FAF] =	sst s0  }
0x18: {  	s0 =	sld [smem:$0x3F92];
	_ =	swait.ge [sflag:s4], $0x0  }
0x19: {  	s7 =	sld [smem:$0x3F93]  }
0x1a: {  	s8 =	sadd.s32 $0xFFFFE003, lr  }
0x1b: {  	s9 =	sadd.s32 $0xFFFFFEF7, lr;
	s5 =	simm.s32 $0xFFFFFFFF;
	p2 =	slt.u32 s8, $0xFFFFF086  }
0x1c: {  	p1 =	slt.u32 s9, $0xF7A;
	s5 =	simm.s32 @!p2 $0x0  }
0x1d: {  	s5 =	simm.s32 @p1 $0x1;
	p0 =	seq.s32 s7, s2  }
0x1e: {  	s7 =	smul.u32 @!p0 $0xF7A, s2;
	p2 =	seq.s32 @!p0 s5, $0x0  }
0x1f: {  	s9 =	smul.u32 $0xF7A, s1;
	s8 =	simm.s32 @!p0 $0x1BF5;
	p2 =	por !p2, p0  }
0x20: {  	[sflag:s8] =	ssyncset.s32 @!p0 $0xFFFFF086;
	s6 =	sadd.s32 @!p0 s3, s7;
	s7 =	simm.s32 @!p0 $0x108  }
0x21: {  	s3 =	sadd.s32 s3, s9;
	s6 =	sadd.s32 @!p0 $0x88, s6;
	s7 =	simm.s32 @p2 $0x1082  }
0x22: {  	[simem:s7], [sflag:s8] =	dma.local @!p0 [hbm:s6], $0xF7A  }
0x23: {  	s9 =	sor.u32 $0xD0000000, s2;
	s6 =	simm.s32 $0x108;
	_ =	swait.ge @!p0 [sflag:s8], $0x0  }
0x24: {  	s3 =	sadd.s32 $0x88, s3;
	s6 =	simm.s32 @!p1 $0x1082;
	[sflag:s4] =	ssyncset.s32 $0xFFFFF086  }
0x25: {  	[simem:s6], [sflag:s4] =	dma.local [hbm:s3], $0xF7A  }
0x26: {  	[smem:$0x3F93] =	sst s1;
	(tag) =	ssettag s2;
	_ =	strace s9  }
0x27: {  	s1 =	sld [smem:$0x3FA3]  }
0x28: {  	s2 =	sld [smem:$0x3FA4]  }
0x29: {  	s4 =	sld [smem:$0x3FA6]  }
0x2a: {  	p0 =	seq.s32 s5, $0x0;
	s5 =	sld [smem:$0x3FA7]  }
0x2b: {  	s6 =	sld [smem:$0x3FA8]  }
0x2c: {  	s7 =	sld [smem:$0x3FA9]  }
0x2d: {  	s3 =	simm.s32 $0x108;
	s8 =	sld [smem:$0x3FAA]  }
0x2e: {  	s3 =	simm.s32 @!p0 $0x1082;
	s9 =	sld [smem:$0x3FAB]  }
0x2f: {  	lr =	sadd.s32 s0, s3;
	s0 =	sld [smem:$0x3FA2]  }
0x30: {  	s3 =	sld [smem:$0x3FA5]  }
0x31: {  	[smem:$0x3FAE] =	sst s10  }
0x32: {  	s10 =	sld [smem:$0x3FAC];
	_ =	sdelay $0x3  }
0x33: {  	p0 =	seq.s32 s10, $0x1;
	s10 =	sld [smem:$0x3FAE];
	_ =	sdelay $0x3  }
0x34: {  	[smem:$0x3FAE] =	sst s10  }
0x35: {  	s10 =	sld [smem:$0x3FAD];
	_ =	sdelay $0x3  }
0x36: {  	p1 =	seq.s32 s10, $0x1;
	s10 =	sld [smem:$0x3FAE];
	_ =	sdelay $0x3  }
0x37: {  	[smem:$0x3FAE] =	sst s10  }
0x38: {  	s10 =	sld [smem:$0x3FAF]  }
0x39: {  	_ = 	snop;
	(pc) =	sbr.ind lr, $3  }
0x3a: {  	_ = 	snop  }
0x3b: {  	_ = 	snop  }
0x3c: {  	p2 =	seq.s32 s10, $0x1;
	s10 =	sld [smem:$0x3FAE]  }
0x3d: {  	_ =	shalt  }
0x3e: {  	_ =	shalt  }
0x3f: {  	_ =	shalt  }
0x40: {  	_ =	shalt  }
0x41: {  	_ =	shalt  }
0x42: {  	_ =	shalt  }
0x43: {  	_ =	shalt  }
0x44: {  	_ =	shalt  }
0x45: {  	_ =	shalt  }
0x46: {  	_ =	shalt  }
0x47: {  	_ =	shalt  }
0x48: {  	_ =	shalt  }
0x49: {  	_ =	shalt  }
0x4a: {  	_ =	shalt  }
0x4b: {  	_ =	shalt  }
0x4c: {  	_ =	shalt  }
0x4d: {  	_ =	shalt  }
0x4e: {  	_ =	shalt  }
0x4f: {  	_ =	shalt  }
0x50: {  	_ =	shalt  }
0x51: {  	_ =	shalt  }
0x52: {  	_ =	shalt  }
0x53: {  	_ =	shalt  }
0x54: {  	_ =	shalt  }
0x55: {  	_ =	shalt  }
0x56: {  	_ =	shalt  }
0x57: {  	_ =	shalt  }
0x58: {  	_ =	shalt  }
0x59: {  	_ =	shalt  }
0x5a: {  	_ =	shalt  }
0x5b: {  	_ =	shalt  }
0x5c: {  	_ =	shalt  }
0x5d: {  	_ =	shalt  }
0x5e: {  	_ =	shalt  }
0x5f: {  	_ =	shalt  }
0x60: {  	_ =	shalt  }
0x61: {  	_ =	shalt  }
0x62: {  	_ =	shalt  }
0x63: {  	_ =	shalt  }
0x64: {  	_ =	shalt  }
0x65: {  	_ =	shalt  }
0x66: {  	_ =	shalt  }
0x67: {  	_ =	shalt  }
0x68: {  	_ =	shalt  }
0x69: {  	_ =	shalt  }
0x6a: {  	_ =	shalt  }
0x6b: {  	_ =	shalt  }
0x6c: {  	_ =	shalt  }
0x6d: {  	_ =	shalt  }
0x6e: {  	_ =	shalt  }
0x6f: {  	_ =	shalt  }
0x70: {  	_ =	shalt  }
0x71: {  	_ =	shalt  }
0x72: {  	_ =	shalt  }
0x73: {  	_ =	shalt  }
0x74: {  	_ =	shalt  }
0x75: {  	_ =	shalt  }
0x76: {  	_ =	shalt  }
0x77: {  	_ =	shalt  }
0x78: {  	_ =	shalt  }
0x79: {  	_ =	shalt  }
0x7a: {  	_ =	shalt  }
0x7b: {  	_ =	shalt  }
0x7c: {  	_ =	shalt  }
0x7d: {  	_ =	shalt  }
0x7e: {  	_ =	shalt  }
0x7f: {  	_ =	shalt  }
0x80: {  	_ =	shalt  }
0x81: {  	_ =	shalt  }
0x82: {  	_ =	shalt  }
0x83: {  	_ =	shalt  }
0x84: {  	_ =	shalt  }
0x85: {  	_ =	shalt  }
0x86: {  	_ =	shalt  }
0x87: {  	_ =	shalt  }
.Lfunc_end0:
.L_simem_size_0:
called_computation_lowered:
.L_overlay_start_0:
0x88: {  	s2 =	sld [smem:$0x3FD9]  }
0x89: {  	s3 =	sld [smem:$0x3FFE];
	_ =	sdelay $0x1  }
0x8a: {  	s1 =	srdreg.scid  }
0x8b: {  	s0 =	sand.u32 $0x1, s1  }
0x8c: {  	s17 =	sshll.u32 s0, $0xA;
	s2 =	sadd.s32 s3, s2  }
0x8d: {  	s2 =	sadd.s32 s2, s17  }
0x8e: {  	[smem:$0x3FBA] =	sst s2  }
0x8f: {  	_ = 	snop  }
0x90: {  	s2 =	sld [smem:$0x3FC9]  }
0x91: {  	s18 =	sld [smem:$0x3FD0];
	(tm) =	ssettm $0x1  }
0x92: {  	s4 =	sld [smem:$0x3FFB];
	_ =	sdelay $0x3  }
0x93: {  	_ =	strace s4  }
0x94: {  	s4 =	sld [smem:$0x3FFC];
	_ =	sdelay $0x3  }
0x95: {  	_ =	strace s4  }
0x96: {  	s4 =	sld [smem:$0x3FFD];
	_ =	sdelay $0x3  }
0x97: {  	_ =	strace s4  }
0x98: {  	_ =	strace $0x8FFFFFFF  }
0x99: {  	s19 =	sld [smem:$0x3FDB];
	_ =	sdelay $0x1  }
0x9a: {  	s5 =	simm.s32 $_scs_section_size  }
0x9b: {  	s6 =	simm.s32 $_size__tile_overlayer_lowered;
	s7 =	simm.s32 $_tile_overlayer_lowered  }
0x9c: {  	s22 =	simm.s32 $0x1BFF;
	s21 =	sshll.u32 s7, $0x1;
	s4 =	sadd.s32 s5, s19  }
0x9d: {  	s8 =	simm.s32 $0x0;
	s20 =	sshll.u32 s6, $0x1;
	s6 =	sadd.s32 s21, s4  }
0x9e: {  	[timem:s8], [sflag:s22] =	dma.local [hbm:s6], s20  }
0x9f: {  	_ =	swait.ge [sflag:s22], s20  }
0xa0: {  	s5 =	ssub.s32 $0x0, s20;
	[sflag:s22] =	ssyncset.done $0x0  }
0xa1: {  	[sflag:s22] =	ssyncadd.s32 s5;
	_ =	sdelay $0x1  }
0xa2: {  	s23 =	simm.s32 $0x1B8B  }
0xa3: {  	_ =	swait.ge [sflag:s23], $0x1  }
0xa4: {  	[sflag:s23] =	ssyncset.done $0x0  }
0xa5: {  	s25 =	simm.s32 $0x1B8E;
	s24 =	sld [smem:$0x3FFE];
	[sflag:s23] =	ssyncadd.s32 $0xFFFFFFFF  }
0xa6: {  	s26 =	simm.s32 $execute0_lowered;
	[smem:$0x3FD2] =	sst s25  }
0xa7: {  	s6 =	sshll.u32 s26, $0x1;
	_ =	strace $0x80000046;
	[dreg:$0x1] =	wrdreg $0xFFFFFFFF  }
0xa8: {  	s28 =	simm.s32 $_size_execute0_lowered;
	s4 =	sadd.s32 s4, s6;
	[dreg:$0x0] =	wrdreg $0x0  }
0xa9: {  	s6 =	sshll.u32 s28, $0x1;
	[dreg:$0x2] =	wrdreg s4  }
0xaa: {  	[dreg:$0x3] =	wrdreg s6  }
0xab: {  	[dreg:$0x4] =	wrdreg $0xC0  }
0xac: {  	_ =	task [dreg:s8], $0x5FFFF  }
0xad: {  	[dreg:$0x1] =	wrdreg $0xFFFFFFFF  }
0xae: {  	[dreg:$0x0] =	wrdreg $0x60  }
0xaf: {  	[dreg:$0x2] =	wrdreg s2  }
0xb0: {  	[dreg:$0x3] =	wrdreg s24  }
0xb1: {  	[dreg:$0x4] =	wrdreg s18  }
0xb2: {  	[dreg:$0x5] =	wrdreg $0xA8800  }
0xb3: {  	[dreg:$0x6] =	wrdreg $0x1E8800  }
0xb4: {  	[dreg:$0x7] =	wrdreg $0x9  }
0xb5: {  	_ =	task.clear_ibuf [dreg:s8], $0x8FFFF;
	_ =	strace $0x90000046  }
0xb6: {  	s29 =	simm.s32 $0x9;
	_ =	strace $0x80000048  }
0xb7: {  	_ =	swait.ge [sflag:s29], $0x1  }
0xb8: {  	[sflag:s29] =	ssyncadd.s32 $0xFFFFFFFF  }
0xb9: {  	_ =	strace $0x90000048  }
0xba: {  	_ =	sfence  }
0xbb: {  	s30 =	sld [smem:$0x0];
	_ =	sdelay $0x2  }
0xbc: {  	s31 =	sshll.u32 s1, $0xD;
	s1 =	sshrl.u32 s1, $0x2  }
0xbd: {  	s3 =	sand.u32 $0x4000, s31;
	s1 =	sadd.s32 s1, s30  }
0xbe: {  	s0 =	sor.u32 s3, s0;
	s1 =	sshll.u32 s1, $0x11  }
0xbf: {  	s0 =	sor.u32 s1, s0  }
0xc0: {  	s0 =	sadd.s32 $0x8F2B, s0  }
0xc1: {  	[sflag:s0] =	ssyncadd.remote.s32 $0x1  }
0xc2: {  	_ =	sfence.sel $0xFFFF  }
0xc3: {  	[dreg:$0x0] =	wrdreg $0xFFFFFFFF;
	(pc) =	sbr.abs _section_cstart, $3  }
0xc4: {  	[dreg:$0x1] =	wrdreg $0xFFFFFFFF  }
0xc5: {  	_ =	task.clear_ibuf [dreg:s8], $0x2FFFF;
	_ =	strace $0x9FFFFFFF  }
0xc6: {  	(tm) =	ssettm $0x7FFFFFFF  }
0xc7: {  	_ =	shalt  }
tec
execute0_lowered:
.L_overlay_start_1:
0x0: {  	(tag) =	ssettag $0x1  }
0x1: {  	s1 =	rddreg [dreg:$0x0]  }
0x2: {  	s2 =	rddreg [dreg:$0x1]  }
0x3: {  	s3 =	rddreg [dreg:$0x3]  }
0x4: {  	s4 =	rddreg [dreg:$0x4]  }
0x5: {  	s6 =	simm.s32 $0x0;
	s0 =	srdreg.scid;
	s13 =	stileid.u32  }
0x6: {  	[smem:$0x7FF] =	sst s6;
	s5 =	smul.u32 $0x14000, s13  }
0x7: {  	s7 =	sand.u32 $0x1, s0;
	s17 =	sadd.s32 $0xC000, s2;
	s12 =	smul.u32 $0x500, s13  }
0x8: {  	s14 =	sadd.s32 $0x2200, s2;
	s8 =	sadd.s32 $0x15E00, s2;
	s18 =	smul.u32 $0x50000, s13  }
0x9: {  	s10 =	sadd.s32 $0x18600, s2;
	s11 =	sshll.u32 s13, $0x1;
	s19 =	smul.u32 $0x4E20, s13  }
0xa: {  	s21 =	sshll.u32 s13, $0x6;
	_ =	strace $0x80000047;
	[dreg:$0x14] =	wrdreg s8  }
0xb: {  	s0 =	smul.u32 $0x140000, s7;
	[dreg:$0x15] =	wrdreg s10;
	s9 =	sshll.u32 s7, $0x7  }
0xc: {  	s16 =	ssub.s32 $0x2, s7;
	s15 =	sor.u32 s9, s12;
	s12 =	smul.u32 $0xA00, s13  }
0xd: {  	s20 =	sshrl.u32 s18, $0x2;
	s13 =	sor.u32 $0x1C19, s21;
	s0 =	sadd.s32 s5, s0  }
0xe: {  	s5 =	sor.u32 s7, s11;
	s11 =	sshrl.u32 s16, $0x1;
	s7 =	smul.u32 $0x2710, s7  }
0xf: {  	s8 =	sadd.s32 s20, s3;
	[dreg:$0x17] =	wrdreg s13;
	s0 =	sshrl.u32 s0, $0x3  }
0x10: {  	s10 =	smul.u32 $0x2710, s5;
	s5 =	sshrl.u32 s15, $0x3;
	[dreg:$0x16] =	wrdreg s8  }
0x11: {  	s22 =	sshrl.u32 s12, $0x2;
	s0 =	sadd.s32 s0, s2;
	s2 =	sadd.s32 s5, s2  }
0x12: {  	s5 =	ssub.s32 s16, s11;
	s7 =	sadd.s32 s7, s19;
	s9 =	sadd.s32 s22, s4  }
0x13: {  	s8 =	sshrl.u32 s10, $0x3;
	[dreg:$0x18] =	wrdreg s9;
	s24 =	sadd.s32 $0x2D0, s7  }
0x14: {  	s28 =	sadd.s32 $0x320, s7;
	s0 =	sadd.s32 $0x19200, s0;
	s10 =	sadd.s32 $0xA, s8  }
0x15: {  	s31 =	sadd.s32 $0x370, s7;
	[smem:$0x7FA] =	sst s0;
	s23 =	sadd.s32 s17, s10  }
0x16: {  	s9 =	sshrl.u32 s24, $0x3;
	s10 =	sadd.s32 s14, s10;
	[dreg:$0x19] =	wrdreg s23  }
0x17: {  	s18 =	sadd.s32 $0x3C0, s7;
	s26 =	sadd.s32 s9, s14;
	[dreg:$0x1a] =	wrdreg s10  }
0x18: {  	s29 =	sshrl.u32 s28, $0x3;
	s9 =	sadd.s32 s9, s17;
	[dreg:$0x6] =	wrdreg s26  }
0x19: {  	s22 =	sadd.s32 $0x410, s7;
	s30 =	sadd.s32 s29, s14;
	[dreg:$0x7] =	wrdreg s9  }
0x1a: {  	s15 =	sshrl.u32 s31, $0x3;
	s11 =	sadd.s32 s29, s17;
	[dreg:$0x8] =	wrdreg s30  }
0x1b: {  	s20 =	sshrl.u32 s18, $0x3;
	s16 =	sadd.s32 s15, s14;
	[dreg:$0x9] =	wrdreg s11  }
0x1c: {  	s24 =	sshrl.u32 s22, $0x3;
	s19 =	sadd.s32 s15, s17;
	[dreg:$0xa] =	wrdreg s16  }
0x1d: {  	s31 =	sadd.s32 $0x230, s7;
	s21 =	sadd.s32 s20, s14;
	[dreg:$0xb] =	wrdreg s19  }
0x1e: {  	s22 =	sadd.s32 $0x32, s8;
	s28 =	sadd.s32 s24, s17;
	[dreg:$0xc] =	wrdreg s21  }
0x1f: {  	s12 =	sshrl.u32 s31, $0x3;
	s31 =	sadd.s32 $0x280, s7;
	[dreg:$0xf] =	wrdreg s28  }
0x20: {  	s10 =	sadd.s32 $0x14, s8;
	s23 =	sadd.s32 s20, s17;
	[smem:$0x7FD] =	sst s31  }
0x21: {  	s26 =	sadd.s32 $0x460, s7;
	s15 =	sadd.s32 s12, s14;
	[dreg:$0xd] =	wrdreg s23  }
0x22: {  	s16 =	sadd.s32 $0x1E, s8;
	s18 =	sadd.s32 s12, s17;
	[dreg:$0x12] =	wrdreg s15  }
0x23: {  	s20 =	sadd.s32 $0x28, s8;
	s25 =	sadd.s32 s17, s10;
	[dreg:$0x13] =	wrdreg s18  }
0x24: {  	s12 =	simm.s32 $0x80;
	s10 =	sadd.s32 s14, s10;
	[dreg:$0x1b] =	wrdreg s25  }
0x25: {  	s7 =	simm.s32 $0x2;
	s19 =	sadd.s32 s17, s16;
	[dreg:$0x1c] =	wrdreg s10  }
0x26: {  	s29 =	sshrl.u32 s26, $0x3;
	s21 =	sadd.s32 s17, s20;
	[dreg:$0x1d] =	wrdreg s19  }
0x27: {  	s9 =	sadd.s32 s14, s20;
	s23 =	sadd.s32 s17, s22;
	[dreg:$0x1f] =	wrdreg s21  }
0x28: {  	s26 =	sadd.s32 s14, s8;
	s18 =	simm.s32 $0x180;
	[smem:$0x7F3] =	sst s9  }
0x29: {  	s15 =	simm.s32 $0x3;
	s20 =	simm.s32 $0x16;
	[smem:$0x7F4] =	sst s23  }
0x2a: {  	s25 =	sadd.s32 s24, s14;
	s30 =	sadd.s32 s29, s14;
	[smem:$0x7F7] =	sst s26  }
0x2b: {  	s11 =	sadd.s32 s29, s17;
	s10 =	sadd.s32 s14, s16;
	[dreg:$0xe] =	wrdreg s25  }
0x2c: {  	s24 =	sadd.s32 s14, s22;
	s29 =	sadd.s32 $0x18800, s2;
	[dreg:$0x10] =	wrdreg s30  }
0x2d: {  	s2 =	simm.s32 $0x15;
	s22 =	simm.s32 $0x18;
	[dreg:$0x11] =	wrdreg s11  }
0x2e: {  	s9 =	simm.s32 $0x4;
	s16 =	simm.s32 $0x0;
	[dreg:$0x1e] =	wrdreg s10  }
0x2f: {  	s11 =	smov.u32 s14;
	[smem:$0x7F5] =	sst s24;
	s25 =	sadd.s32 s17, s8  }
0x30: {  	s8 =	sadd.s32 $0x3C, s8;
	[smem:$0x7FB] =	sst s29;
	s30 =	smax.u32 s5, $0x1  }
0x31: {  	s5 =	simm.s32 $0x19;
	s24 =	simm.s32 $0x50;
	[smem:$0x7F6] =	sst s25  }
0x32: {  	s10 =	simm.s32 $0x17;
	s28 =	sadd.s32 s17, s8;
	[smem:$0x7FC] =	sst s30  }
0x33: {  	s8 =	sadd.s32 s14, s8;
	s14 =	simm.s32 $0x100;
	[smem:$0x7F8] =	sst s28  }
0x34: {  	s25 =	simm.s32 $0x13;
	[smem:$0x7F9] =	sst s8;
	s8 =	simm.s32 $0x300  }
.LBB2_1:
0x35: {  	[smem:$0x7F0] =	sst s16  }
0x36: {  	s0 =	rddreg [dreg:$0x16]  }
0x37: {  	s26 =	rddreg [dreg:$0x14];
	s23 =	sshrl.u32 s0, $0x3  }
0x38: {  	[smem:$0x7F1] =	sst s23  }
0x39: {  	[spmem:s23], [sflag:s13] =	dma.local [hbm:s26], $0x2800  }
0x3a: {  	_ =	swait.ge [sflag:s5], $0x2800  }
0x3b: {  	[sflag:s5] =	ssyncset.done $0x0  }
0x3c: {  	s28 =	rddreg [dreg:$0x18];
	[sflag:s5] =	ssyncadd.s32 $0xFFFFD800  }
0x3d: {  	s30 =	sshrl.u32 s28, $0x3;
	s31 =	rddreg [dreg:$0x2]  }
0x3e: {  	[smem:$0x7F2] =	sst s30  }
0x3f: {  	[spmem:s30], [sflag:s13] =	dma.local [hbm:s31], $0x50  }
0x40: {  	_ =	swait.ge [sflag:s5], $0x50  }
0x41: {  	[sflag:s5] =	ssyncset.done $0x0  }
0x42: {  	s13 =	rddreg [dreg:$0x15];
	[sflag:s5] =	ssyncadd.s32 $0xFFFFFFB0  }
0x43: {  	[tilespmem:s6], [sflag:$0x19] =	stream.linear.gather [hbm4b:s13+s6], $0x80, $0x38;
	[tilespmem:$0x1EB00] =	vst v63  }
0x44: {  	_ =	swait.ge [sflag:s5], $0x80  }
0x45: {  	[sflag:s5] =	ssyncset.done $0x0  }
0x46: {  	[sflag:s5] =	ssyncadd.s32 $0xFFFFFF80  }
0x47: {  	[bflag:$0x0] =	sbarrier.arrive $0xFFFF  }
0x48: {  	s16 =	sld [smem:$0x7F6];
	_ =	sdelay $0x1  }
0x49: {  	s19 =	sld [smem:$0x7F7]  }
0x4a: {  	[tilespmem:s12], [sflag:$0xD] =	stream.linear.gather [hbm4b:s16+s6], $0x50, $0x38;
	[tilespmem:$0x1EB00] =	vst v63  }
0x4b: {  	s13 =	simm.s32 $0x480;
	s21 =	rddreg [dreg:$0x19]  }
0x4c: {  	[tilespmem:s13], [sflag:$0x5] =	stream.linear.gather [hbm4b:s19+s6], $0x50, $0x38;
	[tilespmem:$0x1EB00] =	vst v63  }
0x4d: {  	s23 =	rddreg [dreg:$0x1a]  }
0x4e: {  	[tilespmem:s14], [sflag:$0xE] =	stream.linear.gather [hbm4b:s21+s6], $0x50, $0x38;
	[tilespmem:$0x1EB00] =	vst v63  }
0x4f: {  	s26 =	rddreg [dreg:$0x1b];
	s16 =	simm.s32 $0x500  }
0x50: {  	[tilespmem:s16], [sflag:$0x6] =	stream.linear.gather [hbm4b:s23+s6], $0x50, $0x38;
	[tilespmem:$0x1EB00] =	vst v63  }
0x51: {  	s28 =	rddreg [dreg:$0x1c]  }
0x52: {  	[tilespmem:s18], [sflag:$0xF] =	stream.linear.gather [hbm4b:s26+s6], $0x50, $0x38;
	[tilespmem:$0x1EB00] =	vst v63  }
0x53: {  	s30 =	rddreg [dreg:$0x1d];
	s19 =	simm.s32 $0x580  }
0x54: {  	[tilespmem:s19], [sflag:$0x7] =	stream.linear.gather [hbm4b:s28+s6], $0x50, $0x38;
	[tilespmem:$0x1EB00] =	vst v63  }
0x55: {  	s31 =	simm.s32 $0x200;
	s5 =	sld [smem:$0x7F3]  }
0x56: {  	[tilespmem:s31], [sflag:$0x10] =	stream.linear.gather [hbm4b:s30+s6], $0x50, $0x38;
	[tilespmem:$0x1EB00] =	vst v63  }
0x57: {  	s21 =	rddreg [dreg:$0x1e];
	s28 =	simm.s32 $0x600  }
0x58: {  	[tilespmem:s28], [sflag:$0x8] =	stream.linear.gather [hbm4b:s21+s6], $0x50, $0x38;
	[tilespmem:$0x1EB00] =	vst v63  }
0x59: {  	s30 =	rddreg [dreg:$0x1f];
	s31 =	simm.s32 $0x280  }
0x5a: {  	[tilespmem:s31], [sflag:$0x11] =	stream.linear.gather [hbm4b:s30+s6], $0x50, $0x38;
	[tilespmem:$0x1EB00] =	vst v63  }
0x5b: {  	s21 =	simm.s32 $0x680;
	s28 =	sld [smem:$0x7F4]  }
0x5c: {  	[tilespmem:s21], [sflag:$0x9] =	stream.linear.gather [hbm4b:s5+s6], $0x50, $0x38;
	[tilespmem:$0x1EB00] =	vst v63  }
0x5d: {  	s30 =	sld [smem:$0x7F5]  }
0x5e: {  	[tilespmem:s8], [sflag:$0x12] =	stream.linear.gather [hbm4b:s28+s6], $0x50, $0x38;
	[tilespmem:$0x1EB00] =	vst v63  }
0x5f: {  	s31 =	simm.s32 $0x700;
	s8 =	sld [smem:$0x7F8]  }
0x60: {  	[tilespmem:s31], [sflag:$0xA] =	stream.linear.gather [hbm4b:s30+s6], $0x50, $0x38;
	[tilespmem:$0x1EB00] =	vst v63  }
0x61: {  	s21 =	simm.s32 $0x380;
	s28 =	sld [smem:$0x7F9]  }
0x62: {  	[tilespmem:s21], [sflag:$0x13] =	stream.linear.gather [hbm4b:s8+s6], $0x50, $0x38;
	[tilespmem:$0x1EB00] =	vst v63  }
0x63: {  	s30 =	simm.s32 $0x780;
	s8 =	simm.s32 $0xD  }
0x64: {  	[tilespmem:s30], [sflag:$0xB] =	stream.linear.gather [hbm4b:s28+s6], $0x50, $0x38;
	[tilespmem:$0x1EB00] =	vst v63  }
0x65: {  	_ =	swait.ge [sflag:s8], $0x50  }
0x66: {  	[sflag:s8] =	ssyncset.done $0x0  }
0x67: {  	s21 =	simm.s32 $0xE;
	s28 =	simm.s32 $0x880;
	[sflag:s8] =	ssyncadd.s32 $0xFFFFFFB0  }
0x68: {  	[tilespmem:s28], [sflag:$0x1] =	stream.indirect.gather [hbm4b:s1+s24], $0x80, s12, s24, $0xb8;
	[tilespmem:$0x1EB00] =	vst v63  }
0x69: {  	_ =	swait.ge [sflag:s21], $0x50  }
0x6a: {  	[sflag:s21] =	ssyncset.done $0x0  }
0x6b: {  	s5 =	simm.s32 $0xF;
	s31 =	simm.s32 $0x3080;
	[sflag:s21] =	ssyncadd.s32 $0xFFFFFFB0  }
0x6c: {  	[tilespmem:s31], [sflag:$0x2] =	stream.indirect.gather [hbm4b:s1+s24], $0x80, s14, s24, $0xb8;
	[tilespmem:$0x1EB00] =	vst v63  }
0x6d: {  	_ =	swait.ge [sflag:s5], $0x50  }
0x6e: {  	[sflag:s5] =	ssyncset.done $0x0  }
0x6f: {  	s31 =	simm.s32 $0x5880;
	[sflag:s5] =	ssyncadd.s32 $0xFFFFFFB0  }
0x70: {  	[tilespmem:s31], [sflag:$0x3] =	stream.indirect.gather [hbm4b:s1+s24], $0x80, s18, s24, $0xb8;
	[tilespmem:$0x1EB00] =	vst v63  }
0x71: {  	s31 =	simm.s32 $0x1  }
0x72: {  	_ =	swait.ge [sflag:s31], $0x2800  }
0x73: {  	[sflag:s31] =	ssyncset.done $0x0  }
0x74: {  	s5 =	simm.s32 $0x5;
	[sflag:s31] =	ssyncadd.s32 $0xFFFFD800  }
0x75: {  	_ =	swait.ge [sflag:s5], $0x50  }
0x76: {  	[sflag:s5] =	ssyncset.done $0x0  }
0x77: {  	[sflag:s5] =	ssyncadd.s32 $0xFFFFFFB0  }
0x78: {  	[spmem:s3] =	stream.indirect.scatter.add.f32 [tilespmem:s28], [sflag:$0x15], $0x80, s13, s24, $0xb8;
	[tilespmem:$0x1EB00] =	vst v63  }
0x79: {  	s0 =	rddreg [dreg:$0x13]  }
0x7a: {  	[spmem:s4] =	stream.indirect.scatter.add.f32 [tilespmem:s6], [sflag:$0x17], $0x1, s13, s24, $0xb8;
	[tilespmem:$0x1EB00] =	vst v63  }
0x7b: {  	s23 =	simm.s32 $0x400;
	s5 =	rddreg [dreg:$0x12];
	s0 =	sadd.s32 $0x0, s0  }
0x7c: {  	[tilespmem:s23], [sflag:$0x14] =	stream.linear.gather [hbm4b:s0+s6], $0x50, $0x38;
	[tilespmem:$0x1EB00] =	vst v63  }
0x7d: {  	s29 =	simm.s32 $0x800;
	s5 =	sadd.s32 $0x0, s5;
	s23 =	simm.s32 $0x10  }
0x7e: {  	[tilespmem:s29], [sflag:$0xC] =	stream.linear.gather [hbm4b:s5+s6], $0x50, $0x38;
	[tilespmem:$0x1EB00] =	vst v63  }
0x7f: {  	_ =	swait.ge [sflag:s23], $0x50  }
0x80: {  	[sflag:s23] =	ssyncset.done $0x0  }
0x81: {  	s26 =	simm.s32 $0x200;
	s5 =	simm.s32 $0x8080;
	[sflag:s23] =	ssyncadd.s32 $0xFFFFFFB0  }
0x82: {  	[tilespmem:s5], [sflag:$0x4] =	stream.indirect.gather [hbm4b:s1+s24], $0x80, s26, s24, $0xb8;
	[tilespmem:$0x1EB00] =	vst v63  }
0x83: {  	_ =	swait.ge [sflag:s7], $0x2800  }
0x84: {  	[sflag:s7] =	ssyncset.done $0x0  }
0x85: {  	s23 =	simm.s32 $0x6;
	[sflag:s7] =	ssyncadd.s32 $0xFFFFD800  }
0x86: {  	_ =	swait.ge [sflag:s23], $0x50  }
0x87: {  	[sflag:s23] =	ssyncset.done $0x0  }
0x88: {  	[sflag:s23] =	ssyncadd.s32 $0xFFFFFFB0  }
0x89: {  	_ =	swait.ge [sflag:s2], $0x2800  }
0x8a: {  	[sflag:s2] =	ssyncset.done $0x0  }
0x8b: {  	[sflag:s2] =	ssyncadd.s32 $0xFFFFD800  }
0x8c: {  	_ =	swait.ge [sflag:s10], $0x50  }
0x8d: {  	[sflag:s10] =	ssyncset.done $0x0;
	s23 =	sld [smem:$0x7FD]  }
0x8e: {  	s30 =	simm.s32 $0x3080;
	[sflag:s10] =	ssyncadd.s32 $0xFFFFFFB0  }
0x8f: {  	[spmem:s3] =	stream.indirect.scatter.add.f32 [tilespmem:s30], [sflag:$0x16], $0x80, s16, s24, $0xb8;
	[tilespmem:$0x1EB00] =	vst v63  }
0x90: {  	s0 =	sshrl.u32 s23, $0x3  }
0x91: {  	[spmem:s4] =	stream.indirect.scatter.add.f32 [tilespmem:s6], [sflag:$0x18], $0x1, s16, s24, $0xb8;
	[tilespmem:$0x1EB00] =	vst v63  }
0x92: {  	s26 =	sadd.s32 s17, s0  }
0x93: {  	[tilespmem:s12], [sflag:$0xD] =	stream.linear.gather [hbm4b:s26+s6], $0x50, $0x38;
	[tilespmem:$0x1EB00] =	vst v63  }
0x94: {  	s5 =	simm.s32 $0x11;
	s0 =	sadd.s32 s11, s0  }
0x95: {  	[tilespmem:s13], [sflag:$0x5] =	stream.linear.gather [hbm4b:s0+s6], $0x50, $0x38;
	[tilespmem:$0x1EB00] =	vst v63  }
0x96: {  	_ =	swait.ge [sflag:s5], $0x50  }
0x97: {  	[sflag:s5] =	ssyncset.done $0x0  }
0x98: {  	s13 =	simm.s32 $0x280;
	[sflag:s5] =	ssyncadd.s32 $0xFFFFFFB0  }
0x99: {  	[tilespmem:s28], [sflag:$0x1] =	stream.indirect.gather [hbm4b:s1+s24], $0x80, s13, s24, $0xb8;
	[tilespmem:$0x1EB00] =	vst v63  }
0x9a: {  	_ =	swait.ge [sflag:s15], $0x2800  }
0x9b: {  	[sflag:s15] =	ssyncset.done $0x0  }
0x9c: {  	s26 =	simm.s32 $0x7;
	[sflag:s15] =	ssyncadd.s32 $0xFFFFD800  }
0x9d: {  	_ =	swait.ge [sflag:s26], $0x50  }
0x9e: {  	[sflag:s26] =	ssyncset.done $0x0  }
0x9f: {  	[sflag:s26] =	ssyncadd.s32 $0xFFFFFFB0  }
0xa0: {  	_ =	swait.ge [sflag:s20], $0x2800  }
0xa1: {  	[sflag:s20] =	ssyncset.done $0x0  }
0xa2: {  	[sflag:s20] =	ssyncadd.s32 $0xFFFFD800  }
0xa3: {  	_ =	swait.ge [sflag:s22], $0x50  }
0xa4: {  	[sflag:s22] =	ssyncset.done $0x0  }
0xa5: {  	s13 =	simm.s32 $0x5880;
	[sflag:s22] =	ssyncadd.s32 $0xFFFFFFB0  }
0xa6: {  	[spmem:s3] =	stream.indirect.scatter.add.f32 [tilespmem:s13], [sflag:$0x15], $0x80, s19, s24, $0xb8;
	[tilespmem:$0x1EB00] =	vst v63  }
0xa7: {  	s5 =	rddreg [dreg:$0x7]  }
0xa8: {  	[spmem:s4] =	stream.indirect.scatter.add.f32 [tilespmem:s6], [sflag:$0x17], $0x1, s19, s24, $0xb8;
	[tilespmem:$0x1EB00] =	vst v63  }
0xa9: {  	s26 =	rddreg [dreg:$0x6];
	s0 =	sadd.s32 $0x0, s5  }
0xaa: {  	[tilespmem:s14], [sflag:$0xE] =	stream.linear.gather [hbm4b:s0+s6], $0x50, $0x38;
	[tilespmem:$0x1EB00] =	vst v63  }
0xab: {  	s5 =	sadd.s32 $0x0, s26;
	s26 =	simm.s32 $0x12  }
0xac: {  	[tilespmem:s16], [sflag:$0x6] =	stream.linear.gather [hbm4b:s5+s6], $0x50, $0x38;
	[tilespmem:$0x1EB00] =	vst v63  }
0xad: {  	_ =	swait.ge [sflag:s26], $0x50  }
0xae: {  	[sflag:s26] =	ssyncset.done $0x0  }
0xaf: {  	s29 =	simm.s32 $0x300;
	[sflag:s26] =	ssyncadd.s32 $0xFFFFFFB0  }
0xb0: {  	[tilespmem:s30], [sflag:$0x2] =	stream.indirect.gather [hbm4b:s1+s24], $0x80, s29, s24, $0xb8;
	[tilespmem:$0x1EB00] =	vst v63  }
0xb1: {  	_ =	swait.ge [sflag:s9], $0x2800  }
0xb2: {  	[sflag:s9] =	ssyncset.done $0x0  }
0xb3: {  	s30 =	simm.s32 $0x8;
	[sflag:s9] =	ssyncadd.s32 $0xFFFFD800  }
0xb4: {  	_ =	swait.ge [sflag:s30], $0x50  }
0xb5: {  	[sflag:s30] =	ssyncset.done $0x0  }
0xb6: {  	[sflag:s30] =	ssyncadd.s32 $0xFFFFFFB0  }
0xb7: {  	_ =	swait.ge [sflag:s2], $0x2800  }
0xb8: {  	[sflag:s2] =	ssyncset.done $0x0  }
0xb9: {  	[sflag:s2] =	ssyncadd.s32 $0xFFFFD800  }
0xba: {  	_ =	swait.ge [sflag:s10], $0x50  }
0xbb: {  	[sflag:s10] =	ssyncset.done $0x0  }
0xbc: {  	s26 =	simm.s32 $0x8080;
	s29 =	simm.s32 $0x600;
	[sflag:s10] =	ssyncadd.s32 $0xFFFFFFB0  }
0xbd: {  	[spmem:s3] =	stream.indirect.scatter.add.f32 [tilespmem:s26], [sflag:$0x16], $0x80, s29, s24, $0xb8;
	[tilespmem:$0x1EB00] =	vst v63  }
0xbe: {  	s0 =	rddreg [dreg:$0x9]  }
0xbf: {  	[spmem:s4] =	stream.indirect.scatter.add.f32 [tilespmem:s6], [sflag:$0x18], $0x1, s29, s24, $0xb8;
	[tilespmem:$0x1EB00] =	vst v63  }
0xc0: {  	s5 =	rddreg [dreg:$0x8];
	s0 =	sadd.s32 $0x0, s0  }
0xc1: {  	[tilespmem:s18], [sflag:$0xF] =	stream.linear.gather [hbm4b:s0+s6], $0x50, $0x38;
	[tilespmem:$0x1EB00] =	vst v63  }
0xc2: {  	s5 =	sadd.s32 $0x0, s5  }
0xc3: {  	[tilespmem:s19], [sflag:$0x7] =	stream.linear.gather [hbm4b:s5+s6], $0x50, $0x38;
	[tilespmem:$0x1EB00] =	vst v63  }
0xc4: {  	_ =	swait.ge [sflag:s25], $0x50  }
0xc5: {  	[sflag:s25] =	ssyncset.done $0x0  }
0xc6: {  	s19 =	simm.s32 $0x380;
	[sflag:s25] =	ssyncadd.s32 $0xFFFFFFB0  }
0xc7: {  	[tilespmem:s13], [sflag:$0x3] =	stream.indirect.gather [hbm4b:s1+s24], $0x80, s19, s24, $0xb8;
	[tilespmem:$0x1EB00] =	vst v63  }
0xc8: {  	_ =	swait.ge [sflag:s31], $0x2800  }
0xc9: {  	[sflag:s31] =	ssyncset.done $0x0  }
0xca: {  	s25 =	simm.s32 $0x9;
	[sflag:s31] =	ssyncadd.s32 $0xFFFFD800  }
0xcb: {  	_ =	swait.ge [sflag:s25], $0x50  }
0xcc: {  	[sflag:s25] =	ssyncset.done $0x0  }
0xcd: {  	[sflag:s25] =	ssyncadd.s32 $0xFFFFFFB0  }
0xce: {  	_ =	swait.ge [sflag:s20], $0x2800  }
0xcf: {  	[sflag:s20] =	ssyncset.done $0x0  }
0xd0: {  	[sflag:s20] =	ssyncadd.s32 $0xFFFFD800  }
0xd1: {  	_ =	swait.ge [sflag:s22], $0x50  }
0xd2: {  	[sflag:s22] =	ssyncset.done $0x0  }
0xd3: {  	s25 =	simm.s32 $0x680;
	[sflag:s22] =	ssyncadd.s32 $0xFFFFFFB0  }
0xd4: {  	[spmem:s3] =	stream.indirect.scatter.add.f32 [tilespmem:s28], [sflag:$0x15], $0x80, s25, s24, $0xb8;
	[tilespmem:$0x1EB00] =	vst v63  }
0xd5: {  	s31 =	rddreg [dreg:$0xb]  }
0xd6: {  	[spmem:s4] =	stream.indirect.scatter.add.f32 [tilespmem:s6], [sflag:$0x17], $0x1, s25, s24, $0xb8;
	[tilespmem:$0x1EB00] =	vst v63  }
0xd7: {  	s5 =	rddreg [dreg:$0xa];
	s0 =	sadd.s32 $0x0, s31;
	s31 =	simm.s32 $0x200  }
0xd8: {  	[tilespmem:s31], [sflag:$0x10] =	stream.linear.gather [hbm4b:s0+s6], $0x50, $0x38;
	[tilespmem:$0x1EB00] =	vst v63  }
0xd9: {  	s30 =	simm.s32 $0x600;
	s5 =	sadd.s32 $0x0, s5;
	s25 =	simm.s32 $0x14  }
0xda: {  	[tilespmem:s30], [sflag:$0x8] =	stream.linear.gather [hbm4b:s5+s6], $0x50, $0x38;
	[tilespmem:$0x1EB00] =	vst v63  }
0xdb: {  	_ =	swait.ge [sflag:s25], $0x50  }
0xdc: {  	[sflag:s25] =	ssyncset.done $0x0  }
0xdd: {  	s29 =	simm.s32 $0x400;
	[sflag:s25] =	ssyncadd.s32 $0xFFFFFFB0  }
0xde: {  	[tilespmem:s26], [sflag:$0x4] =	stream.indirect.gather [hbm4b:s1+s24], $0x80, s29, s24, $0xb8;
	[tilespmem:$0x1EB00] =	vst v63  }
0xdf: {  	_ =	swait.ge [sflag:s7], $0x2800  }
0xe0: {  	[sflag:s7] =	ssyncset.done $0x0  }
0xe1: {  	s30 =	simm.s32 $0xA;
	[sflag:s7] =	ssyncadd.s32 $0xFFFFD800  }
0xe2: {  	_ =	swait.ge [sflag:s30], $0x50  }
0xe3: {  	[sflag:s30] =	ssyncset.done $0x0  }
0xe4: {  	[sflag:s30] =	ssyncadd.s32 $0xFFFFFFB0  }
0xe5: {  	_ =	swait.ge [sflag:s2], $0x2800  }
0xe6: {  	[sflag:s2] =	ssyncset.done $0x0  }
0xe7: {  	[sflag:s2] =	ssyncadd.s32 $0xFFFFD800  }
0xe8: {  	_ =	swait.ge [sflag:s10], $0x50  }
0xe9: {  	[sflag:s10] =	ssyncset.done $0x0  }
0xea: {  	s31 =	simm.s32 $0x700;
	s25 =	simm.s32 $0x3080;
	[sflag:s10] =	ssyncadd.s32 $0xFFFFFFB0  }
0xeb: {  	[spmem:s3] =	stream.indirect.scatter.add.f32 [tilespmem:s25], [sflag:$0x16], $0x80, s31, s24, $0xb8;
	[tilespmem:$0x1EB00] =	vst v63  }
0xec: {  	s0 =	rddreg [dreg:$0xd]  }
0xed: {  	[spmem:s4] =	stream.indirect.scatter.add.f32 [tilespmem:s6], [sflag:$0x18], $0x1, s31, s24, $0xb8;
	[tilespmem:$0x1EB00] =	vst v63  }
0xee: {  	s5 =	rddreg [dreg:$0xc];
	s0 =	sadd.s32 $0x0, s0;
	s31 =	simm.s32 $0x280  }
0xef: {  	[tilespmem:s31], [sflag:$0x11] =	stream.linear.gather [hbm4b:s0+s6], $0x50, $0x38;
	[tilespmem:$0x1EB00] =	vst v63  }
0xf0: {  	s19 =	simm.s32 $0x680;
	s31 =	sadd.s32 $0x0, s5  }
0xf1: {  	[tilespmem:s19], [sflag:$0x9] =	stream.linear.gather [hbm4b:s31+s6], $0x50, $0x38;
	[tilespmem:$0x1EB00] =	vst v63  }
0xf2: {  	_ =	swait.ge [sflag:s8], $0x50  }
0xf3: {  	[sflag:s8] =	ssyncset.done $0x0  }
0xf4: {  	[sflag:s8] =	ssyncadd.s32 $0xFFFFFFB0  }
0xf5: {  	[tilespmem:s28], [sflag:$0x1] =	stream.indirect.gather [hbm4b:s1+s24], $0x80, s12, s24, $0xb8;
	[tilespmem:$0x1EB00] =	vst v63  }
0xf6: {  	_ =	swait.ge [sflag:s15], $0x2800  }
0xf7: {  	[sflag:s15] =	ssyncset.done $0x0  }
0xf8: {  	s5 =	simm.s32 $0xB;
	[sflag:s15] =	ssyncadd.s32 $0xFFFFD800  }
0xf9: {  	_ =	swait.ge [sflag:s5], $0x50  }
0xfa: {  	[sflag:s5] =	ssyncset.done $0x0  }
0xfb: {  	[sflag:s5] =	ssyncadd.s32 $0xFFFFFFB0  }
0xfc: {  	_ =	swait.ge [sflag:s20], $0x2800  }
0xfd: {  	[sflag:s20] =	ssyncset.done $0x0  }
0xfe: {  	[sflag:s20] =	ssyncadd.s32 $0xFFFFD800  }
0xff: {  	_ =	swait.ge [sflag:s22], $0x50  }
0x100: {  	[sflag:s22] =	ssyncset.done $0x0  }
0x101: {  	p0 =	por $0x0, $0x0;
	s8 =	simm.s32 $0x780;
	[sflag:s22] =	ssyncadd.s32 $0xFFFFFFB0  }
0x102: {  	[spmem:s3] =	stream.indirect.scatter.add.f32 [tilespmem:s13], [sflag:$0x15], $0x80, s8, s24, $0xb8;
	[tilespmem:$0x1EB00] =	vst v63  }
0x103: {  	s19 =	simm.s32 @!p0 $0x300;
	s0 =	rddreg [dreg:$0xf]  }
0x104: {  	[spmem:s4] =	stream.indirect.scatter.add.f32 [tilespmem:s6], [sflag:$0x17], $0x1, s8, s24, $0xb8;
	[tilespmem:$0x1EB00] =	vst v63  }
0x105: {  	s5 =	rddreg [dreg:$0xe];
	s0 =	sadd.s32 @!p0 $0x0, s0;
	s13 =	simm.s32 @!p0 $0x0  }
0x106: {  	[tilespmem:s19], [sflag:$0x12] =	stream.linear.gather @!p0 [hbm4b:s0+s13], $0x50, $0x38;
	[tilespmem:$0x1EB00] =	vst v63  }
0x107: {  	s0 =	sadd.s32 @!p0 $0x0, s5;
	s5 =	simm.s32 @!p0 $0x700  }
0x108: {  	[tilespmem:s5], [sflag:$0xA] =	stream.linear.gather @!p0 [hbm4b:s0+s13], $0x50, $0x38;
	[tilespmem:$0x1EB00] =	vst v63  }
0x109: {  	_ =	swait.ge [sflag:s21], $0x50  }
0x10a: {  	[sflag:s21] =	ssyncset.done $0x0  }
0x10b: {  	[sflag:s21] =	ssyncadd.s32 $0xFFFFFFB0  }
0x10c: {  	[tilespmem:s25], [sflag:$0x2] =	stream.indirect.gather [hbm4b:s1+s24], $0x80, s14, s24, $0xb8;
	[tilespmem:$0x1EB00] =	vst v63  }
0x10d: {  	_ =	swait.ge [sflag:s9], $0x2800  }
0x10e: {  	[sflag:s9] =	ssyncset.done $0x0  }
0x10f: {  	s30 =	simm.s32 $0xC;
	[sflag:s9] =	ssyncadd.s32 $0xFFFFD800  }
0x110: {  	_ =	swait.ge [sflag:s30], $0x50  }
0x111: {  	[sflag:s30] =	ssyncset.done $0x0  }
0x112: {  	[sflag:s30] =	ssyncadd.s32 $0xFFFFFFB0  }
0x113: {  	_ =	swait.ge [sflag:s2], $0x2800  }
0x114: {  	[sflag:s2] =	ssyncset.done $0x0  }
0x115: {  	[sflag:s2] =	ssyncadd.s32 $0xFFFFD800  }
0x116: {  	_ =	swait.ge [sflag:s10], $0x50  }
0x117: {  	[sflag:s10] =	ssyncset.done $0x0  }
0x118: {  	s16 =	simm.s32 $0x800;
	s26 =	simm.s32 $0x8080;
	[sflag:s10] =	ssyncadd.s32 $0xFFFFFFB0  }
0x119: {  	[spmem:s3] =	stream.indirect.scatter.add.f32 [tilespmem:s26], [sflag:$0x16], $0x80, s16, s24, $0xb8;
	[tilespmem:$0x1EB00] =	vst v63  }
0x11a: {  	s0 =	rddreg [dreg:$0x11]  }
0x11b: {  	[spmem:s4] =	stream.indirect.scatter.add.f32 [tilespmem:s6], [sflag:$0x18], $0x1, s16, s24, $0xb8;
	[tilespmem:$0x1EB00] =	vst v63  }
0x11c: {  	s19 =	simm.s32 @!p0 $0x380;
	s5 =	rddreg [dreg:$0x10];
	s0 =	sadd.s32 @!p0 $0x0, s0  }
0x11d: {  	[tilespmem:s19], [sflag:$0x13] =	stream.linear.gather @!p0 [hbm4b:s0+s13], $0x50, $0x38;
	[tilespmem:$0x1EB00] =	vst v63  }
0x11e: {  	s31 =	simm.s32 $0xF;
	s0 =	sadd.s32 @!p0 $0x0, s5;
	s5 =	simm.s32 @!p0 $0x780  }
0x11f: {  	[tilespmem:s5], [sflag:$0xB] =	stream.linear.gather @!p0 [hbm4b:s0+s13], $0x50, $0x38;
	[tilespmem:$0x1EB00] =	vst v63  }
0x120: {  	_ =	swait.ge [sflag:s31], $0x50  }
0x121: {  	[sflag:s31] =	ssyncset.done $0x0  }
0x122: {  	s28 =	simm.s32 $0x5880;
	[sflag:s31] =	ssyncadd.s32 $0xFFFFFFB0  }
0x123: {  	[tilespmem:s28], [sflag:$0x3] =	stream.indirect.gather [hbm4b:s1+s24], $0x80, s18, s24, $0xb8;
	[tilespmem:$0x1EB00] =	vst v63  }
0x124: {  	_ =	swait.ge [sflag:s20], $0x2800  }
0x125: {  	[sflag:s20] =	ssyncset.done $0x0  }
0x126: {  	[sflag:s20] =	ssyncadd.s32 $0xFFFFD800  }
0x127: {  	_ =	swait.ge [sflag:s22], $0x50  }
0x128: {  	s0 =	simm.s32 $0x50;
	s5 =	smov.u32 s23;
	[sflag:s22] =	ssyncset.done $0x0  }
.LBB2_2:
0x129: {  	[sflag:s22] =	ssyncadd.s32 $0xFFFFFFB0;
	s23 =	simm.s32 $0x1  }
0x12a: {  	_ =	swait.ge [sflag:s23], $0x2800  }
0x12b: {  	[sflag:s23] =	ssyncset.done $0x0  }
0x12c: {  	s8 =	simm.s32 $0x5;
	[sflag:s23] =	ssyncadd.s32 $0xFFFFD800  }
0x12d: {  	_ =	swait.ge [sflag:s8], $0x50  }
0x12e: {  	[sflag:s8] =	ssyncset.done $0x0  }
0x12f: {  	s14 =	simm.s32 $0x480;
	s28 =	simm.s32 $0x880;
	[sflag:s8] =	ssyncadd.s32 $0xFFFFFFB0  }
0x130: {  	[spmem:s3] =	stream.indirect.scatter.add.f32 [tilespmem:s28], [sflag:$0x15], $0x80, s14, s24, $0xb8;
	[tilespmem:$0x1EB00] =	vst v63  }
0x131: {  	s19 =	smov.u32 s0;
	s31 =	rddreg [dreg:$0x13]  }
0x132: {  	[spmem:s4] =	stream.indirect.scatter.add.f32 [tilespmem:s6], [sflag:$0x17], $0x1, s14, s24, $0xb8;
	[tilespmem:$0x1EB00] =	vst v63  }
0x133: {  	s13 =	rddreg [dreg:$0x12];
	s8 =	sadd.s32 s19, s31  }
0x134: {  	[tilespmem:s29], [sflag:$0x14] =	stream.linear.gather [hbm4b:s8+s6], $0x50, $0x38;
	[tilespmem:$0x1EB00] =	vst v63  }
0x135: {  	s13 =	sadd.s32 s19, s13  }
0x136: {  	[tilespmem:s16], [sflag:$0xC] =	stream.linear.gather [hbm4b:s13+s6], $0x50, $0x38;
	[tilespmem:$0x1EB00] =	vst v63  }
0x137: {  	s16 =	simm.s32 $0x10  }
0x138: {  	_ =	swait.ge [sflag:s16], $0x50  }
0x139: {  	[sflag:s16] =	ssyncset.done $0x0  }
0x13a: {  	s26 =	simm.s32 $0x200;
	s25 =	simm.s32 $0x8080;
	[sflag:s16] =	ssyncadd.s32 $0xFFFFFFB0  }
0x13b: {  	[tilespmem:s25], [sflag:$0x4] =	stream.indirect.gather [hbm4b:s1+s24], $0x80, s26, s24, $0xb8;
	[tilespmem:$0x1EB00] =	vst v63  }
0x13c: {  	_ =	swait.ge [sflag:s7], $0x2800  }
0x13d: {  	[sflag:s7] =	ssyncset.done $0x0  }
0x13e: {  	s18 =	simm.s32 $0x6;
	[sflag:s7] =	ssyncadd.s32 $0xFFFFD800  }
0x13f: {  	_ =	swait.ge [sflag:s18], $0x50  }
0x140: {  	[sflag:s18] =	ssyncset.done $0x0  }
0x141: {  	[sflag:s18] =	ssyncadd.s32 $0xFFFFFFB0  }
0x142: {  	_ =	swait.ge [sflag:s2], $0x2800  }
0x143: {  	[sflag:s2] =	ssyncset.done $0x0  }
0x144: {  	[sflag:s2] =	ssyncadd.s32 $0xFFFFD800  }
0x145: {  	_ =	swait.ge [sflag:s10], $0x50  }
0x146: {  	s5 =	sadd.s32 $0x280, s5;
	[sflag:s10] =	ssyncset.done $0x0  }
0x147: {  	s30 =	simm.s32 $0x3080;
	s18 =	simm.s32 $0x500;
	[sflag:s10] =	ssyncadd.s32 $0xFFFFFFB0  }
0x148: {  	[spmem:s3] =	stream.indirect.scatter.add.f32 [tilespmem:s30], [sflag:$0x16], $0x80, s18, s24, $0xb8;
	[tilespmem:$0x1EB00] =	vst v63  }
0x149: {  	s21 =	sshrl.u32 s5, $0x3  }
0x14a: {  	[spmem:s4] =	stream.indirect.scatter.add.f32 [tilespmem:s6], [sflag:$0x18], $0x1, s18, s24, $0xb8;
	[tilespmem:$0x1EB00] =	vst v63  }
0x14b: {  	s31 =	sadd.s32 s17, s21  }
0x14c: {  	[tilespmem:s12], [sflag:$0xD] =	stream.linear.gather [hbm4b:s31+s6], $0x50, $0x38;
	[tilespmem:$0x1EB00] =	vst v63  }
0x14d: {  	s8 =	sadd.s32 s11, s21;
	s16 =	simm.s32 $0x11  }
0x14e: {  	[tilespmem:s14], [sflag:$0x5] =	stream.linear.gather [hbm4b:s8+s6], $0x50, $0x38;
	[tilespmem:$0x1EB00] =	vst v63  }
0x14f: {  	_ =	swait.ge [sflag:s16], $0x50  }
0x150: {  	[sflag:s16] =	ssyncset.done $0x0  }
0x151: {  	[sflag:s16] =	ssyncadd.s32 $0xFFFFFFB0;
	s16 =	simm.s32 $0x280  }
0x152: {  	[tilespmem:s28], [sflag:$0x1] =	stream.indirect.gather [hbm4b:s1+s24], $0x80, s16, s24, $0xb8;
	[tilespmem:$0x1EB00] =	vst v63  }
0x153: {  	_ =	swait.ge [sflag:s15], $0x2800  }
0x154: {  	[sflag:s15] =	ssyncset.done $0x0  }
0x155: {  	s21 =	simm.s32 $0x7;
	[sflag:s15] =	ssyncadd.s32 $0xFFFFD800  }
0x156: {  	_ =	swait.ge [sflag:s21], $0x50  }
0x157: {  	[sflag:s21] =	ssyncset.done $0x0  }
0x158: {  	[sflag:s21] =	ssyncadd.s32 $0xFFFFFFB0  }
0x159: {  	_ =	swait.ge [sflag:s20], $0x2800  }
0x15a: {  	[sflag:s20] =	ssyncset.done $0x0  }
0x15b: {  	[sflag:s20] =	ssyncadd.s32 $0xFFFFD800  }
0x15c: {  	_ =	swait.ge [sflag:s22], $0x50  }
0x15d: {  	[sflag:s22] =	ssyncset.done $0x0  }
0x15e: {  	s14 =	simm.s32 $0x580;
	s21 =	simm.s32 $0x5880;
	[sflag:s22] =	ssyncadd.s32 $0xFFFFFFB0  }
0x15f: {  	[spmem:s3] =	stream.indirect.scatter.add.f32 [tilespmem:s21], [sflag:$0x15], $0x80, s14, s24, $0xb8;
	[tilespmem:$0x1EB00] =	vst v63  }
0x160: {  	s31 =	rddreg [dreg:$0x7]  }
0x161: {  	[spmem:s4] =	stream.indirect.scatter.add.f32 [tilespmem:s6], [sflag:$0x17], $0x1, s14, s24, $0xb8;
	[tilespmem:$0x1EB00] =	vst v63  }
0x162: {  	s13 =	rddreg [dreg:$0x6];
	s8 =	sadd.s32 s19, s31;
	s31 =	simm.s32 $0x100  }
0x163: {  	[tilespmem:s31], [sflag:$0xE] =	stream.linear.gather [hbm4b:s8+s6], $0x50, $0x38;
	[tilespmem:$0x1EB00] =	vst v63  }
0x164: {  	s13 =	sadd.s32 s19, s13  }
0x165: {  	[tilespmem:s18], [sflag:$0x6] =	stream.linear.gather [hbm4b:s13+s6], $0x50, $0x38;
	[tilespmem:$0x1EB00] =	vst v63  }
0x166: {  	s13 =	simm.s32 $0x12  }
0x167: {  	_ =	swait.ge [sflag:s13], $0x50  }
0x168: {  	[sflag:s13] =	ssyncset.done $0x0  }
0x169: {  	[sflag:s13] =	ssyncadd.s32 $0xFFFFFFB0;
	s13 =	simm.s32 $0x300  }
0x16a: {  	[tilespmem:s30], [sflag:$0x2] =	stream.indirect.gather [hbm4b:s1+s24], $0x80, s13, s24, $0xb8;
	[tilespmem:$0x1EB00] =	vst v63  }
0x16b: {  	_ =	swait.ge [sflag:s9], $0x2800  }
0x16c: {  	[sflag:s9] =	ssyncset.done $0x0  }
0x16d: {  	s13 =	simm.s32 $0x8;
	[sflag:s9] =	ssyncadd.s32 $0xFFFFD800  }
0x16e: {  	_ =	swait.ge [sflag:s13], $0x50  }
0x16f: {  	[sflag:s13] =	ssyncset.done $0x0  }
0x170: {  	[sflag:s13] =	ssyncadd.s32 $0xFFFFFFB0  }
0x171: {  	_ =	swait.ge [sflag:s2], $0x2800  }
0x172: {  	[sflag:s2] =	ssyncset.done $0x0  }
0x173: {  	[sflag:s2] =	ssyncadd.s32 $0xFFFFD800  }
0x174: {  	_ =	swait.ge [sflag:s10], $0x50  }
0x175: {  	[sflag:s10] =	ssyncset.done $0x0  }
0x176: {  	s29 =	simm.s32 $0x600;
	[sflag:s10] =	ssyncadd.s32 $0xFFFFFFB0  }
0x177: {  	[spmem:s3] =	stream.indirect.scatter.add.f32 [tilespmem:s25], [sflag:$0x16], $0x80, s29, s24, $0xb8;
	[tilespmem:$0x1EB00] =	vst v63  }
0x178: {  	s8 =	rddreg [dreg:$0x9]  }
0x179: {  	[spmem:s4] =	stream.indirect.scatter.add.f32 [tilespmem:s6], [sflag:$0x18], $0x1, s29, s24, $0xb8;
	[tilespmem:$0x1EB00] =	vst v63  }
0x17a: {  	s18 =	simm.s32 $0x180;
	s13 =	rddreg [dreg:$0x8];
	s8 =	sadd.s32 s19, s8  }
0x17b: {  	[tilespmem:s18], [sflag:$0xF] =	stream.linear.gather [hbm4b:s8+s6], $0x50, $0x38;
	[tilespmem:$0x1EB00] =	vst v63  }
0x17c: {  	s13 =	sadd.s32 s19, s13  }
0x17d: {  	[tilespmem:s14], [sflag:$0x7] =	stream.linear.gather [hbm4b:s13+s6], $0x50, $0x38;
	[tilespmem:$0x1EB00] =	vst v63  }
0x17e: {  	s14 =	simm.s32 $0x13  }
0x17f: {  	_ =	swait.ge [sflag:s14], $0x50  }
0x180: {  	[sflag:s14] =	ssyncset.done $0x0  }
0x181: {  	s13 =	simm.s32 $0x380;
	[sflag:s14] =	ssyncadd.s32 $0xFFFFFFB0  }
0x182: {  	[tilespmem:s21], [sflag:$0x3] =	stream.indirect.gather [hbm4b:s1+s24], $0x80, s13, s24, $0xb8;
	[tilespmem:$0x1EB00] =	vst v63  }
0x183: {  	_ =	swait.ge [sflag:s23], $0x2800  }
0x184: {  	[sflag:s23] =	ssyncset.done $0x0  }
0x185: {  	s14 =	simm.s32 $0x9;
	[sflag:s23] =	ssyncadd.s32 $0xFFFFD800  }
0x186: {  	_ =	swait.ge [sflag:s14], $0x50  }
0x187: {  	[sflag:s14] =	ssyncset.done $0x0  }
0x188: {  	[sflag:s14] =	ssyncadd.s32 $0xFFFFFFB0  }
0x189: {  	_ =	swait.ge [sflag:s20], $0x2800  }
0x18a: {  	[sflag:s20] =	ssyncset.done $0x0  }
0x18b: {  	[sflag:s20] =	ssyncadd.s32 $0xFFFFD800  }
0x18c: {  	_ =	swait.ge [sflag:s22], $0x50  }
0x18d: {  	[sflag:s22] =	ssyncset.done $0x0  }
0x18e: {  	s14 =	simm.s32 $0x680;
	[sflag:s22] =	ssyncadd.s32 $0xFFFFFFB0  }
0x18f: {  	[spmem:s3] =	stream.indirect.scatter.add.f32 [tilespmem:s28], [sflag:$0x15], $0x80, s14, s24, $0xb8;
	[tilespmem:$0x1EB00] =	vst v63  }
0x190: {  	s23 =	rddreg [dreg:$0xb]  }
0x191: {  	[spmem:s4] =	stream.indirect.scatter.add.f32 [tilespmem:s6], [sflag:$0x17], $0x1, s14, s24, $0xb8;
	[tilespmem:$0x1EB00] =	vst v63  }
0x192: {  	s13 =	rddreg [dreg:$0xa];
	s8 =	sadd.s32 s19, s23  }
0x193: {  	[tilespmem:s26], [sflag:$0x10] =	stream.linear.gather [hbm4b:s8+s6], $0x50, $0x38;
	[tilespmem:$0x1EB00] =	vst v63  }
0x194: {  	s26 =	sadd.s32 s19, s13;
	s13 =	simm.s32 $0x14  }
0x195: {  	[tilespmem:s29], [sflag:$0x8] =	stream.linear.gather [hbm4b:s26+s6], $0x50, $0x38;
	[tilespmem:$0x1EB00] =	vst v63  }
0x196: {  	_ =	swait.ge [sflag:s13], $0x50  }
0x197: {  	[sflag:s13] =	ssyncset.done $0x0  }
0x198: {  	s29 =	simm.s32 $0x400;
	[sflag:s13] =	ssyncadd.s32 $0xFFFFFFB0  }
0x199: {  	[tilespmem:s25], [sflag:$0x4] =	stream.indirect.gather [hbm4b:s1+s24], $0x80, s29, s24, $0xb8;
	[tilespmem:$0x1EB00] =	vst v63  }
0x19a: {  	_ =	swait.ge [sflag:s7], $0x2800  }
0x19b: {  	[sflag:s7] =	ssyncset.done $0x0  }
0x19c: {  	s26 =	simm.s32 $0xA;
	[sflag:s7] =	ssyncadd.s32 $0xFFFFD800  }
0x19d: {  	_ =	swait.ge [sflag:s26], $0x50  }
0x19e: {  	[sflag:s26] =	ssyncset.done $0x0  }
0x19f: {  	[sflag:s26] =	ssyncadd.s32 $0xFFFFFFB0  }
0x1a0: {  	_ =	swait.ge [sflag:s2], $0x2800  }
0x1a1: {  	[sflag:s2] =	ssyncset.done $0x0  }
0x1a2: {  	[sflag:s2] =	ssyncadd.s32 $0xFFFFD800  }
0x1a3: {  	_ =	swait.ge [sflag:s10], $0x50  }
0x1a4: {  	[sflag:s10] =	ssyncset.done $0x0  }
0x1a5: {  	s26 =	simm.s32 $0x700;
	[sflag:s10] =	ssyncadd.s32 $0xFFFFFFB0  }
0x1a6: {  	[spmem:s3] =	stream.indirect.scatter.add.f32 [tilespmem:s30], [sflag:$0x16], $0x80, s26, s24, $0xb8;
	[tilespmem:$0x1EB00] =	vst v63  }
0x1a7: {  	s8 =	rddreg [dreg:$0xd]  }
0x1a8: {  	[spmem:s4] =	stream.indirect.scatter.add.f32 [tilespmem:s6], [sflag:$0x18], $0x1, s26, s24, $0xb8;
	[tilespmem:$0x1EB00] =	vst v63  }
0x1a9: {  	s13 =	rddreg [dreg:$0xc];
	s8 =	sadd.s32 s19, s8  }
0x1aa: {  	[tilespmem:s16], [sflag:$0x11] =	stream.linear.gather [hbm4b:s8+s6], $0x50, $0x38;
	[tilespmem:$0x1EB00] =	vst v63  }
0x1ab: {  	s13 =	sadd.s32 s19, s13  }
0x1ac: {  	[tilespmem:s14], [sflag:$0x9] =	stream.linear.gather [hbm4b:s13+s6], $0x50, $0x38;
	[tilespmem:$0x1EB00] =	vst v63  }
0x1ad: {  	s14 =	simm.s32 $0xD  }
0x1ae: {  	_ =	swait.ge [sflag:s14], $0x50  }
0x1af: {  	[sflag:s14] =	ssyncset.done $0x0  }
0x1b0: {  	[sflag:s14] =	ssyncadd.s32 $0xFFFFFFB0  }
0x1b1: {  	[tilespmem:s28], [sflag:$0x1] =	stream.indirect.gather [hbm4b:s1+s24], $0x80, s12, s24, $0xb8;
	[tilespmem:$0x1EB00] =	vst v63  }
0x1b2: {  	_ =	swait.ge [sflag:s15], $0x2800  }
0x1b3: {  	[sflag:s15] =	ssyncset.done $0x0  }
0x1b4: {  	s13 =	simm.s32 $0xB;
	[sflag:s15] =	ssyncadd.s32 $0xFFFFD800  }
0x1b5: {  	_ =	swait.ge [sflag:s13], $0x50  }
0x1b6: {  	[sflag:s13] =	ssyncset.done $0x0  }
0x1b7: {  	[sflag:s13] =	ssyncadd.s32 $0xFFFFFFB0  }
0x1b8: {  	_ =	swait.ge [sflag:s20], $0x2800  }
0x1b9: {  	[sflag:s20] =	ssyncset.done $0x0  }
0x1ba: {  	[sflag:s20] =	ssyncadd.s32 $0xFFFFD800  }
0x1bb: {  	_ =	swait.ge [sflag:s22], $0x50  }
0x1bc: {  	p1 =	seq.s32 s19, $0x460;
	[sflag:s22] =	ssyncset.done $0x0  }
0x1bd: {  	s14 =	simm.s32 $0x780;
	s8 =	rddreg [dreg:$0xf];
	[sflag:s22] =	ssyncadd.s32 $0xFFFFFFB0  }
0x1be: {  	[spmem:s3] =	stream.indirect.scatter.add.f32 [tilespmem:s21], [sflag:$0x15], $0x80, s14, s24, $0xb8;
	[tilespmem:$0x1EB00] =	vst v63  }
0x1bf: {  	s12 =	simm.s32 @!p1 $0x300;
	s13 =	rddreg [dreg:$0xe];
	s8 =	sadd.s32 @!p1 s19, s8  }
0x1c0: {  	[spmem:s4] =	stream.indirect.scatter.add.f32 [tilespmem:s6], [sflag:$0x17], $0x1, s14, s24, $0xb8;
	[tilespmem:$0x1EB00] =	vst v63  }
0x1c1: {  	s14 =	smov.u32 s11;
	s11 =	smov.u32 s17;
	s17 =	simm.s32 @!p1 $0x0  }
0x1c2: {  	[tilespmem:s12], [sflag:$0x12] =	stream.linear.gather @!p1 [hbm4b:s8+s17], $0x50, $0x38;
	[tilespmem:$0x1EB00] =	vst v63  }
0x1c3: {  	s8 =	sadd.s32 @!p1 s19, s13;
	s12 =	simm.s32 @!p1 $0x700;
	s13 =	simm.s32 $0xE  }
0x1c4: {  	[tilespmem:s12], [sflag:$0xA] =	stream.linear.gather @!p1 [hbm4b:s8+s17], $0x50, $0x38;
	[tilespmem:$0x1EB00] =	vst v63  }
0x1c5: {  	_ =	swait.ge [sflag:s13], $0x50  }
0x1c6: {  	[sflag:s13] =	ssyncset.done $0x0  }
0x1c7: {  	[sflag:s13] =	ssyncadd.s32 $0xFFFFFFB0  }
0x1c8: {  	[tilespmem:s30], [sflag:$0x2] =	stream.indirect.gather [hbm4b:s1+s24], $0x80, s31, s24, $0xb8;
	[tilespmem:$0x1EB00] =	vst v63  }
0x1c9: {  	_ =	swait.ge [sflag:s9], $0x2800  }
0x1ca: {  	[sflag:s9] =	ssyncset.done $0x0  }
0x1cb: {  	s30 =	simm.s32 $0xC;
	[sflag:s9] =	ssyncadd.s32 $0xFFFFD800  }
0x1cc: {  	_ =	swait.ge [sflag:s30], $0x50  }
0x1cd: {  	[sflag:s30] =	ssyncset.done $0x0  }
0x1ce: {  	[sflag:s30] =	ssyncadd.s32 $0xFFFFFFB0  }
0x1cf: {  	_ =	swait.ge [sflag:s2], $0x2800  }
0x1d0: {  	[sflag:s2] =	ssyncset.done $0x0  }
0x1d1: {  	[sflag:s2] =	ssyncadd.s32 $0xFFFFD800  }
0x1d2: {  	_ =	swait.ge [sflag:s10], $0x50  }
0x1d3: {  	[sflag:s10] =	ssyncset.done $0x0  }
0x1d4: {  	s16 =	simm.s32 $0x800;
	[sflag:s10] =	ssyncadd.s32 $0xFFFFFFB0  }
0x1d5: {  	[spmem:s3] =	stream.indirect.scatter.add.f32 [tilespmem:s25], [sflag:$0x16], $0x80, s16, s24, $0xb8;
	[tilespmem:$0x1EB00] =	vst v63  }
0x1d6: {  	s8 =	rddreg [dreg:$0x11]  }
0x1d7: {  	[spmem:s4] =	stream.indirect.scatter.add.f32 [tilespmem:s6], [sflag:$0x18], $0x1, s16, s24, $0xb8;
	[tilespmem:$0x1EB00] =	vst v63  }
0x1d8: {  	s13 =	simm.s32 @!p1 $0x380;
	s12 =	rddreg [dreg:$0x10];
	s8 =	sadd.s32 @!p1 s19, s8  }
0x1d9: {  	[tilespmem:s13], [sflag:$0x13] =	stream.linear.gather @!p1 [hbm4b:s8+s17], $0x50, $0x38;
	[tilespmem:$0x1EB00] =	vst v63  }
0x1da: {  	s31 =	simm.s32 $0xF;
	s8 =	sadd.s32 @!p1 s19, s12;
	s12 =	simm.s32 @!p1 $0x780  }
0x1db: {  	[tilespmem:s12], [sflag:$0xB] =	stream.linear.gather @!p1 [hbm4b:s8+s17], $0x50, $0x38;
	[tilespmem:$0x1EB00] =	vst v63  }
0x1dc: {  	_ =	swait.ge [sflag:s31], $0x50  }
0x1dd: {  	s0 =	sadd.s32 $0x50, s0;
	[sflag:s31] =	ssyncset.done $0x0  }
0x1de: {  	p0 =	sne.s32 s0, $0x4B0;
	[sflag:s31] =	ssyncadd.s32 $0xFFFFFFB0  }
0x1df: {  	[tilespmem:s21], [sflag:$0x3] =	stream.indirect.gather [hbm4b:s1+s24], $0x80, s18, s24, $0xb8;
	[tilespmem:$0x1EB00] =	vst v63  }
.Ltmp0:
0x1e0: {  	_ =	swait.ge [sflag:s20], $0x2800;
	(pc) =	sbr.rel @p0 .LBB2_2-.Ltmp0, $4  }
0x1e1: {  	s23 =	simm.s32 $0x200;
	[sflag:s20] =	ssyncset.done $0x0  }
0x1e2: {  	s26 =	simm.s32 $0x280;
	s28 =	simm.s32 $0x3080;
	[sflag:s20] =	ssyncadd.s32 $0xFFFFD800  }
0x1e3: {  	s13 =	simm.s32 $0x5880;
	s12 =	simm.s32 $0x80;
	_ =	swait.ge [sflag:s22], $0x50  }
0x1e4: {  	s17 =	smov.u32 s11;
	s11 =	smov.u32 s14;
	[sflag:s22] =	ssyncset.done $0x0  }
0x1e5: {  	[sflag:s22] =	ssyncadd.s32 $0xFFFFFFB0;
	s19 =	simm.s32 $0x1  }
0x1e6: {  	_ =	swait.ge [sflag:s19], $0x2800  }
0x1e7: {  	[sflag:s19] =	ssyncset.done $0x0  }
0x1e8: {  	s0 =	simm.s32 $0x5;
	[sflag:s19] =	ssyncadd.s32 $0xFFFFD800  }
0x1e9: {  	_ =	swait.ge [sflag:s0], $0x50  }
0x1ea: {  	[sflag:s0] =	ssyncset.done $0x0  }
0x1eb: {  	s21 =	simm.s32 $0x480;
	s5 =	simm.s32 $0x880;
	[sflag:s0] =	ssyncadd.s32 $0xFFFFFFB0  }
0x1ec: {  	[spmem:s3] =	stream.indirect.scatter.add.f32 [tilespmem:s5], [sflag:$0x15], $0x80, s21, s24, $0xb8;
	[tilespmem:$0x1EB00] =	vst v63  }
0x1ed: {  	s8 =	simm.s32 $0x10  }
0x1ee: {  	[spmem:s4] =	stream.indirect.scatter.add.f32 [tilespmem:s6], [sflag:$0x17], $0x1, s21, s24, $0xb8;
	[tilespmem:$0x1EB00] =	vst v63  }
0x1ef: {  	_ =	swait.ge [sflag:s8], $0x50  }
0x1f0: {  	[sflag:s8] =	ssyncset.done $0x0  }
0x1f1: {  	s14 =	simm.s32 $0x8080;
	[sflag:s8] =	ssyncadd.s32 $0xFFFFFFB0  }
0x1f2: {  	[tilespmem:s14], [sflag:$0x4] =	stream.indirect.gather [hbm4b:s1+s24], $0x80, s23, s24, $0xb8;
	[tilespmem:$0x1EB00] =	vst v63  }
0x1f3: {  	_ =	swait.ge [sflag:s7], $0x2800  }
0x1f4: {  	[sflag:s7] =	ssyncset.done $0x0  }
0x1f5: {  	s23 =	simm.s32 $0x6;
	[sflag:s7] =	ssyncadd.s32 $0xFFFFD800  }
0x1f6: {  	_ =	swait.ge [sflag:s23], $0x50  }
0x1f7: {  	[sflag:s23] =	ssyncset.done $0x0  }
0x1f8: {  	[sflag:s23] =	ssyncadd.s32 $0xFFFFFFB0  }
0x1f9: {  	_ =	swait.ge [sflag:s2], $0x2800  }
0x1fa: {  	[sflag:s2] =	ssyncset.done $0x0  }
0x1fb: {  	[sflag:s2] =	ssyncadd.s32 $0xFFFFD800  }
0x1fc: {  	_ =	swait.ge [sflag:s10], $0x50  }
0x1fd: {  	[sflag:s10] =	ssyncset.done $0x0  }
0x1fe: {  	s25 =	simm.s32 $0x500;
	[sflag:s10] =	ssyncadd.s32 $0xFFFFFFB0  }
0x1ff: {  	[spmem:s3] =	stream.indirect.scatter.add.f32 [tilespmem:s28], [sflag:$0x16], $0x80, s25, s24, $0xb8;
	[tilespmem:$0x1EB00] =	vst v63  }
0x200: {  	s29 =	simm.s32 $0x11  }
0x201: {  	[spmem:s4] =	stream.indirect.scatter.add.f32 [tilespmem:s6], [sflag:$0x18], $0x1, s25, s24, $0xb8;
	[tilespmem:$0x1EB00] =	vst v63  }
0x202: {  	_ =	swait.ge [sflag:s29], $0x50  }
0x203: {  	[sflag:s29] =	ssyncset.done $0x0  }
0x204: {  	[sflag:s29] =	ssyncadd.s32 $0xFFFFFFB0  }
0x205: {  	[tilespmem:s5], [sflag:$0x1] =	stream.indirect.gather [hbm4b:s1+s24], $0x80, s26, s24, $0xb8;
	[tilespmem:$0x1EB00] =	vst v63  }
0x206: {  	_ =	swait.ge [sflag:s15], $0x2800  }
0x207: {  	[sflag:s15] =	ssyncset.done $0x0  }
0x208: {  	s30 =	simm.s32 $0x7;
	[sflag:s15] =	ssyncadd.s32 $0xFFFFD800  }
0x209: {  	_ =	swait.ge [sflag:s30], $0x50  }
0x20a: {  	[sflag:s30] =	ssyncset.done $0x0  }
0x20b: {  	[sflag:s30] =	ssyncadd.s32 $0xFFFFFFB0  }
0x20c: {  	_ =	swait.ge [sflag:s20], $0x2800  }
0x20d: {  	[sflag:s20] =	ssyncset.done $0x0  }
0x20e: {  	[sflag:s20] =	ssyncadd.s32 $0xFFFFD800  }
0x20f: {  	_ =	swait.ge [sflag:s22], $0x50  }
0x210: {  	[sflag:s22] =	ssyncset.done $0x0  }
0x211: {  	s31 =	simm.s32 $0x580;
	[sflag:s22] =	ssyncadd.s32 $0xFFFFFFB0  }
0x212: {  	[spmem:s3] =	stream.indirect.scatter.add.f32 [tilespmem:s13], [sflag:$0x15], $0x80, s31, s24, $0xb8;
	[tilespmem:$0x1EB00] =	vst v63  }
0x213: {  	_ = 	snop  }
0x214: {  	[spmem:s4] =	stream.indirect.scatter.add.f32 [tilespmem:s6], [sflag:$0x17], $0x1, s31, s24, $0xb8;
	[tilespmem:$0x1EB00] =	vst v63  }
0x215: {  	_ =	swait.ge [sflag:s9], $0x2800  }
0x216: {  	[sflag:s9] =	ssyncset.done $0x0  }
0x217: {  	s13 =	simm.s32 $0x8;
	[sflag:s9] =	ssyncadd.s32 $0xFFFFD800  }
0x218: {  	_ =	swait.ge [sflag:s13], $0x50  }
0x219: {  	[sflag:s13] =	ssyncset.done $0x0  }
0x21a: {  	[sflag:s13] =	ssyncadd.s32 $0xFFFFFFB0  }
0x21b: {  	_ =	swait.ge [sflag:s2], $0x2800  }
0x21c: {  	[sflag:s2] =	ssyncset.done $0x0  }
0x21d: {  	[sflag:s2] =	ssyncadd.s32 $0xFFFFD800  }
0x21e: {  	_ =	swait.ge [sflag:s10], $0x50  }
0x21f: {  	[sflag:s10] =	ssyncset.done $0x0  }
0x220: {  	s16 =	simm.s32 $0x600;
	[sflag:s10] =	ssyncadd.s32 $0xFFFFFFB0  }
0x221: {  	[spmem:s3] =	stream.indirect.scatter.add.f32 [tilespmem:s14], [sflag:$0x16], $0x80, s16, s24, $0xb8;
	[tilespmem:$0x1EB00] =	vst v63  }
0x222: {  	_ = 	snop  }
0x223: {  	[spmem:s4] =	stream.indirect.scatter.add.f32 [tilespmem:s6], [sflag:$0x18], $0x1, s16, s24, $0xb8;
	[tilespmem:$0x1EB00] =	vst v63  }
0x224: {  	_ =	swait.ge [sflag:s19], $0x2800  }
0x225: {  	[sflag:s19] =	ssyncset.done $0x0  }
0x226: {  	s21 =	simm.s32 $0x9;
	[sflag:s19] =	ssyncadd.s32 $0xFFFFD800  }
0x227: {  	_ =	swait.ge [sflag:s21], $0x50  }
0x228: {  	[sflag:s21] =	ssyncset.done $0x0  }
0x229: {  	[sflag:s21] =	ssyncadd.s32 $0xFFFFFFB0  }
0x22a: {  	_ =	swait.ge [sflag:s20], $0x2800  }
0x22b: {  	[sflag:s20] =	ssyncset.done $0x0  }
0x22c: {  	[sflag:s20] =	ssyncadd.s32 $0xFFFFD800  }
0x22d: {  	_ =	swait.ge [sflag:s22], $0x50  }
0x22e: {  	[sflag:s22] =	ssyncset.done $0x0  }
0x22f: {  	s23 =	simm.s32 $0x680;
	[sflag:s22] =	ssyncadd.s32 $0xFFFFFFB0  }
0x230: {  	[spmem:s3] =	stream.indirect.scatter.add.f32 [tilespmem:s5], [sflag:$0x15], $0x80, s23, s24, $0xb8;
	[tilespmem:$0x1EB00] =	vst v63  }
0x231: {  	_ = 	snop  }
0x232: {  	[spmem:s4] =	stream.indirect.scatter.add.f32 [tilespmem:s6], [sflag:$0x17], $0x1, s23, s24, $0xb8;
	[tilespmem:$0x1EB00] =	vst v63  }
0x233: {  	_ =	swait.ge [sflag:s2], $0x2800  }
0x234: {  	[sflag:s2] =	ssyncset.done $0x0  }
0x235: {  	[sflag:s2] =	ssyncadd.s32 $0xFFFFD800  }
0x236: {  	_ =	swait.ge [sflag:s10], $0x50  }
0x237: {  	[sflag:s10] =	ssyncset.done $0x0  }
0x238: {  	[sflag:s10] =	ssyncadd.s32 $0xFFFFFFB0  }
0x239: {  	[bflag:$0x0] =	sbarrier.arrive $0xFFFF  }
0x23a: {  	s25 =	sld [smem:$0x7FA]  }
0x23b: {  	s26 =	sld [smem:$0x7F1];
	_ =	sdelay $0x1  }
0x23c: {  	s5 =	simm.s32 $0x19;
	s13 =	rddreg [dreg:$0x17]  }
0x23d: {  	[hbm:s25], [sflag:s13] =	dma.local [spmem:s26], $0x2800  }
0x23e: {  	_ =	swait.ge [sflag:s5], $0x2800  }
0x23f: {  	s28 =	sld [smem:$0x7FB]  }
0x240: {  	s16 =	sld [smem:$0x7F2]  }
0x241: {  	[sflag:s5] =	ssyncset.done $0x0  }
0x242: {  	s29 =	simm.s32 $0x20;
	[sflag:s5] =	ssyncadd.s32 $0xFFFFD800  }
0x243: {  	[hbm:s28@s29], [sflag:s13] =	dma.strided [spmem:s16@s8], $0x50, s19, $0x10   }
0x244: {  	_ =	swait.ge [sflag:s5], $0x50  }
0x245: {  	s30 =	sld [smem:$0x7F0]  }
0x246: {  	s31 =	sld [smem:$0x7FC];
	_ =	sdelay $0x1  }
0x247: {  	s16 =	sadd.s32 $0x1, s30  }
0x248: {  	p0 =	sne.s32 s16, s31  }
.Ltmp1:
0x249: {  	_ = 	snop;
	(pc) =	sbr.rel @p0 .LBB2_1-.Ltmp1, $3  }
0x24a: {  	_ =	sdelay $0x1  }
0x24b: {  	s14 =	simm.s32 $0x100;
	[sflag:s5] =	ssyncset.done $0x0  }
0x24c: {  	s25 =	simm.s32 $0x13;
	s8 =	simm.s32 $0x300;
	[sflag:s5] =	ssyncadd.s32 $0xFFFFFFB0  }
0x24d: {  	_ =	sfence.sel $0x180000  }
0x24e: {  	[bflag:$0x0] =	sbarrier.arrive $0xFFFF  }
0x24f: {  	_ =	strace $0x90000047  }
0x250: {  	s0 =	stileid.u32;
	[bflag:$0x2] =	sbarrier.arrive $0xFFFF  }
0x251: {  	p0 =	sne.s32 s0, $0x0;
	s0 =	rddreg [dreg:$0x5]  }
0x252: {  	s0 =	sadd.s32 @!p0 $0x100000, s0  }
0x253: {  	[sflag:s0] =	ssyncadd.tile.s32 @!p0 $0x1;
	_ =	shalt  }
.Lfunc_end2:
_tile_overlayer_lowered:
.L_overlay_start_2:
0x254: {  	(tag) =	ssettag $0x2  }
0x255: {  	s0 =	rddreg [dreg:$0x0];
	s2 =	stileid.u32  }
0x256: {  	s1 =	rddreg [dreg:$0x1];
	p0 =	sne.s32 s2, $0x0  }
0x257: {  	s3 =	rddreg [dreg:$0x2];
	[bflag:$0x3] =	sbarrier.arrive $0xFFFF;
	s2 =	simm.s32 @!p0 $0x1C19  }
0x258: {  	[timem:s3], [sflag:s2] =	dma.local @!p0 [hbm:s0], s1  }
0x259: {  	s0 =	simm.s32 @!p0 $0x19  }
0x25a: {  	_ =	swait.ge @!p0 [sflag:s0], s1  }
0x25b: {  	s1 =	ssub.s32 @!p0 $0x0, s1;
	[sflag:s0] =	ssyncset.done @!p0 $0x0  }
0x25c: {  	[sflag:s0] =	ssyncadd.s32 @!p0 s1  }
0x25d: {  	[bflag:$0x3] =	sbarrier.arrive $0xFFFF  }
0x25e: {  	_ =	shalt  }

</sc_bundles>
